<compile_context>
chip_gen: v7x
topology: tpu7x:2x2x1
jax: 0.10.2.dev20260603
libtpu: 0.0.44.dev20260713+nightly
codegen_flags: <defaults>
</compile_context>

<pallas_src>
import jax
import jax.numpy as jnp
from jax import lax
from jax.experimental import pallas as pl
from jax.experimental.pallas import tpu as pltpu
from jax.experimental.pallas import tpu_sc as plsc

_NG = 2
_H = 64
_W = 64
_HW = _H * _W
_NSPOT = 50
_LANES = 16
_LN2 = 0.6931471805599453
_NSC = 10
_TPS = 3
_PSPOT = 17
_GROUPS = (10, 7)


def _vlog(x):
    xi = lax.bitcast_convert_type(x, jnp.int32)
    e = lax.shift_right_arithmetic(xi, 23) - 127
    m = lax.bitcast_convert_type((xi & 0x007FFFFF) | 0x3F800000, jnp.float32)
    big = m > 1.4142135623730951
    m = jnp.where(big, m * 0.5, m)
    e = jnp.where(big, e + 1, e).astype(jnp.float32)
    t = (m - 1.0) / (m + 1.0)
    t2 = t * t
    p = 2.0 + t2 * (2.0 / 3.0 + t2 * (2.0 / 5.0 + t2 * (2.0 / 7.0 + t2 * (2.0 / 9.0))))
    return e * _LN2 + t * p


_GATHER_DNUMS = lax.GatherDimensionNumbers(
    offset_dims=(), collapsed_slice_dims=(0,), start_index_map=(0,))


def _shuffle(x, idx):
    return lax.gather(x, idx[:, None], _GATHER_DNUMS, (1,),
                      mode=lax.GatherScatterMode.PROMISE_IN_BOUNDS)


def _hreduce(x, op):
    idx = lax.iota(jnp.int32, _LANES)
    for k in (1, 2, 4, 8):
        x = op(x, _shuffle(x, idx ^ k))
    return x


def _splat_spot(ref, row, s):
    chunk = lax.shift_right_logical(s, 4)
    lane = lax.bitwise_and(s, 15)
    vec = ref[row, pl.ds(lax.shift_left(chunk, 4), _LANES)]
    return _shuffle(vec, jnp.full((_LANES,), lane, jnp.int32))


def _gmm_sc_body(feat_hbm, tgt_hbm, out_hbm, feat_v, tgt_v, r1_v, r2_v, c_v, out_v):
    cid = lax.axis_index("c")
    sid = lax.axis_index("s")
    wid = sid * 2 + cid
    slice_id = wid // _TPS
    part = wid - slice_id * _TPS
    valid_tile = slice_id < _NSC
    slice_eff = jnp.minimum(slice_id, _NSC - 1)
    b = slice_eff // 8
    f = slice_eff - b * 8
    sbase = part * _PSPOT
    s_end = jnp.where(valid_tile, jnp.minimum(sbase + _PSPOT, _NSPOT), 0)

    pltpu.sync_copy(feat_hbm.at[b, f], feat_v)
    pltpu.sync_copy(tgt_hbm.at[slice_eff], tgt_v)

    zero = jnp.zeros((_LANES,), jnp.float32)

    def _rc(i):
        r = lax.shift_right_logical(i, 2)
        col = pl.ds(lax.shift_left(lax.bitwise_and(i, 3), 4), _LANES)
        return r, col

    def prep(ii, sp):
        for u in range(2):
            i = ii * 2 + u
            r, col = _rc(i)
            sl = pl.ds(i * _LANES, _LANES)
            p = jnp.maximum(feat_v[0, r, col], 1e-20)
            s1 = jnp.maximum(feat_v[3, r, col], 1e-10)
            s2 = jnp.maximum(feat_v[4, r, col], 1e-10)
            inv1 = 1.0 / s1
            inv2 = 1.0 / s2
            r1_v[sl] = (0.5 * inv1) * inv1
            r2_v[sl] = (0.5 * inv2) * inv2
            c_v[sl] = (p * inv1) * inv2
            sp = sp + p
        return sp

    nchunk = _HW // _LANES
    sp = lax.fori_loop(0, nchunk // 2, prep, zero)
    kshift_v = zero - _vlog(_hreduce(sp, jnp.add))

    loss_v = zero
    msum_v = zero
    g0 = 0
    for gsize in _GROUPS:
        spots = [sbase + s for s in range(g0, g0 + gsize)]
        g0 += gsize
        tv1 = [_splat_spot(tgt_v, 1, s) for s in spots]
        tv2 = [_splat_spot(tgt_v, 2, s) for s in spots]

        def body(i, accs):
            accs = list(accs)
            r, col = _rc(i)
            sl = pl.ds(i * _LANES, _LANES)
            c = c_v[sl]
            r1 = r1_v[sl]
            r2 = r2_v[sl]
            m1 = feat_v[1, r, col]
            m2 = feat_v[2, r, col]
            for j in range(len(spots)):
                d1 = tv1[j] - m1
                d2 = tv2[j] - m2
                accs[j] = accs[j] + c * jnp.exp(-(r1 * (d1 * d1) + r2 * (d2 * d2)))
            return tuple(accs)

        accs = lax.fori_loop(0, nchunk, body, tuple(zero for _ in spots))
        for j, s in enumerate(spots):
            ssum = jnp.maximum(_hreduce(accs[j], jnp.add), 1e-37)
            logv = _vlog(ssum)
            validf = jnp.where(s < s_end, 1.0, 0.0)
            mask = _splat_spot(tgt_v, 0, s) * jnp.full((_LANES,), validf)
            loss_v = loss_v + mask * logv
            msum_v = msum_v + mask

    out_v[pl.ds(0, _LANES)] = -(loss_v + msum_v * kshift_v)
    pltpu.sync_copy(out_v, out_hbm.at[wid])


_LOG2E = 1.4426950408889634


def _gmm_tc_body(feat_ref, tgt_ref, out_ref):
    feat = feat_ref[0]
    mask = tgt_ref[0, 0, :_NSPOT]
    tv1 = tgt_ref[0, 1, :_NSPOT]
    tv2 = tgt_ref[0, 2, :_NSPOT]
    p = jnp.maximum(feat[0], 1e-20)
    mu1 = feat[1]
    mu2 = feat[2]
    s1 = jnp.maximum(feat[3], 1e-10)
    s2 = jnp.maximum(feat[4], 1e-10)
    r1 = (0.5 * _LOG2E) / (s1 * s1)
    r2 = (0.5 * _LOG2E) / (s2 * s2)
    c = jnp.log2(p / (s1 * s2))
    mhat = jnp.max(c)
    logz = jnp.log2(jnp.sum(p))
    cs = c - mhat
    d1 = tv1[:, None, None] - mu1[None]
    d2 = tv2[:, None, None] - mu2[None]
    e = jnp.exp2(cs[None] - r1[None] * (d1 * d1) - r2[None] * (d2 * d2))
    ssum = jnp.maximum(jnp.sum(e, axis=(1, 2)), 1e-37)
    loss = -_LN2 * jnp.sum(mask * (jnp.log2(ssum) + mhat - logz))
    out_ref[0, 0, :] = jnp.full((128,), loss, jnp.float32)


@jax.jit
def _gmm_call(feats, feats32, tgt3, tgt_t):
    sc = pl.kernel(
        _gmm_sc_body,
        out_type=jax.ShapeDtypeStruct((32, _LANES), jnp.float32),
        mesh=plsc.VectorSubcoreMesh(core_axis_name="c", subcore_axis_name="s"),
        scratch_types=[
            pltpu.VMEM((5, _H, _W), jnp.float32),
            pltpu.VMEM((3, 128), jnp.float32),
            pltpu.VMEM((_HW,), jnp.float32),
            pltpu.VMEM((_HW,), jnp.float32),
            pltpu.VMEM((_HW,), jnp.float32),
            pltpu.VMEM((_LANES,), jnp.float32),
        ],
    )
    out_sc = sc(feats, tgt_t)

    ntc = 32 - _NSC
    out_tc = pl.pallas_call(
        _gmm_tc_body,
        grid=(ntc,),
        in_specs=[
            pl.BlockSpec((1, 5, _H, _W), lambda i: (i + _NSC, 0, 0, 0)),
            pl.BlockSpec((1, 3, 128), lambda i: (i + _NSC, 0, 0)),
        ],
        out_specs=pl.BlockSpec((1, 1, 128), lambda i: (i, 0, 0)),
        out_shape=jax.ShapeDtypeStruct((ntc, 1, 128), jnp.float32),
    )(feats32, tgt_t)

    loss_sc = out_sc[:_NSC * _TPS, 0].reshape(_NSC, _TPS).sum(axis=1)
    loss_tc = out_tc[:, 0, 0]
    return jnp.concatenate([loss_sc, loss_tc])


def kernel(features, targets):
    B, F, nf, h, w = features.shape
    max_spots = targets.shape[2]
    assert nf == 2 * _NG + 1 and h == _H and w == _W
    assert B * F == 32 and max_spots == _NSPOT
    feats32 = features.reshape(B * F, nf, h, w)
    tgt3 = targets.reshape(B * F, max_spots, _NG + 1)
    tgt_t = jnp.pad(tgt3.transpose(0, 2, 1), ((0, 0), (0, 0), (0, 128 - max_spots)))
    out = _gmm_call(features, feats32, tgt3, tgt_t)
    return out.reshape(B, F)

# --- scband reference (transcript-rebuilt; emitter-appended) ---
"""Pipeline reference for scband-gmmloss-48241072669053 (READ-ONLY COPY).

The authoritative reference and input builder live on the scoring server;
editing this copy changes nothing except your own understanding.
"""

import jax, jax.numpy as jnp
import numpy as np

NG = 2  # num_gaussians


def setup_inputs(seed: int = 0) -> dict:
    key = jax.random.key(seed)
    k1, k2 = jax.random.split(key)
    features = jax.random.uniform(k1, (4, 8, 2 * NG + 1, 64, 64), dtype=jnp.float32)
    targets = jax.random.normal(k2, (4, 8, 50, NG + 1), dtype=jnp.float32)
    return {"features": features, "targets": targets}


def reference(features, targets):
    ng = NG
    B, F, nf, h, w = features.shape
    feats = features.reshape(-1, nf, h, w)
    max_spots = targets.shape[2]
    tgt = targets.reshape(-1, max_spots, ng + 1)
    mask = tgt[..., 0]
    true_values = tgt[..., 1:]
    prob = feats[:, 0]
    mu = feats[:, 1:ng + 1]
    sigma = feats[:, 1 + ng:]
    sigma = jnp.maximum(sigma, 1e-10)
    prob = jnp.maximum(prob, 1e-20)
    mu = mu.reshape(-1, ng, h * w)
    sigma = sigma.reshape(-1, ng, h * w)
    prob = prob.reshape(-1, h * w)
    true_values = true_values.reshape(-1, max_spots, ng)
    logprob_norm = jnp.log(prob) - jnp.log(prob.sum(-1, keepdims=True))
    # gmm_log_prob (input_mask=None)
    inputs = true_values[:, :, :, None]          # [BF, S, ng, 1]
    means = mu[:, None]                          # [BF, 1, ng, HW]
    sigmas = sigma[:, None]                      # [BF, 1, ng, HW]
    log_normal = -(inputs - means) ** 2 / (2 * sigmas ** 2) - jnp.log(sigmas)
    log_gmm_prob = jax.nn.logsumexp(logprob_norm[:, None] + log_normal.sum(2), axis=2)
    loss_gmm = jnp.sum(log_gmm_prob * mask, -1)
    loss = -loss_gmm
    return loss.reshape(B, F)

if __name__ == "__main__":
    import jax
    _d = setup_inputs()
    print(jax.jit(kernel)(*tuple(_d.values())))

</pallas_src>

<mosaic_0001>
#map = affine_map<(d0, d1) -> (0, 0, 0, 0, 0)>
#map1 = affine_map<(d0, d1) -> (0, 0, 0)>
#map2 = affine_map<(d0, d1) -> (0, 0)>
module attributes {stable_mosaic.version = 14 : i64} {
  func.func @_gmm_sc_body(%arg0: i32, %arg1: i32, %arg2: memref<4x8x5x64x64xf32, #tpu.memory_space<hbm>>, %arg3: memref<32x3x128xf32, #tpu.memory_space<hbm>>, %arg4: memref<32x16xf32, #tpu.memory_space<hbm>>, %arg5: memref<5x64x64xf32, #tpu.memory_space<vmem>>, %arg6: memref<3x128xf32, #tpu.memory_space<vmem>>, %arg7: memref<4096xf32, #tpu.memory_space<vmem>>, %arg8: memref<4096xf32, #tpu.memory_space<vmem>>, %arg9: memref<4096xf32, #tpu.memory_space<vmem>>, %arg10: memref<16xf32, #tpu.memory_space<vmem>>) attributes {dimension_semantics = [#tpu.dimension_semantics<core_parallel>, #tpu.dimension_semantics<subcore_parallel>], iteration_bounds = array<i64: 2, 16>, scalar_prefetch = 0 : i64, scratch_operands = 6 : i64, tpu.core_type = #tpu.core_type<sc_vector_subcore>, window_params = [{transform_indices = #map}, {transform_indices = #map1}, {transform_indices = #map2}]} {
    %mul3A = arith.constant 2 : i32
    %mul3A_0 = arith.muli %arg1, %mul3A : i32
    %add3A = arith.addi %mul3A_0, %arg0 : i32
    %jit3A = arith.constant 3 : i32
    %div3A = arith.divsi %add3A, %jit3A : i32
    %sign3A = arith.constant 0 : i32
    %sign3A_1 = arith.cmpi sgt, %add3A, %sign3A : i32
    %sign3A_2 = arith.extui %sign3A_1 : i1 to i32
    %sign3A_3 = arith.constant 0 : i32
    %sign3A_4 = arith.cmpi slt, %add3A, %sign3A_3 : i32
    %sign3A_5 = arith.extui %sign3A_4 : i1 to i32
    %sign3A_6 = arith.subi %sign3A_2, %sign3A_5 : i32
    %sign3A_7 = arith.constant 0 : i32
    %sign3A_8 = arith.cmpi sgt, %jit3A, %sign3A_7 : i32
    %sign3A_9 = arith.extui %sign3A_8 : i1 to i32
    %sign3A_10 = arith.constant 0 : i32
    %sign3A_11 = arith.cmpi slt, %jit3A, %sign3A_10 : i32
    %sign3A_12 = arith.extui %sign3A_11 : i1 to i32
    %sign3A_13 = arith.subi %sign3A_9, %sign3A_12 : i32
    %ne3A = arith.cmpi ne, %sign3A_6, %sign3A_13 : i32
    %rem3A = arith.remsi %add3A, %jit3A : i32
    %ne3A_14 = arith.constant 0 : i32
    %ne3A_15 = arith.cmpi ne, %rem3A, %ne3A_14 : i32
    %and3A = arith.andi %ne3A, %ne3A_15 : i1
    %sub3A = arith.constant 1 : i32
    %sub3A_16 = arith.subi %div3A, %sub3A : i32
    %select_n3A = arith.select %and3A, %sub3A_16, %div3A : i32
    %mul3A_17 = arith.constant 3 : i32
    %mul3A_18 = arith.muli %select_n3A, %mul3A_17 : i32
    %sub3A_19 = arith.subi %add3A, %mul3A_18 : i32
    %lt3A = arith.constant 10 : i32
    %lt3A_20 = arith.cmpi slt, %select_n3A, %lt3A : i32
    %min3A = arith.constant 9 : i32
    %min3A_21 = arith.minsi %select_n3A, %min3A : i32
    %jit3A_22 = arith.constant 8 : i32
    %div3A_23 = arith.divsi %min3A_21, %jit3A_22 : i32
    %sign3A_24 = arith.constant 0 : i32
    %sign3A_25 = arith.cmpi sgt, %min3A_21, %sign3A_24 : i32
    %sign3A_26 = arith.extui %sign3A_25 : i1 to i32
    %sign3A_27 = arith.constant 0 : i32
    %sign3A_28 = arith.cmpi slt, %min3A_21, %sign3A_27 : i32
    %sign3A_29 = arith.extui %sign3A_28 : i1 to i32
    %sign3A_30 = arith.subi %sign3A_26, %sign3A_29 : i32
    %sign3A_31 = arith.constant 0 : i32
    %sign3A_32 = arith.cmpi sgt, %jit3A_22, %sign3A_31 : i32
    %sign3A_33 = arith.extui %sign3A_32 : i1 to i32
    %sign3A_34 = arith.constant 0 : i32
    %sign3A_35 = arith.cmpi slt, %jit3A_22, %sign3A_34 : i32
    %sign3A_36 = arith.extui %sign3A_35 : i1 to i32
    %sign3A_37 = arith.subi %sign3A_33, %sign3A_36 : i32
    %ne3A_38 = arith.cmpi ne, %sign3A_30, %sign3A_37 : i32
    %rem3A_39 = arith.remsi %min3A_21, %jit3A_22 : i32
    %ne3A_40 = arith.constant 0 : i32
    %ne3A_41 = arith.cmpi ne, %rem3A_39, %ne3A_40 : i32
    %and3A_42 = arith.andi %ne3A_38, %ne3A_41 : i1
    %sub3A_43 = arith.constant 1 : i32
    %sub3A_44 = arith.subi %div3A_23, %sub3A_43 : i32
    %select_n3A_45 = arith.select %and3A_42, %sub3A_44, %div3A_23 : i32
    %mul3A_46 = arith.constant 8 : i32
    %mul3A_47 = arith.muli %select_n3A_45, %mul3A_46 : i32
    %sub3A_48 = arith.subi %min3A_21, %mul3A_47 : i32
    %mul3A_49 = arith.constant 17 : i32
    %mul3A_50 = arith.muli %sub3A_19, %mul3A_49 : i32
    %add3A_51 = arith.constant 17 : i32
    %add3A_52 = arith.addi %mul3A_50, %add3A_51 : i32
    %min3A_53 = arith.constant 50 : i32
    %min3A_54 = arith.minsi %add3A_52, %min3A_53 : i32
    %jit3A_55 = arith.constant 0 : i32
    %select_n3A_56 = arith.select %lt3A_20, %min3A_54, %jit3A_55 : i32
    "tpu.region"() ({
      %run_scoped3A = tpu.sem_alloc : memref<!tpu.dma_semaphore, #tpu.memory_space<semaphore_mem>>
      %dma_start3A = arith.constant 0 : i32
      %dma_start3A_2622 = arith.constant 0 : i32
      %dma_start3A_2623 = arith.constant 0 : i32
      %dma_start3A_2624 = tpu.memref_slice %arg2[%select_n3A_45, %sub3A_48, %dma_start3A, %dma_start3A_2622, %dma_start3A_2623] : memref<4x8x5x64x64xf32, #tpu.memory_space<hbm>> -> memref<1x1x5x64x64xf32, #tpu.memory_space<hbm>>
      %dma_start3A_2625 = tpu.memref_squeeze %dma_start3A_2624 : memref<1x1x5x64x64xf32, #tpu.memory_space<hbm>> -> memref<5x64x64xf32, #tpu.memory_space<hbm>>
      %dma_start3A_2626 = arith.constant 0 : i32
      %dma_start3A_2627 = arith.constant 0 : i32
      %dma_start3A_2628 = arith.constant 0 : i32
      %dma_start3A_2629 = tpu.memref_slice %arg2[%select_n3A_45, %sub3A_48, %dma_start3A_2626, %dma_start3A_2627, %dma_start3A_2628] : memref<4x8x5x64x64xf32, #tpu.memory_space<hbm>> -> memref<1x1x5x64x64xf32, #tpu.memory_space<hbm>>
      %dma_start3A_2630 = tpu.memref_squeeze %dma_start3A_2629 : memref<1x1x5x64x64xf32, #tpu.memory_space<hbm>> -> memref<5x64x64xf32, #tpu.memory_space<hbm>>
      tpu.enqueue_dma source(%dma_start3A_2630 : memref<5x64x64xf32, #tpu.memory_space<hbm>>) target(%arg5 : memref<5x64x64xf32, #tpu.memory_space<vmem>>) target_semaphore(%run_scoped3A : memref<!tpu.dma_semaphore, #tpu.memory_space<semaphore_mem>>)
      %dma_wait3A = arith.constant 0 : i32
      %dma_wait3A_2631 = arith.constant 0 : i32
      %dma_wait3A_2632 = arith.constant 0 : i32
      %dma_wait3A_2633 = tpu.memref_slice %arg2[%select_n3A_45, %sub3A_48, %dma_wait3A, %dma_wait3A_2631, %dma_wait3A_2632] : memref<4x8x5x64x64xf32, #tpu.memory_space<hbm>> -> memref<1x1x5x64x64xf32, #tpu.memory_space<hbm>>
      %dma_wait3A_2634 = tpu.memref_squeeze %dma_wait3A_2633 : memref<1x1x5x64x64xf32, #tpu.memory_space<hbm>> -> memref<5x64x64xf32, #tpu.memory_space<hbm>>
      %dma_wait3A_2635 = arith.constant 0 : i32
      %dma_wait3A_2636 = arith.constant 0 : i32
      %dma_wait3A_2637 = arith.constant 0 : i32
      %dma_wait3A_2638 = tpu.memref_slice %arg2[%select_n3A_45, %sub3A_48, %dma_wait3A_2635, %dma_wait3A_2636, %dma_wait3A_2637] : memref<4x8x5x64x64xf32, #tpu.memory_space<hbm>> -> memref<1x1x5x64x64xf32, #tpu.memory_space<hbm>>
      %dma_wait3A_2639 = tpu.memref_squeeze %dma_wait3A_2638 : memref<1x1x5x64x64xf32, #tpu.memory_space<hbm>> -> memref<5x64x64xf32, #tpu.memory_space<hbm>>
      tpu.wait_dma2 semaphore(%run_scoped3A : memref<!tpu.dma_semaphore, #tpu.memory_space<semaphore_mem>>) src(%dma_wait3A_2639 : memref<5x64x64xf32, #tpu.memory_space<hbm>>) dst(%arg5 : memref<5x64x64xf32, #tpu.memory_space<vmem>>)
      tpu.yield
    }) : () -> ()
    "tpu.region"() ({
      %run_scoped3A = tpu.sem_alloc : memref<!tpu.dma_semaphore, #tpu.memory_space<semaphore_mem>>
      %dma_start3A = arith.constant 0 : i32
      %dma_start3A_2622 = arith.constant 0 : i32
      %dma_start3A_2623 = tpu.memref_slice %arg3[%min3A_21, %dma_start3A, %dma_start3A_2622] : memref<32x3x128xf32, #tpu.memory_space<hbm>> -> memref<1x3x128xf32, #tpu.memory_space<hbm>>
      %dma_start3A_2624 = tpu.memref_squeeze %dma_start3A_2623 : memref<1x3x128xf32, #tpu.memory_space<hbm>> -> memref<3x128xf32, #tpu.memory_space<hbm>>
      %dma_start3A_2625 = arith.constant 0 : i32
      %dma_start3A_2626 = arith.constant 0 : i32
      %dma_start3A_2627 = tpu.memref_slice %arg3[%min3A_21, %dma_start3A_2625, %dma_start3A_2626] : memref<32x3x128xf32, #tpu.memory_space<hbm>> -> memref<1x3x128xf32, #tpu.memory_space<hbm>>
      %dma_start3A_2628 = tpu.memref_squeeze %dma_start3A_2627 : memref<1x3x128xf32, #tpu.memory_space<hbm>> -> memref<3x128xf32, #tpu.memory_space<hbm>>
      tpu.enqueue_dma source(%dma_start3A_2628 : memref<3x128xf32, #tpu.memory_space<hbm>>) target(%arg6 : memref<3x128xf32, #tpu.memory_space<vmem>>) target_semaphore(%run_scoped3A : memref<!tpu.dma_semaphore, #tpu.memory_space<semaphore_mem>>)
      %dma_wait3A = arith.constant 0 : i32
      %dma_wait3A_2629 = arith.constant 0 : i32
      %dma_wait3A_2630 = tpu.memref_slice %arg3[%min3A_21, %dma_wait3A, %dma_wait3A_2629] : memref<32x3x128xf32, #tpu.memory_space<hbm>> -> memref<1x3x128xf32, #tpu.memory_space<hbm>>
      %dma_wait3A_2631 = tpu.memref_squeeze %dma_wait3A_2630 : memref<1x3x128xf32, #tpu.memory_space<hbm>> -> memref<3x128xf32, #tpu.memory_space<hbm>>
      %dma_wait3A_2632 = arith.constant 0 : i32
      %dma_wait3A_2633 = arith.constant 0 : i32
      %dma_wait3A_2634 = tpu.memref_slice %arg3[%min3A_21, %dma_wait3A_2632, %dma_wait3A_2633] : memref<32x3x128xf32, #tpu.memory_space<hbm>> -> memref<1x3x128xf32, #tpu.memory_space<hbm>>
      %dma_wait3A_2635 = tpu.memref_squeeze %dma_wait3A_2634 : memref<1x3x128xf32, #tpu.memory_space<hbm>> -> memref<3x128xf32, #tpu.memory_space<hbm>>
      tpu.wait_dma2 semaphore(%run_scoped3A : memref<!tpu.dma_semaphore, #tpu.memory_space<semaphore_mem>>) src(%dma_wait3A_2635 : memref<3x128xf32, #tpu.memory_space<hbm>>) dst(%arg6 : memref<3x128xf32, #tpu.memory_space<vmem>>)
      tpu.yield
    }) : () -> ()
    %broadcast_in_dim3A = arith.constant 0.000000e+00 : f32
    %broadcast_in_dim3A_57 = vector.broadcast %broadcast_in_dim3A : f32 to vector<16xf32>
    %scan3A = arith.constant 0 : i32
    %scan3A_58 = arith.constant 128 : i32
    %scan3A_59 = arith.addi %scan3A, %scan3A_58 : i32
    %scan3A_60 = arith.constant 1 : i32
    %scan3A_61 = scf.for %scan3A_2622 = %scan3A to %scan3A_59 step %scan3A_60 iter_args(%scan3A_2623 = %broadcast_in_dim3A_57) -> (vector<16xf32>)  : i32 {
      %mul3A_2624 = arith.constant 2 : i32
      %mul3A_2625 = arith.muli %scan3A_2622, %mul3A_2624 : i32
      %add3A_2626 = arith.constant 0 : i32
      %add3A_2627 = arith.addi %mul3A_2625, %add3A_2626 : i32
      %shift_right_logical3A_2628 = arith.constant 2 : i32
      %shift_right_logical3A_2629 = arith.shrui %add3A_2627, %shift_right_logical3A_2628 : i32
      %and3A_2630 = arith.constant 3 : i32
      %and3A_2631 = arith.andi %add3A_2627, %and3A_2630 : i32
      %shift_left3A_2632 = arith.constant 4 : i32
      %shift_left3A_2633 = arith.shli %and3A_2631, %shift_left3A_2632 : i32
      %mul3A_2634 = arith.constant 16 : i32
      %mul3A_2635 = arith.muli %add3A_2627, %mul3A_2634 : i32
      %get3A_2636 = arith.constant 0 : i32
      %get3A_2637 = arith.index_cast %get3A_2636 : i32 to index
      %get3A_2638 = arith.index_cast %shift_right_logical3A_2629 : i32 to index
      %get3A_2639 = arith.index_cast %shift_left3A_2633 : i32 to index
      %get3A_2640 = tpu.vector_load %arg5[%get3A_2637, %get3A_2638, %get3A_2639] {strides = array<i32>} : memref<5x64x64xf32, #tpu.memory_space<vmem>>, vector<1x1x16xf32>,
      %get3A_2641 = vector.shape_cast %get3A_2640 : vector<1x1x16xf32> to vector<16xf32>
      %max3A_2642 = arith.constant 9.99999968E-21 : f32
      %max3A_2643 = vector.broadcast %max3A_2642 : f32 to vector<16xf32>
      %max3A_2644 = arith.maximumf %get3A_2641, %max3A_2643 : vector<16xf32>
      %get3A_2645 = arith.constant 3 : i32
      %get3A_2646 = arith.index_cast %get3A_2645 : i32 to index
      %get3A_2647 = arith.index_cast %shift_right_logical3A_2629 : i32 to index
      %get3A_2648 = arith.index_cast %shift_left3A_2633 : i32 to index
      %get3A_2649 = tpu.vector_load %arg5[%get3A_2646, %get3A_2647, %get3A_2648] {strides = array<i32>} : memref<5x64x64xf32, #tpu.memory_space<vmem>>, vector<1x1x16xf32>,
      %get3A_2650 = vector.shape_cast %get3A_2649 : vector<1x1x16xf32> to vector<16xf32>
      %max3A_2651 = arith.constant 1.000000e-10 : f32
      %max3A_2652 = vector.broadcast %max3A_2651 : f32 to vector<16xf32>
      %max3A_2653 = arith.maximumf %get3A_2650, %max3A_2652 : vector<16xf32>
      %get3A_2654 = arith.constant 4 : i32
      %get3A_2655 = arith.index_cast %get3A_2654 : i32 to index
      %get3A_2656 = arith.index_cast %shift_right_logical3A_2629 : i32 to index
      %get3A_2657 = arith.index_cast %shift_left3A_2633 : i32 to index
      %get3A_2658 = tpu.vector_load %arg5[%get3A_2655, %get3A_2656, %get3A_2657] {strides = array<i32>} : memref<5x64x64xf32, #tpu.memory_space<vmem>>, vector<1x1x16xf32>,
      %get3A_2659 = vector.shape_cast %get3A_2658 : vector<1x1x16xf32> to vector<16xf32>
      %max3A_2660 = arith.constant 1.000000e-10 : f32
      %max3A_2661 = vector.broadcast %max3A_2660 : f32 to vector<16xf32>
      %max3A_2662 = arith.maximumf %get3A_2659, %max3A_2661 : vector<16xf32>
      %div3A_2663 = arith.constant 1.000000e+00 : f32
      %div3A_2664 = vector.broadcast %div3A_2663 : f32 to vector<16xf32>
      %div3A_2665 = arith.divf %div3A_2664, %max3A_2653 : vector<16xf32>
      %div3A_2666 = arith.constant 1.000000e+00 : f32
      %div3A_2667 = vector.broadcast %div3A_2666 : f32 to vector<16xf32>
      %div3A_2668 = arith.divf %div3A_2667, %max3A_2662 : vector<16xf32>
      %mul3A_2669 = arith.constant 5.000000e-01 : f32
      %mul3A_2670 = vector.broadcast %mul3A_2669 : f32 to vector<16xf32>
      %mul3A_2671 = arith.mulf %mul3A_2670, %div3A_2665 : vector<16xf32>
      %mul3A_2672 = arith.mulf %mul3A_2671, %div3A_2665 : vector<16xf32>
      %swap3A_2673 = arith.index_cast %mul3A_2635 : i32 to index
      %swap3A_2674 = tpu.vector_load %arg7[%swap3A_2673] {strides = array<i32>} : memref<4096xf32, #tpu.memory_space<vmem>>, vector<16xf32>,
      %swap3A_2675 = vector.shape_cast %swap3A_2674 : vector<16xf32> to vector<16xf32>
      %swap3A_2676 = vector.shape_cast %mul3A_2672 : vector<16xf32> to vector<16xf32>
      tpu.vector_store %arg7[%swap3A_2673], %swap3A_2676 {strides = array<i32>} : memref<4096xf32, #tpu.memory_space<vmem>>, vector<16xf32>,
      %mul3A_2677 = arith.constant 5.000000e-01 : f32
      %mul3A_2678 = vector.broadcast %mul3A_2677 : f32 to vector<16xf32>
      %mul3A_2679 = arith.mulf %mul3A_2678, %div3A_2668 : vector<16xf32>
      %mul3A_2680 = arith.mulf %mul3A_2679, %div3A_2668 : vector<16xf32>
      %swap3A_2681 = arith.index_cast %mul3A_2635 : i32 to index
      %swap3A_2682 = tpu.vector_load %arg8[%swap3A_2681] {strides = array<i32>} : memref<4096xf32, #tpu.memory_space<vmem>>, vector<16xf32>,
      %swap3A_2683 = vector.shape_cast %swap3A_2682 : vector<16xf32> to vector<16xf32>
      %swap3A_2684 = vector.shape_cast %mul3A_2680 : vector<16xf32> to vector<16xf32>
      tpu.vector_store %arg8[%swap3A_2681], %swap3A_2684 {strides = array<i32>} : memref<4096xf32, #tpu.memory_space<vmem>>, vector<16xf32>,
      %mul3A_2685 = arith.mulf %max3A_2644, %div3A_2665 : vector<16xf32>
      %mul3A_2686 = arith.mulf %mul3A_2685, %div3A_2668 : vector<16xf32>
      %swap3A_2687 = arith.index_cast %mul3A_2635 : i32 to index
      %swap3A_2688 = tpu.vector_load %arg9[%swap3A_2687] {strides = array<i32>} : memref<4096xf32, #tpu.memory_space<vmem>>, vector<16xf32>,
      %swap3A_2689 = vector.shape_cast %swap3A_2688 : vector<16xf32> to vector<16xf32>
      %swap3A_2690 = vector.shape_cast %mul3A_2686 : vector<16xf32> to vector<16xf32>
      tpu.vector_store %arg9[%swap3A_2687], %swap3A_2690 {strides = array<i32>} : memref<4096xf32, #tpu.memory_space<vmem>>, vector<16xf32>,
      %add3A_2691 = arith.addf %scan3A_2623, %max3A_2644 : vector<16xf32>
      %mul3A_2692 = arith.constant 2 : i32
      %mul3A_2693 = arith.muli %scan3A_2622, %mul3A_2692 : i32
      %add3A_2694 = arith.constant 1 : i32
      %add3A_2695 = arith.addi %mul3A_2693, %add3A_2694 : i32
      %shift_right_logical3A_2696 = arith.constant 2 : i32
      %shift_right_logical3A_2697 = arith.shrui %add3A_2695, %shift_right_logical3A_2696 : i32
      %and3A_2698 = arith.constant 3 : i32
      %and3A_2699 = arith.andi %add3A_2695, %and3A_2698 : i32
      %shift_left3A_2700 = arith.constant 4 : i32
      %shift_left3A_2701 = arith.shli %and3A_2699, %shift_left3A_2700 : i32
      %mul3A_2702 = arith.constant 16 : i32
      %mul3A_2703 = arith.muli %add3A_2695, %mul3A_2702 : i32
      %get3A_2704 = arith.constant 0 : i32
      %get3A_2705 = arith.index_cast %get3A_2704 : i32 to index
      %get3A_2706 = arith.index_cast %shift_right_logical3A_2697 : i32 to index
      %get3A_2707 = arith.index_cast %shift_left3A_2701 : i32 to index
      %get3A_2708 = tpu.vector_load %arg5[%get3A_2705, %get3A_2706, %get3A_2707] {strides = array<i32>} : memref<5x64x64xf32, #tpu.memory_space<vmem>>, vector<1x1x16xf32>,
      %get3A_2709 = vector.shape_cast %get3A_2708 : vector<1x1x16xf32> to vector<16xf32>
      %max3A_2710 = arith.constant 9.99999968E-21 : f32
      %max3A_2711 = vector.broadcast %max3A_2710 : f32 to vector<16xf32>
      %max3A_2712 = arith.maximumf %get3A_2709, %max3A_2711 : vector<16xf32>
      %get3A_2713 = arith.constant 3 : i32
      %get3A_2714 = arith.index_cast %get3A_2713 : i32 to index
      %get3A_2715 = arith.index_cast %shift_right_logical3A_2697 : i32 to index
      %get3A_2716 = arith.index_cast %shift_left3A_2701 : i32 to index
      %get3A_2717 = tpu.vector_load %arg5[%get3A_2714, %get3A_2715, %get3A_2716] {strides = array<i32>} : memref<5x64x64xf32, #tpu.memory_space<vmem>>, vector<1x1x16xf32>,
      %get3A_2718 = vector.shape_cast %get3A_2717 : vector<1x1x16xf32> to vector<16xf32>
      %max3A_2719 = arith.constant 1.000000e-10 : f32
      %max3A_2720 = vector.broadcast %max3A_2719 : f32 to vector<16xf32>
      %max3A_2721 = arith.maximumf %get3A_2718, %max3A_2720 : vector<16xf32>
      %get3A_2722 = arith.constant 4 : i32
      %get3A_2723 = arith.index_cast %get3A_2722 : i32 to index
      %get3A_2724 = arith.index_cast %shift_right_logical3A_2697 : i32 to index
      %get3A_2725 = arith.index_cast %shift_left3A_2701 : i32 to index
      %get3A_2726 = tpu.vector_load %arg5[%get3A_2723, %get3A_2724, %get3A_2725] {strides = array<i32>} : memref<5x64x64xf32, #tpu.memory_space<vmem>>, vector<1x1x16xf32>,
      %get3A_2727 = vector.shape_cast %get3A_2726 : vector<1x1x16xf32> to vector<16xf32>
      %max3A_2728 = arith.constant 1.000000e-10 : f32
      %max3A_2729 = vector.broadcast %max3A_2728 : f32 to vector<16xf32>
      %max3A_2730 = arith.maximumf %get3A_2727, %max3A_2729 : vector<16xf32>
      %div3A_2731 = arith.constant 1.000000e+00 : f32
      %div3A_2732 = vector.broadcast %div3A_2731 : f32 to vector<16xf32>
      %div3A_2733 = arith.divf %div3A_2732, %max3A_2721 : vector<16xf32>
      %div3A_2734 = arith.constant 1.000000e+00 : f32
      %div3A_2735 = vector.broadcast %div3A_2734 : f32 to vector<16xf32>
      %div3A_2736 = arith.divf %div3A_2735, %max3A_2730 : vector<16xf32>
      %mul3A_2737 = arith.constant 5.000000e-01 : f32
      %mul3A_2738 = vector.broadcast %mul3A_2737 : f32 to vector<16xf32>
      %mul3A_2739 = arith.mulf %mul3A_2738, %div3A_2733 : vector<16xf32>
      %mul3A_2740 = arith.mulf %mul3A_2739, %div3A_2733 : vector<16xf32>
      %swap3A_2741 = arith.index_cast %mul3A_2703 : i32 to index
      %swap3A_2742 = tpu.vector_load %arg7[%swap3A_2741] {strides = array<i32>} : memref<4096xf32, #tpu.memory_space<vmem>>, vector<16xf32>,
      %swap3A_2743 = vector.shape_cast %swap3A_2742 : vector<16xf32> to vector<16xf32>
      %swap3A_2744 = vector.shape_cast %mul3A_2740 : vector<16xf32> to vector<16xf32>
      tpu.vector_store %arg7[%swap3A_2741], %swap3A_2744 {strides = array<i32>} : memref<4096xf32, #tpu.memory_space<vmem>>, vector<16xf32>,
      %mul3A_2745 = arith.constant 5.000000e-01 : f32
      %mul3A_2746 = vector.broadcast %mul3A_2745 : f32 to vector<16xf32>
      %mul3A_2747 = arith.mulf %mul3A_2746, %div3A_2736 : vector<16xf32>
      %mul3A_2748 = arith.mulf %mul3A_2747, %div3A_2736 : vector<16xf32>
      %swap3A_2749 = arith.index_cast %mul3A_2703 : i32 to index
      %swap3A_2750 = tpu.vector_load %arg8[%swap3A_2749] {strides = array<i32>} : memref<4096xf32, #tpu.memory_space<vmem>>, vector<16xf32>,
      %swap3A_2751 = vector.shape_cast %swap3A_2750 : vector<16xf32> to vector<16xf32>
      %swap3A_2752 = vector.shape_cast %mul3A_2748 : vector<16xf32> to vector<16xf32>
      tpu.vector_store %arg8[%swap3A_2749], %swap3A_2752 {strides = array<i32>} : memref<4096xf32, #tpu.memory_space<vmem>>, vector<16xf32>,
      %mul3A_2753 = arith.mulf %max3A_2712, %div3A_2733 : vector<16xf32>
      %mul3A_2754 = arith.mulf %mul3A_2753, %div3A_2736 : vector<16xf32>
      %swap3A_2755 = arith.index_cast %mul3A_2703 : i32 to index
      %swap3A_2756 = tpu.vector_load %arg9[%swap3A_2755] {strides = array<i32>} : memref<4096xf32, #tpu.memory_space<vmem>>, vector<16xf32>,
      %swap3A_2757 = vector.shape_cast %swap3A_2756 : vector<16xf32> to vector<16xf32>
      %swap3A_2758 = vector.shape_cast %mul3A_2754 : vector<16xf32> to vector<16xf32>
      tpu.vector_store %arg9[%swap3A_2755], %swap3A_2758 {strides = array<i32>} : memref<4096xf32, #tpu.memory_space<vmem>>, vector<16xf32>,
      %add3A_2759 = arith.addf %add3A_2691, %max3A_2712 : vector<16xf32>
      scf.yield %add3A_2759 : vector<16xf32>
    }
    %scan3A_62 = arith.constant 128 : i32
    %iota3A = tpu.iota {dimensions = array<i32: 0>} : vector<16xi32>
    %xor3A = arith.constant 1 : i32
    %xor3A_63 = vector.broadcast %xor3A : i32 to vector<16xi32>
    %xor3A_64 = arith.xori %iota3A, %xor3A_63 : vector<16xi32>
    %broadcast_in_dim3A_65 = vector.shape_cast %xor3A_64 : vector<16xi32> to vector<16x1xi32>
    %gather3A = vector.shape_cast %broadcast_in_dim3A_65 : vector<16x1xi32> to vector<16xi32>
    %gather3A_66 = tpu.dynamic_gather %scan3A_61[%gather3A] in [0] : vector<16xf32>, vector<16xi32> -> vector<16xf32>
    %add3A_67 = arith.addf %scan3A_61, %gather3A_66 : vector<16xf32>
    %xor3A_68 = arith.constant 2 : i32
    %xor3A_69 = vector.broadcast %xor3A_68 : i32 to vector<16xi32>
    %xor3A_70 = arith.xori %iota3A, %xor3A_69 : vector<16xi32>
    %broadcast_in_dim3A_71 = vector.shape_cast %xor3A_70 : vector<16xi32> to vector<16x1xi32>
    %gather3A_72 = vector.shape_cast %broadcast_in_dim3A_71 : vector<16x1xi32> to vector<16xi32>
    %gather3A_73 = tpu.dynamic_gather %add3A_67[%gather3A_72] in [0] : vector<16xf32>, vector<16xi32> -> vector<16xf32>
    %add3A_74 = arith.addf %add3A_67, %gather3A_73 : vector<16xf32>
    %xor3A_75 = arith.constant 4 : i32
    %xor3A_76 = vector.broadcast %xor3A_75 : i32 to vector<16xi32>
    %xor3A_77 = arith.xori %iota3A, %xor3A_76 : vector<16xi32>
    %broadcast_in_dim3A_78 = vector.shape_cast %xor3A_77 : vector<16xi32> to vector<16x1xi32>
    %gather3A_79 = vector.shape_cast %broadcast_in_dim3A_78 : vector<16x1xi32> to vector<16xi32>
    %gather3A_80 = tpu.dynamic_gather %add3A_74[%gather3A_79] in [0] : vector<16xf32>, vector<16xi32> -> vector<16xf32>
    %add3A_81 = arith.addf %add3A_74, %gather3A_80 : vector<16xf32>
    %xor3A_82 = arith.constant 8 : i32
    %xor3A_83 = vector.broadcast %xor3A_82 : i32 to vector<16xi32>
    %xor3A_84 = arith.xori %iota3A, %xor3A_83 : vector<16xi32>
    %broadcast_in_dim3A_85 = vector.shape_cast %xor3A_84 : vector<16xi32> to vector<16x1xi32>
    %gather3A_86 = vector.shape_cast %broadcast_in_dim3A_85 : vector<16x1xi32> to vector<16xi32>
    %gather3A_87 = tpu.dynamic_gather %add3A_81[%gather3A_86] in [0] : vector<16xf32>, vector<16xi32> -> vector<16xf32>
    %add3A_88 = arith.addf %add3A_81, %gather3A_87 : vector<16xf32>
    %bitcast_convert_type3A = tpu.bitcast %add3A_88 : vector<16xf32> -> vector<16xi32>
    %shift_right_arithmetic3A = arith.constant 23 : i32
    %shift_right_arithmetic3A_89 = vector.broadcast %shift_right_arithmetic3A : i32 to vector<16xi32>
    %shift_right_arithmetic3A_90 = arith.shrsi %bitcast_convert_type3A, %shift_right_arithmetic3A_89 : vector<16xi32>
    %sub3A_91 = arith.constant 127 : i32
    %sub3A_92 = vector.broadcast %sub3A_91 : i32 to vector<16xi32>
    %sub3A_93 = arith.subi %shift_right_arithmetic3A_90, %sub3A_92 : vector<16xi32>
    %and3A_94 = arith.constant 8388607 : i32
    %and3A_95 = vector.broadcast %and3A_94 : i32 to vector<16xi32>
    %and3A_96 = arith.andi %bitcast_convert_type3A, %and3A_95 : vector<16xi32>
    %or3A = arith.constant 1065353216 : i32
    %or3A_97 = vector.broadcast %or3A : i32 to vector<16xi32>
    %or3A_98 = arith.ori %and3A_96, %or3A_97 : vector<16xi32>
    %bitcast_convert_type3A_99 = tpu.bitcast %or3A_98 : vector<16xi32> -> vector<16xf32>
    %gt3A = arith.constant 1.41421354 : f32
    %gt3A_100 = vector.broadcast %gt3A : f32 to vector<16xf32>
    %gt3A_101 = arith.cmpf ogt, %bitcast_convert_type3A_99, %gt3A_100 : vector<16xf32>
    %mul3A_102 = arith.constant 5.000000e-01 : f32
    %mul3A_103 = vector.broadcast %mul3A_102 : f32 to vector<16xf32>
    %mul3A_104 = arith.mulf %bitcast_convert_type3A_99, %mul3A_103 : vector<16xf32>
    %select_n3A_105 = arith.select %gt3A_101, %mul3A_104, %bitcast_convert_type3A_99 : vector<16xi1>, vector<16xf32>
    %add3A_106 = arith.constant 1 : i32
    %add3A_107 = vector.broadcast %add3A_106 : i32 to vector<16xi32>
    %add3A_108 = arith.addi %sub3A_93, %add3A_107 : vector<16xi32>
    %select_n3A_109 = arith.select %gt3A_101, %add3A_108, %sub3A_93 : vector<16xi1>, vector<16xi32>
    %convert_element_type3A = arith.sitofp %select_n3A_109 : vector<16xi32> to vector<16xf32>
    %sub3A_110 = arith.constant 1.000000e+00 : f32
    %sub3A_111 = vector.broadcast %sub3A_110 : f32 to vector<16xf32>
    %sub3A_112 = arith.subf %select_n3A_105, %sub3A_111 : vector<16xf32>
    %add3A_113 = arith.constant 1.000000e+00 : f32
    %add3A_114 = vector.broadcast %add3A_113 : f32 to vector<16xf32>
    %add3A_115 = arith.addf %select_n3A_105, %add3A_114 : vector<16xf32>
    %div3A_116 = arith.divf %sub3A_112, %add3A_115 : vector<16xf32>
    %mul3A_117 = arith.mulf %div3A_116, %div3A_116 : vector<16xf32>
    %mul3A_118 = arith.constant 0.222222224 : f32
    %mul3A_119 = vector.broadcast %mul3A_118 : f32 to vector<16xf32>
    %mul3A_120 = arith.mulf %mul3A_117, %mul3A_119 : vector<16xf32>
    %add3A_121 = arith.constant 0.285714298 : f32
    %add3A_122 = vector.broadcast %add3A_121 : f32 to vector<16xf32>
    %add3A_123 = arith.addf %add3A_122, %mul3A_120 : vector<16xf32>
    %mul3A_124 = arith.mulf %mul3A_117, %add3A_123 : vector<16xf32>
    %add3A_125 = arith.constant 4.000000e-01 : f32
    %add3A_126 = vector.broadcast %add3A_125 : f32 to vector<16xf32>
    %add3A_127 = arith.addf %add3A_126, %mul3A_124 : vector<16xf32>
    %mul3A_128 = arith.mulf %mul3A_117, %add3A_127 : vector<16xf32>
    %add3A_129 = arith.constant 0.666666686 : f32
    %add3A_130 = vector.broadcast %add3A_129 : f32 to vector<16xf32>
    %add3A_131 = arith.addf %add3A_130, %mul3A_128 : vector<16xf32>
    %mul3A_132 = arith.mulf %mul3A_117, %add3A_131 : vector<16xf32>
    %add3A_133 = arith.constant 2.000000e+00 : f32
    %add3A_134 = vector.broadcast %add3A_133 : f32 to vector<16xf32>
    %add3A_135 = arith.addf %add3A_134, %mul3A_132 : vector<16xf32>
    %mul3A_136 = arith.constant 0.693147182 : f32
    %mul3A_137 = vector.broadcast %mul3A_136 : f32 to vector<16xf32>
    %mul3A_138 = arith.mulf %convert_element_type3A, %mul3A_137 : vector<16xf32>
    %mul3A_139 = arith.mulf %div3A_116, %add3A_135 : vector<16xf32>
    %add3A_140 = arith.addf %mul3A_138, %mul3A_139 : vector<16xf32>
    %sub3A_141 = arith.subf %broadcast_in_dim3A_57, %add3A_140 : vector<16xf32>
    %add3A_142 = arith.constant 0 : i32
    %add3A_143 = arith.addi %mul3A_50, %add3A_142 : i32
    %add3A_144 = arith.constant 1 : i32
    %add3A_145 = arith.addi %mul3A_50, %add3A_144 : i32
    %add3A_146 = arith.constant 2 : i32
    %add3A_147 = arith.addi %mul3A_50, %add3A_146 : i32
    %add3A_148 = arith.constant 3 : i32
    %add3A_149 = arith.addi %mul3A_50, %add3A_148 : i32
    %add3A_150 = arith.constant 4 : i32
    %add3A_151 = arith.addi %mul3A_50, %add3A_150 : i32
    %add3A_152 = arith.constant 5 : i32
    %add3A_153 = arith.addi %mul3A_50, %add3A_152 : i32
    %add3A_154 = arith.constant 6 : i32
    %add3A_155 = arith.addi %mul3A_50, %add3A_154 : i32
    %add3A_156 = arith.constant 7 : i32
    %add3A_157 = arith.addi %mul3A_50, %add3A_156 : i32
    %add3A_158 = arith.constant 8 : i32
    %add3A_159 = arith.addi %mul3A_50, %add3A_158 : i32
    %add3A_160 = arith.constant 9 : i32
    %add3A_161 = arith.addi %mul3A_50, %add3A_160 : i32
    %shift_right_logical3A = arith.constant 4 : i32
    %shift_right_logical3A_162 = arith.shrui %add3A_143, %shift_right_logical3A : i32
    %and3A_163 = arith.constant 15 : i32
    %and3A_164 = arith.andi %add3A_143, %and3A_163 : i32
    %shift_left3A = arith.constant 4 : i32
    %shift_left3A_165 = arith.shli %shift_right_logical3A_162, %shift_left3A : i32
    %get3A = arith.constant 1 : i32
    %get3A_166 = arith.index_cast %get3A : i32 to index
    %get3A_167 = arith.index_cast %shift_left3A_165 : i32 to index
    %get3A_168 = tpu.vector_load %arg6[%get3A_166, %get3A_167] {strides = array<i32>} : memref<3x128xf32, #tpu.memory_space<vmem>>, vector<1x16xf32>,
    %get3A_169 = vector.shape_cast %get3A_168 : vector<1x16xf32> to vector<16xf32>
    %broadcast_in_dim3A_170 = vector.broadcast %and3A_164 : i32 to vector<16xi32>
    %broadcast_in_dim3A_171 = vector.shape_cast %broadcast_in_dim3A_170 : vector<16xi32> to vector<16x1xi32>
    %gather3A_172 = vector.shape_cast %broadcast_in_dim3A_171 : vector<16x1xi32> to vector<16xi32>
    %gather3A_173 = tpu.dynamic_gather %get3A_169[%gather3A_172] in [0] : vector<16xf32>, vector<16xi32> -> vector<16xf32>
    %shift_right_logical3A_174 = arith.constant 4 : i32
    %shift_right_logical3A_175 = arith.shrui %add3A_145, %shift_right_logical3A_174 : i32
    %and3A_176 = arith.constant 15 : i32
    %and3A_177 = arith.andi %add3A_145, %and3A_176 : i32
    %shift_left3A_178 = arith.constant 4 : i32
    %shift_left3A_179 = arith.shli %shift_right_logical3A_175, %shift_left3A_178 : i32
    %get3A_180 = arith.constant 1 : i32
    %get3A_181 = arith.index_cast %get3A_180 : i32 to index
    %get3A_182 = arith.index_cast %shift_left3A_179 : i32 to index
    %get3A_183 = tpu.vector_load %arg6[%get3A_181, %get3A_182] {strides = array<i32>} : memref<3x128xf32, #tpu.memory_space<vmem>>, vector<1x16xf32>,
    %get3A_184 = vector.shape_cast %get3A_183 : vector<1x16xf32> to vector<16xf32>
    %broadcast_in_dim3A_185 = vector.broadcast %and3A_177 : i32 to vector<16xi32>
    %broadcast_in_dim3A_186 = vector.shape_cast %broadcast_in_dim3A_185 : vector<16xi32> to vector<16x1xi32>
    %gather3A_187 = vector.shape_cast %broadcast_in_dim3A_186 : vector<16x1xi32> to vector<16xi32>
    %gather3A_188 = tpu.dynamic_gather %get3A_184[%gather3A_187] in [0] : vector<16xf32>, vector<16xi32> -> vector<16xf32>
    %shift_right_logical3A_189 = arith.constant 4 : i32
    %shift_right_logical3A_190 = arith.shrui %add3A_147, %shift_right_logical3A_189 : i32
    %and3A_191 = arith.constant 15 : i32
    %and3A_192 = arith.andi %add3A_147, %and3A_191 : i32
    %shift_left3A_193 = arith.constant 4 : i32
    %shift_left3A_194 = arith.shli %shift_right_logical3A_190, %shift_left3A_193 : i32
    %get3A_195 = arith.constant 1 : i32
    %get3A_196 = arith.index_cast %get3A_195 : i32 to index
    %get3A_197 = arith.index_cast %shift_left3A_194 : i32 to index
    %get3A_198 = tpu.vector_load %arg6[%get3A_196, %get3A_197] {strides = array<i32>} : memref<3x128xf32, #tpu.memory_space<vmem>>, vector<1x16xf32>,
    %get3A_199 = vector.shape_cast %get3A_198 : vector<1x16xf32> to vector<16xf32>
    %broadcast_in_dim3A_200 = vector.broadcast %and3A_192 : i32 to vector<16xi32>
    %broadcast_in_dim3A_201 = vector.shape_cast %broadcast_in_dim3A_200 : vector<16xi32> to vector<16x1xi32>
    %gather3A_202 = vector.shape_cast %broadcast_in_dim3A_201 : vector<16x1xi32> to vector<16xi32>
    %gather3A_203 = tpu.dynamic_gather %get3A_199[%gather3A_202] in [0] : vector<16xf32>, vector<16xi32> -> vector<16xf32>
    %shift_right_logical3A_204 = arith.constant 4 : i32
    %shift_right_logical3A_205 = arith.shrui %add3A_149, %shift_right_logical3A_204 : i32
    %and3A_206 = arith.constant 15 : i32
    %and3A_207 = arith.andi %add3A_149, %and3A_206 : i32
    %shift_left3A_208 = arith.constant 4 : i32
    %shift_left3A_209 = arith.shli %shift_right_logical3A_205, %shift_left3A_208 : i32
    %get3A_210 = arith.constant 1 : i32
    %get3A_211 = arith.index_cast %get3A_210 : i32 to index
    %get3A_212 = arith.index_cast %shift_left3A_209 : i32 to index
    %get3A_213 = tpu.vector_load %arg6[%get3A_211, %get3A_212] {strides = array<i32>} : memref<3x128xf32, #tpu.memory_space<vmem>>, vector<1x16xf32>,
    %get3A_214 = vector.shape_cast %get3A_213 : vector<1x16xf32> to vector<16xf32>
    %broadcast_in_dim3A_215 = vector.broadcast %and3A_207 : i32 to vector<16xi32>
    %broadcast_in_dim3A_216 = vector.shape_cast %broadcast_in_dim3A_215 : vector<16xi32> to vector<16x1xi32>
    %gather3A_217 = vector.shape_cast %broadcast_in_dim3A_216 : vector<16x1xi32> to vector<16xi32>
    %gather3A_218 = tpu.dynamic_gather %get3A_214[%gather3A_217] in [0] : vector<16xf32>, vector<16xi32> -> vector<16xf32>
    %shift_right_logical3A_219 = arith.constant 4 : i32
    %shift_right_logical3A_220 = arith.shrui %add3A_151, %shift_right_logical3A_219 : i32
    %and3A_221 = arith.constant 15 : i32
    %and3A_222 = arith.andi %add3A_151, %and3A_221 : i32
    %shift_left3A_223 = arith.constant 4 : i32
    %shift_left3A_224 = arith.shli %shift_right_logical3A_220, %shift_left3A_223 : i32
    %get3A_225 = arith.constant 1 : i32
    %get3A_226 = arith.index_cast %get3A_225 : i32 to index
    %get3A_227 = arith.index_cast %shift_left3A_224 : i32 to index
    %get3A_228 = tpu.vector_load %arg6[%get3A_226, %get3A_227] {strides = array<i32>} : memref<3x128xf32, #tpu.memory_space<vmem>>, vector<1x16xf32>,
    %get3A_229 = vector.shape_cast %get3A_228 : vector<1x16xf32> to vector<16xf32>
    %broadcast_in_dim3A_230 = vector.broadcast %and3A_222 : i32 to vector<16xi32>
    %broadcast_in_dim3A_231 = vector.shape_cast %broadcast_in_dim3A_230 : vector<16xi32> to vector<16x1xi32>
    %gather3A_232 = vector.shape_cast %broadcast_in_dim3A_231 : vector<16x1xi32> to vector<16xi32>
    %gather3A_233 = tpu.dynamic_gather %get3A_229[%gather3A_232] in [0] : vector<16xf32>, vector<16xi32> -> vector<16xf32>
    %shift_right_logical3A_234 = arith.constant 4 : i32
    %shift_right_logical3A_235 = arith.shrui %add3A_153, %shift_right_logical3A_234 : i32
    %and3A_236 = arith.constant 15 : i32
    %and3A_237 = arith.andi %add3A_153, %and3A_236 : i32
    %shift_left3A_238 = arith.constant 4 : i32
    %shift_left3A_239 = arith.shli %shift_right_logical3A_235, %shift_left3A_238 : i32
    %get3A_240 = arith.constant 1 : i32
    %get3A_241 = arith.index_cast %get3A_240 : i32 to index
    %get3A_242 = arith.index_cast %shift_left3A_239 : i32 to index
    %get3A_243 = tpu.vector_load %arg6[%get3A_241, %get3A_242] {strides = array<i32>} : memref<3x128xf32, #tpu.memory_space<vmem>>, vector<1x16xf32>,
    %get3A_244 = vector.shape_cast %get3A_243 : vector<1x16xf32> to vector<16xf32>
    %broadcast_in_dim3A_245 = vector.broadcast %and3A_237 : i32 to vector<16xi32>
    %broadcast_in_dim3A_246 = vector.shape_cast %broadcast_in_dim3A_245 : vector<16xi32> to vector<16x1xi32>
    %gather3A_247 = vector.shape_cast %broadcast_in_dim3A_246 : vector<16x1xi32> to vector<16xi32>
    %gather3A_248 = tpu.dynamic_gather %get3A_244[%gather3A_247] in [0] : vector<16xf32>, vector<16xi32> -> vector<16xf32>
    %shift_right_logical3A_249 = arith.constant 4 : i32
    %shift_right_logical3A_250 = arith.shrui %add3A_155, %shift_right_logical3A_249 : i32
    %and3A_251 = arith.constant 15 : i32
    %and3A_252 = arith.andi %add3A_155, %and3A_251 : i32
    %shift_left3A_253 = arith.constant 4 : i32
    %shift_left3A_254 = arith.shli %shift_right_logical3A_250, %shift_left3A_253 : i32
    %get3A_255 = arith.constant 1 : i32
    %get3A_256 = arith.index_cast %get3A_255 : i32 to index
    %get3A_257 = arith.index_cast %shift_left3A_254 : i32 to index
    %get3A_258 = tpu.vector_load %arg6[%get3A_256, %get3A_257] {strides = array<i32>} : memref<3x128xf32, #tpu.memory_space<vmem>>, vector<1x16xf32>,
    %get3A_259 = vector.shape_cast %get3A_258 : vector<1x16xf32> to vector<16xf32>
    %broadcast_in_dim3A_260 = vector.broadcast %and3A_252 : i32 to vector<16xi32>
    %broadcast_in_dim3A_261 = vector.shape_cast %broadcast_in_dim3A_260 : vector<16xi32> to vector<16x1xi32>
    %gather3A_262 = vector.shape_cast %broadcast_in_dim3A_261 : vector<16x1xi32> to vector<16xi32>
    %gather3A_263 = tpu.dynamic_gather %get3A_259[%gather3A_262] in [0] : vector<16xf32>, vector<16xi32> -> vector<16xf32>
    %shift_right_logical3A_264 = arith.constant 4 : i32
    %shift_right_logical3A_265 = arith.shrui %add3A_157, %shift_right_logical3A_264 : i32
    %and3A_266 = arith.constant 15 : i32
    %and3A_267 = arith.andi %add3A_157, %and3A_266 : i32
    %shift_left3A_268 = arith.constant 4 : i32
    %shift_left3A_269 = arith.shli %shift_right_logical3A_265, %shift_left3A_268 : i32
    %get3A_270 = arith.constant 1 : i32
    %get3A_271 = arith.index_cast %get3A_270 : i32 to index
    %get3A_272 = arith.index_cast %shift_left3A_269 : i32 to index
    %get3A_273 = tpu.vector_load %arg6[%get3A_271, %get3A_272] {strides = array<i32>} : memref<3x128xf32, #tpu.memory_space<vmem>>, vector<1x16xf32>,
    %get3A_274 = vector.shape_cast %get3A_273 : vector<1x16xf32> to vector<16xf32>
    %broadcast_in_dim3A_275 = vector.broadcast %and3A_267 : i32 to vector<16xi32>
    %broadcast_in_dim3A_276 = vector.shape_cast %broadcast_in_dim3A_275 : vector<16xi32> to vector<16x1xi32>
    %gather3A_277 = vector.shape_cast %broadcast_in_dim3A_276 : vector<16x1xi32> to vector<16xi32>
    %gather3A_278 = tpu.dynamic_gather %get3A_274[%gather3A_277] in [0] : vector<16xf32>, vector<16xi32> -> vector<16xf32>
    %shift_right_logical3A_279 = arith.constant 4 : i32
    %shift_right_logical3A_280 = arith.shrui %add3A_159, %shift_right_logical3A_279 : i32
    %and3A_281 = arith.constant 15 : i32
    %and3A_282 = arith.andi %add3A_159, %and3A_281 : i32
    %shift_left3A_283 = arith.constant 4 : i32
    %shift_left3A_284 = arith.shli %shift_right_logical3A_280, %shift_left3A_283 : i32
    %get3A_285 = arith.constant 1 : i32
    %get3A_286 = arith.index_cast %get3A_285 : i32 to index
    %get3A_287 = arith.index_cast %shift_left3A_284 : i32 to index
    %get3A_288 = tpu.vector_load %arg6[%get3A_286, %get3A_287] {strides = array<i32>} : memref<3x128xf32, #tpu.memory_space<vmem>>, vector<1x16xf32>,
    %get3A_289 = vector.shape_cast %get3A_288 : vector<1x16xf32> to vector<16xf32>
    %broadcast_in_dim3A_290 = vector.broadcast %and3A_282 : i32 to vector<16xi32>
    %broadcast_in_dim3A_291 = vector.shape_cast %broadcast_in_dim3A_290 : vector<16xi32> to vector<16x1xi32>
    %gather3A_292 = vector.shape_cast %broadcast_in_dim3A_291 : vector<16x1xi32> to vector<16xi32>
    %gather3A_293 = tpu.dynamic_gather %get3A_289[%gather3A_292] in [0] : vector<16xf32>, vector<16xi32> -> vector<16xf32>
    %shift_right_logical3A_294 = arith.constant 4 : i32
    %shift_right_logical3A_295 = arith.shrui %add3A_161, %shift_right_logical3A_294 : i32
    %and3A_296 = arith.constant 15 : i32
    %and3A_297 = arith.andi %add3A_161, %and3A_296 : i32
    %shift_left3A_298 = arith.constant 4 : i32
    %shift_left3A_299 = arith.shli %shift_right_logical3A_295, %shift_left3A_298 : i32
    %get3A_300 = arith.constant 1 : i32
    %get3A_301 = arith.index_cast %get3A_300 : i32 to index
    %get3A_302 = arith.index_cast %shift_left3A_299 : i32 to index
    %get3A_303 = tpu.vector_load %arg6[%get3A_301, %get3A_302] {strides = array<i32>} : memref<3x128xf32, #tpu.memory_space<vmem>>, vector<1x16xf32>,
    %get3A_304 = vector.shape_cast %get3A_303 : vector<1x16xf32> to vector<16xf32>
    %broadcast_in_dim3A_305 = vector.broadcast %and3A_297 : i32 to vector<16xi32>
    %broadcast_in_dim3A_306 = vector.shape_cast %broadcast_in_dim3A_305 : vector<16xi32> to vector<16x1xi32>
    %gather3A_307 = vector.shape_cast %broadcast_in_dim3A_306 : vector<16x1xi32> to vector<16xi32>
    %gather3A_308 = tpu.dynamic_gather %get3A_304[%gather3A_307] in [0] : vector<16xf32>, vector<16xi32> -> vector<16xf32>
    %shift_right_logical3A_309 = arith.constant 4 : i32
    %shift_right_logical3A_310 = arith.shrui %add3A_143, %shift_right_logical3A_309 : i32
    %and3A_311 = arith.constant 15 : i32
    %and3A_312 = arith.andi %add3A_143, %and3A_311 : i32
    %shift_left3A_313 = arith.constant 4 : i32
    %shift_left3A_314 = arith.shli %shift_right_logical3A_310, %shift_left3A_313 : i32
    %get3A_315 = arith.constant 2 : i32
    %get3A_316 = arith.index_cast %get3A_315 : i32 to index
    %get3A_317 = arith.index_cast %shift_left3A_314 : i32 to index
    %get3A_318 = tpu.vector_load %arg6[%get3A_316, %get3A_317] {strides = array<i32>} : memref<3x128xf32, #tpu.memory_space<vmem>>, vector<1x16xf32>,
    %get3A_319 = vector.shape_cast %get3A_318 : vector<1x16xf32> to vector<16xf32>
    %broadcast_in_dim3A_320 = vector.broadcast %and3A_312 : i32 to vector<16xi32>
    %broadcast_in_dim3A_321 = vector.shape_cast %broadcast_in_dim3A_320 : vector<16xi32> to vector<16x1xi32>
    %gather3A_322 = vector.shape_cast %broadcast_in_dim3A_321 : vector<16x1xi32> to vector<16xi32>
    %gather3A_323 = tpu.dynamic_gather %get3A_319[%gather3A_322] in [0] : vector<16xf32>, vector<16xi32> -> vector<16xf32>
    %shift_right_logical3A_324 = arith.constant 4 : i32
    %shift_right_logical3A_325 = arith.shrui %add3A_145, %shift_right_logical3A_324 : i32
    %and3A_326 = arith.constant 15 : i32
    %and3A_327 = arith.andi %add3A_145, %and3A_326 : i32
    %shift_left3A_328 = arith.constant 4 : i32
    %shift_left3A_329 = arith.shli %shift_right_logical3A_325, %shift_left3A_328 : i32
    %get3A_330 = arith.constant 2 : i32
    %get3A_331 = arith.index_cast %get3A_330 : i32 to index
    %get3A_332 = arith.index_cast %shift_left3A_329 : i32 to index
    %get3A_333 = tpu.vector_load %arg6[%get3A_331, %get3A_332] {strides = array<i32>} : memref<3x128xf32, #tpu.memory_space<vmem>>, vector<1x16xf32>,
    %get3A_334 = vector.shape_cast %get3A_333 : vector<1x16xf32> to vector<16xf32>
    %broadcast_in_dim3A_335 = vector.broadcast %and3A_327 : i32 to vector<16xi32>
    %broadcast_in_dim3A_336 = vector.shape_cast %broadcast_in_dim3A_335 : vector<16xi32> to vector<16x1xi32>
    %gather3A_337 = vector.shape_cast %broadcast_in_dim3A_336 : vector<16x1xi32> to vector<16xi32>
    %gather3A_338 = tpu.dynamic_gather %get3A_334[%gather3A_337] in [0] : vector<16xf32>, vector<16xi32> -> vector<16xf32>
    %shift_right_logical3A_339 = arith.constant 4 : i32
    %shift_right_logical3A_340 = arith.shrui %add3A_147, %shift_right_logical3A_339 : i32
    %and3A_341 = arith.constant 15 : i32
    %and3A_342 = arith.andi %add3A_147, %and3A_341 : i32
    %shift_left3A_343 = arith.constant 4 : i32
    %shift_left3A_344 = arith.shli %shift_right_logical3A_340, %shift_left3A_343 : i32
    %get3A_345 = arith.constant 2 : i32
    %get3A_346 = arith.index_cast %get3A_345 : i32 to index
    %get3A_347 = arith.index_cast %shift_left3A_344 : i32 to index
    %get3A_348 = tpu.vector_load %arg6[%get3A_346, %get3A_347] {strides = array<i32>} : memref<3x128xf32, #tpu.memory_space<vmem>>, vector<1x16xf32>,
    %get3A_349 = vector.shape_cast %get3A_348 : vector<1x16xf32> to vector<16xf32>
    %broadcast_in_dim3A_350 = vector.broadcast %and3A_342 : i32 to vector<16xi32>
    %broadcast_in_dim3A_351 = vector.shape_cast %broadcast_in_dim3A_350 : vector<16xi32> to vector<16x1xi32>
    %gather3A_352 = vector.shape_cast %broadcast_in_dim3A_351 : vector<16x1xi32> to vector<16xi32>
    %gather3A_353 = tpu.dynamic_gather %get3A_349[%gather3A_352] in [0] : vector<16xf32>, vector<16xi32> -> vector<16xf32>
    %shift_right_logical3A_354 = arith.constant 4 : i32
    %shift_right_logical3A_355 = arith.shrui %add3A_149, %shift_right_logical3A_354 : i32
    %and3A_356 = arith.constant 15 : i32
    %and3A_357 = arith.andi %add3A_149, %and3A_356 : i32
    %shift_left3A_358 = arith.constant 4 : i32
    %shift_left3A_359 = arith.shli %shift_right_logical3A_355, %shift_left3A_358 : i32
    %get3A_360 = arith.constant 2 : i32
    %get3A_361 = arith.index_cast %get3A_360 : i32 to index
    %get3A_362 = arith.index_cast %shift_left3A_359 : i32 to index
    %get3A_363 = tpu.vector_load %arg6[%get3A_361, %get3A_362] {strides = array<i32>} : memref<3x128xf32, #tpu.memory_space<vmem>>, vector<1x16xf32>,
    %get3A_364 = vector.shape_cast %get3A_363 : vector<1x16xf32> to vector<16xf32>
    %broadcast_in_dim3A_365 = vector.broadcast %and3A_357 : i32 to vector<16xi32>
    %broadcast_in_dim3A_366 = vector.shape_cast %broadcast_in_dim3A_365 : vector<16xi32> to vector<16x1xi32>
    %gather3A_367 = vector.shape_cast %broadcast_in_dim3A_366 : vector<16x1xi32> to vector<16xi32>
    %gather3A_368 = tpu.dynamic_gather %get3A_364[%gather3A_367] in [0] : vector<16xf32>, vector<16xi32> -> vector<16xf32>
    %shift_right_logical3A_369 = arith.constant 4 : i32
    %shift_right_logical3A_370 = arith.shrui %add3A_151, %shift_right_logical3A_369 : i32
    %and3A_371 = arith.constant 15 : i32
    %and3A_372 = arith.andi %add3A_151, %and3A_371 : i32
    %shift_left3A_373 = arith.constant 4 : i32
    %shift_left3A_374 = arith.shli %shift_right_logical3A_370, %shift_left3A_373 : i32
    %get3A_375 = arith.constant 2 : i32
    %get3A_376 = arith.index_cast %get3A_375 : i32 to index
    %get3A_377 = arith.index_cast %shift_left3A_374 : i32 to index
    %get3A_378 = tpu.vector_load %arg6[%get3A_376, %get3A_377] {strides = array<i32>} : memref<3x128xf32, #tpu.memory_space<vmem>>, vector<1x16xf32>,
    %get3A_379 = vector.shape_cast %get3A_378 : vector<1x16xf32> to vector<16xf32>
    %broadcast_in_dim3A_380 = vector.broadcast %and3A_372 : i32 to vector<16xi32>
    %broadcast_in_dim3A_381 = vector.shape_cast %broadcast_in_dim3A_380 : vector<16xi32> to vector<16x1xi32>
    %gather3A_382 = vector.shape_cast %broadcast_in_dim3A_381 : vector<16x1xi32> to vector<16xi32>
    %gather3A_383 = tpu.dynamic_gather %get3A_379[%gather3A_382] in [0] : vector<16xf32>, vector<16xi32> -> vector<16xf32>
    %shift_right_logical3A_384 = arith.constant 4 : i32
    %shift_right_logical3A_385 = arith.shrui %add3A_153, %shift_right_logical3A_384 : i32
    %and3A_386 = arith.constant 15 : i32
    %and3A_387 = arith.andi %add3A_153, %and3A_386 : i32
    %shift_left3A_388 = arith.constant 4 : i32
    %shift_left3A_389 = arith.shli %shift_right_logical3A_385, %shift_left3A_388 : i32
    %get3A_390 = arith.constant 2 : i32
    %get3A_391 = arith.index_cast %get3A_390 : i32 to index
    %get3A_392 = arith.index_cast %shift_left3A_389 : i32 to index
    %get3A_393 = tpu.vector_load %arg6[%get3A_391, %get3A_392] {strides = array<i32>} : memref<3x128xf32, #tpu.memory_space<vmem>>, vector<1x16xf32>,
    %get3A_394 = vector.shape_cast %get3A_393 : vector<1x16xf32> to vector<16xf32>
    %broadcast_in_dim3A_395 = vector.broadcast %and3A_387 : i32 to vector<16xi32>
    %broadcast_in_dim3A_396 = vector.shape_cast %broadcast_in_dim3A_395 : vector<16xi32> to vector<16x1xi32>
    %gather3A_397 = vector.shape_cast %broadcast_in_dim3A_396 : vector<16x1xi32> to vector<16xi32>
    %gather3A_398 = tpu.dynamic_gather %get3A_394[%gather3A_397] in [0] : vector<16xf32>, vector<16xi32> -> vector<16xf32>
    %shift_right_logical3A_399 = arith.constant 4 : i32
    %shift_right_logical3A_400 = arith.shrui %add3A_155, %shift_right_logical3A_399 : i32
    %and3A_401 = arith.constant 15 : i32
    %and3A_402 = arith.andi %add3A_155, %and3A_401 : i32
    %shift_left3A_403 = arith.constant 4 : i32
    %shift_left3A_404 = arith.shli %shift_right_logical3A_400, %shift_left3A_403 : i32
    %get3A_405 = arith.constant 2 : i32
    %get3A_406 = arith.index_cast %get3A_405 : i32 to index
    %get3A_407 = arith.index_cast %shift_left3A_404 : i32 to index
    %get3A_408 = tpu.vector_load %arg6[%get3A_406, %get3A_407] {strides = array<i32>} : memref<3x128xf32, #tpu.memory_space<vmem>>, vector<1x16xf32>,
    %get3A_409 = vector.shape_cast %get3A_408 : vector<1x16xf32> to vector<16xf32>
    %broadcast_in_dim3A_410 = vector.broadcast %and3A_402 : i32 to vector<16xi32>
    %broadcast_in_dim3A_411 = vector.shape_cast %broadcast_in_dim3A_410 : vector<16xi32> to vector<16x1xi32>
    %gather3A_412 = vector.shape_cast %broadcast_in_dim3A_411 : vector<16x1xi32> to vector<16xi32>
    %gather3A_413 = tpu.dynamic_gather %get3A_409[%gather3A_412] in [0] : vector<16xf32>, vector<16xi32> -> vector<16xf32>
    %shift_right_logical3A_414 = arith.constant 4 : i32
    %shift_right_logical3A_415 = arith.shrui %add3A_157, %shift_right_logical3A_414 : i32
    %and3A_416 = arith.constant 15 : i32
    %and3A_417 = arith.andi %add3A_157, %and3A_416 : i32
    %shift_left3A_418 = arith.constant 4 : i32
    %shift_left3A_419 = arith.shli %shift_right_logical3A_415, %shift_left3A_418 : i32
    %get3A_420 = arith.constant 2 : i32
    %get3A_421 = arith.index_cast %get3A_420 : i32 to index
    %get3A_422 = arith.index_cast %shift_left3A_419 : i32 to index
    %get3A_423 = tpu.vector_load %arg6[%get3A_421, %get3A_422] {strides = array<i32>} : memref<3x128xf32, #tpu.memory_space<vmem>>, vector<1x16xf32>,
    %get3A_424 = vector.shape_cast %get3A_423 : vector<1x16xf32> to vector<16xf32>
    %broadcast_in_dim3A_425 = vector.broadcast %and3A_417 : i32 to vector<16xi32>
    %broadcast_in_dim3A_426 = vector.shape_cast %broadcast_in_dim3A_425 : vector<16xi32> to vector<16x1xi32>
    %gather3A_427 = vector.shape_cast %broadcast_in_dim3A_426 : vector<16x1xi32> to vector<16xi32>
    %gather3A_428 = tpu.dynamic_gather %get3A_424[%gather3A_427] in [0] : vector<16xf32>, vector<16xi32> -> vector<16xf32>
    %shift_right_logical3A_429 = arith.constant 4 : i32
    %shift_right_logical3A_430 = arith.shrui %add3A_159, %shift_right_logical3A_429 : i32
    %and3A_431 = arith.constant 15 : i32
    %and3A_432 = arith.andi %add3A_159, %and3A_431 : i32
    %shift_left3A_433 = arith.constant 4 : i32
    %shift_left3A_434 = arith.shli %shift_right_logical3A_430, %shift_left3A_433 : i32
    %get3A_435 = arith.constant 2 : i32
    %get3A_436 = arith.index_cast %get3A_435 : i32 to index
    %get3A_437 = arith.index_cast %shift_left3A_434 : i32 to index
    %get3A_438 = tpu.vector_load %arg6[%get3A_436, %get3A_437] {strides = array<i32>} : memref<3x128xf32, #tpu.memory_space<vmem>>, vector<1x16xf32>,
    %get3A_439 = vector.shape_cast %get3A_438 : vector<1x16xf32> to vector<16xf32>
    %broadcast_in_dim3A_440 = vector.broadcast %and3A_432 : i32 to vector<16xi32>
    %broadcast_in_dim3A_441 = vector.shape_cast %broadcast_in_dim3A_440 : vector<16xi32> to vector<16x1xi32>
    %gather3A_442 = vector.shape_cast %broadcast_in_dim3A_441 : vector<16x1xi32> to vector<16xi32>
    %gather3A_443 = tpu.dynamic_gather %get3A_439[%gather3A_442] in [0] : vector<16xf32>, vector<16xi32> -> vector<16xf32>
    %shift_right_logical3A_444 = arith.constant 4 : i32
    %shift_right_logical3A_445 = arith.shrui %add3A_161, %shift_right_logical3A_444 : i32
    %and3A_446 = arith.constant 15 : i32
    %and3A_447 = arith.andi %add3A_161, %and3A_446 : i32
    %shift_left3A_448 = arith.constant 4 : i32
    %shift_left3A_449 = arith.shli %shift_right_logical3A_445, %shift_left3A_448 : i32
    %get3A_450 = arith.constant 2 : i32
    %get3A_451 = arith.index_cast %get3A_450 : i32 to index
    %get3A_452 = arith.index_cast %shift_left3A_449 : i32 to index
    %get3A_453 = tpu.vector_load %arg6[%get3A_451, %get3A_452] {strides = array<i32>} : memref<3x128xf32, #tpu.memory_space<vmem>>, vector<1x16xf32>,
    %get3A_454 = vector.shape_cast %get3A_453 : vector<1x16xf32> to vector<16xf32>
    %broadcast_in_dim3A_455 = vector.broadcast %and3A_447 : i32 to vector<16xi32>
    %broadcast_in_dim3A_456 = vector.shape_cast %broadcast_in_dim3A_455 : vector<16xi32> to vector<16x1xi32>
    %gather3A_457 = vector.shape_cast %broadcast_in_dim3A_456 : vector<16x1xi32> to vector<16xi32>
    %gather3A_458 = tpu.dynamic_gather %get3A_454[%gather3A_457] in [0] : vector<16xf32>, vector<16xi32> -> vector<16xf32>
    %scan3A_459 = arith.constant 0 : i32
    %scan3A_460 = arith.constant 256 : i32
    %scan3A_461 = arith.addi %scan3A_459, %scan3A_460 : i32
    %scan3A_462 = arith.constant 1 : i32
    %scan3A_463:10 = scf.for %scan3A_2622 = %scan3A_459 to %scan3A_461 step %scan3A_462 iter_args(%scan3A_2623 = %broadcast_in_dim3A_57, %scan3A_2624 = %broadcast_in_dim3A_57, %scan3A_2625 = %broadcast_in_dim3A_57, %scan3A_2626 = %broadcast_in_dim3A_57, %scan3A_2627 = %broadcast_in_dim3A_57, %scan3A_2628 = %broadcast_in_dim3A_57, %scan3A_2629 = %broadcast_in_dim3A_57, %scan3A_2630 = %broadcast_in_dim3A_57, %scan3A_2631 = %broadcast_in_dim3A_57, %scan3A_2632 = %broadcast_in_dim3A_57) -> (vector<16xf32>, vector<16xf32>, vector<16xf32>, vector<16xf32>, vector<16xf32>, vector<16xf32>, vector<16xf32>, vector<16xf32>, vector<16xf32>, vector<16xf32>)  : i32 {
      %shift_right_logical3A_2633 = arith.constant 2 : i32
      %shift_right_logical3A_2634 = arith.shrui %scan3A_2622, %shift_right_logical3A_2633 : i32
      %and3A_2635 = arith.constant 3 : i32
      %and3A_2636 = arith.andi %scan3A_2622, %and3A_2635 : i32
      %shift_left3A_2637 = arith.constant 4 : i32
      %shift_left3A_2638 = arith.shli %and3A_2636, %shift_left3A_2637 : i32
      %mul3A_2639 = arith.constant 16 : i32
      %mul3A_2640 = arith.muli %scan3A_2622, %mul3A_2639 : i32
      %get3A_2641 = arith.index_cast %mul3A_2640 : i32 to index
      %get3A_2642 = tpu.vector_load %arg9[%get3A_2641] {strides = array<i32>} : memref<4096xf32, #tpu.memory_space<vmem>>, vector<16xf32>,
      %get3A_2643 = vector.shape_cast %get3A_2642 : vector<16xf32> to vector<16xf32>
      %get3A_2644 = arith.index_cast %mul3A_2640 : i32 to index
      %get3A_2645 = tpu.vector_load %arg7[%get3A_2644] {strides = array<i32>} : memref<4096xf32, #tpu.memory_space<vmem>>, vector<16xf32>,
      %get3A_2646 = vector.shape_cast %get3A_2645 : vector<16xf32> to vector<16xf32>
      %get3A_2647 = arith.index_cast %mul3A_2640 : i32 to index
      %get3A_2648 = tpu.vector_load %arg8[%get3A_2647] {strides = array<i32>} : memref<4096xf32, #tpu.memory_space<vmem>>, vector<16xf32>,
      %get3A_2649 = vector.shape_cast %get3A_2648 : vector<16xf32> to vector<16xf32>
      %get3A_2650 = arith.constant 1 : i32
      %get3A_2651 = arith.index_cast %get3A_2650 : i32 to index
      %get3A_2652 = arith.index_cast %shift_right_logical3A_2634 : i32 to index
      %get3A_2653 = arith.index_cast %shift_left3A_2638 : i32 to index
      %get3A_2654 = tpu.vector_load %arg5[%get3A_2651, %get3A_2652, %get3A_2653] {strides = array<i32>} : memref<5x64x64xf32, #tpu.memory_space<vmem>>, vector<1x1x16xf32>,
      %get3A_2655 = vector.shape_cast %get3A_2654 : vector<1x1x16xf32> to vector<16xf32>
      %get3A_2656 = arith.constant 2 : i32
      %get3A_2657 = arith.index_cast %get3A_2656 : i32 to index
      %get3A_2658 = arith.index_cast %shift_right_logical3A_2634 : i32 to index
      %get3A_2659 = arith.index_cast %shift_left3A_2638 : i32 to index
      %get3A_2660 = tpu.vector_load %arg5[%get3A_2657, %get3A_2658, %get3A_2659] {strides = array<i32>} : memref<5x64x64xf32, #tpu.memory_space<vmem>>, vector<1x1x16xf32>,
      %get3A_2661 = vector.shape_cast %get3A_2660 : vector<1x1x16xf32> to vector<16xf32>
      %sub3A_2662 = arith.subf %gather3A_173, %get3A_2655 : vector<16xf32>
      %sub3A_2663 = arith.subf %gather3A_323, %get3A_2661 : vector<16xf32>
      %mul3A_2664 = arith.mulf %sub3A_2662, %sub3A_2662 : vector<16xf32>
      %mul3A_2665 = arith.mulf %get3A_2646, %mul3A_2664 : vector<16xf32>
      %mul3A_2666 = arith.mulf %sub3A_2663, %sub3A_2663 : vector<16xf32>
      %mul3A_2667 = arith.mulf %get3A_2649, %mul3A_2666 : vector<16xf32>
      %add3A_2668 = arith.addf %mul3A_2665, %mul3A_2667 : vector<16xf32>
      %neg3A_2669 = arith.constant 0.000000e+00 : f32
      %neg3A_2670 = vector.broadcast %neg3A_2669 : f32 to vector<16xf32>
      %neg3A_2671 = arith.subf %neg3A_2670, %add3A_2668 : vector<16xf32>
      %exp3A = math.exp %neg3A_2671 : vector<16xf32>
      %mul3A_2672 = arith.mulf %get3A_2643, %exp3A : vector<16xf32>
      %add3A_2673 = arith.addf %scan3A_2623, %mul3A_2672 : vector<16xf32>
      %sub3A_2674 = arith.subf %gather3A_188, %get3A_2655 : vector<16xf32>
      %sub3A_2675 = arith.subf %gather3A_338, %get3A_2661 : vector<16xf32>
      %mul3A_2676 = arith.mulf %sub3A_2674, %sub3A_2674 : vector<16xf32>
      %mul3A_2677 = arith.mulf %get3A_2646, %mul3A_2676 : vector<16xf32>
      %mul3A_2678 = arith.mulf %sub3A_2675, %sub3A_2675 : vector<16xf32>
      %mul3A_2679 = arith.mulf %get3A_2649, %mul3A_2678 : vector<16xf32>
      %add3A_2680 = arith.addf %mul3A_2677, %mul3A_2679 : vector<16xf32>
      %neg3A_2681 = arith.constant 0.000000e+00 : f32
      %neg3A_2682 = vector.broadcast %neg3A_2681 : f32 to vector<16xf32>
      %neg3A_2683 = arith.subf %neg3A_2682, %add3A_2680 : vector<16xf32>
      %exp3A_2684 = math.exp %neg3A_2683 : vector<16xf32>
      %mul3A_2685 = arith.mulf %get3A_2643, %exp3A_2684 : vector<16xf32>
      %add3A_2686 = arith.addf %scan3A_2624, %mul3A_2685 : vector<16xf32>
      %sub3A_2687 = arith.subf %gather3A_203, %get3A_2655 : vector<16xf32>
      %sub3A_2688 = arith.subf %gather3A_353, %get3A_2661 : vector<16xf32>
      %mul3A_2689 = arith.mulf %sub3A_2687, %sub3A_2687 : vector<16xf32>
      %mul3A_2690 = arith.mulf %get3A_2646, %mul3A_2689 : vector<16xf32>
      %mul3A_2691 = arith.mulf %sub3A_2688, %sub3A_2688 : vector<16xf32>
      %mul3A_2692 = arith.mulf %get3A_2649, %mul3A_2691 : vector<16xf32>
      %add3A_2693 = arith.addf %mul3A_2690, %mul3A_2692 : vector<16xf32>
      %neg3A_2694 = arith.constant 0.000000e+00 : f32
      %neg3A_2695 = vector.broadcast %neg3A_2694 : f32 to vector<16xf32>
      %neg3A_2696 = arith.subf %neg3A_2695, %add3A_2693 : vector<16xf32>
      %exp3A_2697 = math.exp %neg3A_2696 : vector<16xf32>
      %mul3A_2698 = arith.mulf %get3A_2643, %exp3A_2697 : vector<16xf32>
      %add3A_2699 = arith.addf %scan3A_2625, %mul3A_2698 : vector<16xf32>
      %sub3A_2700 = arith.subf %gather3A_218, %get3A_2655 : vector<16xf32>
      %sub3A_2701 = arith.subf %gather3A_368, %get3A_2661 : vector<16xf32>
      %mul3A_2702 = arith.mulf %sub3A_2700, %sub3A_2700 : vector<16xf32>
      %mul3A_2703 = arith.mulf %get3A_2646, %mul3A_2702 : vector<16xf32>
      %mul3A_2704 = arith.mulf %sub3A_2701, %sub3A_2701 : vector<16xf32>
      %mul3A_2705 = arith.mulf %get3A_2649, %mul3A_2704 : vector<16xf32>
      %add3A_2706 = arith.addf %mul3A_2703, %mul3A_2705 : vector<16xf32>
      %neg3A_2707 = arith.constant 0.000000e+00 : f32
      %neg3A_2708 = vector.broadcast %neg3A_2707 : f32 to vector<16xf32>
      %neg3A_2709 = arith.subf %neg3A_2708, %add3A_2706 : vector<16xf32>
      %exp3A_2710 = math.exp %neg3A_2709 : vector<16xf32>
      %mul3A_2711 = arith.mulf %get3A_2643, %exp3A_2710 : vector<16xf32>
      %add3A_2712 = arith.addf %scan3A_2626, %mul3A_2711 : vector<16xf32>
      %sub3A_2713 = arith.subf %gather3A_233, %get3A_2655 : vector<16xf32>
      %sub3A_2714 = arith.subf %gather3A_383, %get3A_2661 : vector<16xf32>
      %mul3A_2715 = arith.mulf %sub3A_2713, %sub3A_2713 : vector<16xf32>
      %mul3A_2716 = arith.mulf %get3A_2646, %mul3A_2715 : vector<16xf32>
      %mul3A_2717 = arith.mulf %sub3A_2714, %sub3A_2714 : vector<16xf32>
      %mul3A_2718 = arith.mulf %get3A_2649, %mul3A_2717 : vector<16xf32>
      %add3A_2719 = arith.addf %mul3A_2716, %mul3A_2718 : vector<16xf32>
      %neg3A_2720 = arith.constant 0.000000e+00 : f32
      %neg3A_2721 = vector.broadcast %neg3A_2720 : f32 to vector<16xf32>
      %neg3A_2722 = arith.subf %neg3A_2721, %add3A_2719 : vector<16xf32>
      %exp3A_2723 = math.exp %neg3A_2722 : vector<16xf32>
      %mul3A_2724 = arith.mulf %get3A_2643, %exp3A_2723 : vector<16xf32>
      %add3A_2725 = arith.addf %scan3A_2627, %mul3A_2724 : vector<16xf32>
      %sub3A_2726 = arith.subf %gather3A_248, %get3A_2655 : vector<16xf32>
      %sub3A_2727 = arith.subf %gather3A_398, %get3A_2661 : vector<16xf32>
      %mul3A_2728 = arith.mulf %sub3A_2726, %sub3A_2726 : vector<16xf32>
      %mul3A_2729 = arith.mulf %get3A_2646, %mul3A_2728 : vector<16xf32>
      %mul3A_2730 = arith.mulf %sub3A_2727, %sub3A_2727 : vector<16xf32>
      %mul3A_2731 = arith.mulf %get3A_2649, %mul3A_2730 : vector<16xf32>
      %add3A_2732 = arith.addf %mul3A_2729, %mul3A_2731 : vector<16xf32>
      %neg3A_2733 = arith.constant 0.000000e+00 : f32
      %neg3A_2734 = vector.broadcast %neg3A_2733 : f32 to vector<16xf32>
      %neg3A_2735 = arith.subf %neg3A_2734, %add3A_2732 : vector<16xf32>
      %exp3A_2736 = math.exp %neg3A_2735 : vector<16xf32>
      %mul3A_2737 = arith.mulf %get3A_2643, %exp3A_2736 : vector<16xf32>
      %add3A_2738 = arith.addf %scan3A_2628, %mul3A_2737 : vector<16xf32>
      %sub3A_2739 = arith.subf %gather3A_263, %get3A_2655 : vector<16xf32>
      %sub3A_2740 = arith.subf %gather3A_413, %get3A_2661 : vector<16xf32>
      %mul3A_2741 = arith.mulf %sub3A_2739, %sub3A_2739 : vector<16xf32>
      %mul3A_2742 = arith.mulf %get3A_2646, %mul3A_2741 : vector<16xf32>
      %mul3A_2743 = arith.mulf %sub3A_2740, %sub3A_2740 : vector<16xf32>
      %mul3A_2744 = arith.mulf %get3A_2649, %mul3A_2743 : vector<16xf32>
      %add3A_2745 = arith.addf %mul3A_2742, %mul3A_2744 : vector<16xf32>
      %neg3A_2746 = arith.constant 0.000000e+00 : f32
      %neg3A_2747 = vector.broadcast %neg3A_2746 : f32 to vector<16xf32>
      %neg3A_2748 = arith.subf %neg3A_2747, %add3A_2745 : vector<16xf32>
      %exp3A_2749 = math.exp %neg3A_2748 : vector<16xf32>
      %mul3A_2750 = arith.mulf %get3A_2643, %exp3A_2749 : vector<16xf32>
      %add3A_2751 = arith.addf %scan3A_2629, %mul3A_2750 : vector<16xf32>
      %sub3A_2752 = arith.subf %gather3A_278, %get3A_2655 : vector<16xf32>
      %sub3A_2753 = arith.subf %gather3A_428, %get3A_2661 : vector<16xf32>
      %mul3A_2754 = arith.mulf %sub3A_2752, %sub3A_2752 : vector<16xf32>
      %mul3A_2755 = arith.mulf %get3A_2646, %mul3A_2754 : vector<16xf32>
      %mul3A_2756 = arith.mulf %sub3A_2753, %sub3A_2753 : vector<16xf32>
      %mul3A_2757 = arith.mulf %get3A_2649, %mul3A_2756 : vector<16xf32>
      %add3A_2758 = arith.addf %mul3A_2755, %mul3A_2757 : vector<16xf32>
      %neg3A_2759 = arith.constant 0.000000e+00 : f32
      %neg3A_2760 = vector.broadcast %neg3A_2759 : f32 to vector<16xf32>
      %neg3A_2761 = arith.subf %neg3A_2760, %add3A_2758 : vector<16xf32>
      %exp3A_2762 = math.exp %neg3A_2761 : vector<16xf32>
      %mul3A_2763 = arith.mulf %get3A_2643, %exp3A_2762 : vector<16xf32>
      %add3A_2764 = arith.addf %scan3A_2630, %mul3A_2763 : vector<16xf32>
      %sub3A_2765 = arith.subf %gather3A_293, %get3A_2655 : vector<16xf32>
      %sub3A_2766 = arith.subf %gather3A_443, %get3A_2661 : vector<16xf32>
      %mul3A_2767 = arith.mulf %sub3A_2765, %sub3A_2765 : vector<16xf32>
      %mul3A_2768 = arith.mulf %get3A_2646, %mul3A_2767 : vector<16xf32>
      %mul3A_2769 = arith.mulf %sub3A_2766, %sub3A_2766 : vector<16xf32>
      %mul3A_2770 = arith.mulf %get3A_2649, %mul3A_2769 : vector<16xf32>
      %add3A_2771 = arith.addf %mul3A_2768, %mul3A_2770 : vector<16xf32>
      %neg3A_2772 = arith.constant 0.000000e+00 : f32
      %neg3A_2773 = vector.broadcast %neg3A_2772 : f32 to vector<16xf32>
      %neg3A_2774 = arith.subf %neg3A_2773, %add3A_2771 : vector<16xf32>
      %exp3A_2775 = math.exp %neg3A_2774 : vector<16xf32>
      %mul3A_2776 = arith.mulf %get3A_2643, %exp3A_2775 : vector<16xf32>
      %add3A_2777 = arith.addf %scan3A_2631, %mul3A_2776 : vector<16xf32>
      %sub3A_2778 = arith.subf %gather3A_308, %get3A_2655 : vector<16xf32>
      %sub3A_2779 = arith.subf %gather3A_458, %get3A_2661 : vector<16xf32>
      %mul3A_2780 = arith.mulf %sub3A_2778, %sub3A_2778 : vector<16xf32>
      %mul3A_2781 = arith.mulf %get3A_2646, %mul3A_2780 : vector<16xf32>
      %mul3A_2782 = arith.mulf %sub3A_2779, %sub3A_2779 : vector<16xf32>
      %mul3A_2783 = arith.mulf %get3A_2649, %mul3A_2782 : vector<16xf32>
      %add3A_2784 = arith.addf %mul3A_2781, %mul3A_2783 : vector<16xf32>
      %neg3A_2785 = arith.constant 0.000000e+00 : f32
      %neg3A_2786 = vector.broadcast %neg3A_2785 : f32 to vector<16xf32>
      %neg3A_2787 = arith.subf %neg3A_2786, %add3A_2784 : vector<16xf32>
      %exp3A_2788 = math.exp %neg3A_2787 : vector<16xf32>
      %mul3A_2789 = arith.mulf %get3A_2643, %exp3A_2788 : vector<16xf32>
      %add3A_2790 = arith.addf %scan3A_2632, %mul3A_2789 : vector<16xf32>
      scf.yield %add3A_2673, %add3A_2686, %add3A_2699, %add3A_2712, %add3A_2725, %add3A_2738, %add3A_2751, %add3A_2764, %add3A_2777, %add3A_2790 : vector<16xf32>, vector<16xf32>, vector<16xf32>, vector<16xf32>, vector<16xf32>, vector<16xf32>, vector<16xf32>, vector<16xf32>, vector<16xf32>, vector<16xf32>
    }
    %scan3A_464 = arith.constant 256 : i32
    %iota3A_465 = tpu.iota {dimensions = array<i32: 0>} : vector<16xi32>
    %xor3A_466 = arith.constant 1 : i32
    %xor3A_467 = vector.broadcast %xor3A_466 : i32 to vector<16xi32>
    %xor3A_468 = arith.xori %iota3A_465, %xor3A_467 : vector<16xi32>
    %broadcast_in_dim3A_469 = vector.shape_cast %xor3A_468 : vector<16xi32> to vector<16x1xi32>
    %gather3A_470 = vector.shape_cast %broadcast_in_dim3A_469 : vector<16x1xi32> to vector<16xi32>
    %gather3A_471 = tpu.dynamic_gather %scan3A_463#0[%gather3A_470] in [0] : vector<16xf32>, vector<16xi32> -> vector<16xf32>
    %add3A_472 = arith.addf %scan3A_463#0, %gather3A_471 : vector<16xf32>
    %xor3A_473 = arith.constant 2 : i32
    %xor3A_474 = vector.broadcast %xor3A_473 : i32 to vector<16xi32>
    %xor3A_475 = arith.xori %iota3A_465, %xor3A_474 : vector<16xi32>
    %broadcast_in_dim3A_476 = vector.shape_cast %xor3A_475 : vector<16xi32> to vector<16x1xi32>
    %gather3A_477 = vector.shape_cast %broadcast_in_dim3A_476 : vector<16x1xi32> to vector<16xi32>
    %gather3A_478 = tpu.dynamic_gather %add3A_472[%gather3A_477] in [0] : vector<16xf32>, vector<16xi32> -> vector<16xf32>
    %add3A_479 = arith.addf %add3A_472, %gather3A_478 : vector<16xf32>
    %xor3A_480 = arith.constant 4 : i32
    %xor3A_481 = vector.broadcast %xor3A_480 : i32 to vector<16xi32>
    %xor3A_482 = arith.xori %iota3A_465, %xor3A_481 : vector<16xi32>
    %broadcast_in_dim3A_483 = vector.shape_cast %xor3A_482 : vector<16xi32> to vector<16x1xi32>
    %gather3A_484 = vector.shape_cast %broadcast_in_dim3A_483 : vector<16x1xi32> to vector<16xi32>
    %gather3A_485 = tpu.dynamic_gather %add3A_479[%gather3A_484] in [0] : vector<16xf32>, vector<16xi32> -> vector<16xf32>
    %add3A_486 = arith.addf %add3A_479, %gather3A_485 : vector<16xf32>
    %xor3A_487 = arith.constant 8 : i32
    %xor3A_488 = vector.broadcast %xor3A_487 : i32 to vector<16xi32>
    %xor3A_489 = arith.xori %iota3A_465, %xor3A_488 : vector<16xi32>
    %broadcast_in_dim3A_490 = vector.shape_cast %xor3A_489 : vector<16xi32> to vector<16x1xi32>
    %gather3A_491 = vector.shape_cast %broadcast_in_dim3A_490 : vector<16x1xi32> to vector<16xi32>
    %gather3A_492 = tpu.dynamic_gather %add3A_486[%gather3A_491] in [0] : vector<16xf32>, vector<16xi32> -> vector<16xf32>
    %add3A_493 = arith.addf %add3A_486, %gather3A_492 : vector<16xf32>
    %max3A = arith.constant 9.99999991E-38 : f32
    %max3A_494 = vector.broadcast %max3A : f32 to vector<16xf32>
    %max3A_495 = arith.maximumf %add3A_493, %max3A_494 : vector<16xf32>
    %bitcast_convert_type3A_496 = tpu.bitcast %max3A_495 : vector<16xf32> -> vector<16xi32>
    %shift_right_arithmetic3A_497 = arith.constant 23 : i32
    %shift_right_arithmetic3A_498 = vector.broadcast %shift_right_arithmetic3A_497 : i32 to vector<16xi32>
    %shift_right_arithmetic3A_499 = arith.shrsi %bitcast_convert_type3A_496, %shift_right_arithmetic3A_498 : vector<16xi32>
    %sub3A_500 = arith.constant 127 : i32
    %sub3A_501 = vector.broadcast %sub3A_500 : i32 to vector<16xi32>
    %sub3A_502 = arith.subi %shift_right_arithmetic3A_499, %sub3A_501 : vector<16xi32>
    %and3A_503 = arith.constant 8388607 : i32
    %and3A_504 = vector.broadcast %and3A_503 : i32 to vector<16xi32>
    %and3A_505 = arith.andi %bitcast_convert_type3A_496, %and3A_504 : vector<16xi32>
    %or3A_506 = arith.constant 1065353216 : i32
    %or3A_507 = vector.broadcast %or3A_506 : i32 to vector<16xi32>
    %or3A_508 = arith.ori %and3A_505, %or3A_507 : vector<16xi32>
    %bitcast_convert_type3A_509 = tpu.bitcast %or3A_508 : vector<16xi32> -> vector<16xf32>
    %gt3A_510 = arith.constant 1.41421354 : f32
    %gt3A_511 = vector.broadcast %gt3A_510 : f32 to vector<16xf32>
    %gt3A_512 = arith.cmpf ogt, %bitcast_convert_type3A_509, %gt3A_511 : vector<16xf32>
    %mul3A_513 = arith.constant 5.000000e-01 : f32
    %mul3A_514 = vector.broadcast %mul3A_513 : f32 to vector<16xf32>
    %mul3A_515 = arith.mulf %bitcast_convert_type3A_509, %mul3A_514 : vector<16xf32>
    %select_n3A_516 = arith.select %gt3A_512, %mul3A_515, %bitcast_convert_type3A_509 : vector<16xi1>, vector<16xf32>
    %add3A_517 = arith.constant 1 : i32
    %add3A_518 = vector.broadcast %add3A_517 : i32 to vector<16xi32>
    %add3A_519 = arith.addi %sub3A_502, %add3A_518 : vector<16xi32>
    %select_n3A_520 = arith.select %gt3A_512, %add3A_519, %sub3A_502 : vector<16xi1>, vector<16xi32>
    %convert_element_type3A_521 = arith.sitofp %select_n3A_520 : vector<16xi32> to vector<16xf32>
    %sub3A_522 = arith.constant 1.000000e+00 : f32
    %sub3A_523 = vector.broadcast %sub3A_522 : f32 to vector<16xf32>
    %sub3A_524 = arith.subf %select_n3A_516, %sub3A_523 : vector<16xf32>
    %add3A_525 = arith.constant 1.000000e+00 : f32
    %add3A_526 = vector.broadcast %add3A_525 : f32 to vector<16xf32>
    %add3A_527 = arith.addf %select_n3A_516, %add3A_526 : vector<16xf32>
    %div3A_528 = arith.divf %sub3A_524, %add3A_527 : vector<16xf32>
    %mul3A_529 = arith.mulf %div3A_528, %div3A_528 : vector<16xf32>
    %mul3A_530 = arith.constant 0.222222224 : f32
    %mul3A_531 = vector.broadcast %mul3A_530 : f32 to vector<16xf32>
    %mul3A_532 = arith.mulf %mul3A_529, %mul3A_531 : vector<16xf32>
    %add3A_533 = arith.constant 0.285714298 : f32
    %add3A_534 = vector.broadcast %add3A_533 : f32 to vector<16xf32>
    %add3A_535 = arith.addf %add3A_534, %mul3A_532 : vector<16xf32>
    %mul3A_536 = arith.mulf %mul3A_529, %add3A_535 : vector<16xf32>
    %add3A_537 = arith.constant 4.000000e-01 : f32
    %add3A_538 = vector.broadcast %add3A_537 : f32 to vector<16xf32>
    %add3A_539 = arith.addf %add3A_538, %mul3A_536 : vector<16xf32>
    %mul3A_540 = arith.mulf %mul3A_529, %add3A_539 : vector<16xf32>
    %add3A_541 = arith.constant 0.666666686 : f32
    %add3A_542 = vector.broadcast %add3A_541 : f32 to vector<16xf32>
    %add3A_543 = arith.addf %add3A_542, %mul3A_540 : vector<16xf32>
    %mul3A_544 = arith.mulf %mul3A_529, %add3A_543 : vector<16xf32>
    %add3A_545 = arith.constant 2.000000e+00 : f32
    %add3A_546 = vector.broadcast %add3A_545 : f32 to vector<16xf32>
    %add3A_547 = arith.addf %add3A_546, %mul3A_544 : vector<16xf32>
    %mul3A_548 = arith.constant 0.693147182 : f32
    %mul3A_549 = vector.broadcast %mul3A_548 : f32 to vector<16xf32>
    %mul3A_550 = arith.mulf %convert_element_type3A_521, %mul3A_549 : vector<16xf32>
    %mul3A_551 = arith.mulf %div3A_528, %add3A_547 : vector<16xf32>
    %add3A_552 = arith.addf %mul3A_550, %mul3A_551 : vector<16xf32>
    %lt3A_553 = arith.cmpi slt, %add3A_143, %select_n3A_56 : i32
    %jit3A_554 = arith.constant 1.000000e+00 : f32
    %jit3A_555 = arith.constant 0.000000e+00 : f32
    %select_n3A_556 = arith.select %lt3A_553, %jit3A_554, %jit3A_555 : f32
    %shift_right_logical3A_557 = arith.constant 4 : i32
    %shift_right_logical3A_558 = arith.shrui %add3A_143, %shift_right_logical3A_557 : i32
    %and3A_559 = arith.constant 15 : i32
    %and3A_560 = arith.andi %add3A_143, %and3A_559 : i32
    %shift_left3A_561 = arith.constant 4 : i32
    %shift_left3A_562 = arith.shli %shift_right_logical3A_558, %shift_left3A_561 : i32
    %get3A_563 = arith.constant 0 : i32
    %get3A_564 = arith.index_cast %get3A_563 : i32 to index
    %get3A_565 = arith.index_cast %shift_left3A_562 : i32 to index
    %get3A_566 = tpu.vector_load %arg6[%get3A_564, %get3A_565] {strides = array<i32>} : memref<3x128xf32, #tpu.memory_space<vmem>>, vector<1x16xf32>,
    %get3A_567 = vector.shape_cast %get3A_566 : vector<1x16xf32> to vector<16xf32>
    %broadcast_in_dim3A_568 = vector.broadcast %and3A_560 : i32 to vector<16xi32>
    %broadcast_in_dim3A_569 = vector.shape_cast %broadcast_in_dim3A_568 : vector<16xi32> to vector<16x1xi32>
    %gather3A_570 = vector.shape_cast %broadcast_in_dim3A_569 : vector<16x1xi32> to vector<16xi32>
    %gather3A_571 = tpu.dynamic_gather %get3A_567[%gather3A_570] in [0] : vector<16xf32>, vector<16xi32> -> vector<16xf32>
    %broadcast_in_dim3A_572 = vector.broadcast %select_n3A_556 : f32 to vector<16xf32>
    %mul3A_573 = arith.mulf %gather3A_571, %broadcast_in_dim3A_572 : vector<16xf32>
    %mul3A_574 = arith.mulf %mul3A_573, %add3A_552 : vector<16xf32>
    %add3A_575 = arith.addf %broadcast_in_dim3A_57, %mul3A_574 : vector<16xf32>
    %add3A_576 = arith.addf %broadcast_in_dim3A_57, %mul3A_573 : vector<16xf32>
    %iota3A_577 = tpu.iota {dimensions = array<i32: 0>} : vector<16xi32>
    %xor3A_578 = arith.constant 1 : i32
    %xor3A_579 = vector.broadcast %xor3A_578 : i32 to vector<16xi32>
    %xor3A_580 = arith.xori %iota3A_577, %xor3A_579 : vector<16xi32>
    %broadcast_in_dim3A_581 = vector.shape_cast %xor3A_580 : vector<16xi32> to vector<16x1xi32>
    %gather3A_582 = vector.shape_cast %broadcast_in_dim3A_581 : vector<16x1xi32> to vector<16xi32>
    %gather3A_583 = tpu.dynamic_gather %scan3A_463#1[%gather3A_582] in [0] : vector<16xf32>, vector<16xi32> -> vector<16xf32>
    %add3A_584 = arith.addf %scan3A_463#1, %gather3A_583 : vector<16xf32>
    %xor3A_585 = arith.constant 2 : i32
    %xor3A_586 = vector.broadcast %xor3A_585 : i32 to vector<16xi32>
    %xor3A_587 = arith.xori %iota3A_577, %xor3A_586 : vector<16xi32>
    %broadcast_in_dim3A_588 = vector.shape_cast %xor3A_587 : vector<16xi32> to vector<16x1xi32>
    %gather3A_589 = vector.shape_cast %broadcast_in_dim3A_588 : vector<16x1xi32> to vector<16xi32>
    %gather3A_590 = tpu.dynamic_gather %add3A_584[%gather3A_589] in [0] : vector<16xf32>, vector<16xi32> -> vector<16xf32>
    %add3A_591 = arith.addf %add3A_584, %gather3A_590 : vector<16xf32>
    %xor3A_592 = arith.constant 4 : i32
    %xor3A_593 = vector.broadcast %xor3A_592 : i32 to vector<16xi32>
    %xor3A_594 = arith.xori %iota3A_577, %xor3A_593 : vector<16xi32>
    %broadcast_in_dim3A_595 = vector.shape_cast %xor3A_594 : vector<16xi32> to vector<16x1xi32>
    %gather3A_596 = vector.shape_cast %broadcast_in_dim3A_595 : vector<16x1xi32> to vector<16xi32>
    %gather3A_597 = tpu.dynamic_gather %add3A_591[%gather3A_596] in [0] : vector<16xf32>, vector<16xi32> -> vector<16xf32>
    %add3A_598 = arith.addf %add3A_591, %gather3A_597 : vector<16xf32>
    %xor3A_599 = arith.constant 8 : i32
    %xor3A_600 = vector.broadcast %xor3A_599 : i32 to vector<16xi32>
    %xor3A_601 = arith.xori %iota3A_577, %xor3A_600 : vector<16xi32>
    %broadcast_in_dim3A_602 = vector.shape_cast %xor3A_601 : vector<16xi32> to vector<16x1xi32>
    %gather3A_603 = vector.shape_cast %broadcast_in_dim3A_602 : vector<16x1xi32> to vector<16xi32>
    %gather3A_604 = tpu.dynamic_gather %add3A_598[%gather3A_603] in [0] : vector<16xf32>, vector<16xi32> -> vector<16xf32>
    %add3A_605 = arith.addf %add3A_598, %gather3A_604 : vector<16xf32>
    %max3A_606 = arith.constant 9.99999991E-38 : f32
    %max3A_607 = vector.broadcast %max3A_606 : f32 to vector<16xf32>
    %max3A_608 = arith.maximumf %add3A_605, %max3A_607 : vector<16xf32>
    %bitcast_convert_type3A_609 = tpu.bitcast %max3A_608 : vector<16xf32> -> vector<16xi32>
    %shift_right_arithmetic3A_610 = arith.constant 23 : i32
    %shift_right_arithmetic3A_611 = vector.broadcast %shift_right_arithmetic3A_610 : i32 to vector<16xi32>
    %shift_right_arithmetic3A_612 = arith.shrsi %bitcast_convert_type3A_609, %shift_right_arithmetic3A_611 : vector<16xi32>
    %sub3A_613 = arith.constant 127 : i32
    %sub3A_614 = vector.broadcast %sub3A_613 : i32 to vector<16xi32>
    %sub3A_615 = arith.subi %shift_right_arithmetic3A_612, %sub3A_614 : vector<16xi32>
    %and3A_616 = arith.constant 8388607 : i32
    %and3A_617 = vector.broadcast %and3A_616 : i32 to vector<16xi32>
    %and3A_618 = arith.andi %bitcast_convert_type3A_609, %and3A_617 : vector<16xi32>
    %or3A_619 = arith.constant 1065353216 : i32
    %or3A_620 = vector.broadcast %or3A_619 : i32 to vector<16xi32>
    %or3A_621 = arith.ori %and3A_618, %or3A_620 : vector<16xi32>
    %bitcast_convert_type3A_622 = tpu.bitcast %or3A_621 : vector<16xi32> -> vector<16xf32>
    %gt3A_623 = arith.constant 1.41421354 : f32
    %gt3A_624 = vector.broadcast %gt3A_623 : f32 to vector<16xf32>
    %gt3A_625 = arith.cmpf ogt, %bitcast_convert_type3A_622, %gt3A_624 : vector<16xf32>
    %mul3A_626 = arith.constant 5.000000e-01 : f32
    %mul3A_627 = vector.broadcast %mul3A_626 : f32 to vector<16xf32>
    %mul3A_628 = arith.mulf %bitcast_convert_type3A_622, %mul3A_627 : vector<16xf32>
    %select_n3A_629 = arith.select %gt3A_625, %mul3A_628, %bitcast_convert_type3A_622 : vector<16xi1>, vector<16xf32>
    %add3A_630 = arith.constant 1 : i32
    %add3A_631 = vector.broadcast %add3A_630 : i32 to vector<16xi32>
    %add3A_632 = arith.addi %sub3A_615, %add3A_631 : vector<16xi32>
    %select_n3A_633 = arith.select %gt3A_625, %add3A_632, %sub3A_615 : vector<16xi1>, vector<16xi32>
    %convert_element_type3A_634 = arith.sitofp %select_n3A_633 : vector<16xi32> to vector<16xf32>
    %sub3A_635 = arith.constant 1.000000e+00 : f32
    %sub3A_636 = vector.broadcast %sub3A_635 : f32 to vector<16xf32>
    %sub3A_637 = arith.subf %select_n3A_629, %sub3A_636 : vector<16xf32>
    %add3A_638 = arith.constant 1.000000e+00 : f32
    %add3A_639 = vector.broadcast %add3A_638 : f32 to vector<16xf32>
    %add3A_640 = arith.addf %select_n3A_629, %add3A_639 : vector<16xf32>
    %div3A_641 = arith.divf %sub3A_637, %add3A_640 : vector<16xf32>
    %mul3A_642 = arith.mulf %div3A_641, %div3A_641 : vector<16xf32>
    %mul3A_643 = arith.constant 0.222222224 : f32
    %mul3A_644 = vector.broadcast %mul3A_643 : f32 to vector<16xf32>
    %mul3A_645 = arith.mulf %mul3A_642, %mul3A_644 : vector<16xf32>
    %add3A_646 = arith.constant 0.285714298 : f32
    %add3A_647 = vector.broadcast %add3A_646 : f32 to vector<16xf32>
    %add3A_648 = arith.addf %add3A_647, %mul3A_645 : vector<16xf32>
    %mul3A_649 = arith.mulf %mul3A_642, %add3A_648 : vector<16xf32>
    %add3A_650 = arith.constant 4.000000e-01 : f32
    %add3A_651 = vector.broadcast %add3A_650 : f32 to vector<16xf32>
    %add3A_652 = arith.addf %add3A_651, %mul3A_649 : vector<16xf32>
    %mul3A_653 = arith.mulf %mul3A_642, %add3A_652 : vector<16xf32>
    %add3A_654 = arith.constant 0.666666686 : f32
    %add3A_655 = vector.broadcast %add3A_654 : f32 to vector<16xf32>
    %add3A_656 = arith.addf %add3A_655, %mul3A_653 : vector<16xf32>
    %mul3A_657 = arith.mulf %mul3A_642, %add3A_656 : vector<16xf32>
    %add3A_658 = arith.constant 2.000000e+00 : f32
    %add3A_659 = vector.broadcast %add3A_658 : f32 to vector<16xf32>
    %add3A_660 = arith.addf %add3A_659, %mul3A_657 : vector<16xf32>
    %mul3A_661 = arith.constant 0.693147182 : f32
    %mul3A_662 = vector.broadcast %mul3A_661 : f32 to vector<16xf32>
    %mul3A_663 = arith.mulf %convert_element_type3A_634, %mul3A_662 : vector<16xf32>
    %mul3A_664 = arith.mulf %div3A_641, %add3A_660 : vector<16xf32>
    %add3A_665 = arith.addf %mul3A_663, %mul3A_664 : vector<16xf32>
    %lt3A_666 = arith.cmpi slt, %add3A_145, %select_n3A_56 : i32
    %jit3A_667 = arith.constant 1.000000e+00 : f32
    %jit3A_668 = arith.constant 0.000000e+00 : f32
    %select_n3A_669 = arith.select %lt3A_666, %jit3A_667, %jit3A_668 : f32
    %shift_right_logical3A_670 = arith.constant 4 : i32
    %shift_right_logical3A_671 = arith.shrui %add3A_145, %shift_right_logical3A_670 : i32
    %and3A_672 = arith.constant 15 : i32
    %and3A_673 = arith.andi %add3A_145, %and3A_672 : i32
    %shift_left3A_674 = arith.constant 4 : i32
    %shift_left3A_675 = arith.shli %shift_right_logical3A_671, %shift_left3A_674 : i32
    %get3A_676 = arith.constant 0 : i32
    %get3A_677 = arith.index_cast %get3A_676 : i32 to index
    %get3A_678 = arith.index_cast %shift_left3A_675 : i32 to index
    %get3A_679 = tpu.vector_load %arg6[%get3A_677, %get3A_678] {strides = array<i32>} : memref<3x128xf32, #tpu.memory_space<vmem>>, vector<1x16xf32>,
    %get3A_680 = vector.shape_cast %get3A_679 : vector<1x16xf32> to vector<16xf32>
    %broadcast_in_dim3A_681 = vector.broadcast %and3A_673 : i32 to vector<16xi32>
    %broadcast_in_dim3A_682 = vector.shape_cast %broadcast_in_dim3A_681 : vector<16xi32> to vector<16x1xi32>
    %gather3A_683 = vector.shape_cast %broadcast_in_dim3A_682 : vector<16x1xi32> to vector<16xi32>
    %gather3A_684 = tpu.dynamic_gather %get3A_680[%gather3A_683] in [0] : vector<16xf32>, vector<16xi32> -> vector<16xf32>
    %broadcast_in_dim3A_685 = vector.broadcast %select_n3A_669 : f32 to vector<16xf32>
    %mul3A_686 = arith.mulf %gather3A_684, %broadcast_in_dim3A_685 : vector<16xf32>
    %mul3A_687 = arith.mulf %mul3A_686, %add3A_665 : vector<16xf32>
    %add3A_688 = arith.addf %add3A_575, %mul3A_687 : vector<16xf32>
    %add3A_689 = arith.addf %add3A_576, %mul3A_686 : vector<16xf32>
    %iota3A_690 = tpu.iota {dimensions = array<i32: 0>} : vector<16xi32>
    %xor3A_691 = arith.constant 1 : i32
    %xor3A_692 = vector.broadcast %xor3A_691 : i32 to vector<16xi32>
    %xor3A_693 = arith.xori %iota3A_690, %xor3A_692 : vector<16xi32>
    %broadcast_in_dim3A_694 = vector.shape_cast %xor3A_693 : vector<16xi32> to vector<16x1xi32>
    %gather3A_695 = vector.shape_cast %broadcast_in_dim3A_694 : vector<16x1xi32> to vector<16xi32>
    %gather3A_696 = tpu.dynamic_gather %scan3A_463#2[%gather3A_695] in [0] : vector<16xf32>, vector<16xi32> -> vector<16xf32>
    %add3A_697 = arith.addf %scan3A_463#2, %gather3A_696 : vector<16xf32>
    %xor3A_698 = arith.constant 2 : i32
    %xor3A_699 = vector.broadcast %xor3A_698 : i32 to vector<16xi32>
    %xor3A_700 = arith.xori %iota3A_690, %xor3A_699 : vector<16xi32>
    %broadcast_in_dim3A_701 = vector.shape_cast %xor3A_700 : vector<16xi32> to vector<16x1xi32>
    %gather3A_702 = vector.shape_cast %broadcast_in_dim3A_701 : vector<16x1xi32> to vector<16xi32>
    %gather3A_703 = tpu.dynamic_gather %add3A_697[%gather3A_702] in [0] : vector<16xf32>, vector<16xi32> -> vector<16xf32>
    %add3A_704 = arith.addf %add3A_697, %gather3A_703 : vector<16xf32>
    %xor3A_705 = arith.constant 4 : i32
    %xor3A_706 = vector.broadcast %xor3A_705 : i32 to vector<16xi32>
    %xor3A_707 = arith.xori %iota3A_690, %xor3A_706 : vector<16xi32>
    %broadcast_in_dim3A_708 = vector.shape_cast %xor3A_707 : vector<16xi32> to vector<16x1xi32>
    %gather3A_709 = vector.shape_cast %broadcast_in_dim3A_708 : vector<16x1xi32> to vector<16xi32>
    %gather3A_710 = tpu.dynamic_gather %add3A_704[%gather3A_709] in [0] : vector<16xf32>, vector<16xi32> -> vector<16xf32>
    %add3A_711 = arith.addf %add3A_704, %gather3A_710 : vector<16xf32>
    %xor3A_712 = arith.constant 8 : i32
    %xor3A_713 = vector.broadcast %xor3A_712 : i32 to vector<16xi32>
    %xor3A_714 = arith.xori %iota3A_690, %xor3A_713 : vector<16xi32>
    %broadcast_in_dim3A_715 = vector.shape_cast %xor3A_714 : vector<16xi32> to vector<16x1xi32>
    %gather3A_716 = vector.shape_cast %broadcast_in_dim3A_715 : vector<16x1xi32> to vector<16xi32>
    %gather3A_717 = tpu.dynamic_gather %add3A_711[%gather3A_716] in [0] : vector<16xf32>, vector<16xi32> -> vector<16xf32>
    %add3A_718 = arith.addf %add3A_711, %gather3A_717 : vector<16xf32>
    %max3A_719 = arith.constant 9.99999991E-38 : f32
    %max3A_720 = vector.broadcast %max3A_719 : f32 to vector<16xf32>
    %max3A_721 = arith.maximumf %add3A_718, %max3A_720 : vector<16xf32>
    %bitcast_convert_type3A_722 = tpu.bitcast %max3A_721 : vector<16xf32> -> vector<16xi32>
    %shift_right_arithmetic3A_723 = arith.constant 23 : i32
    %shift_right_arithmetic3A_724 = vector.broadcast %shift_right_arithmetic3A_723 : i32 to vector<16xi32>
    %shift_right_arithmetic3A_725 = arith.shrsi %bitcast_convert_type3A_722, %shift_right_arithmetic3A_724 : vector<16xi32>
    %sub3A_726 = arith.constant 127 : i32
    %sub3A_727 = vector.broadcast %sub3A_726 : i32 to vector<16xi32>
    %sub3A_728 = arith.subi %shift_right_arithmetic3A_725, %sub3A_727 : vector<16xi32>
    %and3A_729 = arith.constant 8388607 : i32
    %and3A_730 = vector.broadcast %and3A_729 : i32 to vector<16xi32>
    %and3A_731 = arith.andi %bitcast_convert_type3A_722, %and3A_730 : vector<16xi32>
    %or3A_732 = arith.constant 1065353216 : i32
    %or3A_733 = vector.broadcast %or3A_732 : i32 to vector<16xi32>
    %or3A_734 = arith.ori %and3A_731, %or3A_733 : vector<16xi32>
    %bitcast_convert_type3A_735 = tpu.bitcast %or3A_734 : vector<16xi32> -> vector<16xf32>
    %gt3A_736 = arith.constant 1.41421354 : f32
    %gt3A_737 = vector.broadcast %gt3A_736 : f32 to vector<16xf32>
    %gt3A_738 = arith.cmpf ogt, %bitcast_convert_type3A_735, %gt3A_737 : vector<16xf32>
    %mul3A_739 = arith.constant 5.000000e-01 : f32
    %mul3A_740 = vector.broadcast %mul3A_739 : f32 to vector<16xf32>
    %mul3A_741 = arith.mulf %bitcast_convert_type3A_735, %mul3A_740 : vector<16xf32>
    %select_n3A_742 = arith.select %gt3A_738, %mul3A_741, %bitcast_convert_type3A_735 : vector<16xi1>, vector<16xf32>
    %add3A_743 = arith.constant 1 : i32
    %add3A_744 = vector.broadcast %add3A_743 : i32 to vector<16xi32>
    %add3A_745 = arith.addi %sub3A_728, %add3A_744 : vector<16xi32>
    %select_n3A_746 = arith.select %gt3A_738, %add3A_745, %sub3A_728 : vector<16xi1>, vector<16xi32>
    %convert_element_type3A_747 = arith.sitofp %select_n3A_746 : vector<16xi32> to vector<16xf32>
    %sub3A_748 = arith.constant 1.000000e+00 : f32
    %sub3A_749 = vector.broadcast %sub3A_748 : f32 to vector<16xf32>
    %sub3A_750 = arith.subf %select_n3A_742, %sub3A_749 : vector<16xf32>
    %add3A_751 = arith.constant 1.000000e+00 : f32
    %add3A_752 = vector.broadcast %add3A_751 : f32 to vector<16xf32>
    %add3A_753 = arith.addf %select_n3A_742, %add3A_752 : vector<16xf32>
    %div3A_754 = arith.divf %sub3A_750, %add3A_753 : vector<16xf32>
    %mul3A_755 = arith.mulf %div3A_754, %div3A_754 : vector<16xf32>
    %mul3A_756 = arith.constant 0.222222224 : f32
    %mul3A_757 = vector.broadcast %mul3A_756 : f32 to vector<16xf32>
    %mul3A_758 = arith.mulf %mul3A_755, %mul3A_757 : vector<16xf32>
    %add3A_759 = arith.constant 0.285714298 : f32
    %add3A_760 = vector.broadcast %add3A_759 : f32 to vector<16xf32>
    %add3A_761 = arith.addf %add3A_760, %mul3A_758 : vector<16xf32>
    %mul3A_762 = arith.mulf %mul3A_755, %add3A_761 : vector<16xf32>
    %add3A_763 = arith.constant 4.000000e-01 : f32
    %add3A_764 = vector.broadcast %add3A_763 : f32 to vector<16xf32>
    %add3A_765 = arith.addf %add3A_764, %mul3A_762 : vector<16xf32>
    %mul3A_766 = arith.mulf %mul3A_755, %add3A_765 : vector<16xf32>
    %add3A_767 = arith.constant 0.666666686 : f32
    %add3A_768 = vector.broadcast %add3A_767 : f32 to vector<16xf32>
    %add3A_769 = arith.addf %add3A_768, %mul3A_766 : vector<16xf32>
    %mul3A_770 = arith.mulf %mul3A_755, %add3A_769 : vector<16xf32>
    %add3A_771 = arith.constant 2.000000e+00 : f32
    %add3A_772 = vector.broadcast %add3A_771 : f32 to vector<16xf32>
    %add3A_773 = arith.addf %add3A_772, %mul3A_770 : vector<16xf32>
    %mul3A_774 = arith.constant 0.693147182 : f32
    %mul3A_775 = vector.broadcast %mul3A_774 : f32 to vector<16xf32>
    %mul3A_776 = arith.mulf %convert_element_type3A_747, %mul3A_775 : vector<16xf32>
    %mul3A_777 = arith.mulf %div3A_754, %add3A_773 : vector<16xf32>
    %add3A_778 = arith.addf %mul3A_776, %mul3A_777 : vector<16xf32>
    %lt3A_779 = arith.cmpi slt, %add3A_147, %select_n3A_56 : i32
    %jit3A_780 = arith.constant 1.000000e+00 : f32
    %jit3A_781 = arith.constant 0.000000e+00 : f32
    %select_n3A_782 = arith.select %lt3A_779, %jit3A_780, %jit3A_781 : f32
    %shift_right_logical3A_783 = arith.constant 4 : i32
    %shift_right_logical3A_784 = arith.shrui %add3A_147, %shift_right_logical3A_783 : i32
    %and3A_785 = arith.constant 15 : i32
    %and3A_786 = arith.andi %add3A_147, %and3A_785 : i32
    %shift_left3A_787 = arith.constant 4 : i32
    %shift_left3A_788 = arith.shli %shift_right_logical3A_784, %shift_left3A_787 : i32
    %get3A_789 = arith.constant 0 : i32
    %get3A_790 = arith.index_cast %get3A_789 : i32 to index
    %get3A_791 = arith.index_cast %shift_left3A_788 : i32 to index
    %get3A_792 = tpu.vector_load %arg6[%get3A_790, %get3A_791] {strides = array<i32>} : memref<3x128xf32, #tpu.memory_space<vmem>>, vector<1x16xf32>,
    %get3A_793 = vector.shape_cast %get3A_792 : vector<1x16xf32> to vector<16xf32>
    %broadcast_in_dim3A_794 = vector.broadcast %and3A_786 : i32 to vector<16xi32>
    %broadcast_in_dim3A_795 = vector.shape_cast %broadcast_in_dim3A_794 : vector<16xi32> to vector<16x1xi32>
    %gather3A_796 = vector.shape_cast %broadcast_in_dim3A_795 : vector<16x1xi32> to vector<16xi32>
    %gather3A_797 = tpu.dynamic_gather %get3A_793[%gather3A_796] in [0] : vector<16xf32>, vector<16xi32> -> vector<16xf32>
    %broadcast_in_dim3A_798 = vector.broadcast %select_n3A_782 : f32 to vector<16xf32>
    %mul3A_799 = arith.mulf %gather3A_797, %broadcast_in_dim3A_798 : vector<16xf32>
    %mul3A_800 = arith.mulf %mul3A_799, %add3A_778 : vector<16xf32>
    %add3A_801 = arith.addf %add3A_688, %mul3A_800 : vector<16xf32>
    %add3A_802 = arith.addf %add3A_689, %mul3A_799 : vector<16xf32>
    %iota3A_803 = tpu.iota {dimensions = array<i32: 0>} : vector<16xi32>
    %xor3A_804 = arith.constant 1 : i32
    %xor3A_805 = vector.broadcast %xor3A_804 : i32 to vector<16xi32>
    %xor3A_806 = arith.xori %iota3A_803, %xor3A_805 : vector<16xi32>
    %broadcast_in_dim3A_807 = vector.shape_cast %xor3A_806 : vector<16xi32> to vector<16x1xi32>
    %gather3A_808 = vector.shape_cast %broadcast_in_dim3A_807 : vector<16x1xi32> to vector<16xi32>
    %gather3A_809 = tpu.dynamic_gather %scan3A_463#3[%gather3A_808] in [0] : vector<16xf32>, vector<16xi32> -> vector<16xf32>
    %add3A_810 = arith.addf %scan3A_463#3, %gather3A_809 : vector<16xf32>
    %xor3A_811 = arith.constant 2 : i32
    %xor3A_812 = vector.broadcast %xor3A_811 : i32 to vector<16xi32>
    %xor3A_813 = arith.xori %iota3A_803, %xor3A_812 : vector<16xi32>
    %broadcast_in_dim3A_814 = vector.shape_cast %xor3A_813 : vector<16xi32> to vector<16x1xi32>
    %gather3A_815 = vector.shape_cast %broadcast_in_dim3A_814 : vector<16x1xi32> to vector<16xi32>
    %gather3A_816 = tpu.dynamic_gather %add3A_810[%gather3A_815] in [0] : vector<16xf32>, vector<16xi32> -> vector<16xf32>
    %add3A_817 = arith.addf %add3A_810, %gather3A_816 : vector<16xf32>
    %xor3A_818 = arith.constant 4 : i32
    %xor3A_819 = vector.broadcast %xor3A_818 : i32 to vector<16xi32>
    %xor3A_820 = arith.xori %iota3A_803, %xor3A_819 : vector<16xi32>
    %broadcast_in_dim3A_821 = vector.shape_cast %xor3A_820 : vector<16xi32> to vector<16x1xi32>
    %gather3A_822 = vector.shape_cast %broadcast_in_dim3A_821 : vector<16x1xi32> to vector<16xi32>
    %gather3A_823 = tpu.dynamic_gather %add3A_817[%gather3A_822] in [0] : vector<16xf32>, vector<16xi32> -> vector<16xf32>
    %add3A_824 = arith.addf %add3A_817, %gather3A_823 : vector<16xf32>
    %xor3A_825 = arith.constant 8 : i32
    %xor3A_826 = vector.broadcast %xor3A_825 : i32 to vector<16xi32>
    %xor3A_827 = arith.xori %iota3A_803, %xor3A_826 : vector<16xi32>
    %broadcast_in_dim3A_828 = vector.shape_cast %xor3A_827 : vector<16xi32> to vector<16x1xi32>
    %gather3A_829 = vector.shape_cast %broadcast_in_dim3A_828 : vector<16x1xi32> to vector<16xi32>
    %gather3A_830 = tpu.dynamic_gather %add3A_824[%gather3A_829] in [0] : vector<16xf32>, vector<16xi32> -> vector<16xf32>
    %add3A_831 = arith.addf %add3A_824, %gather3A_830 : vector<16xf32>
    %max3A_832 = arith.constant 9.99999991E-38 : f32
    %max3A_833 = vector.broadcast %max3A_832 : f32 to vector<16xf32>
    %max3A_834 = arith.maximumf %add3A_831, %max3A_833 : vector<16xf32>
    %bitcast_convert_type3A_835 = tpu.bitcast %max3A_834 : vector<16xf32> -> vector<16xi32>
    %shift_right_arithmetic3A_836 = arith.constant 23 : i32
    %shift_right_arithmetic3A_837 = vector.broadcast %shift_right_arithmetic3A_836 : i32 to vector<16xi32>
    %shift_right_arithmetic3A_838 = arith.shrsi %bitcast_convert_type3A_835, %shift_right_arithmetic3A_837 : vector<16xi32>
    %sub3A_839 = arith.constant 127 : i32
    %sub3A_840 = vector.broadcast %sub3A_839 : i32 to vector<16xi32>
    %sub3A_841 = arith.subi %shift_right_arithmetic3A_838, %sub3A_840 : vector<16xi32>
    %and3A_842 = arith.constant 8388607 : i32
    %and3A_843 = vector.broadcast %and3A_842 : i32 to vector<16xi32>
    %and3A_844 = arith.andi %bitcast_convert_type3A_835, %and3A_843 : vector<16xi32>
    %or3A_845 = arith.constant 1065353216 : i32
    %or3A_846 = vector.broadcast %or3A_845 : i32 to vector<16xi32>
    %or3A_847 = arith.ori %and3A_844, %or3A_846 : vector<16xi32>
    %bitcast_convert_type3A_848 = tpu.bitcast %or3A_847 : vector<16xi32> -> vector<16xf32>
    %gt3A_849 = arith.constant 1.41421354 : f32
    %gt3A_850 = vector.broadcast %gt3A_849 : f32 to vector<16xf32>
    %gt3A_851 = arith.cmpf ogt, %bitcast_convert_type3A_848, %gt3A_850 : vector<16xf32>
    %mul3A_852 = arith.constant 5.000000e-01 : f32
    %mul3A_853 = vector.broadcast %mul3A_852 : f32 to vector<16xf32>
    %mul3A_854 = arith.mulf %bitcast_convert_type3A_848, %mul3A_853 : vector<16xf32>
    %select_n3A_855 = arith.select %gt3A_851, %mul3A_854, %bitcast_convert_type3A_848 : vector<16xi1>, vector<16xf32>
    %add3A_856 = arith.constant 1 : i32
    %add3A_857 = vector.broadcast %add3A_856 : i32 to vector<16xi32>
    %add3A_858 = arith.addi %sub3A_841, %add3A_857 : vector<16xi32>
    %select_n3A_859 = arith.select %gt3A_851, %add3A_858, %sub3A_841 : vector<16xi1>, vector<16xi32>
    %convert_element_type3A_860 = arith.sitofp %select_n3A_859 : vector<16xi32> to vector<16xf32>
    %sub3A_861 = arith.constant 1.000000e+00 : f32
    %sub3A_862 = vector.broadcast %sub3A_861 : f32 to vector<16xf32>
    %sub3A_863 = arith.subf %select_n3A_855, %sub3A_862 : vector<16xf32>
    %add3A_864 = arith.constant 1.000000e+00 : f32
    %add3A_865 = vector.broadcast %add3A_864 : f32 to vector<16xf32>
    %add3A_866 = arith.addf %select_n3A_855, %add3A_865 : vector<16xf32>
    %div3A_867 = arith.divf %sub3A_863, %add3A_866 : vector<16xf32>
    %mul3A_868 = arith.mulf %div3A_867, %div3A_867 : vector<16xf32>
    %mul3A_869 = arith.constant 0.222222224 : f32
    %mul3A_870 = vector.broadcast %mul3A_869 : f32 to vector<16xf32>
    %mul3A_871 = arith.mulf %mul3A_868, %mul3A_870 : vector<16xf32>
    %add3A_872 = arith.constant 0.285714298 : f32
    %add3A_873 = vector.broadcast %add3A_872 : f32 to vector<16xf32>
    %add3A_874 = arith.addf %add3A_873, %mul3A_871 : vector<16xf32>
    %mul3A_875 = arith.mulf %mul3A_868, %add3A_874 : vector<16xf32>
    %add3A_876 = arith.constant 4.000000e-01 : f32
    %add3A_877 = vector.broadcast %add3A_876 : f32 to vector<16xf32>
    %add3A_878 = arith.addf %add3A_877, %mul3A_875 : vector<16xf32>
    %mul3A_879 = arith.mulf %mul3A_868, %add3A_878 : vector<16xf32>
    %add3A_880 = arith.constant 0.666666686 : f32
    %add3A_881 = vector.broadcast %add3A_880 : f32 to vector<16xf32>
    %add3A_882 = arith.addf %add3A_881, %mul3A_879 : vector<16xf32>
    %mul3A_883 = arith.mulf %mul3A_868, %add3A_882 : vector<16xf32>
    %add3A_884 = arith.constant 2.000000e+00 : f32
    %add3A_885 = vector.broadcast %add3A_884 : f32 to vector<16xf32>
    %add3A_886 = arith.addf %add3A_885, %mul3A_883 : vector<16xf32>
    %mul3A_887 = arith.constant 0.693147182 : f32
    %mul3A_888 = vector.broadcast %mul3A_887 : f32 to vector<16xf32>
    %mul3A_889 = arith.mulf %convert_element_type3A_860, %mul3A_888 : vector<16xf32>
    %mul3A_890 = arith.mulf %div3A_867, %add3A_886 : vector<16xf32>
    %add3A_891 = arith.addf %mul3A_889, %mul3A_890 : vector<16xf32>
    %lt3A_892 = arith.cmpi slt, %add3A_149, %select_n3A_56 : i32
    %jit3A_893 = arith.constant 1.000000e+00 : f32
    %jit3A_894 = arith.constant 0.000000e+00 : f32
    %select_n3A_895 = arith.select %lt3A_892, %jit3A_893, %jit3A_894 : f32
    %shift_right_logical3A_896 = arith.constant 4 : i32
    %shift_right_logical3A_897 = arith.shrui %add3A_149, %shift_right_logical3A_896 : i32
    %and3A_898 = arith.constant 15 : i32
    %and3A_899 = arith.andi %add3A_149, %and3A_898 : i32
    %shift_left3A_900 = arith.constant 4 : i32
    %shift_left3A_901 = arith.shli %shift_right_logical3A_897, %shift_left3A_900 : i32
    %get3A_902 = arith.constant 0 : i32
    %get3A_903 = arith.index_cast %get3A_902 : i32 to index
    %get3A_904 = arith.index_cast %shift_left3A_901 : i32 to index
    %get3A_905 = tpu.vector_load %arg6[%get3A_903, %get3A_904] {strides = array<i32>} : memref<3x128xf32, #tpu.memory_space<vmem>>, vector<1x16xf32>,
    %get3A_906 = vector.shape_cast %get3A_905 : vector<1x16xf32> to vector<16xf32>
    %broadcast_in_dim3A_907 = vector.broadcast %and3A_899 : i32 to vector<16xi32>
    %broadcast_in_dim3A_908 = vector.shape_cast %broadcast_in_dim3A_907 : vector<16xi32> to vector<16x1xi32>
    %gather3A_909 = vector.shape_cast %broadcast_in_dim3A_908 : vector<16x1xi32> to vector<16xi32>
    %gather3A_910 = tpu.dynamic_gather %get3A_906[%gather3A_909] in [0] : vector<16xf32>, vector<16xi32> -> vector<16xf32>
    %broadcast_in_dim3A_911 = vector.broadcast %select_n3A_895 : f32 to vector<16xf32>
    %mul3A_912 = arith.mulf %gather3A_910, %broadcast_in_dim3A_911 : vector<16xf32>
    %mul3A_913 = arith.mulf %mul3A_912, %add3A_891 : vector<16xf32>
    %add3A_914 = arith.addf %add3A_801, %mul3A_913 : vector<16xf32>
    %add3A_915 = arith.addf %add3A_802, %mul3A_912 : vector<16xf32>
    %iota3A_916 = tpu.iota {dimensions = array<i32: 0>} : vector<16xi32>
    %xor3A_917 = arith.constant 1 : i32
    %xor3A_918 = vector.broadcast %xor3A_917 : i32 to vector<16xi32>
    %xor3A_919 = arith.xori %iota3A_916, %xor3A_918 : vector<16xi32>
    %broadcast_in_dim3A_920 = vector.shape_cast %xor3A_919 : vector<16xi32> to vector<16x1xi32>
    %gather3A_921 = vector.shape_cast %broadcast_in_dim3A_920 : vector<16x1xi32> to vector<16xi32>
    %gather3A_922 = tpu.dynamic_gather %scan3A_463#4[%gather3A_921] in [0] : vector<16xf32>, vector<16xi32> -> vector<16xf32>
    %add3A_923 = arith.addf %scan3A_463#4, %gather3A_922 : vector<16xf32>
    %xor3A_924 = arith.constant 2 : i32
    %xor3A_925 = vector.broadcast %xor3A_924 : i32 to vector<16xi32>
    %xor3A_926 = arith.xori %iota3A_916, %xor3A_925 : vector<16xi32>
    %broadcast_in_dim3A_927 = vector.shape_cast %xor3A_926 : vector<16xi32> to vector<16x1xi32>
    %gather3A_928 = vector.shape_cast %broadcast_in_dim3A_927 : vector<16x1xi32> to vector<16xi32>
    %gather3A_929 = tpu.dynamic_gather %add3A_923[%gather3A_928] in [0] : vector<16xf32>, vector<16xi32> -> vector<16xf32>
    %add3A_930 = arith.addf %add3A_923, %gather3A_929 : vector<16xf32>
    %xor3A_931 = arith.constant 4 : i32
    %xor3A_932 = vector.broadcast %xor3A_931 : i32 to vector<16xi32>
    %xor3A_933 = arith.xori %iota3A_916, %xor3A_932 : vector<16xi32>
    %broadcast_in_dim3A_934 = vector.shape_cast %xor3A_933 : vector<16xi32> to vector<16x1xi32>
    %gather3A_935 = vector.shape_cast %broadcast_in_dim3A_934 : vector<16x1xi32> to vector<16xi32>
    %gather3A_936 = tpu.dynamic_gather %add3A_930[%gather3A_935] in [0] : vector<16xf32>, vector<16xi32> -> vector<16xf32>
    %add3A_937 = arith.addf %add3A_930, %gather3A_936 : vector<16xf32>
    %xor3A_938 = arith.constant 8 : i32
    %xor3A_939 = vector.broadcast %xor3A_938 : i32 to vector<16xi32>
    %xor3A_940 = arith.xori %iota3A_916, %xor3A_939 : vector<16xi32>
    %broadcast_in_dim3A_941 = vector.shape_cast %xor3A_940 : vector<16xi32> to vector<16x1xi32>
    %gather3A_942 = vector.shape_cast %broadcast_in_dim3A_941 : vector<16x1xi32> to vector<16xi32>
    %gather3A_943 = tpu.dynamic_gather %add3A_937[%gather3A_942] in [0] : vector<16xf32>, vector<16xi32> -> vector<16xf32>
    %add3A_944 = arith.addf %add3A_937, %gather3A_943 : vector<16xf32>
    %max3A_945 = arith.constant 9.99999991E-38 : f32
    %max3A_946 = vector.broadcast %max3A_945 : f32 to vector<16xf32>
    %max3A_947 = arith.maximumf %add3A_944, %max3A_946 : vector<16xf32>
    %bitcast_convert_type3A_948 = tpu.bitcast %max3A_947 : vector<16xf32> -> vector<16xi32>
    %shift_right_arithmetic3A_949 = arith.constant 23 : i32
    %shift_right_arithmetic3A_950 = vector.broadcast %shift_right_arithmetic3A_949 : i32 to vector<16xi32>
    %shift_right_arithmetic3A_951 = arith.shrsi %bitcast_convert_type3A_948, %shift_right_arithmetic3A_950 : vector<16xi32>
    %sub3A_952 = arith.constant 127 : i32
    %sub3A_953 = vector.broadcast %sub3A_952 : i32 to vector<16xi32>
    %sub3A_954 = arith.subi %shift_right_arithmetic3A_951, %sub3A_953 : vector<16xi32>
    %and3A_955 = arith.constant 8388607 : i32
    %and3A_956 = vector.broadcast %and3A_955 : i32 to vector<16xi32>
    %and3A_957 = arith.andi %bitcast_convert_type3A_948, %and3A_956 : vector<16xi32>
    %or3A_958 = arith.constant 1065353216 : i32
    %or3A_959 = vector.broadcast %or3A_958 : i32 to vector<16xi32>
    %or3A_960 = arith.ori %and3A_957, %or3A_959 : vector<16xi32>
    %bitcast_convert_type3A_961 = tpu.bitcast %or3A_960 : vector<16xi32> -> vector<16xf32>
    %gt3A_962 = arith.constant 1.41421354 : f32
    %gt3A_963 = vector.broadcast %gt3A_962 : f32 to vector<16xf32>
    %gt3A_964 = arith.cmpf ogt, %bitcast_convert_type3A_961, %gt3A_963 : vector<16xf32>
    %mul3A_965 = arith.constant 5.000000e-01 : f32
    %mul3A_966 = vector.broadcast %mul3A_965 : f32 to vector<16xf32>
    %mul3A_967 = arith.mulf %bitcast_convert_type3A_961, %mul3A_966 : vector<16xf32>
    %select_n3A_968 = arith.select %gt3A_964, %mul3A_967, %bitcast_convert_type3A_961 : vector<16xi1>, vector<16xf32>
    %add3A_969 = arith.constant 1 : i32
    %add3A_970 = vector.broadcast %add3A_969 : i32 to vector<16xi32>
    %add3A_971 = arith.addi %sub3A_954, %add3A_970 : vector<16xi32>
    %select_n3A_972 = arith.select %gt3A_964, %add3A_971, %sub3A_954 : vector<16xi1>, vector<16xi32>
    %convert_element_type3A_973 = arith.sitofp %select_n3A_972 : vector<16xi32> to vector<16xf32>
    %sub3A_974 = arith.constant 1.000000e+00 : f32
    %sub3A_975 = vector.broadcast %sub3A_974 : f32 to vector<16xf32>
    %sub3A_976 = arith.subf %select_n3A_968, %sub3A_975 : vector<16xf32>
    %add3A_977 = arith.constant 1.000000e+00 : f32
    %add3A_978 = vector.broadcast %add3A_977 : f32 to vector<16xf32>
    %add3A_979 = arith.addf %select_n3A_968, %add3A_978 : vector<16xf32>
    %div3A_980 = arith.divf %sub3A_976, %add3A_979 : vector<16xf32>
    %mul3A_981 = arith.mulf %div3A_980, %div3A_980 : vector<16xf32>
    %mul3A_982 = arith.constant 0.222222224 : f32
    %mul3A_983 = vector.broadcast %mul3A_982 : f32 to vector<16xf32>
    %mul3A_984 = arith.mulf %mul3A_981, %mul3A_983 : vector<16xf32>
    %add3A_985 = arith.constant 0.285714298 : f32
    %add3A_986 = vector.broadcast %add3A_985 : f32 to vector<16xf32>
    %add3A_987 = arith.addf %add3A_986, %mul3A_984 : vector<16xf32>
    %mul3A_988 = arith.mulf %mul3A_981, %add3A_987 : vector<16xf32>
    %add3A_989 = arith.constant 4.000000e-01 : f32
    %add3A_990 = vector.broadcast %add3A_989 : f32 to vector<16xf32>
    %add3A_991 = arith.addf %add3A_990, %mul3A_988 : vector<16xf32>
    %mul3A_992 = arith.mulf %mul3A_981, %add3A_991 : vector<16xf32>
    %add3A_993 = arith.constant 0.666666686 : f32
    %add3A_994 = vector.broadcast %add3A_993 : f32 to vector<16xf32>
    %add3A_995 = arith.addf %add3A_994, %mul3A_992 : vector<16xf32>
    %mul3A_996 = arith.mulf %mul3A_981, %add3A_995 : vector<16xf32>
    %add3A_997 = arith.constant 2.000000e+00 : f32
    %add3A_998 = vector.broadcast %add3A_997 : f32 to vector<16xf32>
    %add3A_999 = arith.addf %add3A_998, %mul3A_996 : vector<16xf32>
    %mul3A_1000 = arith.constant 0.693147182 : f32
    %mul3A_1001 = vector.broadcast %mul3A_1000 : f32 to vector<16xf32>
    %mul3A_1002 = arith.mulf %convert_element_type3A_973, %mul3A_1001 : vector<16xf32>
    %mul3A_1003 = arith.mulf %div3A_980, %add3A_999 : vector<16xf32>
    %add3A_1004 = arith.addf %mul3A_1002, %mul3A_1003 : vector<16xf32>
    %lt3A_1005 = arith.cmpi slt, %add3A_151, %select_n3A_56 : i32
    %jit3A_1006 = arith.constant 1.000000e+00 : f32
    %jit3A_1007 = arith.constant 0.000000e+00 : f32
    %select_n3A_1008 = arith.select %lt3A_1005, %jit3A_1006, %jit3A_1007 : f32
    %shift_right_logical3A_1009 = arith.constant 4 : i32
    %shift_right_logical3A_1010 = arith.shrui %add3A_151, %shift_right_logical3A_1009 : i32
    %and3A_1011 = arith.constant 15 : i32
    %and3A_1012 = arith.andi %add3A_151, %and3A_1011 : i32
    %shift_left3A_1013 = arith.constant 4 : i32
    %shift_left3A_1014 = arith.shli %shift_right_logical3A_1010, %shift_left3A_1013 : i32
    %get3A_1015 = arith.constant 0 : i32
    %get3A_1016 = arith.index_cast %get3A_1015 : i32 to index
    %get3A_1017 = arith.index_cast %shift_left3A_1014 : i32 to index
    %get3A_1018 = tpu.vector_load %arg6[%get3A_1016, %get3A_1017] {strides = array<i32>} : memref<3x128xf32, #tpu.memory_space<vmem>>, vector<1x16xf32>,
    %get3A_1019 = vector.shape_cast %get3A_1018 : vector<1x16xf32> to vector<16xf32>
    %broadcast_in_dim3A_1020 = vector.broadcast %and3A_1012 : i32 to vector<16xi32>
    %broadcast_in_dim3A_1021 = vector.shape_cast %broadcast_in_dim3A_1020 : vector<16xi32> to vector<16x1xi32>
    %gather3A_1022 = vector.shape_cast %broadcast_in_dim3A_1021 : vector<16x1xi32> to vector<16xi32>
    %gather3A_1023 = tpu.dynamic_gather %get3A_1019[%gather3A_1022] in [0] : vector<16xf32>, vector<16xi32> -> vector<16xf32>
    %broadcast_in_dim3A_1024 = vector.broadcast %select_n3A_1008 : f32 to vector<16xf32>
    %mul3A_1025 = arith.mulf %gather3A_1023, %broadcast_in_dim3A_1024 : vector<16xf32>
    %mul3A_1026 = arith.mulf %mul3A_1025, %add3A_1004 : vector<16xf32>
    %add3A_1027 = arith.addf %add3A_914, %mul3A_1026 : vector<16xf32>
    %add3A_1028 = arith.addf %add3A_915, %mul3A_1025 : vector<16xf32>
    %iota3A_1029 = tpu.iota {dimensions = array<i32: 0>} : vector<16xi32>
    %xor3A_1030 = arith.constant 1 : i32
    %xor3A_1031 = vector.broadcast %xor3A_1030 : i32 to vector<16xi32>
    %xor3A_1032 = arith.xori %iota3A_1029, %xor3A_1031 : vector<16xi32>
    %broadcast_in_dim3A_1033 = vector.shape_cast %xor3A_1032 : vector<16xi32> to vector<16x1xi32>
    %gather3A_1034 = vector.shape_cast %broadcast_in_dim3A_1033 : vector<16x1xi32> to vector<16xi32>
    %gather3A_1035 = tpu.dynamic_gather %scan3A_463#5[%gather3A_1034] in [0] : vector<16xf32>, vector<16xi32> -> vector<16xf32>
    %add3A_1036 = arith.addf %scan3A_463#5, %gather3A_1035 : vector<16xf32>
    %xor3A_1037 = arith.constant 2 : i32
    %xor3A_1038 = vector.broadcast %xor3A_1037 : i32 to vector<16xi32>
    %xor3A_1039 = arith.xori %iota3A_1029, %xor3A_1038 : vector<16xi32>
    %broadcast_in_dim3A_1040 = vector.shape_cast %xor3A_1039 : vector<16xi32> to vector<16x1xi32>
    %gather3A_1041 = vector.shape_cast %broadcast_in_dim3A_1040 : vector<16x1xi32> to vector<16xi32>
    %gather3A_1042 = tpu.dynamic_gather %add3A_1036[%gather3A_1041] in [0] : vector<16xf32>, vector<16xi32> -> vector<16xf32>
    %add3A_1043 = arith.addf %add3A_1036, %gather3A_1042 : vector<16xf32>
    %xor3A_1044 = arith.constant 4 : i32
    %xor3A_1045 = vector.broadcast %xor3A_1044 : i32 to vector<16xi32>
    %xor3A_1046 = arith.xori %iota3A_1029, %xor3A_1045 : vector<16xi32>
    %broadcast_in_dim3A_1047 = vector.shape_cast %xor3A_1046 : vector<16xi32> to vector<16x1xi32>
    %gather3A_1048 = vector.shape_cast %broadcast_in_dim3A_1047 : vector<16x1xi32> to vector<16xi32>
    %gather3A_1049 = tpu.dynamic_gather %add3A_1043[%gather3A_1048] in [0] : vector<16xf32>, vector<16xi32> -> vector<16xf32>
    %add3A_1050 = arith.addf %add3A_1043, %gather3A_1049 : vector<16xf32>
    %xor3A_1051 = arith.constant 8 : i32
    %xor3A_1052 = vector.broadcast %xor3A_1051 : i32 to vector<16xi32>
    %xor3A_1053 = arith.xori %iota3A_1029, %xor3A_1052 : vector<16xi32>
    %broadcast_in_dim3A_1054 = vector.shape_cast %xor3A_1053 : vector<16xi32> to vector<16x1xi32>
    %gather3A_1055 = vector.shape_cast %broadcast_in_dim3A_1054 : vector<16x1xi32> to vector<16xi32>
    %gather3A_1056 = tpu.dynamic_gather %add3A_1050[%gather3A_1055] in [0] : vector<16xf32>, vector<16xi32> -> vector<16xf32>
    %add3A_1057 = arith.addf %add3A_1050, %gather3A_1056 : vector<16xf32>
    %max3A_1058 = arith.constant 9.99999991E-38 : f32
    %max3A_1059 = vector.broadcast %max3A_1058 : f32 to vector<16xf32>
    %max3A_1060 = arith.maximumf %add3A_1057, %max3A_1059 : vector<16xf32>
    %bitcast_convert_type3A_1061 = tpu.bitcast %max3A_1060 : vector<16xf32> -> vector<16xi32>
    %shift_right_arithmetic3A_1062 = arith.constant 23 : i32
    %shift_right_arithmetic3A_1063 = vector.broadcast %shift_right_arithmetic3A_1062 : i32 to vector<16xi32>
    %shift_right_arithmetic3A_1064 = arith.shrsi %bitcast_convert_type3A_1061, %shift_right_arithmetic3A_1063 : vector<16xi32>
    %sub3A_1065 = arith.constant 127 : i32
    %sub3A_1066 = vector.broadcast %sub3A_1065 : i32 to vector<16xi32>
    %sub3A_1067 = arith.subi %shift_right_arithmetic3A_1064, %sub3A_1066 : vector<16xi32>
    %and3A_1068 = arith.constant 8388607 : i32
    %and3A_1069 = vector.broadcast %and3A_1068 : i32 to vector<16xi32>
    %and3A_1070 = arith.andi %bitcast_convert_type3A_1061, %and3A_1069 : vector<16xi32>
    %or3A_1071 = arith.constant 1065353216 : i32
    %or3A_1072 = vector.broadcast %or3A_1071 : i32 to vector<16xi32>
    %or3A_1073 = arith.ori %and3A_1070, %or3A_1072 : vector<16xi32>
    %bitcast_convert_type3A_1074 = tpu.bitcast %or3A_1073 : vector<16xi32> -> vector<16xf32>
    %gt3A_1075 = arith.constant 1.41421354 : f32
    %gt3A_1076 = vector.broadcast %gt3A_1075 : f32 to vector<16xf32>
    %gt3A_1077 = arith.cmpf ogt, %bitcast_convert_type3A_1074, %gt3A_1076 : vector<16xf32>
    %mul3A_1078 = arith.constant 5.000000e-01 : f32
    %mul3A_1079 = vector.broadcast %mul3A_1078 : f32 to vector<16xf32>
    %mul3A_1080 = arith.mulf %bitcast_convert_type3A_1074, %mul3A_1079 : vector<16xf32>
    %select_n3A_1081 = arith.select %gt3A_1077, %mul3A_1080, %bitcast_convert_type3A_1074 : vector<16xi1>, vector<16xf32>
    %add3A_1082 = arith.constant 1 : i32
    %add3A_1083 = vector.broadcast %add3A_1082 : i32 to vector<16xi32>
    %add3A_1084 = arith.addi %sub3A_1067, %add3A_1083 : vector<16xi32>
    %select_n3A_1085 = arith.select %gt3A_1077, %add3A_1084, %sub3A_1067 : vector<16xi1>, vector<16xi32>
    %convert_element_type3A_1086 = arith.sitofp %select_n3A_1085 : vector<16xi32> to vector<16xf32>
    %sub3A_1087 = arith.constant 1.000000e+00 : f32
    %sub3A_1088 = vector.broadcast %sub3A_1087 : f32 to vector<16xf32>
    %sub3A_1089 = arith.subf %select_n3A_1081, %sub3A_1088 : vector<16xf32>
    %add3A_1090 = arith.constant 1.000000e+00 : f32
    %add3A_1091 = vector.broadcast %add3A_1090 : f32 to vector<16xf32>
    %add3A_1092 = arith.addf %select_n3A_1081, %add3A_1091 : vector<16xf32>
    %div3A_1093 = arith.divf %sub3A_1089, %add3A_1092 : vector<16xf32>
    %mul3A_1094 = arith.mulf %div3A_1093, %div3A_1093 : vector<16xf32>
    %mul3A_1095 = arith.constant 0.222222224 : f32
    %mul3A_1096 = vector.broadcast %mul3A_1095 : f32 to vector<16xf32>
    %mul3A_1097 = arith.mulf %mul3A_1094, %mul3A_1096 : vector<16xf32>
    %add3A_1098 = arith.constant 0.285714298 : f32
    %add3A_1099 = vector.broadcast %add3A_1098 : f32 to vector<16xf32>
    %add3A_1100 = arith.addf %add3A_1099, %mul3A_1097 : vector<16xf32>
    %mul3A_1101 = arith.mulf %mul3A_1094, %add3A_1100 : vector<16xf32>
    %add3A_1102 = arith.constant 4.000000e-01 : f32
    %add3A_1103 = vector.broadcast %add3A_1102 : f32 to vector<16xf32>
    %add3A_1104 = arith.addf %add3A_1103, %mul3A_1101 : vector<16xf32>
    %mul3A_1105 = arith.mulf %mul3A_1094, %add3A_1104 : vector<16xf32>
    %add3A_1106 = arith.constant 0.666666686 : f32
    %add3A_1107 = vector.broadcast %add3A_1106 : f32 to vector<16xf32>
    %add3A_1108 = arith.addf %add3A_1107, %mul3A_1105 : vector<16xf32>
    %mul3A_1109 = arith.mulf %mul3A_1094, %add3A_1108 : vector<16xf32>
    %add3A_1110 = arith.constant 2.000000e+00 : f32
    %add3A_1111 = vector.broadcast %add3A_1110 : f32 to vector<16xf32>
    %add3A_1112 = arith.addf %add3A_1111, %mul3A_1109 : vector<16xf32>
    %mul3A_1113 = arith.constant 0.693147182 : f32
    %mul3A_1114 = vector.broadcast %mul3A_1113 : f32 to vector<16xf32>
    %mul3A_1115 = arith.mulf %convert_element_type3A_1086, %mul3A_1114 : vector<16xf32>
    %mul3A_1116 = arith.mulf %div3A_1093, %add3A_1112 : vector<16xf32>
    %add3A_1117 = arith.addf %mul3A_1115, %mul3A_1116 : vector<16xf32>
    %lt3A_1118 = arith.cmpi slt, %add3A_153, %select_n3A_56 : i32
    %jit3A_1119 = arith.constant 1.000000e+00 : f32
    %jit3A_1120 = arith.constant 0.000000e+00 : f32
    %select_n3A_1121 = arith.select %lt3A_1118, %jit3A_1119, %jit3A_1120 : f32
    %shift_right_logical3A_1122 = arith.constant 4 : i32
    %shift_right_logical3A_1123 = arith.shrui %add3A_153, %shift_right_logical3A_1122 : i32
    %and3A_1124 = arith.constant 15 : i32
    %and3A_1125 = arith.andi %add3A_153, %and3A_1124 : i32
    %shift_left3A_1126 = arith.constant 4 : i32
    %shift_left3A_1127 = arith.shli %shift_right_logical3A_1123, %shift_left3A_1126 : i32
    %get3A_1128 = arith.constant 0 : i32
    %get3A_1129 = arith.index_cast %get3A_1128 : i32 to index
    %get3A_1130 = arith.index_cast %shift_left3A_1127 : i32 to index
    %get3A_1131 = tpu.vector_load %arg6[%get3A_1129, %get3A_1130] {strides = array<i32>} : memref<3x128xf32, #tpu.memory_space<vmem>>, vector<1x16xf32>,
    %get3A_1132 = vector.shape_cast %get3A_1131 : vector<1x16xf32> to vector<16xf32>
    %broadcast_in_dim3A_1133 = vector.broadcast %and3A_1125 : i32 to vector<16xi32>
    %broadcast_in_dim3A_1134 = vector.shape_cast %broadcast_in_dim3A_1133 : vector<16xi32> to vector<16x1xi32>
    %gather3A_1135 = vector.shape_cast %broadcast_in_dim3A_1134 : vector<16x1xi32> to vector<16xi32>
    %gather3A_1136 = tpu.dynamic_gather %get3A_1132[%gather3A_1135] in [0] : vector<16xf32>, vector<16xi32> -> vector<16xf32>
    %broadcast_in_dim3A_1137 = vector.broadcast %select_n3A_1121 : f32 to vector<16xf32>
    %mul3A_1138 = arith.mulf %gather3A_1136, %broadcast_in_dim3A_1137 : vector<16xf32>
    %mul3A_1139 = arith.mulf %mul3A_1138, %add3A_1117 : vector<16xf32>
    %add3A_1140 = arith.addf %add3A_1027, %mul3A_1139 : vector<16xf32>
    %add3A_1141 = arith.addf %add3A_1028, %mul3A_1138 : vector<16xf32>
    %iota3A_1142 = tpu.iota {dimensions = array<i32: 0>} : vector<16xi32>
    %xor3A_1143 = arith.constant 1 : i32
    %xor3A_1144 = vector.broadcast %xor3A_1143 : i32 to vector<16xi32>
    %xor3A_1145 = arith.xori %iota3A_1142, %xor3A_1144 : vector<16xi32>
    %broadcast_in_dim3A_1146 = vector.shape_cast %xor3A_1145 : vector<16xi32> to vector<16x1xi32>
    %gather3A_1147 = vector.shape_cast %broadcast_in_dim3A_1146 : vector<16x1xi32> to vector<16xi32>
    %gather3A_1148 = tpu.dynamic_gather %scan3A_463#6[%gather3A_1147] in [0] : vector<16xf32>, vector<16xi32> -> vector<16xf32>
    %add3A_1149 = arith.addf %scan3A_463#6, %gather3A_1148 : vector<16xf32>
    %xor3A_1150 = arith.constant 2 : i32
    %xor3A_1151 = vector.broadcast %xor3A_1150 : i32 to vector<16xi32>
    %xor3A_1152 = arith.xori %iota3A_1142, %xor3A_1151 : vector<16xi32>
    %broadcast_in_dim3A_1153 = vector.shape_cast %xor3A_1152 : vector<16xi32> to vector<16x1xi32>
    %gather3A_1154 = vector.shape_cast %broadcast_in_dim3A_1153 : vector<16x1xi32> to vector<16xi32>
    %gather3A_1155 = tpu.dynamic_gather %add3A_1149[%gather3A_1154] in [0] : vector<16xf32>, vector<16xi32> -> vector<16xf32>
    %add3A_1156 = arith.addf %add3A_1149, %gather3A_1155 : vector<16xf32>
    %xor3A_1157 = arith.constant 4 : i32
    %xor3A_1158 = vector.broadcast %xor3A_1157 : i32 to vector<16xi32>
    %xor3A_1159 = arith.xori %iota3A_1142, %xor3A_1158 : vector<16xi32>
    %broadcast_in_dim3A_1160 = vector.shape_cast %xor3A_1159 : vector<16xi32> to vector<16x1xi32>
    %gather3A_1161 = vector.shape_cast %broadcast_in_dim3A_1160 : vector<16x1xi32> to vector<16xi32>
    %gather3A_1162 = tpu.dynamic_gather %add3A_1156[%gather3A_1161] in [0] : vector<16xf32>, vector<16xi32> -> vector<16xf32>
    %add3A_1163 = arith.addf %add3A_1156, %gather3A_1162 : vector<16xf32>
    %xor3A_1164 = arith.constant 8 : i32
    %xor3A_1165 = vector.broadcast %xor3A_1164 : i32 to vector<16xi32>
    %xor3A_1166 = arith.xori %iota3A_1142, %xor3A_1165 : vector<16xi32>
    %broadcast_in_dim3A_1167 = vector.shape_cast %xor3A_1166 : vector<16xi32> to vector<16x1xi32>
    %gather3A_1168 = vector.shape_cast %broadcast_in_dim3A_1167 : vector<16x1xi32> to vector<16xi32>
    %gather3A_1169 = tpu.dynamic_gather %add3A_1163[%gather3A_1168] in [0] : vector<16xf32>, vector<16xi32> -> vector<16xf32>
    %add3A_1170 = arith.addf %add3A_1163, %gather3A_1169 : vector<16xf32>
    %max3A_1171 = arith.constant 9.99999991E-38 : f32
    %max3A_1172 = vector.broadcast %max3A_1171 : f32 to vector<16xf32>
    %max3A_1173 = arith.maximumf %add3A_1170, %max3A_1172 : vector<16xf32>
    %bitcast_convert_type3A_1174 = tpu.bitcast %max3A_1173 : vector<16xf32> -> vector<16xi32>
    %shift_right_arithmetic3A_1175 = arith.constant 23 : i32
    %shift_right_arithmetic3A_1176 = vector.broadcast %shift_right_arithmetic3A_1175 : i32 to vector<16xi32>
    %shift_right_arithmetic3A_1177 = arith.shrsi %bitcast_convert_type3A_1174, %shift_right_arithmetic3A_1176 : vector<16xi32>
    %sub3A_1178 = arith.constant 127 : i32
    %sub3A_1179 = vector.broadcast %sub3A_1178 : i32 to vector<16xi32>
    %sub3A_1180 = arith.subi %shift_right_arithmetic3A_1177, %sub3A_1179 : vector<16xi32>
    %and3A_1181 = arith.constant 8388607 : i32
    %and3A_1182 = vector.broadcast %and3A_1181 : i32 to vector<16xi32>
    %and3A_1183 = arith.andi %bitcast_convert_type3A_1174, %and3A_1182 : vector<16xi32>
    %or3A_1184 = arith.constant 1065353216 : i32
    %or3A_1185 = vector.broadcast %or3A_1184 : i32 to vector<16xi32>
    %or3A_1186 = arith.ori %and3A_1183, %or3A_1185 : vector<16xi32>
    %bitcast_convert_type3A_1187 = tpu.bitcast %or3A_1186 : vector<16xi32> -> vector<16xf32>
    %gt3A_1188 = arith.constant 1.41421354 : f32
    %gt3A_1189 = vector.broadcast %gt3A_1188 : f32 to vector<16xf32>
    %gt3A_1190 = arith.cmpf ogt, %bitcast_convert_type3A_1187, %gt3A_1189 : vector<16xf32>
    %mul3A_1191 = arith.constant 5.000000e-01 : f32
    %mul3A_1192 = vector.broadcast %mul3A_1191 : f32 to vector<16xf32>
    %mul3A_1193 = arith.mulf %bitcast_convert_type3A_1187, %mul3A_1192 : vector<16xf32>
    %select_n3A_1194 = arith.select %gt3A_1190, %mul3A_1193, %bitcast_convert_type3A_1187 : vector<16xi1>, vector<16xf32>
    %add3A_1195 = arith.constant 1 : i32
    %add3A_1196 = vector.broadcast %add3A_1195 : i32 to vector<16xi32>
    %add3A_1197 = arith.addi %sub3A_1180, %add3A_1196 : vector<16xi32>
    %select_n3A_1198 = arith.select %gt3A_1190, %add3A_1197, %sub3A_1180 : vector<16xi1>, vector<16xi32>
    %convert_element_type3A_1199 = arith.sitofp %select_n3A_1198 : vector<16xi32> to vector<16xf32>
    %sub3A_1200 = arith.constant 1.000000e+00 : f32
    %sub3A_1201 = vector.broadcast %sub3A_1200 : f32 to vector<16xf32>
    %sub3A_1202 = arith.subf %select_n3A_1194, %sub3A_1201 : vector<16xf32>
    %add3A_1203 = arith.constant 1.000000e+00 : f32
    %add3A_1204 = vector.broadcast %add3A_1203 : f32 to vector<16xf32>
    %add3A_1205 = arith.addf %select_n3A_1194, %add3A_1204 : vector<16xf32>
    %div3A_1206 = arith.divf %sub3A_1202, %add3A_1205 : vector<16xf32>
    %mul3A_1207 = arith.mulf %div3A_1206, %div3A_1206 : vector<16xf32>
    %mul3A_1208 = arith.constant 0.222222224 : f32
    %mul3A_1209 = vector.broadcast %mul3A_1208 : f32 to vector<16xf32>
    %mul3A_1210 = arith.mulf %mul3A_1207, %mul3A_1209 : vector<16xf32>
    %add3A_1211 = arith.constant 0.285714298 : f32
    %add3A_1212 = vector.broadcast %add3A_1211 : f32 to vector<16xf32>
    %add3A_1213 = arith.addf %add3A_1212, %mul3A_1210 : vector<16xf32>
    %mul3A_1214 = arith.mulf %mul3A_1207, %add3A_1213 : vector<16xf32>
    %add3A_1215 = arith.constant 4.000000e-01 : f32
    %add3A_1216 = vector.broadcast %add3A_1215 : f32 to vector<16xf32>
    %add3A_1217 = arith.addf %add3A_1216, %mul3A_1214 : vector<16xf32>
    %mul3A_1218 = arith.mulf %mul3A_1207, %add3A_1217 : vector<16xf32>
    %add3A_1219 = arith.constant 0.666666686 : f32
    %add3A_1220 = vector.broadcast %add3A_1219 : f32 to vector<16xf32>
    %add3A_1221 = arith.addf %add3A_1220, %mul3A_1218 : vector<16xf32>
    %mul3A_1222 = arith.mulf %mul3A_1207, %add3A_1221 : vector<16xf32>
    %add3A_1223 = arith.constant 2.000000e+00 : f32
    %add3A_1224 = vector.broadcast %add3A_1223 : f32 to vector<16xf32>
    %add3A_1225 = arith.addf %add3A_1224, %mul3A_1222 : vector<16xf32>
    %mul3A_1226 = arith.constant 0.693147182 : f32
    %mul3A_1227 = vector.broadcast %mul3A_1226 : f32 to vector<16xf32>
    %mul3A_1228 = arith.mulf %convert_element_type3A_1199, %mul3A_1227 : vector<16xf32>
    %mul3A_1229 = arith.mulf %div3A_1206, %add3A_1225 : vector<16xf32>
    %add3A_1230 = arith.addf %mul3A_1228, %mul3A_1229 : vector<16xf32>
    %lt3A_1231 = arith.cmpi slt, %add3A_155, %select_n3A_56 : i32
    %jit3A_1232 = arith.constant 1.000000e+00 : f32
    %jit3A_1233 = arith.constant 0.000000e+00 : f32
    %select_n3A_1234 = arith.select %lt3A_1231, %jit3A_1232, %jit3A_1233 : f32
    %shift_right_logical3A_1235 = arith.constant 4 : i32
    %shift_right_logical3A_1236 = arith.shrui %add3A_155, %shift_right_logical3A_1235 : i32
    %and3A_1237 = arith.constant 15 : i32
    %and3A_1238 = arith.andi %add3A_155, %and3A_1237 : i32
    %shift_left3A_1239 = arith.constant 4 : i32
    %shift_left3A_1240 = arith.shli %shift_right_logical3A_1236, %shift_left3A_1239 : i32
    %get3A_1241 = arith.constant 0 : i32
    %get3A_1242 = arith.index_cast %get3A_1241 : i32 to index
    %get3A_1243 = arith.index_cast %shift_left3A_1240 : i32 to index
    %get3A_1244 = tpu.vector_load %arg6[%get3A_1242, %get3A_1243] {strides = array<i32>} : memref<3x128xf32, #tpu.memory_space<vmem>>, vector<1x16xf32>,
    %get3A_1245 = vector.shape_cast %get3A_1244 : vector<1x16xf32> to vector<16xf32>
    %broadcast_in_dim3A_1246 = vector.broadcast %and3A_1238 : i32 to vector<16xi32>
    %broadcast_in_dim3A_1247 = vector.shape_cast %broadcast_in_dim3A_1246 : vector<16xi32> to vector<16x1xi32>
    %gather3A_1248 = vector.shape_cast %broadcast_in_dim3A_1247 : vector<16x1xi32> to vector<16xi32>
    %gather3A_1249 = tpu.dynamic_gather %get3A_1245[%gather3A_1248] in [0] : vector<16xf32>, vector<16xi32> -> vector<16xf32>
    %broadcast_in_dim3A_1250 = vector.broadcast %select_n3A_1234 : f32 to vector<16xf32>
    %mul3A_1251 = arith.mulf %gather3A_1249, %broadcast_in_dim3A_1250 : vector<16xf32>
    %mul3A_1252 = arith.mulf %mul3A_1251, %add3A_1230 : vector<16xf32>
    %add3A_1253 = arith.addf %add3A_1140, %mul3A_1252 : vector<16xf32>
    %add3A_1254 = arith.addf %add3A_1141, %mul3A_1251 : vector<16xf32>
    %iota3A_1255 = tpu.iota {dimensions = array<i32: 0>} : vector<16xi32>
    %xor3A_1256 = arith.constant 1 : i32
    %xor3A_1257 = vector.broadcast %xor3A_1256 : i32 to vector<16xi32>
    %xor3A_1258 = arith.xori %iota3A_1255, %xor3A_1257 : vector<16xi32>
    %broadcast_in_dim3A_1259 = vector.shape_cast %xor3A_1258 : vector<16xi32> to vector<16x1xi32>
    %gather3A_1260 = vector.shape_cast %broadcast_in_dim3A_1259 : vector<16x1xi32> to vector<16xi32>
    %gather3A_1261 = tpu.dynamic_gather %scan3A_463#7[%gather3A_1260] in [0] : vector<16xf32>, vector<16xi32> -> vector<16xf32>
    %add3A_1262 = arith.addf %scan3A_463#7, %gather3A_1261 : vector<16xf32>
    %xor3A_1263 = arith.constant 2 : i32
    %xor3A_1264 = vector.broadcast %xor3A_1263 : i32 to vector<16xi32>
    %xor3A_1265 = arith.xori %iota3A_1255, %xor3A_1264 : vector<16xi32>
    %broadcast_in_dim3A_1266 = vector.shape_cast %xor3A_1265 : vector<16xi32> to vector<16x1xi32>
    %gather3A_1267 = vector.shape_cast %broadcast_in_dim3A_1266 : vector<16x1xi32> to vector<16xi32>
    %gather3A_1268 = tpu.dynamic_gather %add3A_1262[%gather3A_1267] in [0] : vector<16xf32>, vector<16xi32> -> vector<16xf32>
    %add3A_1269 = arith.addf %add3A_1262, %gather3A_1268 : vector<16xf32>
    %xor3A_1270 = arith.constant 4 : i32
    %xor3A_1271 = vector.broadcast %xor3A_1270 : i32 to vector<16xi32>
    %xor3A_1272 = arith.xori %iota3A_1255, %xor3A_1271 : vector<16xi32>
    %broadcast_in_dim3A_1273 = vector.shape_cast %xor3A_1272 : vector<16xi32> to vector<16x1xi32>
    %gather3A_1274 = vector.shape_cast %broadcast_in_dim3A_1273 : vector<16x1xi32> to vector<16xi32>
    %gather3A_1275 = tpu.dynamic_gather %add3A_1269[%gather3A_1274] in [0] : vector<16xf32>, vector<16xi32> -> vector<16xf32>
    %add3A_1276 = arith.addf %add3A_1269, %gather3A_1275 : vector<16xf32>
    %xor3A_1277 = arith.constant 8 : i32
    %xor3A_1278 = vector.broadcast %xor3A_1277 : i32 to vector<16xi32>
    %xor3A_1279 = arith.xori %iota3A_1255, %xor3A_1278 : vector<16xi32>
    %broadcast_in_dim3A_1280 = vector.shape_cast %xor3A_1279 : vector<16xi32> to vector<16x1xi32>
    %gather3A_1281 = vector.shape_cast %broadcast_in_dim3A_1280 : vector<16x1xi32> to vector<16xi32>
    %gather3A_1282 = tpu.dynamic_gather %add3A_1276[%gather3A_1281] in [0] : vector<16xf32>, vector<16xi32> -> vector<16xf32>
    %add3A_1283 = arith.addf %add3A_1276, %gather3A_1282 : vector<16xf32>
    %max3A_1284 = arith.constant 9.99999991E-38 : f32
    %max3A_1285 = vector.broadcast %max3A_1284 : f32 to vector<16xf32>
    %max3A_1286 = arith.maximumf %add3A_1283, %max3A_1285 : vector<16xf32>
    %bitcast_convert_type3A_1287 = tpu.bitcast %max3A_1286 : vector<16xf32> -> vector<16xi32>
    %shift_right_arithmetic3A_1288 = arith.constant 23 : i32
    %shift_right_arithmetic3A_1289 = vector.broadcast %shift_right_arithmetic3A_1288 : i32 to vector<16xi32>
    %shift_right_arithmetic3A_1290 = arith.shrsi %bitcast_convert_type3A_1287, %shift_right_arithmetic3A_1289 : vector<16xi32>
    %sub3A_1291 = arith.constant 127 : i32
    %sub3A_1292 = vector.broadcast %sub3A_1291 : i32 to vector<16xi32>
    %sub3A_1293 = arith.subi %shift_right_arithmetic3A_1290, %sub3A_1292 : vector<16xi32>
    %and3A_1294 = arith.constant 8388607 : i32
    %and3A_1295 = vector.broadcast %and3A_1294 : i32 to vector<16xi32>
    %and3A_1296 = arith.andi %bitcast_convert_type3A_1287, %and3A_1295 : vector<16xi32>
    %or3A_1297 = arith.constant 1065353216 : i32
    %or3A_1298 = vector.broadcast %or3A_1297 : i32 to vector<16xi32>
    %or3A_1299 = arith.ori %and3A_1296, %or3A_1298 : vector<16xi32>
    %bitcast_convert_type3A_1300 = tpu.bitcast %or3A_1299 : vector<16xi32> -> vector<16xf32>
    %gt3A_1301 = arith.constant 1.41421354 : f32
    %gt3A_1302 = vector.broadcast %gt3A_1301 : f32 to vector<16xf32>
    %gt3A_1303 = arith.cmpf ogt, %bitcast_convert_type3A_1300, %gt3A_1302 : vector<16xf32>
    %mul3A_1304 = arith.constant 5.000000e-01 : f32
    %mul3A_1305 = vector.broadcast %mul3A_1304 : f32 to vector<16xf32>
    %mul3A_1306 = arith.mulf %bitcast_convert_type3A_1300, %mul3A_1305 : vector<16xf32>
    %select_n3A_1307 = arith.select %gt3A_1303, %mul3A_1306, %bitcast_convert_type3A_1300 : vector<16xi1>, vector<16xf32>
    %add3A_1308 = arith.constant 1 : i32
    %add3A_1309 = vector.broadcast %add3A_1308 : i32 to vector<16xi32>
    %add3A_1310 = arith.addi %sub3A_1293, %add3A_1309 : vector<16xi32>
    %select_n3A_1311 = arith.select %gt3A_1303, %add3A_1310, %sub3A_1293 : vector<16xi1>, vector<16xi32>
    %convert_element_type3A_1312 = arith.sitofp %select_n3A_1311 : vector<16xi32> to vector<16xf32>
    %sub3A_1313 = arith.constant 1.000000e+00 : f32
    %sub3A_1314 = vector.broadcast %sub3A_1313 : f32 to vector<16xf32>
    %sub3A_1315 = arith.subf %select_n3A_1307, %sub3A_1314 : vector<16xf32>
    %add3A_1316 = arith.constant 1.000000e+00 : f32
    %add3A_1317 = vector.broadcast %add3A_1316 : f32 to vector<16xf32>
    %add3A_1318 = arith.addf %select_n3A_1307, %add3A_1317 : vector<16xf32>
    %div3A_1319 = arith.divf %sub3A_1315, %add3A_1318 : vector<16xf32>
    %mul3A_1320 = arith.mulf %div3A_1319, %div3A_1319 : vector<16xf32>
    %mul3A_1321 = arith.constant 0.222222224 : f32
    %mul3A_1322 = vector.broadcast %mul3A_1321 : f32 to vector<16xf32>
    %mul3A_1323 = arith.mulf %mul3A_1320, %mul3A_1322 : vector<16xf32>
    %add3A_1324 = arith.constant 0.285714298 : f32
    %add3A_1325 = vector.broadcast %add3A_1324 : f32 to vector<16xf32>
    %add3A_1326 = arith.addf %add3A_1325, %mul3A_1323 : vector<16xf32>
    %mul3A_1327 = arith.mulf %mul3A_1320, %add3A_1326 : vector<16xf32>
    %add3A_1328 = arith.constant 4.000000e-01 : f32
    %add3A_1329 = vector.broadcast %add3A_1328 : f32 to vector<16xf32>
    %add3A_1330 = arith.addf %add3A_1329, %mul3A_1327 : vector<16xf32>
    %mul3A_1331 = arith.mulf %mul3A_1320, %add3A_1330 : vector<16xf32>
    %add3A_1332 = arith.constant 0.666666686 : f32
    %add3A_1333 = vector.broadcast %add3A_1332 : f32 to vector<16xf32>
    %add3A_1334 = arith.addf %add3A_1333, %mul3A_1331 : vector<16xf32>
    %mul3A_1335 = arith.mulf %mul3A_1320, %add3A_1334 : vector<16xf32>
    %add3A_1336 = arith.constant 2.000000e+00 : f32
    %add3A_1337 = vector.broadcast %add3A_1336 : f32 to vector<16xf32>
    %add3A_1338 = arith.addf %add3A_1337, %mul3A_1335 : vector<16xf32>
    %mul3A_1339 = arith.constant 0.693147182 : f32
    %mul3A_1340 = vector.broadcast %mul3A_1339 : f32 to vector<16xf32>
    %mul3A_1341 = arith.mulf %convert_element_type3A_1312, %mul3A_1340 : vector<16xf32>
    %mul3A_1342 = arith.mulf %div3A_1319, %add3A_1338 : vector<16xf32>
    %add3A_1343 = arith.addf %mul3A_1341, %mul3A_1342 : vector<16xf32>
    %lt3A_1344 = arith.cmpi slt, %add3A_157, %select_n3A_56 : i32
    %jit3A_1345 = arith.constant 1.000000e+00 : f32
    %jit3A_1346 = arith.constant 0.000000e+00 : f32
    %select_n3A_1347 = arith.select %lt3A_1344, %jit3A_1345, %jit3A_1346 : f32
    %shift_right_logical3A_1348 = arith.constant 4 : i32
    %shift_right_logical3A_1349 = arith.shrui %add3A_157, %shift_right_logical3A_1348 : i32
    %and3A_1350 = arith.constant 15 : i32
    %and3A_1351 = arith.andi %add3A_157, %and3A_1350 : i32
    %shift_left3A_1352 = arith.constant 4 : i32
    %shift_left3A_1353 = arith.shli %shift_right_logical3A_1349, %shift_left3A_1352 : i32
    %get3A_1354 = arith.constant 0 : i32
    %get3A_1355 = arith.index_cast %get3A_1354 : i32 to index
    %get3A_1356 = arith.index_cast %shift_left3A_1353 : i32 to index
    %get3A_1357 = tpu.vector_load %arg6[%get3A_1355, %get3A_1356] {strides = array<i32>} : memref<3x128xf32, #tpu.memory_space<vmem>>, vector<1x16xf32>,
    %get3A_1358 = vector.shape_cast %get3A_1357 : vector<1x16xf32> to vector<16xf32>
    %broadcast_in_dim3A_1359 = vector.broadcast %and3A_1351 : i32 to vector<16xi32>
    %broadcast_in_dim3A_1360 = vector.shape_cast %broadcast_in_dim3A_1359 : vector<16xi32> to vector<16x1xi32>
    %gather3A_1361 = vector.shape_cast %broadcast_in_dim3A_1360 : vector<16x1xi32> to vector<16xi32>
    %gather3A_1362 = tpu.dynamic_gather %get3A_1358[%gather3A_1361] in [0] : vector<16xf32>, vector<16xi32> -> vector<16xf32>
    %broadcast_in_dim3A_1363 = vector.broadcast %select_n3A_1347 : f32 to vector<16xf32>
    %mul3A_1364 = arith.mulf %gather3A_1362, %broadcast_in_dim3A_1363 : vector<16xf32>
    %mul3A_1365 = arith.mulf %mul3A_1364, %add3A_1343 : vector<16xf32>
    %add3A_1366 = arith.addf %add3A_1253, %mul3A_1365 : vector<16xf32>
    %add3A_1367 = arith.addf %add3A_1254, %mul3A_1364 : vector<16xf32>
    %iota3A_1368 = tpu.iota {dimensions = array<i32: 0>} : vector<16xi32>
    %xor3A_1369 = arith.constant 1 : i32
    %xor3A_1370 = vector.broadcast %xor3A_1369 : i32 to vector<16xi32>
    %xor3A_1371 = arith.xori %iota3A_1368, %xor3A_1370 : vector<16xi32>
    %broadcast_in_dim3A_1372 = vector.shape_cast %xor3A_1371 : vector<16xi32> to vector<16x1xi32>
    %gather3A_1373 = vector.shape_cast %broadcast_in_dim3A_1372 : vector<16x1xi32> to vector<16xi32>
    %gather3A_1374 = tpu.dynamic_gather %scan3A_463#8[%gather3A_1373] in [0] : vector<16xf32>, vector<16xi32> -> vector<16xf32>
    %add3A_1375 = arith.addf %scan3A_463#8, %gather3A_1374 : vector<16xf32>
    %xor3A_1376 = arith.constant 2 : i32
    %xor3A_1377 = vector.broadcast %xor3A_1376 : i32 to vector<16xi32>
    %xor3A_1378 = arith.xori %iota3A_1368, %xor3A_1377 : vector<16xi32>
    %broadcast_in_dim3A_1379 = vector.shape_cast %xor3A_1378 : vector<16xi32> to vector<16x1xi32>
    %gather3A_1380 = vector.shape_cast %broadcast_in_dim3A_1379 : vector<16x1xi32> to vector<16xi32>
    %gather3A_1381 = tpu.dynamic_gather %add3A_1375[%gather3A_1380] in [0] : vector<16xf32>, vector<16xi32> -> vector<16xf32>
    %add3A_1382 = arith.addf %add3A_1375, %gather3A_1381 : vector<16xf32>
    %xor3A_1383 = arith.constant 4 : i32
    %xor3A_1384 = vector.broadcast %xor3A_1383 : i32 to vector<16xi32>
    %xor3A_1385 = arith.xori %iota3A_1368, %xor3A_1384 : vector<16xi32>
    %broadcast_in_dim3A_1386 = vector.shape_cast %xor3A_1385 : vector<16xi32> to vector<16x1xi32>
    %gather3A_1387 = vector.shape_cast %broadcast_in_dim3A_1386 : vector<16x1xi32> to vector<16xi32>
    %gather3A_1388 = tpu.dynamic_gather %add3A_1382[%gather3A_1387] in [0] : vector<16xf32>, vector<16xi32> -> vector<16xf32>
    %add3A_1389 = arith.addf %add3A_1382, %gather3A_1388 : vector<16xf32>
    %xor3A_1390 = arith.constant 8 : i32
    %xor3A_1391 = vector.broadcast %xor3A_1390 : i32 to vector<16xi32>
    %xor3A_1392 = arith.xori %iota3A_1368, %xor3A_1391 : vector<16xi32>
    %broadcast_in_dim3A_1393 = vector.shape_cast %xor3A_1392 : vector<16xi32> to vector<16x1xi32>
    %gather3A_1394 = vector.shape_cast %broadcast_in_dim3A_1393 : vector<16x1xi32> to vector<16xi32>
    %gather3A_1395 = tpu.dynamic_gather %add3A_1389[%gather3A_1394] in [0] : vector<16xf32>, vector<16xi32> -> vector<16xf32>
    %add3A_1396 = arith.addf %add3A_1389, %gather3A_1395 : vector<16xf32>
    %max3A_1397 = arith.constant 9.99999991E-38 : f32
    %max3A_1398 = vector.broadcast %max3A_1397 : f32 to vector<16xf32>
    %max3A_1399 = arith.maximumf %add3A_1396, %max3A_1398 : vector<16xf32>
    %bitcast_convert_type3A_1400 = tpu.bitcast %max3A_1399 : vector<16xf32> -> vector<16xi32>
    %shift_right_arithmetic3A_1401 = arith.constant 23 : i32
    %shift_right_arithmetic3A_1402 = vector.broadcast %shift_right_arithmetic3A_1401 : i32 to vector<16xi32>
    %shift_right_arithmetic3A_1403 = arith.shrsi %bitcast_convert_type3A_1400, %shift_right_arithmetic3A_1402 : vector<16xi32>
    %sub3A_1404 = arith.constant 127 : i32
    %sub3A_1405 = vector.broadcast %sub3A_1404 : i32 to vector<16xi32>
    %sub3A_1406 = arith.subi %shift_right_arithmetic3A_1403, %sub3A_1405 : vector<16xi32>
    %and3A_1407 = arith.constant 8388607 : i32
    %and3A_1408 = vector.broadcast %and3A_1407 : i32 to vector<16xi32>
    %and3A_1409 = arith.andi %bitcast_convert_type3A_1400, %and3A_1408 : vector<16xi32>
    %or3A_1410 = arith.constant 1065353216 : i32
    %or3A_1411 = vector.broadcast %or3A_1410 : i32 to vector<16xi32>
    %or3A_1412 = arith.ori %and3A_1409, %or3A_1411 : vector<16xi32>
    %bitcast_convert_type3A_1413 = tpu.bitcast %or3A_1412 : vector<16xi32> -> vector<16xf32>
    %gt3A_1414 = arith.constant 1.41421354 : f32
    %gt3A_1415 = vector.broadcast %gt3A_1414 : f32 to vector<16xf32>
    %gt3A_1416 = arith.cmpf ogt, %bitcast_convert_type3A_1413, %gt3A_1415 : vector<16xf32>
    %mul3A_1417 = arith.constant 5.000000e-01 : f32
    %mul3A_1418 = vector.broadcast %mul3A_1417 : f32 to vector<16xf32>
    %mul3A_1419 = arith.mulf %bitcast_convert_type3A_1413, %mul3A_1418 : vector<16xf32>
    %select_n3A_1420 = arith.select %gt3A_1416, %mul3A_1419, %bitcast_convert_type3A_1413 : vector<16xi1>, vector<16xf32>
    %add3A_1421 = arith.constant 1 : i32
    %add3A_1422 = vector.broadcast %add3A_1421 : i32 to vector<16xi32>
    %add3A_1423 = arith.addi %sub3A_1406, %add3A_1422 : vector<16xi32>
    %select_n3A_1424 = arith.select %gt3A_1416, %add3A_1423, %sub3A_1406 : vector<16xi1>, vector<16xi32>
    %convert_element_type3A_1425 = arith.sitofp %select_n3A_1424 : vector<16xi32> to vector<16xf32>
    %sub3A_1426 = arith.constant 1.000000e+00 : f32
    %sub3A_1427 = vector.broadcast %sub3A_1426 : f32 to vector<16xf32>
    %sub3A_1428 = arith.subf %select_n3A_1420, %sub3A_1427 : vector<16xf32>
    %add3A_1429 = arith.constant 1.000000e+00 : f32
    %add3A_1430 = vector.broadcast %add3A_1429 : f32 to vector<16xf32>
    %add3A_1431 = arith.addf %select_n3A_1420, %add3A_1430 : vector<16xf32>
    %div3A_1432 = arith.divf %sub3A_1428, %add3A_1431 : vector<16xf32>
    %mul3A_1433 = arith.mulf %div3A_1432, %div3A_1432 : vector<16xf32>
    %mul3A_1434 = arith.constant 0.222222224 : f32
    %mul3A_1435 = vector.broadcast %mul3A_1434 : f32 to vector<16xf32>
    %mul3A_1436 = arith.mulf %mul3A_1433, %mul3A_1435 : vector<16xf32>
    %add3A_1437 = arith.constant 0.285714298 : f32
    %add3A_1438 = vector.broadcast %add3A_1437 : f32 to vector<16xf32>
    %add3A_1439 = arith.addf %add3A_1438, %mul3A_1436 : vector<16xf32>
    %mul3A_1440 = arith.mulf %mul3A_1433, %add3A_1439 : vector<16xf32>
    %add3A_1441 = arith.constant 4.000000e-01 : f32
    %add3A_1442 = vector.broadcast %add3A_1441 : f32 to vector<16xf32>
    %add3A_1443 = arith.addf %add3A_1442, %mul3A_1440 : vector<16xf32>
    %mul3A_1444 = arith.mulf %mul3A_1433, %add3A_1443 : vector<16xf32>
    %add3A_1445 = arith.constant 0.666666686 : f32
    %add3A_1446 = vector.broadcast %add3A_1445 : f32 to vector<16xf32>
    %add3A_1447 = arith.addf %add3A_1446, %mul3A_1444 : vector<16xf32>
    %mul3A_1448 = arith.mulf %mul3A_1433, %add3A_1447 : vector<16xf32>
    %add3A_1449 = arith.constant 2.000000e+00 : f32
    %add3A_1450 = vector.broadcast %add3A_1449 : f32 to vector<16xf32>
    %add3A_1451 = arith.addf %add3A_1450, %mul3A_1448 : vector<16xf32>
    %mul3A_1452 = arith.constant 0.693147182 : f32
    %mul3A_1453 = vector.broadcast %mul3A_1452 : f32 to vector<16xf32>
    %mul3A_1454 = arith.mulf %convert_element_type3A_1425, %mul3A_1453 : vector<16xf32>
    %mul3A_1455 = arith.mulf %div3A_1432, %add3A_1451 : vector<16xf32>
    %add3A_1456 = arith.addf %mul3A_1454, %mul3A_1455 : vector<16xf32>
    %lt3A_1457 = arith.cmpi slt, %add3A_159, %select_n3A_56 : i32
    %jit3A_1458 = arith.constant 1.000000e+00 : f32
    %jit3A_1459 = arith.constant 0.000000e+00 : f32
    %select_n3A_1460 = arith.select %lt3A_1457, %jit3A_1458, %jit3A_1459 : f32
    %shift_right_logical3A_1461 = arith.constant 4 : i32
    %shift_right_logical3A_1462 = arith.shrui %add3A_159, %shift_right_logical3A_1461 : i32
    %and3A_1463 = arith.constant 15 : i32
    %and3A_1464 = arith.andi %add3A_159, %and3A_1463 : i32
    %shift_left3A_1465 = arith.constant 4 : i32
    %shift_left3A_1466 = arith.shli %shift_right_logical3A_1462, %shift_left3A_1465 : i32
    %get3A_1467 = arith.constant 0 : i32
    %get3A_1468 = arith.index_cast %get3A_1467 : i32 to index
    %get3A_1469 = arith.index_cast %shift_left3A_1466 : i32 to index
    %get3A_1470 = tpu.vector_load %arg6[%get3A_1468, %get3A_1469] {strides = array<i32>} : memref<3x128xf32, #tpu.memory_space<vmem>>, vector<1x16xf32>,
    %get3A_1471 = vector.shape_cast %get3A_1470 : vector<1x16xf32> to vector<16xf32>
    %broadcast_in_dim3A_1472 = vector.broadcast %and3A_1464 : i32 to vector<16xi32>
    %broadcast_in_dim3A_1473 = vector.shape_cast %broadcast_in_dim3A_1472 : vector<16xi32> to vector<16x1xi32>
    %gather3A_1474 = vector.shape_cast %broadcast_in_dim3A_1473 : vector<16x1xi32> to vector<16xi32>
    %gather3A_1475 = tpu.dynamic_gather %get3A_1471[%gather3A_1474] in [0] : vector<16xf32>, vector<16xi32> -> vector<16xf32>
    %broadcast_in_dim3A_1476 = vector.broadcast %select_n3A_1460 : f32 to vector<16xf32>
    %mul3A_1477 = arith.mulf %gather3A_1475, %broadcast_in_dim3A_1476 : vector<16xf32>
    %mul3A_1478 = arith.mulf %mul3A_1477, %add3A_1456 : vector<16xf32>
    %add3A_1479 = arith.addf %add3A_1366, %mul3A_1478 : vector<16xf32>
    %add3A_1480 = arith.addf %add3A_1367, %mul3A_1477 : vector<16xf32>
    %iota3A_1481 = tpu.iota {dimensions = array<i32: 0>} : vector<16xi32>
    %xor3A_1482 = arith.constant 1 : i32
    %xor3A_1483 = vector.broadcast %xor3A_1482 : i32 to vector<16xi32>
    %xor3A_1484 = arith.xori %iota3A_1481, %xor3A_1483 : vector<16xi32>
    %broadcast_in_dim3A_1485 = vector.shape_cast %xor3A_1484 : vector<16xi32> to vector<16x1xi32>
    %gather3A_1486 = vector.shape_cast %broadcast_in_dim3A_1485 : vector<16x1xi32> to vector<16xi32>
    %gather3A_1487 = tpu.dynamic_gather %scan3A_463#9[%gather3A_1486] in [0] : vector<16xf32>, vector<16xi32> -> vector<16xf32>
    %add3A_1488 = arith.addf %scan3A_463#9, %gather3A_1487 : vector<16xf32>
    %xor3A_1489 = arith.constant 2 : i32
    %xor3A_1490 = vector.broadcast %xor3A_1489 : i32 to vector<16xi32>
    %xor3A_1491 = arith.xori %iota3A_1481, %xor3A_1490 : vector<16xi32>
    %broadcast_in_dim3A_1492 = vector.shape_cast %xor3A_1491 : vector<16xi32> to vector<16x1xi32>
    %gather3A_1493 = vector.shape_cast %broadcast_in_dim3A_1492 : vector<16x1xi32> to vector<16xi32>
    %gather3A_1494 = tpu.dynamic_gather %add3A_1488[%gather3A_1493] in [0] : vector<16xf32>, vector<16xi32> -> vector<16xf32>
    %add3A_1495 = arith.addf %add3A_1488, %gather3A_1494 : vector<16xf32>
    %xor3A_1496 = arith.constant 4 : i32
    %xor3A_1497 = vector.broadcast %xor3A_1496 : i32 to vector<16xi32>
    %xor3A_1498 = arith.xori %iota3A_1481, %xor3A_1497 : vector<16xi32>
    %broadcast_in_dim3A_1499 = vector.shape_cast %xor3A_1498 : vector<16xi32> to vector<16x1xi32>
    %gather3A_1500 = vector.shape_cast %broadcast_in_dim3A_1499 : vector<16x1xi32> to vector<16xi32>
    %gather3A_1501 = tpu.dynamic_gather %add3A_1495[%gather3A_1500] in [0] : vector<16xf32>, vector<16xi32> -> vector<16xf32>
    %add3A_1502 = arith.addf %add3A_1495, %gather3A_1501 : vector<16xf32>
    %xor3A_1503 = arith.constant 8 : i32
    %xor3A_1504 = vector.broadcast %xor3A_1503 : i32 to vector<16xi32>
    %xor3A_1505 = arith.xori %iota3A_1481, %xor3A_1504 : vector<16xi32>
    %broadcast_in_dim3A_1506 = vector.shape_cast %xor3A_1505 : vector<16xi32> to vector<16x1xi32>
    %gather3A_1507 = vector.shape_cast %broadcast_in_dim3A_1506 : vector<16x1xi32> to vector<16xi32>
    %gather3A_1508 = tpu.dynamic_gather %add3A_1502[%gather3A_1507] in [0] : vector<16xf32>, vector<16xi32> -> vector<16xf32>
    %add3A_1509 = arith.addf %add3A_1502, %gather3A_1508 : vector<16xf32>
    %max3A_1510 = arith.constant 9.99999991E-38 : f32
    %max3A_1511 = vector.broadcast %max3A_1510 : f32 to vector<16xf32>
    %max3A_1512 = arith.maximumf %add3A_1509, %max3A_1511 : vector<16xf32>
    %bitcast_convert_type3A_1513 = tpu.bitcast %max3A_1512 : vector<16xf32> -> vector<16xi32>
    %shift_right_arithmetic3A_1514 = arith.constant 23 : i32
    %shift_right_arithmetic3A_1515 = vector.broadcast %shift_right_arithmetic3A_1514 : i32 to vector<16xi32>
    %shift_right_arithmetic3A_1516 = arith.shrsi %bitcast_convert_type3A_1513, %shift_right_arithmetic3A_1515 : vector<16xi32>
    %sub3A_1517 = arith.constant 127 : i32
    %sub3A_1518 = vector.broadcast %sub3A_1517 : i32 to vector<16xi32>
    %sub3A_1519 = arith.subi %shift_right_arithmetic3A_1516, %sub3A_1518 : vector<16xi32>
    %and3A_1520 = arith.constant 8388607 : i32
    %and3A_1521 = vector.broadcast %and3A_1520 : i32 to vector<16xi32>
    %and3A_1522 = arith.andi %bitcast_convert_type3A_1513, %and3A_1521 : vector<16xi32>
    %or3A_1523 = arith.constant 1065353216 : i32
    %or3A_1524 = vector.broadcast %or3A_1523 : i32 to vector<16xi32>
    %or3A_1525 = arith.ori %and3A_1522, %or3A_1524 : vector<16xi32>
    %bitcast_convert_type3A_1526 = tpu.bitcast %or3A_1525 : vector<16xi32> -> vector<16xf32>
    %gt3A_1527 = arith.constant 1.41421354 : f32
    %gt3A_1528 = vector.broadcast %gt3A_1527 : f32 to vector<16xf32>
    %gt3A_1529 = arith.cmpf ogt, %bitcast_convert_type3A_1526, %gt3A_1528 : vector<16xf32>
    %mul3A_1530 = arith.constant 5.000000e-01 : f32
    %mul3A_1531 = vector.broadcast %mul3A_1530 : f32 to vector<16xf32>
    %mul3A_1532 = arith.mulf %bitcast_convert_type3A_1526, %mul3A_1531 : vector<16xf32>
    %select_n3A_1533 = arith.select %gt3A_1529, %mul3A_1532, %bitcast_convert_type3A_1526 : vector<16xi1>, vector<16xf32>
    %add3A_1534 = arith.constant 1 : i32
    %add3A_1535 = vector.broadcast %add3A_1534 : i32 to vector<16xi32>
    %add3A_1536 = arith.addi %sub3A_1519, %add3A_1535 : vector<16xi32>
    %select_n3A_1537 = arith.select %gt3A_1529, %add3A_1536, %sub3A_1519 : vector<16xi1>, vector<16xi32>
    %convert_element_type3A_1538 = arith.sitofp %select_n3A_1537 : vector<16xi32> to vector<16xf32>
    %sub3A_1539 = arith.constant 1.000000e+00 : f32
    %sub3A_1540 = vector.broadcast %sub3A_1539 : f32 to vector<16xf32>
    %sub3A_1541 = arith.subf %select_n3A_1533, %sub3A_1540 : vector<16xf32>
    %add3A_1542 = arith.constant 1.000000e+00 : f32
    %add3A_1543 = vector.broadcast %add3A_1542 : f32 to vector<16xf32>
    %add3A_1544 = arith.addf %select_n3A_1533, %add3A_1543 : vector<16xf32>
    %div3A_1545 = arith.divf %sub3A_1541, %add3A_1544 : vector<16xf32>
    %mul3A_1546 = arith.mulf %div3A_1545, %div3A_1545 : vector<16xf32>
    %mul3A_1547 = arith.constant 0.222222224 : f32
    %mul3A_1548 = vector.broadcast %mul3A_1547 : f32 to vector<16xf32>
    %mul3A_1549 = arith.mulf %mul3A_1546, %mul3A_1548 : vector<16xf32>
    %add3A_1550 = arith.constant 0.285714298 : f32
    %add3A_1551 = vector.broadcast %add3A_1550 : f32 to vector<16xf32>
    %add3A_1552 = arith.addf %add3A_1551, %mul3A_1549 : vector<16xf32>
    %mul3A_1553 = arith.mulf %mul3A_1546, %add3A_1552 : vector<16xf32>
    %add3A_1554 = arith.constant 4.000000e-01 : f32
    %add3A_1555 = vector.broadcast %add3A_1554 : f32 to vector<16xf32>
    %add3A_1556 = arith.addf %add3A_1555, %mul3A_1553 : vector<16xf32>
    %mul3A_1557 = arith.mulf %mul3A_1546, %add3A_1556 : vector<16xf32>
    %add3A_1558 = arith.constant 0.666666686 : f32
    %add3A_1559 = vector.broadcast %add3A_1558 : f32 to vector<16xf32>
    %add3A_1560 = arith.addf %add3A_1559, %mul3A_1557 : vector<16xf32>
    %mul3A_1561 = arith.mulf %mul3A_1546, %add3A_1560 : vector<16xf32>
    %add3A_1562 = arith.constant 2.000000e+00 : f32
    %add3A_1563 = vector.broadcast %add3A_1562 : f32 to vector<16xf32>
    %add3A_1564 = arith.addf %add3A_1563, %mul3A_1561 : vector<16xf32>
    %mul3A_1565 = arith.constant 0.693147182 : f32
    %mul3A_1566 = vector.broadcast %mul3A_1565 : f32 to vector<16xf32>
    %mul3A_1567 = arith.mulf %convert_element_type3A_1538, %mul3A_1566 : vector<16xf32>
    %mul3A_1568 = arith.mulf %div3A_1545, %add3A_1564 : vector<16xf32>
    %add3A_1569 = arith.addf %mul3A_1567, %mul3A_1568 : vector<16xf32>
    %lt3A_1570 = arith.cmpi slt, %add3A_161, %select_n3A_56 : i32
    %jit3A_1571 = arith.constant 1.000000e+00 : f32
    %jit3A_1572 = arith.constant 0.000000e+00 : f32
    %select_n3A_1573 = arith.select %lt3A_1570, %jit3A_1571, %jit3A_1572 : f32
    %shift_right_logical3A_1574 = arith.constant 4 : i32
    %shift_right_logical3A_1575 = arith.shrui %add3A_161, %shift_right_logical3A_1574 : i32
    %and3A_1576 = arith.constant 15 : i32
    %and3A_1577 = arith.andi %add3A_161, %and3A_1576 : i32
    %shift_left3A_1578 = arith.constant 4 : i32
    %shift_left3A_1579 = arith.shli %shift_right_logical3A_1575, %shift_left3A_1578 : i32
    %get3A_1580 = arith.constant 0 : i32
    %get3A_1581 = arith.index_cast %get3A_1580 : i32 to index
    %get3A_1582 = arith.index_cast %shift_left3A_1579 : i32 to index
    %get3A_1583 = tpu.vector_load %arg6[%get3A_1581, %get3A_1582] {strides = array<i32>} : memref<3x128xf32, #tpu.memory_space<vmem>>, vector<1x16xf32>,
    %get3A_1584 = vector.shape_cast %get3A_1583 : vector<1x16xf32> to vector<16xf32>
    %broadcast_in_dim3A_1585 = vector.broadcast %and3A_1577 : i32 to vector<16xi32>
    %broadcast_in_dim3A_1586 = vector.shape_cast %broadcast_in_dim3A_1585 : vector<16xi32> to vector<16x1xi32>
    %gather3A_1587 = vector.shape_cast %broadcast_in_dim3A_1586 : vector<16x1xi32> to vector<16xi32>
    %gather3A_1588 = tpu.dynamic_gather %get3A_1584[%gather3A_1587] in [0] : vector<16xf32>, vector<16xi32> -> vector<16xf32>
    %broadcast_in_dim3A_1589 = vector.broadcast %select_n3A_1573 : f32 to vector<16xf32>
    %mul3A_1590 = arith.mulf %gather3A_1588, %broadcast_in_dim3A_1589 : vector<16xf32>
    %mul3A_1591 = arith.mulf %mul3A_1590, %add3A_1569 : vector<16xf32>
    %add3A_1592 = arith.addf %add3A_1479, %mul3A_1591 : vector<16xf32>
    %add3A_1593 = arith.addf %add3A_1480, %mul3A_1590 : vector<16xf32>
    %add3A_1594 = arith.constant 10 : i32
    %add3A_1595 = arith.addi %mul3A_50, %add3A_1594 : i32
    %add3A_1596 = arith.constant 11 : i32
    %add3A_1597 = arith.addi %mul3A_50, %add3A_1596 : i32
    %add3A_1598 = arith.constant 12 : i32
    %add3A_1599 = arith.addi %mul3A_50, %add3A_1598 : i32
    %add3A_1600 = arith.constant 13 : i32
    %add3A_1601 = arith.addi %mul3A_50, %add3A_1600 : i32
    %add3A_1602 = arith.constant 14 : i32
    %add3A_1603 = arith.addi %mul3A_50, %add3A_1602 : i32
    %add3A_1604 = arith.constant 15 : i32
    %add3A_1605 = arith.addi %mul3A_50, %add3A_1604 : i32
    %add3A_1606 = arith.constant 16 : i32
    %add3A_1607 = arith.addi %mul3A_50, %add3A_1606 : i32
    %shift_right_logical3A_1608 = arith.constant 4 : i32
    %shift_right_logical3A_1609 = arith.shrui %add3A_1595, %shift_right_logical3A_1608 : i32
    %and3A_1610 = arith.constant 15 : i32
    %and3A_1611 = arith.andi %add3A_1595, %and3A_1610 : i32
    %shift_left3A_1612 = arith.constant 4 : i32
    %shift_left3A_1613 = arith.shli %shift_right_logical3A_1609, %shift_left3A_1612 : i32
    %get3A_1614 = arith.constant 1 : i32
    %get3A_1615 = arith.index_cast %get3A_1614 : i32 to index
    %get3A_1616 = arith.index_cast %shift_left3A_1613 : i32 to index
    %get3A_1617 = tpu.vector_load %arg6[%get3A_1615, %get3A_1616] {strides = array<i32>} : memref<3x128xf32, #tpu.memory_space<vmem>>, vector<1x16xf32>,
    %get3A_1618 = vector.shape_cast %get3A_1617 : vector<1x16xf32> to vector<16xf32>
    %broadcast_in_dim3A_1619 = vector.broadcast %and3A_1611 : i32 to vector<16xi32>
    %broadcast_in_dim3A_1620 = vector.shape_cast %broadcast_in_dim3A_1619 : vector<16xi32> to vector<16x1xi32>
    %gather3A_1621 = vector.shape_cast %broadcast_in_dim3A_1620 : vector<16x1xi32> to vector<16xi32>
    %gather3A_1622 = tpu.dynamic_gather %get3A_1618[%gather3A_1621] in [0] : vector<16xf32>, vector<16xi32> -> vector<16xf32>
    %shift_right_logical3A_1623 = arith.constant 4 : i32
    %shift_right_logical3A_1624 = arith.shrui %add3A_1597, %shift_right_logical3A_1623 : i32
    %and3A_1625 = arith.constant 15 : i32
    %and3A_1626 = arith.andi %add3A_1597, %and3A_1625 : i32
    %shift_left3A_1627 = arith.constant 4 : i32
    %shift_left3A_1628 = arith.shli %shift_right_logical3A_1624, %shift_left3A_1627 : i32
    %get3A_1629 = arith.constant 1 : i32
    %get3A_1630 = arith.index_cast %get3A_1629 : i32 to index
    %get3A_1631 = arith.index_cast %shift_left3A_1628 : i32 to index
    %get3A_1632 = tpu.vector_load %arg6[%get3A_1630, %get3A_1631] {strides = array<i32>} : memref<3x128xf32, #tpu.memory_space<vmem>>, vector<1x16xf32>,
    %get3A_1633 = vector.shape_cast %get3A_1632 : vector<1x16xf32> to vector<16xf32>
    %broadcast_in_dim3A_1634 = vector.broadcast %and3A_1626 : i32 to vector<16xi32>
    %broadcast_in_dim3A_1635 = vector.shape_cast %broadcast_in_dim3A_1634 : vector<16xi32> to vector<16x1xi32>
    %gather3A_1636 = vector.shape_cast %broadcast_in_dim3A_1635 : vector<16x1xi32> to vector<16xi32>
    %gather3A_1637 = tpu.dynamic_gather %get3A_1633[%gather3A_1636] in [0] : vector<16xf32>, vector<16xi32> -> vector<16xf32>
    %shift_right_logical3A_1638 = arith.constant 4 : i32
    %shift_right_logical3A_1639 = arith.shrui %add3A_1599, %shift_right_logical3A_1638 : i32
    %and3A_1640 = arith.constant 15 : i32
    %and3A_1641 = arith.andi %add3A_1599, %and3A_1640 : i32
    %shift_left3A_1642 = arith.constant 4 : i32
    %shift_left3A_1643 = arith.shli %shift_right_logical3A_1639, %shift_left3A_1642 : i32
    %get3A_1644 = arith.constant 1 : i32
    %get3A_1645 = arith.index_cast %get3A_1644 : i32 to index
    %get3A_1646 = arith.index_cast %shift_left3A_1643 : i32 to index
    %get3A_1647 = tpu.vector_load %arg6[%get3A_1645, %get3A_1646] {strides = array<i32>} : memref<3x128xf32, #tpu.memory_space<vmem>>, vector<1x16xf32>,
    %get3A_1648 = vector.shape_cast %get3A_1647 : vector<1x16xf32> to vector<16xf32>
    %broadcast_in_dim3A_1649 = vector.broadcast %and3A_1641 : i32 to vector<16xi32>
    %broadcast_in_dim3A_1650 = vector.shape_cast %broadcast_in_dim3A_1649 : vector<16xi32> to vector<16x1xi32>
    %gather3A_1651 = vector.shape_cast %broadcast_in_dim3A_1650 : vector<16x1xi32> to vector<16xi32>
    %gather3A_1652 = tpu.dynamic_gather %get3A_1648[%gather3A_1651] in [0] : vector<16xf32>, vector<16xi32> -> vector<16xf32>
    %shift_right_logical3A_1653 = arith.constant 4 : i32
    %shift_right_logical3A_1654 = arith.shrui %add3A_1601, %shift_right_logical3A_1653 : i32
    %and3A_1655 = arith.constant 15 : i32
    %and3A_1656 = arith.andi %add3A_1601, %and3A_1655 : i32
    %shift_left3A_1657 = arith.constant 4 : i32
    %shift_left3A_1658 = arith.shli %shift_right_logical3A_1654, %shift_left3A_1657 : i32
    %get3A_1659 = arith.constant 1 : i32
    %get3A_1660 = arith.index_cast %get3A_1659 : i32 to index
    %get3A_1661 = arith.index_cast %shift_left3A_1658 : i32 to index
    %get3A_1662 = tpu.vector_load %arg6[%get3A_1660, %get3A_1661] {strides = array<i32>} : memref<3x128xf32, #tpu.memory_space<vmem>>, vector<1x16xf32>,
    %get3A_1663 = vector.shape_cast %get3A_1662 : vector<1x16xf32> to vector<16xf32>
    %broadcast_in_dim3A_1664 = vector.broadcast %and3A_1656 : i32 to vector<16xi32>
    %broadcast_in_dim3A_1665 = vector.shape_cast %broadcast_in_dim3A_1664 : vector<16xi32> to vector<16x1xi32>
    %gather3A_1666 = vector.shape_cast %broadcast_in_dim3A_1665 : vector<16x1xi32> to vector<16xi32>
    %gather3A_1667 = tpu.dynamic_gather %get3A_1663[%gather3A_1666] in [0] : vector<16xf32>, vector<16xi32> -> vector<16xf32>
    %shift_right_logical3A_1668 = arith.constant 4 : i32
    %shift_right_logical3A_1669 = arith.shrui %add3A_1603, %shift_right_logical3A_1668 : i32
    %and3A_1670 = arith.constant 15 : i32
    %and3A_1671 = arith.andi %add3A_1603, %and3A_1670 : i32
    %shift_left3A_1672 = arith.constant 4 : i32
    %shift_left3A_1673 = arith.shli %shift_right_logical3A_1669, %shift_left3A_1672 : i32
    %get3A_1674 = arith.constant 1 : i32
    %get3A_1675 = arith.index_cast %get3A_1674 : i32 to index
    %get3A_1676 = arith.index_cast %shift_left3A_1673 : i32 to index
    %get3A_1677 = tpu.vector_load %arg6[%get3A_1675, %get3A_1676] {strides = array<i32>} : memref<3x128xf32, #tpu.memory_space<vmem>>, vector<1x16xf32>,
    %get3A_1678 = vector.shape_cast %get3A_1677 : vector<1x16xf32> to vector<16xf32>
    %broadcast_in_dim3A_1679 = vector.broadcast %and3A_1671 : i32 to vector<16xi32>
    %broadcast_in_dim3A_1680 = vector.shape_cast %broadcast_in_dim3A_1679 : vector<16xi32> to vector<16x1xi32>
    %gather3A_1681 = vector.shape_cast %broadcast_in_dim3A_1680 : vector<16x1xi32> to vector<16xi32>
    %gather3A_1682 = tpu.dynamic_gather %get3A_1678[%gather3A_1681] in [0] : vector<16xf32>, vector<16xi32> -> vector<16xf32>
    %shift_right_logical3A_1683 = arith.constant 4 : i32
    %shift_right_logical3A_1684 = arith.shrui %add3A_1605, %shift_right_logical3A_1683 : i32
    %and3A_1685 = arith.constant 15 : i32
    %and3A_1686 = arith.andi %add3A_1605, %and3A_1685 : i32
    %shift_left3A_1687 = arith.constant 4 : i32
    %shift_left3A_1688 = arith.shli %shift_right_logical3A_1684, %shift_left3A_1687 : i32
    %get3A_1689 = arith.constant 1 : i32
    %get3A_1690 = arith.index_cast %get3A_1689 : i32 to index
    %get3A_1691 = arith.index_cast %shift_left3A_1688 : i32 to index
    %get3A_1692 = tpu.vector_load %arg6[%get3A_1690, %get3A_1691] {strides = array<i32>} : memref<3x128xf32, #tpu.memory_space<vmem>>, vector<1x16xf32>,
    %get3A_1693 = vector.shape_cast %get3A_1692 : vector<1x16xf32> to vector<16xf32>
    %broadcast_in_dim3A_1694 = vector.broadcast %and3A_1686 : i32 to vector<16xi32>
    %broadcast_in_dim3A_1695 = vector.shape_cast %broadcast_in_dim3A_1694 : vector<16xi32> to vector<16x1xi32>
    %gather3A_1696 = vector.shape_cast %broadcast_in_dim3A_1695 : vector<16x1xi32> to vector<16xi32>
    %gather3A_1697 = tpu.dynamic_gather %get3A_1693[%gather3A_1696] in [0] : vector<16xf32>, vector<16xi32> -> vector<16xf32>
    %shift_right_logical3A_1698 = arith.constant 4 : i32
    %shift_right_logical3A_1699 = arith.shrui %add3A_1607, %shift_right_logical3A_1698 : i32
    %and3A_1700 = arith.constant 15 : i32
    %and3A_1701 = arith.andi %add3A_1607, %and3A_1700 : i32
    %shift_left3A_1702 = arith.constant 4 : i32
    %shift_left3A_1703 = arith.shli %shift_right_logical3A_1699, %shift_left3A_1702 : i32
    %get3A_1704 = arith.constant 1 : i32
    %get3A_1705 = arith.index_cast %get3A_1704 : i32 to index
    %get3A_1706 = arith.index_cast %shift_left3A_1703 : i32 to index
    %get3A_1707 = tpu.vector_load %arg6[%get3A_1705, %get3A_1706] {strides = array<i32>} : memref<3x128xf32, #tpu.memory_space<vmem>>, vector<1x16xf32>,
    %get3A_1708 = vector.shape_cast %get3A_1707 : vector<1x16xf32> to vector<16xf32>
    %broadcast_in_dim3A_1709 = vector.broadcast %and3A_1701 : i32 to vector<16xi32>
    %broadcast_in_dim3A_1710 = vector.shape_cast %broadcast_in_dim3A_1709 : vector<16xi32> to vector<16x1xi32>
    %gather3A_1711 = vector.shape_cast %broadcast_in_dim3A_1710 : vector<16x1xi32> to vector<16xi32>
    %gather3A_1712 = tpu.dynamic_gather %get3A_1708[%gather3A_1711] in [0] : vector<16xf32>, vector<16xi32> -> vector<16xf32>
    %shift_right_logical3A_1713 = arith.constant 4 : i32
    %shift_right_logical3A_1714 = arith.shrui %add3A_1595, %shift_right_logical3A_1713 : i32
    %and3A_1715 = arith.constant 15 : i32
    %and3A_1716 = arith.andi %add3A_1595, %and3A_1715 : i32
    %shift_left3A_1717 = arith.constant 4 : i32
    %shift_left3A_1718 = arith.shli %shift_right_logical3A_1714, %shift_left3A_1717 : i32
    %get3A_1719 = arith.constant 2 : i32
    %get3A_1720 = arith.index_cast %get3A_1719 : i32 to index
    %get3A_1721 = arith.index_cast %shift_left3A_1718 : i32 to index
    %get3A_1722 = tpu.vector_load %arg6[%get3A_1720, %get3A_1721] {strides = array<i32>} : memref<3x128xf32, #tpu.memory_space<vmem>>, vector<1x16xf32>,
    %get3A_1723 = vector.shape_cast %get3A_1722 : vector<1x16xf32> to vector<16xf32>
    %broadcast_in_dim3A_1724 = vector.broadcast %and3A_1716 : i32 to vector<16xi32>
    %broadcast_in_dim3A_1725 = vector.shape_cast %broadcast_in_dim3A_1724 : vector<16xi32> to vector<16x1xi32>
    %gather3A_1726 = vector.shape_cast %broadcast_in_dim3A_1725 : vector<16x1xi32> to vector<16xi32>
    %gather3A_1727 = tpu.dynamic_gather %get3A_1723[%gather3A_1726] in [0] : vector<16xf32>, vector<16xi32> -> vector<16xf32>
    %shift_right_logical3A_1728 = arith.constant 4 : i32
    %shift_right_logical3A_1729 = arith.shrui %add3A_1597, %shift_right_logical3A_1728 : i32
    %and3A_1730 = arith.constant 15 : i32
    %and3A_1731 = arith.andi %add3A_1597, %and3A_1730 : i32
    %shift_left3A_1732 = arith.constant 4 : i32
    %shift_left3A_1733 = arith.shli %shift_right_logical3A_1729, %shift_left3A_1732 : i32
    %get3A_1734 = arith.constant 2 : i32
    %get3A_1735 = arith.index_cast %get3A_1734 : i32 to index
    %get3A_1736 = arith.index_cast %shift_left3A_1733 : i32 to index
    %get3A_1737 = tpu.vector_load %arg6[%get3A_1735, %get3A_1736] {strides = array<i32>} : memref<3x128xf32, #tpu.memory_space<vmem>>, vector<1x16xf32>,
    %get3A_1738 = vector.shape_cast %get3A_1737 : vector<1x16xf32> to vector<16xf32>
    %broadcast_in_dim3A_1739 = vector.broadcast %and3A_1731 : i32 to vector<16xi32>
    %broadcast_in_dim3A_1740 = vector.shape_cast %broadcast_in_dim3A_1739 : vector<16xi32> to vector<16x1xi32>
    %gather3A_1741 = vector.shape_cast %broadcast_in_dim3A_1740 : vector<16x1xi32> to vector<16xi32>
    %gather3A_1742 = tpu.dynamic_gather %get3A_1738[%gather3A_1741] in [0] : vector<16xf32>, vector<16xi32> -> vector<16xf32>
    %shift_right_logical3A_1743 = arith.constant 4 : i32
    %shift_right_logical3A_1744 = arith.shrui %add3A_1599, %shift_right_logical3A_1743 : i32
    %and3A_1745 = arith.constant 15 : i32
    %and3A_1746 = arith.andi %add3A_1599, %and3A_1745 : i32
    %shift_left3A_1747 = arith.constant 4 : i32
    %shift_left3A_1748 = arith.shli %shift_right_logical3A_1744, %shift_left3A_1747 : i32
    %get3A_1749 = arith.constant 2 : i32
    %get3A_1750 = arith.index_cast %get3A_1749 : i32 to index
    %get3A_1751 = arith.index_cast %shift_left3A_1748 : i32 to index
    %get3A_1752 = tpu.vector_load %arg6[%get3A_1750, %get3A_1751] {strides = array<i32>} : memref<3x128xf32, #tpu.memory_space<vmem>>, vector<1x16xf32>,
    %get3A_1753 = vector.shape_cast %get3A_1752 : vector<1x16xf32> to vector<16xf32>
    %broadcast_in_dim3A_1754 = vector.broadcast %and3A_1746 : i32 to vector<16xi32>
    %broadcast_in_dim3A_1755 = vector.shape_cast %broadcast_in_dim3A_1754 : vector<16xi32> to vector<16x1xi32>
    %gather3A_1756 = vector.shape_cast %broadcast_in_dim3A_1755 : vector<16x1xi32> to vector<16xi32>
    %gather3A_1757 = tpu.dynamic_gather %get3A_1753[%gather3A_1756] in [0] : vector<16xf32>, vector<16xi32> -> vector<16xf32>
    %shift_right_logical3A_1758 = arith.constant 4 : i32
    %shift_right_logical3A_1759 = arith.shrui %add3A_1601, %shift_right_logical3A_1758 : i32
    %and3A_1760 = arith.constant 15 : i32
    %and3A_1761 = arith.andi %add3A_1601, %and3A_1760 : i32
    %shift_left3A_1762 = arith.constant 4 : i32
    %shift_left3A_1763 = arith.shli %shift_right_logical3A_1759, %shift_left3A_1762 : i32
    %get3A_1764 = arith.constant 2 : i32
    %get3A_1765 = arith.index_cast %get3A_1764 : i32 to index
    %get3A_1766 = arith.index_cast %shift_left3A_1763 : i32 to index
    %get3A_1767 = tpu.vector_load %arg6[%get3A_1765, %get3A_1766] {strides = array<i32>} : memref<3x128xf32, #tpu.memory_space<vmem>>, vector<1x16xf32>,
    %get3A_1768 = vector.shape_cast %get3A_1767 : vector<1x16xf32> to vector<16xf32>
    %broadcast_in_dim3A_1769 = vector.broadcast %and3A_1761 : i32 to vector<16xi32>
    %broadcast_in_dim3A_1770 = vector.shape_cast %broadcast_in_dim3A_1769 : vector<16xi32> to vector<16x1xi32>
    %gather3A_1771 = vector.shape_cast %broadcast_in_dim3A_1770 : vector<16x1xi32> to vector<16xi32>
    %gather3A_1772 = tpu.dynamic_gather %get3A_1768[%gather3A_1771] in [0] : vector<16xf32>, vector<16xi32> -> vector<16xf32>
    %shift_right_logical3A_1773 = arith.constant 4 : i32
    %shift_right_logical3A_1774 = arith.shrui %add3A_1603, %shift_right_logical3A_1773 : i32
    %and3A_1775 = arith.constant 15 : i32
    %and3A_1776 = arith.andi %add3A_1603, %and3A_1775 : i32
    %shift_left3A_1777 = arith.constant 4 : i32
    %shift_left3A_1778 = arith.shli %shift_right_logical3A_1774, %shift_left3A_1777 : i32
    %get3A_1779 = arith.constant 2 : i32
    %get3A_1780 = arith.index_cast %get3A_1779 : i32 to index
    %get3A_1781 = arith.index_cast %shift_left3A_1778 : i32 to index
    %get3A_1782 = tpu.vector_load %arg6[%get3A_1780, %get3A_1781] {strides = array<i32>} : memref<3x128xf32, #tpu.memory_space<vmem>>, vector<1x16xf32>,
    %get3A_1783 = vector.shape_cast %get3A_1782 : vector<1x16xf32> to vector<16xf32>
    %broadcast_in_dim3A_1784 = vector.broadcast %and3A_1776 : i32 to vector<16xi32>
    %broadcast_in_dim3A_1785 = vector.shape_cast %broadcast_in_dim3A_1784 : vector<16xi32> to vector<16x1xi32>
    %gather3A_1786 = vector.shape_cast %broadcast_in_dim3A_1785 : vector<16x1xi32> to vector<16xi32>
    %gather3A_1787 = tpu.dynamic_gather %get3A_1783[%gather3A_1786] in [0] : vector<16xf32>, vector<16xi32> -> vector<16xf32>
    %shift_right_logical3A_1788 = arith.constant 4 : i32
    %shift_right_logical3A_1789 = arith.shrui %add3A_1605, %shift_right_logical3A_1788 : i32
    %and3A_1790 = arith.constant 15 : i32
    %and3A_1791 = arith.andi %add3A_1605, %and3A_1790 : i32
    %shift_left3A_1792 = arith.constant 4 : i32
    %shift_left3A_1793 = arith.shli %shift_right_logical3A_1789, %shift_left3A_1792 : i32
    %get3A_1794 = arith.constant 2 : i32
    %get3A_1795 = arith.index_cast %get3A_1794 : i32 to index
    %get3A_1796 = arith.index_cast %shift_left3A_1793 : i32 to index
    %get3A_1797 = tpu.vector_load %arg6[%get3A_1795, %get3A_1796] {strides = array<i32>} : memref<3x128xf32, #tpu.memory_space<vmem>>, vector<1x16xf32>,
    %get3A_1798 = vector.shape_cast %get3A_1797 : vector<1x16xf32> to vector<16xf32>
    %broadcast_in_dim3A_1799 = vector.broadcast %and3A_1791 : i32 to vector<16xi32>
    %broadcast_in_dim3A_1800 = vector.shape_cast %broadcast_in_dim3A_1799 : vector<16xi32> to vector<16x1xi32>
    %gather3A_1801 = vector.shape_cast %broadcast_in_dim3A_1800 : vector<16x1xi32> to vector<16xi32>
    %gather3A_1802 = tpu.dynamic_gather %get3A_1798[%gather3A_1801] in [0] : vector<16xf32>, vector<16xi32> -> vector<16xf32>
    %shift_right_logical3A_1803 = arith.constant 4 : i32
    %shift_right_logical3A_1804 = arith.shrui %add3A_1607, %shift_right_logical3A_1803 : i32
    %and3A_1805 = arith.constant 15 : i32
    %and3A_1806 = arith.andi %add3A_1607, %and3A_1805 : i32
    %shift_left3A_1807 = arith.constant 4 : i32
    %shift_left3A_1808 = arith.shli %shift_right_logical3A_1804, %shift_left3A_1807 : i32
    %get3A_1809 = arith.constant 2 : i32
    %get3A_1810 = arith.index_cast %get3A_1809 : i32 to index
    %get3A_1811 = arith.index_cast %shift_left3A_1808 : i32 to index
    %get3A_1812 = tpu.vector_load %arg6[%get3A_1810, %get3A_1811] {strides = array<i32>} : memref<3x128xf32, #tpu.memory_space<vmem>>, vector<1x16xf32>,
    %get3A_1813 = vector.shape_cast %get3A_1812 : vector<1x16xf32> to vector<16xf32>
    %broadcast_in_dim3A_1814 = vector.broadcast %and3A_1806 : i32 to vector<16xi32>
    %broadcast_in_dim3A_1815 = vector.shape_cast %broadcast_in_dim3A_1814 : vector<16xi32> to vector<16x1xi32>
    %gather3A_1816 = vector.shape_cast %broadcast_in_dim3A_1815 : vector<16x1xi32> to vector<16xi32>
    %gather3A_1817 = tpu.dynamic_gather %get3A_1813[%gather3A_1816] in [0] : vector<16xf32>, vector<16xi32> -> vector<16xf32>
    %scan3A_1818 = arith.constant 0 : i32
    %scan3A_1819 = arith.constant 256 : i32
    %scan3A_1820 = arith.addi %scan3A_1818, %scan3A_1819 : i32
    %scan3A_1821 = arith.constant 1 : i32
    %scan3A_1822:7 = scf.for %scan3A_2622 = %scan3A_1818 to %scan3A_1820 step %scan3A_1821 iter_args(%scan3A_2623 = %broadcast_in_dim3A_57, %scan3A_2624 = %broadcast_in_dim3A_57, %scan3A_2625 = %broadcast_in_dim3A_57, %scan3A_2626 = %broadcast_in_dim3A_57, %scan3A_2627 = %broadcast_in_dim3A_57, %scan3A_2628 = %broadcast_in_dim3A_57, %scan3A_2629 = %broadcast_in_dim3A_57) -> (vector<16xf32>, vector<16xf32>, vector<16xf32>, vector<16xf32>, vector<16xf32>, vector<16xf32>, vector<16xf32>)  : i32 {
      %shift_right_logical3A_2630 = arith.constant 2 : i32
      %shift_right_logical3A_2631 = arith.shrui %scan3A_2622, %shift_right_logical3A_2630 : i32
      %and3A_2632 = arith.constant 3 : i32
      %and3A_2633 = arith.andi %scan3A_2622, %and3A_2632 : i32
      %shift_left3A_2634 = arith.constant 4 : i32
      %shift_left3A_2635 = arith.shli %and3A_2633, %shift_left3A_2634 : i32
      %mul3A_2636 = arith.constant 16 : i32
      %mul3A_2637 = arith.muli %scan3A_2622, %mul3A_2636 : i32
      %get3A_2638 = arith.index_cast %mul3A_2637 : i32 to index
      %get3A_2639 = tpu.vector_load %arg9[%get3A_2638] {strides = array<i32>} : memref<4096xf32, #tpu.memory_space<vmem>>, vector<16xf32>,
      %get3A_2640 = vector.shape_cast %get3A_2639 : vector<16xf32> to vector<16xf32>
      %get3A_2641 = arith.index_cast %mul3A_2637 : i32 to index
      %get3A_2642 = tpu.vector_load %arg7[%get3A_2641] {strides = array<i32>} : memref<4096xf32, #tpu.memory_space<vmem>>, vector<16xf32>,
      %get3A_2643 = vector.shape_cast %get3A_2642 : vector<16xf32> to vector<16xf32>
      %get3A_2644 = arith.index_cast %mul3A_2637 : i32 to index
      %get3A_2645 = tpu.vector_load %arg8[%get3A_2644] {strides = array<i32>} : memref<4096xf32, #tpu.memory_space<vmem>>, vector<16xf32>,
      %get3A_2646 = vector.shape_cast %get3A_2645 : vector<16xf32> to vector<16xf32>
      %get3A_2647 = arith.constant 1 : i32
      %get3A_2648 = arith.index_cast %get3A_2647 : i32 to index
      %get3A_2649 = arith.index_cast %shift_right_logical3A_2631 : i32 to index
      %get3A_2650 = arith.index_cast %shift_left3A_2635 : i32 to index
      %get3A_2651 = tpu.vector_load %arg5[%get3A_2648, %get3A_2649, %get3A_2650] {strides = array<i32>} : memref<5x64x64xf32, #tpu.memory_space<vmem>>, vector<1x1x16xf32>,
      %get3A_2652 = vector.shape_cast %get3A_2651 : vector<1x1x16xf32> to vector<16xf32>
      %get3A_2653 = arith.constant 2 : i32
      %get3A_2654 = arith.index_cast %get3A_2653 : i32 to index
      %get3A_2655 = arith.index_cast %shift_right_logical3A_2631 : i32 to index
      %get3A_2656 = arith.index_cast %shift_left3A_2635 : i32 to index
      %get3A_2657 = tpu.vector_load %arg5[%get3A_2654, %get3A_2655, %get3A_2656] {strides = array<i32>} : memref<5x64x64xf32, #tpu.memory_space<vmem>>, vector<1x1x16xf32>,
      %get3A_2658 = vector.shape_cast %get3A_2657 : vector<1x1x16xf32> to vector<16xf32>
      %sub3A_2659 = arith.subf %gather3A_1622, %get3A_2652 : vector<16xf32>
      %sub3A_2660 = arith.subf %gather3A_1727, %get3A_2658 : vector<16xf32>
      %mul3A_2661 = arith.mulf %sub3A_2659, %sub3A_2659 : vector<16xf32>
      %mul3A_2662 = arith.mulf %get3A_2643, %mul3A_2661 : vector<16xf32>
      %mul3A_2663 = arith.mulf %sub3A_2660, %sub3A_2660 : vector<16xf32>
      %mul3A_2664 = arith.mulf %get3A_2646, %mul3A_2663 : vector<16xf32>
      %add3A_2665 = arith.addf %mul3A_2662, %mul3A_2664 : vector<16xf32>
      %neg3A_2666 = arith.constant 0.000000e+00 : f32
      %neg3A_2667 = vector.broadcast %neg3A_2666 : f32 to vector<16xf32>
      %neg3A_2668 = arith.subf %neg3A_2667, %add3A_2665 : vector<16xf32>
      %exp3A = math.exp %neg3A_2668 : vector<16xf32>
      %mul3A_2669 = arith.mulf %get3A_2640, %exp3A : vector<16xf32>
      %add3A_2670 = arith.addf %scan3A_2623, %mul3A_2669 : vector<16xf32>
      %sub3A_2671 = arith.subf %gather3A_1637, %get3A_2652 : vector<16xf32>
      %sub3A_2672 = arith.subf %gather3A_1742, %get3A_2658 : vector<16xf32>
      %mul3A_2673 = arith.mulf %sub3A_2671, %sub3A_2671 : vector<16xf32>
      %mul3A_2674 = arith.mulf %get3A_2643, %mul3A_2673 : vector<16xf32>
      %mul3A_2675 = arith.mulf %sub3A_2672, %sub3A_2672 : vector<16xf32>
      %mul3A_2676 = arith.mulf %get3A_2646, %mul3A_2675 : vector<16xf32>
      %add3A_2677 = arith.addf %mul3A_2674, %mul3A_2676 : vector<16xf32>
      %neg3A_2678 = arith.constant 0.000000e+00 : f32
      %neg3A_2679 = vector.broadcast %neg3A_2678 : f32 to vector<16xf32>
      %neg3A_2680 = arith.subf %neg3A_2679, %add3A_2677 : vector<16xf32>
      %exp3A_2681 = math.exp %neg3A_2680 : vector<16xf32>
      %mul3A_2682 = arith.mulf %get3A_2640, %exp3A_2681 : vector<16xf32>
      %add3A_2683 = arith.addf %scan3A_2624, %mul3A_2682 : vector<16xf32>
      %sub3A_2684 = arith.subf %gather3A_1652, %get3A_2652 : vector<16xf32>
      %sub3A_2685 = arith.subf %gather3A_1757, %get3A_2658 : vector<16xf32>
      %mul3A_2686 = arith.mulf %sub3A_2684, %sub3A_2684 : vector<16xf32>
      %mul3A_2687 = arith.mulf %get3A_2643, %mul3A_2686 : vector<16xf32>
      %mul3A_2688 = arith.mulf %sub3A_2685, %sub3A_2685 : vector<16xf32>
      %mul3A_2689 = arith.mulf %get3A_2646, %mul3A_2688 : vector<16xf32>
      %add3A_2690 = arith.addf %mul3A_2687, %mul3A_2689 : vector<16xf32>
      %neg3A_2691 = arith.constant 0.000000e+00 : f32
      %neg3A_2692 = vector.broadcast %neg3A_2691 : f32 to vector<16xf32>
      %neg3A_2693 = arith.subf %neg3A_2692, %add3A_2690 : vector<16xf32>
      %exp3A_2694 = math.exp %neg3A_2693 : vector<16xf32>
      %mul3A_2695 = arith.mulf %get3A_2640, %exp3A_2694 : vector<16xf32>
      %add3A_2696 = arith.addf %scan3A_2625, %mul3A_2695 : vector<16xf32>
      %sub3A_2697 = arith.subf %gather3A_1667, %get3A_2652 : vector<16xf32>
      %sub3A_2698 = arith.subf %gather3A_1772, %get3A_2658 : vector<16xf32>
      %mul3A_2699 = arith.mulf %sub3A_2697, %sub3A_2697 : vector<16xf32>
      %mul3A_2700 = arith.mulf %get3A_2643, %mul3A_2699 : vector<16xf32>
      %mul3A_2701 = arith.mulf %sub3A_2698, %sub3A_2698 : vector<16xf32>
      %mul3A_2702 = arith.mulf %get3A_2646, %mul3A_2701 : vector<16xf32>
      %add3A_2703 = arith.addf %mul3A_2700, %mul3A_2702 : vector<16xf32>
      %neg3A_2704 = arith.constant 0.000000e+00 : f32
      %neg3A_2705 = vector.broadcast %neg3A_2704 : f32 to vector<16xf32>
      %neg3A_2706 = arith.subf %neg3A_2705, %add3A_2703 : vector<16xf32>
      %exp3A_2707 = math.exp %neg3A_2706 : vector<16xf32>
      %mul3A_2708 = arith.mulf %get3A_2640, %exp3A_2707 : vector<16xf32>
      %add3A_2709 = arith.addf %scan3A_2626, %mul3A_2708 : vector<16xf32>
      %sub3A_2710 = arith.subf %gather3A_1682, %get3A_2652 : vector<16xf32>
      %sub3A_2711 = arith.subf %gather3A_1787, %get3A_2658 : vector<16xf32>
      %mul3A_2712 = arith.mulf %sub3A_2710, %sub3A_2710 : vector<16xf32>
      %mul3A_2713 = arith.mulf %get3A_2643, %mul3A_2712 : vector<16xf32>
      %mul3A_2714 = arith.mulf %sub3A_2711, %sub3A_2711 : vector<16xf32>
      %mul3A_2715 = arith.mulf %get3A_2646, %mul3A_2714 : vector<16xf32>
      %add3A_2716 = arith.addf %mul3A_2713, %mul3A_2715 : vector<16xf32>
      %neg3A_2717 = arith.constant 0.000000e+00 : f32
      %neg3A_2718 = vector.broadcast %neg3A_2717 : f32 to vector<16xf32>
      %neg3A_2719 = arith.subf %neg3A_2718, %add3A_2716 : vector<16xf32>
      %exp3A_2720 = math.exp %neg3A_2719 : vector<16xf32>
      %mul3A_2721 = arith.mulf %get3A_2640, %exp3A_2720 : vector<16xf32>
      %add3A_2722 = arith.addf %scan3A_2627, %mul3A_2721 : vector<16xf32>
      %sub3A_2723 = arith.subf %gather3A_1697, %get3A_2652 : vector<16xf32>
      %sub3A_2724 = arith.subf %gather3A_1802, %get3A_2658 : vector<16xf32>
      %mul3A_2725 = arith.mulf %sub3A_2723, %sub3A_2723 : vector<16xf32>
      %mul3A_2726 = arith.mulf %get3A_2643, %mul3A_2725 : vector<16xf32>
      %mul3A_2727 = arith.mulf %sub3A_2724, %sub3A_2724 : vector<16xf32>
      %mul3A_2728 = arith.mulf %get3A_2646, %mul3A_2727 : vector<16xf32>
      %add3A_2729 = arith.addf %mul3A_2726, %mul3A_2728 : vector<16xf32>
      %neg3A_2730 = arith.constant 0.000000e+00 : f32
      %neg3A_2731 = vector.broadcast %neg3A_2730 : f32 to vector<16xf32>
      %neg3A_2732 = arith.subf %neg3A_2731, %add3A_2729 : vector<16xf32>
      %exp3A_2733 = math.exp %neg3A_2732 : vector<16xf32>
      %mul3A_2734 = arith.mulf %get3A_2640, %exp3A_2733 : vector<16xf32>
      %add3A_2735 = arith.addf %scan3A_2628, %mul3A_2734 : vector<16xf32>
      %sub3A_2736 = arith.subf %gather3A_1712, %get3A_2652 : vector<16xf32>
      %sub3A_2737 = arith.subf %gather3A_1817, %get3A_2658 : vector<16xf32>
      %mul3A_2738 = arith.mulf %sub3A_2736, %sub3A_2736 : vector<16xf32>
      %mul3A_2739 = arith.mulf %get3A_2643, %mul3A_2738 : vector<16xf32>
      %mul3A_2740 = arith.mulf %sub3A_2737, %sub3A_2737 : vector<16xf32>
      %mul3A_2741 = arith.mulf %get3A_2646, %mul3A_2740 : vector<16xf32>
      %add3A_2742 = arith.addf %mul3A_2739, %mul3A_2741 : vector<16xf32>
      %neg3A_2743 = arith.constant 0.000000e+00 : f32
      %neg3A_2744 = vector.broadcast %neg3A_2743 : f32 to vector<16xf32>
      %neg3A_2745 = arith.subf %neg3A_2744, %add3A_2742 : vector<16xf32>
      %exp3A_2746 = math.exp %neg3A_2745 : vector<16xf32>
      %mul3A_2747 = arith.mulf %get3A_2640, %exp3A_2746 : vector<16xf32>
      %add3A_2748 = arith.addf %scan3A_2629, %mul3A_2747 : vector<16xf32>
      scf.yield %add3A_2670, %add3A_2683, %add3A_2696, %add3A_2709, %add3A_2722, %add3A_2735, %add3A_2748 : vector<16xf32>, vector<16xf32>, vector<16xf32>, vector<16xf32>, vector<16xf32>, vector<16xf32>, vector<16xf32>
    }
    %scan3A_1823 = arith.constant 256 : i32
    %iota3A_1824 = tpu.iota {dimensions = array<i32: 0>} : vector<16xi32>
    %xor3A_1825 = arith.constant 1 : i32
    %xor3A_1826 = vector.broadcast %xor3A_1825 : i32 to vector<16xi32>
    %xor3A_1827 = arith.xori %iota3A_1824, %xor3A_1826 : vector<16xi32>
    %broadcast_in_dim3A_1828 = vector.shape_cast %xor3A_1827 : vector<16xi32> to vector<16x1xi32>
    %gather3A_1829 = vector.shape_cast %broadcast_in_dim3A_1828 : vector<16x1xi32> to vector<16xi32>
    %gather3A_1830 = tpu.dynamic_gather %scan3A_1822#0[%gather3A_1829] in [0] : vector<16xf32>, vector<16xi32> -> vector<16xf32>
    %add3A_1831 = arith.addf %scan3A_1822#0, %gather3A_1830 : vector<16xf32>
    %xor3A_1832 = arith.constant 2 : i32
    %xor3A_1833 = vector.broadcast %xor3A_1832 : i32 to vector<16xi32>
    %xor3A_1834 = arith.xori %iota3A_1824, %xor3A_1833 : vector<16xi32>
    %broadcast_in_dim3A_1835 = vector.shape_cast %xor3A_1834 : vector<16xi32> to vector<16x1xi32>
    %gather3A_1836 = vector.shape_cast %broadcast_in_dim3A_1835 : vector<16x1xi32> to vector<16xi32>
    %gather3A_1837 = tpu.dynamic_gather %add3A_1831[%gather3A_1836] in [0] : vector<16xf32>, vector<16xi32> -> vector<16xf32>
    %add3A_1838 = arith.addf %add3A_1831, %gather3A_1837 : vector<16xf32>
    %xor3A_1839 = arith.constant 4 : i32
    %xor3A_1840 = vector.broadcast %xor3A_1839 : i32 to vector<16xi32>
    %xor3A_1841 = arith.xori %iota3A_1824, %xor3A_1840 : vector<16xi32>
    %broadcast_in_dim3A_1842 = vector.shape_cast %xor3A_1841 : vector<16xi32> to vector<16x1xi32>
    %gather3A_1843 = vector.shape_cast %broadcast_in_dim3A_1842 : vector<16x1xi32> to vector<16xi32>
    %gather3A_1844 = tpu.dynamic_gather %add3A_1838[%gather3A_1843] in [0] : vector<16xf32>, vector<16xi32> -> vector<16xf32>
    %add3A_1845 = arith.addf %add3A_1838, %gather3A_1844 : vector<16xf32>
    %xor3A_1846 = arith.constant 8 : i32
    %xor3A_1847 = vector.broadcast %xor3A_1846 : i32 to vector<16xi32>
    %xor3A_1848 = arith.xori %iota3A_1824, %xor3A_1847 : vector<16xi32>
    %broadcast_in_dim3A_1849 = vector.shape_cast %xor3A_1848 : vector<16xi32> to vector<16x1xi32>
    %gather3A_1850 = vector.shape_cast %broadcast_in_dim3A_1849 : vector<16x1xi32> to vector<16xi32>
    %gather3A_1851 = tpu.dynamic_gather %add3A_1845[%gather3A_1850] in [0] : vector<16xf32>, vector<16xi32> -> vector<16xf32>
    %add3A_1852 = arith.addf %add3A_1845, %gather3A_1851 : vector<16xf32>
    %max3A_1853 = arith.constant 9.99999991E-38 : f32
    %max3A_1854 = vector.broadcast %max3A_1853 : f32 to vector<16xf32>
    %max3A_1855 = arith.maximumf %add3A_1852, %max3A_1854 : vector<16xf32>
    %bitcast_convert_type3A_1856 = tpu.bitcast %max3A_1855 : vector<16xf32> -> vector<16xi32>
    %shift_right_arithmetic3A_1857 = arith.constant 23 : i32
    %shift_right_arithmetic3A_1858 = vector.broadcast %shift_right_arithmetic3A_1857 : i32 to vector<16xi32>
    %shift_right_arithmetic3A_1859 = arith.shrsi %bitcast_convert_type3A_1856, %shift_right_arithmetic3A_1858 : vector<16xi32>
    %sub3A_1860 = arith.constant 127 : i32
    %sub3A_1861 = vector.broadcast %sub3A_1860 : i32 to vector<16xi32>
    %sub3A_1862 = arith.subi %shift_right_arithmetic3A_1859, %sub3A_1861 : vector<16xi32>
    %and3A_1863 = arith.constant 8388607 : i32
    %and3A_1864 = vector.broadcast %and3A_1863 : i32 to vector<16xi32>
    %and3A_1865 = arith.andi %bitcast_convert_type3A_1856, %and3A_1864 : vector<16xi32>
    %or3A_1866 = arith.constant 1065353216 : i32
    %or3A_1867 = vector.broadcast %or3A_1866 : i32 to vector<16xi32>
    %or3A_1868 = arith.ori %and3A_1865, %or3A_1867 : vector<16xi32>
    %bitcast_convert_type3A_1869 = tpu.bitcast %or3A_1868 : vector<16xi32> -> vector<16xf32>
    %gt3A_1870 = arith.constant 1.41421354 : f32
    %gt3A_1871 = vector.broadcast %gt3A_1870 : f32 to vector<16xf32>
    %gt3A_1872 = arith.cmpf ogt, %bitcast_convert_type3A_1869, %gt3A_1871 : vector<16xf32>
    %mul3A_1873 = arith.constant 5.000000e-01 : f32
    %mul3A_1874 = vector.broadcast %mul3A_1873 : f32 to vector<16xf32>
    %mul3A_1875 = arith.mulf %bitcast_convert_type3A_1869, %mul3A_1874 : vector<16xf32>
    %select_n3A_1876 = arith.select %gt3A_1872, %mul3A_1875, %bitcast_convert_type3A_1869 : vector<16xi1>, vector<16xf32>
    %add3A_1877 = arith.constant 1 : i32
    %add3A_1878 = vector.broadcast %add3A_1877 : i32 to vector<16xi32>
    %add3A_1879 = arith.addi %sub3A_1862, %add3A_1878 : vector<16xi32>
    %select_n3A_1880 = arith.select %gt3A_1872, %add3A_1879, %sub3A_1862 : vector<16xi1>, vector<16xi32>
    %convert_element_type3A_1881 = arith.sitofp %select_n3A_1880 : vector<16xi32> to vector<16xf32>
    %sub3A_1882 = arith.constant 1.000000e+00 : f32
    %sub3A_1883 = vector.broadcast %sub3A_1882 : f32 to vector<16xf32>
    %sub3A_1884 = arith.subf %select_n3A_1876, %sub3A_1883 : vector<16xf32>
    %add3A_1885 = arith.constant 1.000000e+00 : f32
    %add3A_1886 = vector.broadcast %add3A_1885 : f32 to vector<16xf32>
    %add3A_1887 = arith.addf %select_n3A_1876, %add3A_1886 : vector<16xf32>
    %div3A_1888 = arith.divf %sub3A_1884, %add3A_1887 : vector<16xf32>
    %mul3A_1889 = arith.mulf %div3A_1888, %div3A_1888 : vector<16xf32>
    %mul3A_1890 = arith.constant 0.222222224 : f32
    %mul3A_1891 = vector.broadcast %mul3A_1890 : f32 to vector<16xf32>
    %mul3A_1892 = arith.mulf %mul3A_1889, %mul3A_1891 : vector<16xf32>
    %add3A_1893 = arith.constant 0.285714298 : f32
    %add3A_1894 = vector.broadcast %add3A_1893 : f32 to vector<16xf32>
    %add3A_1895 = arith.addf %add3A_1894, %mul3A_1892 : vector<16xf32>
    %mul3A_1896 = arith.mulf %mul3A_1889, %add3A_1895 : vector<16xf32>
    %add3A_1897 = arith.constant 4.000000e-01 : f32
    %add3A_1898 = vector.broadcast %add3A_1897 : f32 to vector<16xf32>
    %add3A_1899 = arith.addf %add3A_1898, %mul3A_1896 : vector<16xf32>
    %mul3A_1900 = arith.mulf %mul3A_1889, %add3A_1899 : vector<16xf32>
    %add3A_1901 = arith.constant 0.666666686 : f32
    %add3A_1902 = vector.broadcast %add3A_1901 : f32 to vector<16xf32>
    %add3A_1903 = arith.addf %add3A_1902, %mul3A_1900 : vector<16xf32>
    %mul3A_1904 = arith.mulf %mul3A_1889, %add3A_1903 : vector<16xf32>
    %add3A_1905 = arith.constant 2.000000e+00 : f32
    %add3A_1906 = vector.broadcast %add3A_1905 : f32 to vector<16xf32>
    %add3A_1907 = arith.addf %add3A_1906, %mul3A_1904 : vector<16xf32>
    %mul3A_1908 = arith.constant 0.693147182 : f32
    %mul3A_1909 = vector.broadcast %mul3A_1908 : f32 to vector<16xf32>
    %mul3A_1910 = arith.mulf %convert_element_type3A_1881, %mul3A_1909 : vector<16xf32>
    %mul3A_1911 = arith.mulf %div3A_1888, %add3A_1907 : vector<16xf32>
    %add3A_1912 = arith.addf %mul3A_1910, %mul3A_1911 : vector<16xf32>
    %lt3A_1913 = arith.cmpi slt, %add3A_1595, %select_n3A_56 : i32
    %jit3A_1914 = arith.constant 1.000000e+00 : f32
    %jit3A_1915 = arith.constant 0.000000e+00 : f32
    %select_n3A_1916 = arith.select %lt3A_1913, %jit3A_1914, %jit3A_1915 : f32
    %shift_right_logical3A_1917 = arith.constant 4 : i32
    %shift_right_logical3A_1918 = arith.shrui %add3A_1595, %shift_right_logical3A_1917 : i32
    %and3A_1919 = arith.constant 15 : i32
    %and3A_1920 = arith.andi %add3A_1595, %and3A_1919 : i32
    %shift_left3A_1921 = arith.constant 4 : i32
    %shift_left3A_1922 = arith.shli %shift_right_logical3A_1918, %shift_left3A_1921 : i32
    %get3A_1923 = arith.constant 0 : i32
    %get3A_1924 = arith.index_cast %get3A_1923 : i32 to index
    %get3A_1925 = arith.index_cast %shift_left3A_1922 : i32 to index
    %get3A_1926 = tpu.vector_load %arg6[%get3A_1924, %get3A_1925] {strides = array<i32>} : memref<3x128xf32, #tpu.memory_space<vmem>>, vector<1x16xf32>,
    %get3A_1927 = vector.shape_cast %get3A_1926 : vector<1x16xf32> to vector<16xf32>
    %broadcast_in_dim3A_1928 = vector.broadcast %and3A_1920 : i32 to vector<16xi32>
    %broadcast_in_dim3A_1929 = vector.shape_cast %broadcast_in_dim3A_1928 : vector<16xi32> to vector<16x1xi32>
    %gather3A_1930 = vector.shape_cast %broadcast_in_dim3A_1929 : vector<16x1xi32> to vector<16xi32>
    %gather3A_1931 = tpu.dynamic_gather %get3A_1927[%gather3A_1930] in [0] : vector<16xf32>, vector<16xi32> -> vector<16xf32>
    %broadcast_in_dim3A_1932 = vector.broadcast %select_n3A_1916 : f32 to vector<16xf32>
    %mul3A_1933 = arith.mulf %gather3A_1931, %broadcast_in_dim3A_1932 : vector<16xf32>
    %mul3A_1934 = arith.mulf %mul3A_1933, %add3A_1912 : vector<16xf32>
    %add3A_1935 = arith.addf %add3A_1592, %mul3A_1934 : vector<16xf32>
    %add3A_1936 = arith.addf %add3A_1593, %mul3A_1933 : vector<16xf32>
    %iota3A_1937 = tpu.iota {dimensions = array<i32: 0>} : vector<16xi32>
    %xor3A_1938 = arith.constant 1 : i32
    %xor3A_1939 = vector.broadcast %xor3A_1938 : i32 to vector<16xi32>
    %xor3A_1940 = arith.xori %iota3A_1937, %xor3A_1939 : vector<16xi32>
    %broadcast_in_dim3A_1941 = vector.shape_cast %xor3A_1940 : vector<16xi32> to vector<16x1xi32>
    %gather3A_1942 = vector.shape_cast %broadcast_in_dim3A_1941 : vector<16x1xi32> to vector<16xi32>
    %gather3A_1943 = tpu.dynamic_gather %scan3A_1822#1[%gather3A_1942] in [0] : vector<16xf32>, vector<16xi32> -> vector<16xf32>
    %add3A_1944 = arith.addf %scan3A_1822#1, %gather3A_1943 : vector<16xf32>
    %xor3A_1945 = arith.constant 2 : i32
    %xor3A_1946 = vector.broadcast %xor3A_1945 : i32 to vector<16xi32>
    %xor3A_1947 = arith.xori %iota3A_1937, %xor3A_1946 : vector<16xi32>
    %broadcast_in_dim3A_1948 = vector.shape_cast %xor3A_1947 : vector<16xi32> to vector<16x1xi32>
    %gather3A_1949 = vector.shape_cast %broadcast_in_dim3A_1948 : vector<16x1xi32> to vector<16xi32>
    %gather3A_1950 = tpu.dynamic_gather %add3A_1944[%gather3A_1949] in [0] : vector<16xf32>, vector<16xi32> -> vector<16xf32>
    %add3A_1951 = arith.addf %add3A_1944, %gather3A_1950 : vector<16xf32>
    %xor3A_1952 = arith.constant 4 : i32
    %xor3A_1953 = vector.broadcast %xor3A_1952 : i32 to vector<16xi32>
    %xor3A_1954 = arith.xori %iota3A_1937, %xor3A_1953 : vector<16xi32>
    %broadcast_in_dim3A_1955 = vector.shape_cast %xor3A_1954 : vector<16xi32> to vector<16x1xi32>
    %gather3A_1956 = vector.shape_cast %broadcast_in_dim3A_1955 : vector<16x1xi32> to vector<16xi32>
    %gather3A_1957 = tpu.dynamic_gather %add3A_1951[%gather3A_1956] in [0] : vector<16xf32>, vector<16xi32> -> vector<16xf32>
    %add3A_1958 = arith.addf %add3A_1951, %gather3A_1957 : vector<16xf32>
    %xor3A_1959 = arith.constant 8 : i32
    %xor3A_1960 = vector.broadcast %xor3A_1959 : i32 to vector<16xi32>
    %xor3A_1961 = arith.xori %iota3A_1937, %xor3A_1960 : vector<16xi32>
    %broadcast_in_dim3A_1962 = vector.shape_cast %xor3A_1961 : vector<16xi32> to vector<16x1xi32>
    %gather3A_1963 = vector.shape_cast %broadcast_in_dim3A_1962 : vector<16x1xi32> to vector<16xi32>
    %gather3A_1964 = tpu.dynamic_gather %add3A_1958[%gather3A_1963] in [0] : vector<16xf32>, vector<16xi32> -> vector<16xf32>
    %add3A_1965 = arith.addf %add3A_1958, %gather3A_1964 : vector<16xf32>
    %max3A_1966 = arith.constant 9.99999991E-38 : f32
    %max3A_1967 = vector.broadcast %max3A_1966 : f32 to vector<16xf32>
    %max3A_1968 = arith.maximumf %add3A_1965, %max3A_1967 : vector<16xf32>
    %bitcast_convert_type3A_1969 = tpu.bitcast %max3A_1968 : vector<16xf32> -> vector<16xi32>
    %shift_right_arithmetic3A_1970 = arith.constant 23 : i32
    %shift_right_arithmetic3A_1971 = vector.broadcast %shift_right_arithmetic3A_1970 : i32 to vector<16xi32>
    %shift_right_arithmetic3A_1972 = arith.shrsi %bitcast_convert_type3A_1969, %shift_right_arithmetic3A_1971 : vector<16xi32>
    %sub3A_1973 = arith.constant 127 : i32
    %sub3A_1974 = vector.broadcast %sub3A_1973 : i32 to vector<16xi32>
    %sub3A_1975 = arith.subi %shift_right_arithmetic3A_1972, %sub3A_1974 : vector<16xi32>
    %and3A_1976 = arith.constant 8388607 : i32
    %and3A_1977 = vector.broadcast %and3A_1976 : i32 to vector<16xi32>
    %and3A_1978 = arith.andi %bitcast_convert_type3A_1969, %and3A_1977 : vector<16xi32>
    %or3A_1979 = arith.constant 1065353216 : i32
    %or3A_1980 = vector.broadcast %or3A_1979 : i32 to vector<16xi32>
    %or3A_1981 = arith.ori %and3A_1978, %or3A_1980 : vector<16xi32>
    %bitcast_convert_type3A_1982 = tpu.bitcast %or3A_1981 : vector<16xi32> -> vector<16xf32>
    %gt3A_1983 = arith.constant 1.41421354 : f32
    %gt3A_1984 = vector.broadcast %gt3A_1983 : f32 to vector<16xf32>
    %gt3A_1985 = arith.cmpf ogt, %bitcast_convert_type3A_1982, %gt3A_1984 : vector<16xf32>
    %mul3A_1986 = arith.constant 5.000000e-01 : f32
    %mul3A_1987 = vector.broadcast %mul3A_1986 : f32 to vector<16xf32>
    %mul3A_1988 = arith.mulf %bitcast_convert_type3A_1982, %mul3A_1987 : vector<16xf32>
    %select_n3A_1989 = arith.select %gt3A_1985, %mul3A_1988, %bitcast_convert_type3A_1982 : vector<16xi1>, vector<16xf32>
    %add3A_1990 = arith.constant 1 : i32
    %add3A_1991 = vector.broadcast %add3A_1990 : i32 to vector<16xi32>
    %add3A_1992 = arith.addi %sub3A_1975, %add3A_1991 : vector<16xi32>
    %select_n3A_1993 = arith.select %gt3A_1985, %add3A_1992, %sub3A_1975 : vector<16xi1>, vector<16xi32>
    %convert_element_type3A_1994 = arith.sitofp %select_n3A_1993 : vector<16xi32> to vector<16xf32>
    %sub3A_1995 = arith.constant 1.000000e+00 : f32
    %sub3A_1996 = vector.broadcast %sub3A_1995 : f32 to vector<16xf32>
    %sub3A_1997 = arith.subf %select_n3A_1989, %sub3A_1996 : vector<16xf32>
    %add3A_1998 = arith.constant 1.000000e+00 : f32
    %add3A_1999 = vector.broadcast %add3A_1998 : f32 to vector<16xf32>
    %add3A_2000 = arith.addf %select_n3A_1989, %add3A_1999 : vector<16xf32>
    %div3A_2001 = arith.divf %sub3A_1997, %add3A_2000 : vector<16xf32>
    %mul3A_2002 = arith.mulf %div3A_2001, %div3A_2001 : vector<16xf32>
    %mul3A_2003 = arith.constant 0.222222224 : f32
    %mul3A_2004 = vector.broadcast %mul3A_2003 : f32 to vector<16xf32>
    %mul3A_2005 = arith.mulf %mul3A_2002, %mul3A_2004 : vector<16xf32>
    %add3A_2006 = arith.constant 0.285714298 : f32
    %add3A_2007 = vector.broadcast %add3A_2006 : f32 to vector<16xf32>
    %add3A_2008 = arith.addf %add3A_2007, %mul3A_2005 : vector<16xf32>
    %mul3A_2009 = arith.mulf %mul3A_2002, %add3A_2008 : vector<16xf32>
    %add3A_2010 = arith.constant 4.000000e-01 : f32
    %add3A_2011 = vector.broadcast %add3A_2010 : f32 to vector<16xf32>
    %add3A_2012 = arith.addf %add3A_2011, %mul3A_2009 : vector<16xf32>
    %mul3A_2013 = arith.mulf %mul3A_2002, %add3A_2012 : vector<16xf32>
    %add3A_2014 = arith.constant 0.666666686 : f32
    %add3A_2015 = vector.broadcast %add3A_2014 : f32 to vector<16xf32>
    %add3A_2016 = arith.addf %add3A_2015, %mul3A_2013 : vector<16xf32>
    %mul3A_2017 = arith.mulf %mul3A_2002, %add3A_2016 : vector<16xf32>
    %add3A_2018 = arith.constant 2.000000e+00 : f32
    %add3A_2019 = vector.broadcast %add3A_2018 : f32 to vector<16xf32>
    %add3A_2020 = arith.addf %add3A_2019, %mul3A_2017 : vector<16xf32>
    %mul3A_2021 = arith.constant 0.693147182 : f32
    %mul3A_2022 = vector.broadcast %mul3A_2021 : f32 to vector<16xf32>
    %mul3A_2023 = arith.mulf %convert_element_type3A_1994, %mul3A_2022 : vector<16xf32>
    %mul3A_2024 = arith.mulf %div3A_2001, %add3A_2020 : vector<16xf32>
    %add3A_2025 = arith.addf %mul3A_2023, %mul3A_2024 : vector<16xf32>
    %lt3A_2026 = arith.cmpi slt, %add3A_1597, %select_n3A_56 : i32
    %jit3A_2027 = arith.constant 1.000000e+00 : f32
    %jit3A_2028 = arith.constant 0.000000e+00 : f32
    %select_n3A_2029 = arith.select %lt3A_2026, %jit3A_2027, %jit3A_2028 : f32
    %shift_right_logical3A_2030 = arith.constant 4 : i32
    %shift_right_logical3A_2031 = arith.shrui %add3A_1597, %shift_right_logical3A_2030 : i32
    %and3A_2032 = arith.constant 15 : i32
    %and3A_2033 = arith.andi %add3A_1597, %and3A_2032 : i32
    %shift_left3A_2034 = arith.constant 4 : i32
    %shift_left3A_2035 = arith.shli %shift_right_logical3A_2031, %shift_left3A_2034 : i32
    %get3A_2036 = arith.constant 0 : i32
    %get3A_2037 = arith.index_cast %get3A_2036 : i32 to index
    %get3A_2038 = arith.index_cast %shift_left3A_2035 : i32 to index
    %get3A_2039 = tpu.vector_load %arg6[%get3A_2037, %get3A_2038] {strides = array<i32>} : memref<3x128xf32, #tpu.memory_space<vmem>>, vector<1x16xf32>,
    %get3A_2040 = vector.shape_cast %get3A_2039 : vector<1x16xf32> to vector<16xf32>
    %broadcast_in_dim3A_2041 = vector.broadcast %and3A_2033 : i32 to vector<16xi32>
    %broadcast_in_dim3A_2042 = vector.shape_cast %broadcast_in_dim3A_2041 : vector<16xi32> to vector<16x1xi32>
    %gather3A_2043 = vector.shape_cast %broadcast_in_dim3A_2042 : vector<16x1xi32> to vector<16xi32>
    %gather3A_2044 = tpu.dynamic_gather %get3A_2040[%gather3A_2043] in [0] : vector<16xf32>, vector<16xi32> -> vector<16xf32>
    %broadcast_in_dim3A_2045 = vector.broadcast %select_n3A_2029 : f32 to vector<16xf32>
    %mul3A_2046 = arith.mulf %gather3A_2044, %broadcast_in_dim3A_2045 : vector<16xf32>
    %mul3A_2047 = arith.mulf %mul3A_2046, %add3A_2025 : vector<16xf32>
    %add3A_2048 = arith.addf %add3A_1935, %mul3A_2047 : vector<16xf32>
    %add3A_2049 = arith.addf %add3A_1936, %mul3A_2046 : vector<16xf32>
    %iota3A_2050 = tpu.iota {dimensions = array<i32: 0>} : vector<16xi32>
    %xor3A_2051 = arith.constant 1 : i32
    %xor3A_2052 = vector.broadcast %xor3A_2051 : i32 to vector<16xi32>
    %xor3A_2053 = arith.xori %iota3A_2050, %xor3A_2052 : vector<16xi32>
    %broadcast_in_dim3A_2054 = vector.shape_cast %xor3A_2053 : vector<16xi32> to vector<16x1xi32>
    %gather3A_2055 = vector.shape_cast %broadcast_in_dim3A_2054 : vector<16x1xi32> to vector<16xi32>
    %gather3A_2056 = tpu.dynamic_gather %scan3A_1822#2[%gather3A_2055] in [0] : vector<16xf32>, vector<16xi32> -> vector<16xf32>
    %add3A_2057 = arith.addf %scan3A_1822#2, %gather3A_2056 : vector<16xf32>
    %xor3A_2058 = arith.constant 2 : i32
    %xor3A_2059 = vector.broadcast %xor3A_2058 : i32 to vector<16xi32>
    %xor3A_2060 = arith.xori %iota3A_2050, %xor3A_2059 : vector<16xi32>
    %broadcast_in_dim3A_2061 = vector.shape_cast %xor3A_2060 : vector<16xi32> to vector<16x1xi32>
    %gather3A_2062 = vector.shape_cast %broadcast_in_dim3A_2061 : vector<16x1xi32> to vector<16xi32>
    %gather3A_2063 = tpu.dynamic_gather %add3A_2057[%gather3A_2062] in [0] : vector<16xf32>, vector<16xi32> -> vector<16xf32>
    %add3A_2064 = arith.addf %add3A_2057, %gather3A_2063 : vector<16xf32>
    %xor3A_2065 = arith.constant 4 : i32
    %xor3A_2066 = vector.broadcast %xor3A_2065 : i32 to vector<16xi32>
    %xor3A_2067 = arith.xori %iota3A_2050, %xor3A_2066 : vector<16xi32>
    %broadcast_in_dim3A_2068 = vector.shape_cast %xor3A_2067 : vector<16xi32> to vector<16x1xi32>
    %gather3A_2069 = vector.shape_cast %broadcast_in_dim3A_2068 : vector<16x1xi32> to vector<16xi32>
    %gather3A_2070 = tpu.dynamic_gather %add3A_2064[%gather3A_2069] in [0] : vector<16xf32>, vector<16xi32> -> vector<16xf32>
    %add3A_2071 = arith.addf %add3A_2064, %gather3A_2070 : vector<16xf32>
    %xor3A_2072 = arith.constant 8 : i32
    %xor3A_2073 = vector.broadcast %xor3A_2072 : i32 to vector<16xi32>
    %xor3A_2074 = arith.xori %iota3A_2050, %xor3A_2073 : vector<16xi32>
    %broadcast_in_dim3A_2075 = vector.shape_cast %xor3A_2074 : vector<16xi32> to vector<16x1xi32>
    %gather3A_2076 = vector.shape_cast %broadcast_in_dim3A_2075 : vector<16x1xi32> to vector<16xi32>
    %gather3A_2077 = tpu.dynamic_gather %add3A_2071[%gather3A_2076] in [0] : vector<16xf32>, vector<16xi32> -> vector<16xf32>
    %add3A_2078 = arith.addf %add3A_2071, %gather3A_2077 : vector<16xf32>
    %max3A_2079 = arith.constant 9.99999991E-38 : f32
    %max3A_2080 = vector.broadcast %max3A_2079 : f32 to vector<16xf32>
    %max3A_2081 = arith.maximumf %add3A_2078, %max3A_2080 : vector<16xf32>
    %bitcast_convert_type3A_2082 = tpu.bitcast %max3A_2081 : vector<16xf32> -> vector<16xi32>
    %shift_right_arithmetic3A_2083 = arith.constant 23 : i32
    %shift_right_arithmetic3A_2084 = vector.broadcast %shift_right_arithmetic3A_2083 : i32 to vector<16xi32>
    %shift_right_arithmetic3A_2085 = arith.shrsi %bitcast_convert_type3A_2082, %shift_right_arithmetic3A_2084 : vector<16xi32>
    %sub3A_2086 = arith.constant 127 : i32
    %sub3A_2087 = vector.broadcast %sub3A_2086 : i32 to vector<16xi32>
    %sub3A_2088 = arith.subi %shift_right_arithmetic3A_2085, %sub3A_2087 : vector<16xi32>
    %and3A_2089 = arith.constant 8388607 : i32
    %and3A_2090 = vector.broadcast %and3A_2089 : i32 to vector<16xi32>
    %and3A_2091 = arith.andi %bitcast_convert_type3A_2082, %and3A_2090 : vector<16xi32>
    %or3A_2092 = arith.constant 1065353216 : i32
    %or3A_2093 = vector.broadcast %or3A_2092 : i32 to vector<16xi32>
    %or3A_2094 = arith.ori %and3A_2091, %or3A_2093 : vector<16xi32>
    %bitcast_convert_type3A_2095 = tpu.bitcast %or3A_2094 : vector<16xi32> -> vector<16xf32>
    %gt3A_2096 = arith.constant 1.41421354 : f32
    %gt3A_2097 = vector.broadcast %gt3A_2096 : f32 to vector<16xf32>
    %gt3A_2098 = arith.cmpf ogt, %bitcast_convert_type3A_2095, %gt3A_2097 : vector<16xf32>
    %mul3A_2099 = arith.constant 5.000000e-01 : f32
    %mul3A_2100 = vector.broadcast %mul3A_2099 : f32 to vector<16xf32>
    %mul3A_2101 = arith.mulf %bitcast_convert_type3A_2095, %mul3A_2100 : vector<16xf32>
    %select_n3A_2102 = arith.select %gt3A_2098, %mul3A_2101, %bitcast_convert_type3A_2095 : vector<16xi1>, vector<16xf32>
    %add3A_2103 = arith.constant 1 : i32
    %add3A_2104 = vector.broadcast %add3A_2103 : i32 to vector<16xi32>
    %add3A_2105 = arith.addi %sub3A_2088, %add3A_2104 : vector<16xi32>
    %select_n3A_2106 = arith.select %gt3A_2098, %add3A_2105, %sub3A_2088 : vector<16xi1>, vector<16xi32>
    %convert_element_type3A_2107 = arith.sitofp %select_n3A_2106 : vector<16xi32> to vector<16xf32>
    %sub3A_2108 = arith.constant 1.000000e+00 : f32
    %sub3A_2109 = vector.broadcast %sub3A_2108 : f32 to vector<16xf32>
    %sub3A_2110 = arith.subf %select_n3A_2102, %sub3A_2109 : vector<16xf32>
    %add3A_2111 = arith.constant 1.000000e+00 : f32
    %add3A_2112 = vector.broadcast %add3A_2111 : f32 to vector<16xf32>
    %add3A_2113 = arith.addf %select_n3A_2102, %add3A_2112 : vector<16xf32>
    %div3A_2114 = arith.divf %sub3A_2110, %add3A_2113 : vector<16xf32>
    %mul3A_2115 = arith.mulf %div3A_2114, %div3A_2114 : vector<16xf32>
    %mul3A_2116 = arith.constant 0.222222224 : f32
    %mul3A_2117 = vector.broadcast %mul3A_2116 : f32 to vector<16xf32>
    %mul3A_2118 = arith.mulf %mul3A_2115, %mul3A_2117 : vector<16xf32>
    %add3A_2119 = arith.constant 0.285714298 : f32
    %add3A_2120 = vector.broadcast %add3A_2119 : f32 to vector<16xf32>
    %add3A_2121 = arith.addf %add3A_2120, %mul3A_2118 : vector<16xf32>
    %mul3A_2122 = arith.mulf %mul3A_2115, %add3A_2121 : vector<16xf32>
    %add3A_2123 = arith.constant 4.000000e-01 : f32
    %add3A_2124 = vector.broadcast %add3A_2123 : f32 to vector<16xf32>
    %add3A_2125 = arith.addf %add3A_2124, %mul3A_2122 : vector<16xf32>
    %mul3A_2126 = arith.mulf %mul3A_2115, %add3A_2125 : vector<16xf32>
    %add3A_2127 = arith.constant 0.666666686 : f32
    %add3A_2128 = vector.broadcast %add3A_2127 : f32 to vector<16xf32>
    %add3A_2129 = arith.addf %add3A_2128, %mul3A_2126 : vector<16xf32>
    %mul3A_2130 = arith.mulf %mul3A_2115, %add3A_2129 : vector<16xf32>
    %add3A_2131 = arith.constant 2.000000e+00 : f32
    %add3A_2132 = vector.broadcast %add3A_2131 : f32 to vector<16xf32>
    %add3A_2133 = arith.addf %add3A_2132, %mul3A_2130 : vector<16xf32>
    %mul3A_2134 = arith.constant 0.693147182 : f32
    %mul3A_2135 = vector.broadcast %mul3A_2134 : f32 to vector<16xf32>
    %mul3A_2136 = arith.mulf %convert_element_type3A_2107, %mul3A_2135 : vector<16xf32>
    %mul3A_2137 = arith.mulf %div3A_2114, %add3A_2133 : vector<16xf32>
    %add3A_2138 = arith.addf %mul3A_2136, %mul3A_2137 : vector<16xf32>
    %lt3A_2139 = arith.cmpi slt, %add3A_1599, %select_n3A_56 : i32
    %jit3A_2140 = arith.constant 1.000000e+00 : f32
    %jit3A_2141 = arith.constant 0.000000e+00 : f32
    %select_n3A_2142 = arith.select %lt3A_2139, %jit3A_2140, %jit3A_2141 : f32
    %shift_right_logical3A_2143 = arith.constant 4 : i32
    %shift_right_logical3A_2144 = arith.shrui %add3A_1599, %shift_right_logical3A_2143 : i32
    %and3A_2145 = arith.constant 15 : i32
    %and3A_2146 = arith.andi %add3A_1599, %and3A_2145 : i32
    %shift_left3A_2147 = arith.constant 4 : i32
    %shift_left3A_2148 = arith.shli %shift_right_logical3A_2144, %shift_left3A_2147 : i32
    %get3A_2149 = arith.constant 0 : i32
    %get3A_2150 = arith.index_cast %get3A_2149 : i32 to index
    %get3A_2151 = arith.index_cast %shift_left3A_2148 : i32 to index
    %get3A_2152 = tpu.vector_load %arg6[%get3A_2150, %get3A_2151] {strides = array<i32>} : memref<3x128xf32, #tpu.memory_space<vmem>>, vector<1x16xf32>,
    %get3A_2153 = vector.shape_cast %get3A_2152 : vector<1x16xf32> to vector<16xf32>
    %broadcast_in_dim3A_2154 = vector.broadcast %and3A_2146 : i32 to vector<16xi32>
    %broadcast_in_dim3A_2155 = vector.shape_cast %broadcast_in_dim3A_2154 : vector<16xi32> to vector<16x1xi32>
    %gather3A_2156 = vector.shape_cast %broadcast_in_dim3A_2155 : vector<16x1xi32> to vector<16xi32>
    %gather3A_2157 = tpu.dynamic_gather %get3A_2153[%gather3A_2156] in [0] : vector<16xf32>, vector<16xi32> -> vector<16xf32>
    %broadcast_in_dim3A_2158 = vector.broadcast %select_n3A_2142 : f32 to vector<16xf32>
    %mul3A_2159 = arith.mulf %gather3A_2157, %broadcast_in_dim3A_2158 : vector<16xf32>
    %mul3A_2160 = arith.mulf %mul3A_2159, %add3A_2138 : vector<16xf32>
    %add3A_2161 = arith.addf %add3A_2048, %mul3A_2160 : vector<16xf32>
    %add3A_2162 = arith.addf %add3A_2049, %mul3A_2159 : vector<16xf32>
    %iota3A_2163 = tpu.iota {dimensions = array<i32: 0>} : vector<16xi32>
    %xor3A_2164 = arith.constant 1 : i32
    %xor3A_2165 = vector.broadcast %xor3A_2164 : i32 to vector<16xi32>
    %xor3A_2166 = arith.xori %iota3A_2163, %xor3A_2165 : vector<16xi32>
    %broadcast_in_dim3A_2167 = vector.shape_cast %xor3A_2166 : vector<16xi32> to vector<16x1xi32>
    %gather3A_2168 = vector.shape_cast %broadcast_in_dim3A_2167 : vector<16x1xi32> to vector<16xi32>
    %gather3A_2169 = tpu.dynamic_gather %scan3A_1822#3[%gather3A_2168] in [0] : vector<16xf32>, vector<16xi32> -> vector<16xf32>
    %add3A_2170 = arith.addf %scan3A_1822#3, %gather3A_2169 : vector<16xf32>
    %xor3A_2171 = arith.constant 2 : i32
    %xor3A_2172 = vector.broadcast %xor3A_2171 : i32 to vector<16xi32>
    %xor3A_2173 = arith.xori %iota3A_2163, %xor3A_2172 : vector<16xi32>
    %broadcast_in_dim3A_2174 = vector.shape_cast %xor3A_2173 : vector<16xi32> to vector<16x1xi32>
    %gather3A_2175 = vector.shape_cast %broadcast_in_dim3A_2174 : vector<16x1xi32> to vector<16xi32>
    %gather3A_2176 = tpu.dynamic_gather %add3A_2170[%gather3A_2175] in [0] : vector<16xf32>, vector<16xi32> -> vector<16xf32>
    %add3A_2177 = arith.addf %add3A_2170, %gather3A_2176 : vector<16xf32>
    %xor3A_2178 = arith.constant 4 : i32
    %xor3A_2179 = vector.broadcast %xor3A_2178 : i32 to vector<16xi32>
    %xor3A_2180 = arith.xori %iota3A_2163, %xor3A_2179 : vector<16xi32>
    %broadcast_in_dim3A_2181 = vector.shape_cast %xor3A_2180 : vector<16xi32> to vector<16x1xi32>
    %gather3A_2182 = vector.shape_cast %broadcast_in_dim3A_2181 : vector<16x1xi32> to vector<16xi32>
    %gather3A_2183 = tpu.dynamic_gather %add3A_2177[%gather3A_2182] in [0] : vector<16xf32>, vector<16xi32> -> vector<16xf32>
    %add3A_2184 = arith.addf %add3A_2177, %gather3A_2183 : vector<16xf32>
    %xor3A_2185 = arith.constant 8 : i32
    %xor3A_2186 = vector.broadcast %xor3A_2185 : i32 to vector<16xi32>
    %xor3A_2187 = arith.xori %iota3A_2163, %xor3A_2186 : vector<16xi32>
    %broadcast_in_dim3A_2188 = vector.shape_cast %xor3A_2187 : vector<16xi32> to vector<16x1xi32>
    %gather3A_2189 = vector.shape_cast %broadcast_in_dim3A_2188 : vector<16x1xi32> to vector<16xi32>
    %gather3A_2190 = tpu.dynamic_gather %add3A_2184[%gather3A_2189] in [0] : vector<16xf32>, vector<16xi32> -> vector<16xf32>
    %add3A_2191 = arith.addf %add3A_2184, %gather3A_2190 : vector<16xf32>
    %max3A_2192 = arith.constant 9.99999991E-38 : f32
    %max3A_2193 = vector.broadcast %max3A_2192 : f32 to vector<16xf32>
    %max3A_2194 = arith.maximumf %add3A_2191, %max3A_2193 : vector<16xf32>
    %bitcast_convert_type3A_2195 = tpu.bitcast %max3A_2194 : vector<16xf32> -> vector<16xi32>
    %shift_right_arithmetic3A_2196 = arith.constant 23 : i32
    %shift_right_arithmetic3A_2197 = vector.broadcast %shift_right_arithmetic3A_2196 : i32 to vector<16xi32>
    %shift_right_arithmetic3A_2198 = arith.shrsi %bitcast_convert_type3A_2195, %shift_right_arithmetic3A_2197 : vector<16xi32>
    %sub3A_2199 = arith.constant 127 : i32
    %sub3A_2200 = vector.broadcast %sub3A_2199 : i32 to vector<16xi32>
    %sub3A_2201 = arith.subi %shift_right_arithmetic3A_2198, %sub3A_2200 : vector<16xi32>
    %and3A_2202 = arith.constant 8388607 : i32
    %and3A_2203 = vector.broadcast %and3A_2202 : i32 to vector<16xi32>
    %and3A_2204 = arith.andi %bitcast_convert_type3A_2195, %and3A_2203 : vector<16xi32>
    %or3A_2205 = arith.constant 1065353216 : i32
    %or3A_2206 = vector.broadcast %or3A_2205 : i32 to vector<16xi32>
    %or3A_2207 = arith.ori %and3A_2204, %or3A_2206 : vector<16xi32>
    %bitcast_convert_type3A_2208 = tpu.bitcast %or3A_2207 : vector<16xi32> -> vector<16xf32>
    %gt3A_2209 = arith.constant 1.41421354 : f32
    %gt3A_2210 = vector.broadcast %gt3A_2209 : f32 to vector<16xf32>
    %gt3A_2211 = arith.cmpf ogt, %bitcast_convert_type3A_2208, %gt3A_2210 : vector<16xf32>
    %mul3A_2212 = arith.constant 5.000000e-01 : f32
    %mul3A_2213 = vector.broadcast %mul3A_2212 : f32 to vector<16xf32>
    %mul3A_2214 = arith.mulf %bitcast_convert_type3A_2208, %mul3A_2213 : vector<16xf32>
    %select_n3A_2215 = arith.select %gt3A_2211, %mul3A_2214, %bitcast_convert_type3A_2208 : vector<16xi1>, vector<16xf32>
    %add3A_2216 = arith.constant 1 : i32
    %add3A_2217 = vector.broadcast %add3A_2216 : i32 to vector<16xi32>
    %add3A_2218 = arith.addi %sub3A_2201, %add3A_2217 : vector<16xi32>
    %select_n3A_2219 = arith.select %gt3A_2211, %add3A_2218, %sub3A_2201 : vector<16xi1>, vector<16xi32>
    %convert_element_type3A_2220 = arith.sitofp %select_n3A_2219 : vector<16xi32> to vector<16xf32>
    %sub3A_2221 = arith.constant 1.000000e+00 : f32
    %sub3A_2222 = vector.broadcast %sub3A_2221 : f32 to vector<16xf32>
    %sub3A_2223 = arith.subf %select_n3A_2215, %sub3A_2222 : vector<16xf32>
    %add3A_2224 = arith.constant 1.000000e+00 : f32
    %add3A_2225 = vector.broadcast %add3A_2224 : f32 to vector<16xf32>
    %add3A_2226 = arith.addf %select_n3A_2215, %add3A_2225 : vector<16xf32>
    %div3A_2227 = arith.divf %sub3A_2223, %add3A_2226 : vector<16xf32>
    %mul3A_2228 = arith.mulf %div3A_2227, %div3A_2227 : vector<16xf32>
    %mul3A_2229 = arith.constant 0.222222224 : f32
    %mul3A_2230 = vector.broadcast %mul3A_2229 : f32 to vector<16xf32>
    %mul3A_2231 = arith.mulf %mul3A_2228, %mul3A_2230 : vector<16xf32>
    %add3A_2232 = arith.constant 0.285714298 : f32
    %add3A_2233 = vector.broadcast %add3A_2232 : f32 to vector<16xf32>
    %add3A_2234 = arith.addf %add3A_2233, %mul3A_2231 : vector<16xf32>
    %mul3A_2235 = arith.mulf %mul3A_2228, %add3A_2234 : vector<16xf32>
    %add3A_2236 = arith.constant 4.000000e-01 : f32
    %add3A_2237 = vector.broadcast %add3A_2236 : f32 to vector<16xf32>
    %add3A_2238 = arith.addf %add3A_2237, %mul3A_2235 : vector<16xf32>
    %mul3A_2239 = arith.mulf %mul3A_2228, %add3A_2238 : vector<16xf32>
    %add3A_2240 = arith.constant 0.666666686 : f32
    %add3A_2241 = vector.broadcast %add3A_2240 : f32 to vector<16xf32>
    %add3A_2242 = arith.addf %add3A_2241, %mul3A_2239 : vector<16xf32>
    %mul3A_2243 = arith.mulf %mul3A_2228, %add3A_2242 : vector<16xf32>
    %add3A_2244 = arith.constant 2.000000e+00 : f32
    %add3A_2245 = vector.broadcast %add3A_2244 : f32 to vector<16xf32>
    %add3A_2246 = arith.addf %add3A_2245, %mul3A_2243 : vector<16xf32>
    %mul3A_2247 = arith.constant 0.693147182 : f32
    %mul3A_2248 = vector.broadcast %mul3A_2247 : f32 to vector<16xf32>
    %mul3A_2249 = arith.mulf %convert_element_type3A_2220, %mul3A_2248 : vector<16xf32>
    %mul3A_2250 = arith.mulf %div3A_2227, %add3A_2246 : vector<16xf32>
    %add3A_2251 = arith.addf %mul3A_2249, %mul3A_2250 : vector<16xf32>
    %lt3A_2252 = arith.cmpi slt, %add3A_1601, %select_n3A_56 : i32
    %jit3A_2253 = arith.constant 1.000000e+00 : f32
    %jit3A_2254 = arith.constant 0.000000e+00 : f32
    %select_n3A_2255 = arith.select %lt3A_2252, %jit3A_2253, %jit3A_2254 : f32
    %shift_right_logical3A_2256 = arith.constant 4 : i32
    %shift_right_logical3A_2257 = arith.shrui %add3A_1601, %shift_right_logical3A_2256 : i32
    %and3A_2258 = arith.constant 15 : i32
    %and3A_2259 = arith.andi %add3A_1601, %and3A_2258 : i32
    %shift_left3A_2260 = arith.constant 4 : i32
    %shift_left3A_2261 = arith.shli %shift_right_logical3A_2257, %shift_left3A_2260 : i32
    %get3A_2262 = arith.constant 0 : i32
    %get3A_2263 = arith.index_cast %get3A_2262 : i32 to index
    %get3A_2264 = arith.index_cast %shift_left3A_2261 : i32 to index
    %get3A_2265 = tpu.vector_load %arg6[%get3A_2263, %get3A_2264] {strides = array<i32>} : memref<3x128xf32, #tpu.memory_space<vmem>>, vector<1x16xf32>,
    %get3A_2266 = vector.shape_cast %get3A_2265 : vector<1x16xf32> to vector<16xf32>
    %broadcast_in_dim3A_2267 = vector.broadcast %and3A_2259 : i32 to vector<16xi32>
    %broadcast_in_dim3A_2268 = vector.shape_cast %broadcast_in_dim3A_2267 : vector<16xi32> to vector<16x1xi32>
    %gather3A_2269 = vector.shape_cast %broadcast_in_dim3A_2268 : vector<16x1xi32> to vector<16xi32>
    %gather3A_2270 = tpu.dynamic_gather %get3A_2266[%gather3A_2269] in [0] : vector<16xf32>, vector<16xi32> -> vector<16xf32>
    %broadcast_in_dim3A_2271 = vector.broadcast %select_n3A_2255 : f32 to vector<16xf32>
    %mul3A_2272 = arith.mulf %gather3A_2270, %broadcast_in_dim3A_2271 : vector<16xf32>
    %mul3A_2273 = arith.mulf %mul3A_2272, %add3A_2251 : vector<16xf32>
    %add3A_2274 = arith.addf %add3A_2161, %mul3A_2273 : vector<16xf32>
    %add3A_2275 = arith.addf %add3A_2162, %mul3A_2272 : vector<16xf32>
    %iota3A_2276 = tpu.iota {dimensions = array<i32: 0>} : vector<16xi32>
    %xor3A_2277 = arith.constant 1 : i32
    %xor3A_2278 = vector.broadcast %xor3A_2277 : i32 to vector<16xi32>
    %xor3A_2279 = arith.xori %iota3A_2276, %xor3A_2278 : vector<16xi32>
    %broadcast_in_dim3A_2280 = vector.shape_cast %xor3A_2279 : vector<16xi32> to vector<16x1xi32>
    %gather3A_2281 = vector.shape_cast %broadcast_in_dim3A_2280 : vector<16x1xi32> to vector<16xi32>
    %gather3A_2282 = tpu.dynamic_gather %scan3A_1822#4[%gather3A_2281] in [0] : vector<16xf32>, vector<16xi32> -> vector<16xf32>
    %add3A_2283 = arith.addf %scan3A_1822#4, %gather3A_2282 : vector<16xf32>
    %xor3A_2284 = arith.constant 2 : i32
    %xor3A_2285 = vector.broadcast %xor3A_2284 : i32 to vector<16xi32>
    %xor3A_2286 = arith.xori %iota3A_2276, %xor3A_2285 : vector<16xi32>
    %broadcast_in_dim3A_2287 = vector.shape_cast %xor3A_2286 : vector<16xi32> to vector<16x1xi32>
    %gather3A_2288 = vector.shape_cast %broadcast_in_dim3A_2287 : vector<16x1xi32> to vector<16xi32>
    %gather3A_2289 = tpu.dynamic_gather %add3A_2283[%gather3A_2288] in [0] : vector<16xf32>, vector<16xi32> -> vector<16xf32>
    %add3A_2290 = arith.addf %add3A_2283, %gather3A_2289 : vector<16xf32>
    %xor3A_2291 = arith.constant 4 : i32
    %xor3A_2292 = vector.broadcast %xor3A_2291 : i32 to vector<16xi32>
    %xor3A_2293 = arith.xori %iota3A_2276, %xor3A_2292 : vector<16xi32>
    %broadcast_in_dim3A_2294 = vector.shape_cast %xor3A_2293 : vector<16xi32> to vector<16x1xi32>
    %gather3A_2295 = vector.shape_cast %broadcast_in_dim3A_2294 : vector<16x1xi32> to vector<16xi32>
    %gather3A_2296 = tpu.dynamic_gather %add3A_2290[%gather3A_2295] in [0] : vector<16xf32>, vector<16xi32> -> vector<16xf32>
    %add3A_2297 = arith.addf %add3A_2290, %gather3A_2296 : vector<16xf32>
    %xor3A_2298 = arith.constant 8 : i32
    %xor3A_2299 = vector.broadcast %xor3A_2298 : i32 to vector<16xi32>
    %xor3A_2300 = arith.xori %iota3A_2276, %xor3A_2299 : vector<16xi32>
    %broadcast_in_dim3A_2301 = vector.shape_cast %xor3A_2300 : vector<16xi32> to vector<16x1xi32>
    %gather3A_2302 = vector.shape_cast %broadcast_in_dim3A_2301 : vector<16x1xi32> to vector<16xi32>
    %gather3A_2303 = tpu.dynamic_gather %add3A_2297[%gather3A_2302] in [0] : vector<16xf32>, vector<16xi32> -> vector<16xf32>
    %add3A_2304 = arith.addf %add3A_2297, %gather3A_2303 : vector<16xf32>
    %max3A_2305 = arith.constant 9.99999991E-38 : f32
    %max3A_2306 = vector.broadcast %max3A_2305 : f32 to vector<16xf32>
    %max3A_2307 = arith.maximumf %add3A_2304, %max3A_2306 : vector<16xf32>
    %bitcast_convert_type3A_2308 = tpu.bitcast %max3A_2307 : vector<16xf32> -> vector<16xi32>
    %shift_right_arithmetic3A_2309 = arith.constant 23 : i32
    %shift_right_arithmetic3A_2310 = vector.broadcast %shift_right_arithmetic3A_2309 : i32 to vector<16xi32>
    %shift_right_arithmetic3A_2311 = arith.shrsi %bitcast_convert_type3A_2308, %shift_right_arithmetic3A_2310 : vector<16xi32>
    %sub3A_2312 = arith.constant 127 : i32
    %sub3A_2313 = vector.broadcast %sub3A_2312 : i32 to vector<16xi32>
    %sub3A_2314 = arith.subi %shift_right_arithmetic3A_2311, %sub3A_2313 : vector<16xi32>
    %and3A_2315 = arith.constant 8388607 : i32
    %and3A_2316 = vector.broadcast %and3A_2315 : i32 to vector<16xi32>
    %and3A_2317 = arith.andi %bitcast_convert_type3A_2308, %and3A_2316 : vector<16xi32>
    %or3A_2318 = arith.constant 1065353216 : i32
    %or3A_2319 = vector.broadcast %or3A_2318 : i32 to vector<16xi32>
    %or3A_2320 = arith.ori %and3A_2317, %or3A_2319 : vector<16xi32>
    %bitcast_convert_type3A_2321 = tpu.bitcast %or3A_2320 : vector<16xi32> -> vector<16xf32>
    %gt3A_2322 = arith.constant 1.41421354 : f32
    %gt3A_2323 = vector.broadcast %gt3A_2322 : f32 to vector<16xf32>
    %gt3A_2324 = arith.cmpf ogt, %bitcast_convert_type3A_2321, %gt3A_2323 : vector<16xf32>
    %mul3A_2325 = arith.constant 5.000000e-01 : f32
    %mul3A_2326 = vector.broadcast %mul3A_2325 : f32 to vector<16xf32>
    %mul3A_2327 = arith.mulf %bitcast_convert_type3A_2321, %mul3A_2326 : vector<16xf32>
    %select_n3A_2328 = arith.select %gt3A_2324, %mul3A_2327, %bitcast_convert_type3A_2321 : vector<16xi1>, vector<16xf32>
    %add3A_2329 = arith.constant 1 : i32
    %add3A_2330 = vector.broadcast %add3A_2329 : i32 to vector<16xi32>
    %add3A_2331 = arith.addi %sub3A_2314, %add3A_2330 : vector<16xi32>
    %select_n3A_2332 = arith.select %gt3A_2324, %add3A_2331, %sub3A_2314 : vector<16xi1>, vector<16xi32>
    %convert_element_type3A_2333 = arith.sitofp %select_n3A_2332 : vector<16xi32> to vector<16xf32>
    %sub3A_2334 = arith.constant 1.000000e+00 : f32
    %sub3A_2335 = vector.broadcast %sub3A_2334 : f32 to vector<16xf32>
    %sub3A_2336 = arith.subf %select_n3A_2328, %sub3A_2335 : vector<16xf32>
    %add3A_2337 = arith.constant 1.000000e+00 : f32
    %add3A_2338 = vector.broadcast %add3A_2337 : f32 to vector<16xf32>
    %add3A_2339 = arith.addf %select_n3A_2328, %add3A_2338 : vector<16xf32>
    %div3A_2340 = arith.divf %sub3A_2336, %add3A_2339 : vector<16xf32>
    %mul3A_2341 = arith.mulf %div3A_2340, %div3A_2340 : vector<16xf32>
    %mul3A_2342 = arith.constant 0.222222224 : f32
    %mul3A_2343 = vector.broadcast %mul3A_2342 : f32 to vector<16xf32>
    %mul3A_2344 = arith.mulf %mul3A_2341, %mul3A_2343 : vector<16xf32>
    %add3A_2345 = arith.constant 0.285714298 : f32
    %add3A_2346 = vector.broadcast %add3A_2345 : f32 to vector<16xf32>
    %add3A_2347 = arith.addf %add3A_2346, %mul3A_2344 : vector<16xf32>
    %mul3A_2348 = arith.mulf %mul3A_2341, %add3A_2347 : vector<16xf32>
    %add3A_2349 = arith.constant 4.000000e-01 : f32
    %add3A_2350 = vector.broadcast %add3A_2349 : f32 to vector<16xf32>
    %add3A_2351 = arith.addf %add3A_2350, %mul3A_2348 : vector<16xf32>
    %mul3A_2352 = arith.mulf %mul3A_2341, %add3A_2351 : vector<16xf32>
    %add3A_2353 = arith.constant 0.666666686 : f32
    %add3A_2354 = vector.broadcast %add3A_2353 : f32 to vector<16xf32>
    %add3A_2355 = arith.addf %add3A_2354, %mul3A_2352 : vector<16xf32>
    %mul3A_2356 = arith.mulf %mul3A_2341, %add3A_2355 : vector<16xf32>
    %add3A_2357 = arith.constant 2.000000e+00 : f32
    %add3A_2358 = vector.broadcast %add3A_2357 : f32 to vector<16xf32>
    %add3A_2359 = arith.addf %add3A_2358, %mul3A_2356 : vector<16xf32>
    %mul3A_2360 = arith.constant 0.693147182 : f32
    %mul3A_2361 = vector.broadcast %mul3A_2360 : f32 to vector<16xf32>
    %mul3A_2362 = arith.mulf %convert_element_type3A_2333, %mul3A_2361 : vector<16xf32>
    %mul3A_2363 = arith.mulf %div3A_2340, %add3A_2359 : vector<16xf32>
    %add3A_2364 = arith.addf %mul3A_2362, %mul3A_2363 : vector<16xf32>
    %lt3A_2365 = arith.cmpi slt, %add3A_1603, %select_n3A_56 : i32
    %jit3A_2366 = arith.constant 1.000000e+00 : f32
    %jit3A_2367 = arith.constant 0.000000e+00 : f32
    %select_n3A_2368 = arith.select %lt3A_2365, %jit3A_2366, %jit3A_2367 : f32
    %shift_right_logical3A_2369 = arith.constant 4 : i32
    %shift_right_logical3A_2370 = arith.shrui %add3A_1603, %shift_right_logical3A_2369 : i32
    %and3A_2371 = arith.constant 15 : i32
    %and3A_2372 = arith.andi %add3A_1603, %and3A_2371 : i32
    %shift_left3A_2373 = arith.constant 4 : i32
    %shift_left3A_2374 = arith.shli %shift_right_logical3A_2370, %shift_left3A_2373 : i32
    %get3A_2375 = arith.constant 0 : i32
    %get3A_2376 = arith.index_cast %get3A_2375 : i32 to index
    %get3A_2377 = arith.index_cast %shift_left3A_2374 : i32 to index
    %get3A_2378 = tpu.vector_load %arg6[%get3A_2376, %get3A_2377] {strides = array<i32>} : memref<3x128xf32, #tpu.memory_space<vmem>>, vector<1x16xf32>,
    %get3A_2379 = vector.shape_cast %get3A_2378 : vector<1x16xf32> to vector<16xf32>
    %broadcast_in_dim3A_2380 = vector.broadcast %and3A_2372 : i32 to vector<16xi32>
    %broadcast_in_dim3A_2381 = vector.shape_cast %broadcast_in_dim3A_2380 : vector<16xi32> to vector<16x1xi32>
    %gather3A_2382 = vector.shape_cast %broadcast_in_dim3A_2381 : vector<16x1xi32> to vector<16xi32>
    %gather3A_2383 = tpu.dynamic_gather %get3A_2379[%gather3A_2382] in [0] : vector<16xf32>, vector<16xi32> -> vector<16xf32>
    %broadcast_in_dim3A_2384 = vector.broadcast %select_n3A_2368 : f32 to vector<16xf32>
    %mul3A_2385 = arith.mulf %gather3A_2383, %broadcast_in_dim3A_2384 : vector<16xf32>
    %mul3A_2386 = arith.mulf %mul3A_2385, %add3A_2364 : vector<16xf32>
    %add3A_2387 = arith.addf %add3A_2274, %mul3A_2386 : vector<16xf32>
    %add3A_2388 = arith.addf %add3A_2275, %mul3A_2385 : vector<16xf32>
    %iota3A_2389 = tpu.iota {dimensions = array<i32: 0>} : vector<16xi32>
    %xor3A_2390 = arith.constant 1 : i32
    %xor3A_2391 = vector.broadcast %xor3A_2390 : i32 to vector<16xi32>
    %xor3A_2392 = arith.xori %iota3A_2389, %xor3A_2391 : vector<16xi32>
    %broadcast_in_dim3A_2393 = vector.shape_cast %xor3A_2392 : vector<16xi32> to vector<16x1xi32>
    %gather3A_2394 = vector.shape_cast %broadcast_in_dim3A_2393 : vector<16x1xi32> to vector<16xi32>
    %gather3A_2395 = tpu.dynamic_gather %scan3A_1822#5[%gather3A_2394] in [0] : vector<16xf32>, vector<16xi32> -> vector<16xf32>
    %add3A_2396 = arith.addf %scan3A_1822#5, %gather3A_2395 : vector<16xf32>
    %xor3A_2397 = arith.constant 2 : i32
    %xor3A_2398 = vector.broadcast %xor3A_2397 : i32 to vector<16xi32>
    %xor3A_2399 = arith.xori %iota3A_2389, %xor3A_2398 : vector<16xi32>
    %broadcast_in_dim3A_2400 = vector.shape_cast %xor3A_2399 : vector<16xi32> to vector<16x1xi32>
    %gather3A_2401 = vector.shape_cast %broadcast_in_dim3A_2400 : vector<16x1xi32> to vector<16xi32>
    %gather3A_2402 = tpu.dynamic_gather %add3A_2396[%gather3A_2401] in [0] : vector<16xf32>, vector<16xi32> -> vector<16xf32>
    %add3A_2403 = arith.addf %add3A_2396, %gather3A_2402 : vector<16xf32>
    %xor3A_2404 = arith.constant 4 : i32
    %xor3A_2405 = vector.broadcast %xor3A_2404 : i32 to vector<16xi32>
    %xor3A_2406 = arith.xori %iota3A_2389, %xor3A_2405 : vector<16xi32>
    %broadcast_in_dim3A_2407 = vector.shape_cast %xor3A_2406 : vector<16xi32> to vector<16x1xi32>
    %gather3A_2408 = vector.shape_cast %broadcast_in_dim3A_2407 : vector<16x1xi32> to vector<16xi32>
    %gather3A_2409 = tpu.dynamic_gather %add3A_2403[%gather3A_2408] in [0] : vector<16xf32>, vector<16xi32> -> vector<16xf32>
    %add3A_2410 = arith.addf %add3A_2403, %gather3A_2409 : vector<16xf32>
    %xor3A_2411 = arith.constant 8 : i32
    %xor3A_2412 = vector.broadcast %xor3A_2411 : i32 to vector<16xi32>
    %xor3A_2413 = arith.xori %iota3A_2389, %xor3A_2412 : vector<16xi32>
    %broadcast_in_dim3A_2414 = vector.shape_cast %xor3A_2413 : vector<16xi32> to vector<16x1xi32>
    %gather3A_2415 = vector.shape_cast %broadcast_in_dim3A_2414 : vector<16x1xi32> to vector<16xi32>
    %gather3A_2416 = tpu.dynamic_gather %add3A_2410[%gather3A_2415] in [0] : vector<16xf32>, vector<16xi32> -> vector<16xf32>
    %add3A_2417 = arith.addf %add3A_2410, %gather3A_2416 : vector<16xf32>
    %max3A_2418 = arith.constant 9.99999991E-38 : f32
    %max3A_2419 = vector.broadcast %max3A_2418 : f32 to vector<16xf32>
    %max3A_2420 = arith.maximumf %add3A_2417, %max3A_2419 : vector<16xf32>
    %bitcast_convert_type3A_2421 = tpu.bitcast %max3A_2420 : vector<16xf32> -> vector<16xi32>
    %shift_right_arithmetic3A_2422 = arith.constant 23 : i32
    %shift_right_arithmetic3A_2423 = vector.broadcast %shift_right_arithmetic3A_2422 : i32 to vector<16xi32>
    %shift_right_arithmetic3A_2424 = arith.shrsi %bitcast_convert_type3A_2421, %shift_right_arithmetic3A_2423 : vector<16xi32>
    %sub3A_2425 = arith.constant 127 : i32
    %sub3A_2426 = vector.broadcast %sub3A_2425 : i32 to vector<16xi32>
    %sub3A_2427 = arith.subi %shift_right_arithmetic3A_2424, %sub3A_2426 : vector<16xi32>
    %and3A_2428 = arith.constant 8388607 : i32
    %and3A_2429 = vector.broadcast %and3A_2428 : i32 to vector<16xi32>
    %and3A_2430 = arith.andi %bitcast_convert_type3A_2421, %and3A_2429 : vector<16xi32>
    %or3A_2431 = arith.constant 1065353216 : i32
    %or3A_2432 = vector.broadcast %or3A_2431 : i32 to vector<16xi32>
    %or3A_2433 = arith.ori %and3A_2430, %or3A_2432 : vector<16xi32>
    %bitcast_convert_type3A_2434 = tpu.bitcast %or3A_2433 : vector<16xi32> -> vector<16xf32>
    %gt3A_2435 = arith.constant 1.41421354 : f32
    %gt3A_2436 = vector.broadcast %gt3A_2435 : f32 to vector<16xf32>
    %gt3A_2437 = arith.cmpf ogt, %bitcast_convert_type3A_2434, %gt3A_2436 : vector<16xf32>
    %mul3A_2438 = arith.constant 5.000000e-01 : f32
    %mul3A_2439 = vector.broadcast %mul3A_2438 : f32 to vector<16xf32>
    %mul3A_2440 = arith.mulf %bitcast_convert_type3A_2434, %mul3A_2439 : vector<16xf32>
    %select_n3A_2441 = arith.select %gt3A_2437, %mul3A_2440, %bitcast_convert_type3A_2434 : vector<16xi1>, vector<16xf32>
    %add3A_2442 = arith.constant 1 : i32
    %add3A_2443 = vector.broadcast %add3A_2442 : i32 to vector<16xi32>
    %add3A_2444 = arith.addi %sub3A_2427, %add3A_2443 : vector<16xi32>
    %select_n3A_2445 = arith.select %gt3A_2437, %add3A_2444, %sub3A_2427 : vector<16xi1>, vector<16xi32>
    %convert_element_type3A_2446 = arith.sitofp %select_n3A_2445 : vector<16xi32> to vector<16xf32>
    %sub3A_2447 = arith.constant 1.000000e+00 : f32
    %sub3A_2448 = vector.broadcast %sub3A_2447 : f32 to vector<16xf32>
    %sub3A_2449 = arith.subf %select_n3A_2441, %sub3A_2448 : vector<16xf32>
    %add3A_2450 = arith.constant 1.000000e+00 : f32
    %add3A_2451 = vector.broadcast %add3A_2450 : f32 to vector<16xf32>
    %add3A_2452 = arith.addf %select_n3A_2441, %add3A_2451 : vector<16xf32>
    %div3A_2453 = arith.divf %sub3A_2449, %add3A_2452 : vector<16xf32>
    %mul3A_2454 = arith.mulf %div3A_2453, %div3A_2453 : vector<16xf32>
    %mul3A_2455 = arith.constant 0.222222224 : f32
    %mul3A_2456 = vector.broadcast %mul3A_2455 : f32 to vector<16xf32>
    %mul3A_2457 = arith.mulf %mul3A_2454, %mul3A_2456 : vector<16xf32>
    %add3A_2458 = arith.constant 0.285714298 : f32
    %add3A_2459 = vector.broadcast %add3A_2458 : f32 to vector<16xf32>
    %add3A_2460 = arith.addf %add3A_2459, %mul3A_2457 : vector<16xf32>
    %mul3A_2461 = arith.mulf %mul3A_2454, %add3A_2460 : vector<16xf32>
    %add3A_2462 = arith.constant 4.000000e-01 : f32
    %add3A_2463 = vector.broadcast %add3A_2462 : f32 to vector<16xf32>
    %add3A_2464 = arith.addf %add3A_2463, %mul3A_2461 : vector<16xf32>
    %mul3A_2465 = arith.mulf %mul3A_2454, %add3A_2464 : vector<16xf32>
    %add3A_2466 = arith.constant 0.666666686 : f32
    %add3A_2467 = vector.broadcast %add3A_2466 : f32 to vector<16xf32>
    %add3A_2468 = arith.addf %add3A_2467, %mul3A_2465 : vector<16xf32>
    %mul3A_2469 = arith.mulf %mul3A_2454, %add3A_2468 : vector<16xf32>
    %add3A_2470 = arith.constant 2.000000e+00 : f32
    %add3A_2471 = vector.broadcast %add3A_2470 : f32 to vector<16xf32>
    %add3A_2472 = arith.addf %add3A_2471, %mul3A_2469 : vector<16xf32>
    %mul3A_2473 = arith.constant 0.693147182 : f32
    %mul3A_2474 = vector.broadcast %mul3A_2473 : f32 to vector<16xf32>
    %mul3A_2475 = arith.mulf %convert_element_type3A_2446, %mul3A_2474 : vector<16xf32>
    %mul3A_2476 = arith.mulf %div3A_2453, %add3A_2472 : vector<16xf32>
    %add3A_2477 = arith.addf %mul3A_2475, %mul3A_2476 : vector<16xf32>
    %lt3A_2478 = arith.cmpi slt, %add3A_1605, %select_n3A_56 : i32
    %jit3A_2479 = arith.constant 1.000000e+00 : f32
    %jit3A_2480 = arith.constant 0.000000e+00 : f32
    %select_n3A_2481 = arith.select %lt3A_2478, %jit3A_2479, %jit3A_2480 : f32
    %shift_right_logical3A_2482 = arith.constant 4 : i32
    %shift_right_logical3A_2483 = arith.shrui %add3A_1605, %shift_right_logical3A_2482 : i32
    %and3A_2484 = arith.constant 15 : i32
    %and3A_2485 = arith.andi %add3A_1605, %and3A_2484 : i32
    %shift_left3A_2486 = arith.constant 4 : i32
    %shift_left3A_2487 = arith.shli %shift_right_logical3A_2483, %shift_left3A_2486 : i32
    %get3A_2488 = arith.constant 0 : i32
    %get3A_2489 = arith.index_cast %get3A_2488 : i32 to index
    %get3A_2490 = arith.index_cast %shift_left3A_2487 : i32 to index
    %get3A_2491 = tpu.vector_load %arg6[%get3A_2489, %get3A_2490] {strides = array<i32>} : memref<3x128xf32, #tpu.memory_space<vmem>>, vector<1x16xf32>,
    %get3A_2492 = vector.shape_cast %get3A_2491 : vector<1x16xf32> to vector<16xf32>
    %broadcast_in_dim3A_2493 = vector.broadcast %and3A_2485 : i32 to vector<16xi32>
    %broadcast_in_dim3A_2494 = vector.shape_cast %broadcast_in_dim3A_2493 : vector<16xi32> to vector<16x1xi32>
    %gather3A_2495 = vector.shape_cast %broadcast_in_dim3A_2494 : vector<16x1xi32> to vector<16xi32>
    %gather3A_2496 = tpu.dynamic_gather %get3A_2492[%gather3A_2495] in [0] : vector<16xf32>, vector<16xi32> -> vector<16xf32>
    %broadcast_in_dim3A_2497 = vector.broadcast %select_n3A_2481 : f32 to vector<16xf32>
    %mul3A_2498 = arith.mulf %gather3A_2496, %broadcast_in_dim3A_2497 : vector<16xf32>
    %mul3A_2499 = arith.mulf %mul3A_2498, %add3A_2477 : vector<16xf32>
    %add3A_2500 = arith.addf %add3A_2387, %mul3A_2499 : vector<16xf32>
    %add3A_2501 = arith.addf %add3A_2388, %mul3A_2498 : vector<16xf32>
    %iota3A_2502 = tpu.iota {dimensions = array<i32: 0>} : vector<16xi32>
    %xor3A_2503 = arith.constant 1 : i32
    %xor3A_2504 = vector.broadcast %xor3A_2503 : i32 to vector<16xi32>
    %xor3A_2505 = arith.xori %iota3A_2502, %xor3A_2504 : vector<16xi32>
    %broadcast_in_dim3A_2506 = vector.shape_cast %xor3A_2505 : vector<16xi32> to vector<16x1xi32>
    %gather3A_2507 = vector.shape_cast %broadcast_in_dim3A_2506 : vector<16x1xi32> to vector<16xi32>
    %gather3A_2508 = tpu.dynamic_gather %scan3A_1822#6[%gather3A_2507] in [0] : vector<16xf32>, vector<16xi32> -> vector<16xf32>
    %add3A_2509 = arith.addf %scan3A_1822#6, %gather3A_2508 : vector<16xf32>
    %xor3A_2510 = arith.constant 2 : i32
    %xor3A_2511 = vector.broadcast %xor3A_2510 : i32 to vector<16xi32>
    %xor3A_2512 = arith.xori %iota3A_2502, %xor3A_2511 : vector<16xi32>
    %broadcast_in_dim3A_2513 = vector.shape_cast %xor3A_2512 : vector<16xi32> to vector<16x1xi32>
    %gather3A_2514 = vector.shape_cast %broadcast_in_dim3A_2513 : vector<16x1xi32> to vector<16xi32>
    %gather3A_2515 = tpu.dynamic_gather %add3A_2509[%gather3A_2514] in [0] : vector<16xf32>, vector<16xi32> -> vector<16xf32>
    %add3A_2516 = arith.addf %add3A_2509, %gather3A_2515 : vector<16xf32>
    %xor3A_2517 = arith.constant 4 : i32
    %xor3A_2518 = vector.broadcast %xor3A_2517 : i32 to vector<16xi32>
    %xor3A_2519 = arith.xori %iota3A_2502, %xor3A_2518 : vector<16xi32>
    %broadcast_in_dim3A_2520 = vector.shape_cast %xor3A_2519 : vector<16xi32> to vector<16x1xi32>
    %gather3A_2521 = vector.shape_cast %broadcast_in_dim3A_2520 : vector<16x1xi32> to vector<16xi32>
    %gather3A_2522 = tpu.dynamic_gather %add3A_2516[%gather3A_2521] in [0] : vector<16xf32>, vector<16xi32> -> vector<16xf32>
    %add3A_2523 = arith.addf %add3A_2516, %gather3A_2522 : vector<16xf32>
    %xor3A_2524 = arith.constant 8 : i32
    %xor3A_2525 = vector.broadcast %xor3A_2524 : i32 to vector<16xi32>
    %xor3A_2526 = arith.xori %iota3A_2502, %xor3A_2525 : vector<16xi32>
    %broadcast_in_dim3A_2527 = vector.shape_cast %xor3A_2526 : vector<16xi32> to vector<16x1xi32>
    %gather3A_2528 = vector.shape_cast %broadcast_in_dim3A_2527 : vector<16x1xi32> to vector<16xi32>
    %gather3A_2529 = tpu.dynamic_gather %add3A_2523[%gather3A_2528] in [0] : vector<16xf32>, vector<16xi32> -> vector<16xf32>
    %add3A_2530 = arith.addf %add3A_2523, %gather3A_2529 : vector<16xf32>
    %max3A_2531 = arith.constant 9.99999991E-38 : f32
    %max3A_2532 = vector.broadcast %max3A_2531 : f32 to vector<16xf32>
    %max3A_2533 = arith.maximumf %add3A_2530, %max3A_2532 : vector<16xf32>
    %bitcast_convert_type3A_2534 = tpu.bitcast %max3A_2533 : vector<16xf32> -> vector<16xi32>
    %shift_right_arithmetic3A_2535 = arith.constant 23 : i32
    %shift_right_arithmetic3A_2536 = vector.broadcast %shift_right_arithmetic3A_2535 : i32 to vector<16xi32>
    %shift_right_arithmetic3A_2537 = arith.shrsi %bitcast_convert_type3A_2534, %shift_right_arithmetic3A_2536 : vector<16xi32>
    %sub3A_2538 = arith.constant 127 : i32
    %sub3A_2539 = vector.broadcast %sub3A_2538 : i32 to vector<16xi32>
    %sub3A_2540 = arith.subi %shift_right_arithmetic3A_2537, %sub3A_2539 : vector<16xi32>
    %and3A_2541 = arith.constant 8388607 : i32
    %and3A_2542 = vector.broadcast %and3A_2541 : i32 to vector<16xi32>
    %and3A_2543 = arith.andi %bitcast_convert_type3A_2534, %and3A_2542 : vector<16xi32>
    %or3A_2544 = arith.constant 1065353216 : i32
    %or3A_2545 = vector.broadcast %or3A_2544 : i32 to vector<16xi32>
    %or3A_2546 = arith.ori %and3A_2543, %or3A_2545 : vector<16xi32>
    %bitcast_convert_type3A_2547 = tpu.bitcast %or3A_2546 : vector<16xi32> -> vector<16xf32>
    %gt3A_2548 = arith.constant 1.41421354 : f32
    %gt3A_2549 = vector.broadcast %gt3A_2548 : f32 to vector<16xf32>
    %gt3A_2550 = arith.cmpf ogt, %bitcast_convert_type3A_2547, %gt3A_2549 : vector<16xf32>
    %mul3A_2551 = arith.constant 5.000000e-01 : f32
    %mul3A_2552 = vector.broadcast %mul3A_2551 : f32 to vector<16xf32>
    %mul3A_2553 = arith.mulf %bitcast_convert_type3A_2547, %mul3A_2552 : vector<16xf32>
    %select_n3A_2554 = arith.select %gt3A_2550, %mul3A_2553, %bitcast_convert_type3A_2547 : vector<16xi1>, vector<16xf32>
    %add3A_2555 = arith.constant 1 : i32
    %add3A_2556 = vector.broadcast %add3A_2555 : i32 to vector<16xi32>
    %add3A_2557 = arith.addi %sub3A_2540, %add3A_2556 : vector<16xi32>
    %select_n3A_2558 = arith.select %gt3A_2550, %add3A_2557, %sub3A_2540 : vector<16xi1>, vector<16xi32>
    %convert_element_type3A_2559 = arith.sitofp %select_n3A_2558 : vector<16xi32> to vector<16xf32>
    %sub3A_2560 = arith.constant 1.000000e+00 : f32
    %sub3A_2561 = vector.broadcast %sub3A_2560 : f32 to vector<16xf32>
    %sub3A_2562 = arith.subf %select_n3A_2554, %sub3A_2561 : vector<16xf32>
    %add3A_2563 = arith.constant 1.000000e+00 : f32
    %add3A_2564 = vector.broadcast %add3A_2563 : f32 to vector<16xf32>
    %add3A_2565 = arith.addf %select_n3A_2554, %add3A_2564 : vector<16xf32>
    %div3A_2566 = arith.divf %sub3A_2562, %add3A_2565 : vector<16xf32>
    %mul3A_2567 = arith.mulf %div3A_2566, %div3A_2566 : vector<16xf32>
    %mul3A_2568 = arith.constant 0.222222224 : f32
    %mul3A_2569 = vector.broadcast %mul3A_2568 : f32 to vector<16xf32>
    %mul3A_2570 = arith.mulf %mul3A_2567, %mul3A_2569 : vector<16xf32>
    %add3A_2571 = arith.constant 0.285714298 : f32
    %add3A_2572 = vector.broadcast %add3A_2571 : f32 to vector<16xf32>
    %add3A_2573 = arith.addf %add3A_2572, %mul3A_2570 : vector<16xf32>
    %mul3A_2574 = arith.mulf %mul3A_2567, %add3A_2573 : vector<16xf32>
    %add3A_2575 = arith.constant 4.000000e-01 : f32
    %add3A_2576 = vector.broadcast %add3A_2575 : f32 to vector<16xf32>
    %add3A_2577 = arith.addf %add3A_2576, %mul3A_2574 : vector<16xf32>
    %mul3A_2578 = arith.mulf %mul3A_2567, %add3A_2577 : vector<16xf32>
    %add3A_2579 = arith.constant 0.666666686 : f32
    %add3A_2580 = vector.broadcast %add3A_2579 : f32 to vector<16xf32>
    %add3A_2581 = arith.addf %add3A_2580, %mul3A_2578 : vector<16xf32>
    %mul3A_2582 = arith.mulf %mul3A_2567, %add3A_2581 : vector<16xf32>
    %add3A_2583 = arith.constant 2.000000e+00 : f32
    %add3A_2584 = vector.broadcast %add3A_2583 : f32 to vector<16xf32>
    %add3A_2585 = arith.addf %add3A_2584, %mul3A_2582 : vector<16xf32>
    %mul3A_2586 = arith.constant 0.693147182 : f32
    %mul3A_2587 = vector.broadcast %mul3A_2586 : f32 to vector<16xf32>
    %mul3A_2588 = arith.mulf %convert_element_type3A_2559, %mul3A_2587 : vector<16xf32>
    %mul3A_2589 = arith.mulf %div3A_2566, %add3A_2585 : vector<16xf32>
    %add3A_2590 = arith.addf %mul3A_2588, %mul3A_2589 : vector<16xf32>
    %lt3A_2591 = arith.cmpi slt, %add3A_1607, %select_n3A_56 : i32
    %jit3A_2592 = arith.constant 1.000000e+00 : f32
    %jit3A_2593 = arith.constant 0.000000e+00 : f32
    %select_n3A_2594 = arith.select %lt3A_2591, %jit3A_2592, %jit3A_2593 : f32
    %shift_right_logical3A_2595 = arith.constant 4 : i32
    %shift_right_logical3A_2596 = arith.shrui %add3A_1607, %shift_right_logical3A_2595 : i32
    %and3A_2597 = arith.constant 15 : i32
    %and3A_2598 = arith.andi %add3A_1607, %and3A_2597 : i32
    %shift_left3A_2599 = arith.constant 4 : i32
    %shift_left3A_2600 = arith.shli %shift_right_logical3A_2596, %shift_left3A_2599 : i32
    %get3A_2601 = arith.constant 0 : i32
    %get3A_2602 = arith.index_cast %get3A_2601 : i32 to index
    %get3A_2603 = arith.index_cast %shift_left3A_2600 : i32 to index
    %get3A_2604 = tpu.vector_load %arg6[%get3A_2602, %get3A_2603] {strides = array<i32>} : memref<3x128xf32, #tpu.memory_space<vmem>>, vector<1x16xf32>,
    %get3A_2605 = vector.shape_cast %get3A_2604 : vector<1x16xf32> to vector<16xf32>
    %broadcast_in_dim3A_2606 = vector.broadcast %and3A_2598 : i32 to vector<16xi32>
    %broadcast_in_dim3A_2607 = vector.shape_cast %broadcast_in_dim3A_2606 : vector<16xi32> to vector<16x1xi32>
    %gather3A_2608 = vector.shape_cast %broadcast_in_dim3A_2607 : vector<16x1xi32> to vector<16xi32>
    %gather3A_2609 = tpu.dynamic_gather %get3A_2605[%gather3A_2608] in [0] : vector<16xf32>, vector<16xi32> -> vector<16xf32>
    %broadcast_in_dim3A_2610 = vector.broadcast %select_n3A_2594 : f32 to vector<16xf32>
    %mul3A_2611 = arith.mulf %gather3A_2609, %broadcast_in_dim3A_2610 : vector<16xf32>
    %mul3A_2612 = arith.mulf %mul3A_2611, %add3A_2590 : vector<16xf32>
    %add3A_2613 = arith.addf %add3A_2500, %mul3A_2612 : vector<16xf32>
    %add3A_2614 = arith.addf %add3A_2501, %mul3A_2611 : vector<16xf32>
    %mul3A_2615 = arith.mulf %add3A_2614, %sub3A_141 : vector<16xf32>
    %add3A_2616 = arith.addf %add3A_2613, %mul3A_2615 : vector<16xf32>
    %neg3A = arith.constant 0.000000e+00 : f32
    %neg3A_2617 = vector.broadcast %neg3A : f32 to vector<16xf32>
    %neg3A_2618 = arith.subf %neg3A_2617, %add3A_2616 : vector<16xf32>
    %swap3A = arith.constant 0 : index
    %swap3A_2619 = tpu.vector_load %arg10[%swap3A] {strides = array<i32>} : memref<16xf32, #tpu.memory_space<vmem>>, vector<16xf32>,
    %swap3A_2620 = vector.shape_cast %swap3A_2619 : vector<16xf32> to vector<16xf32>
    %swap3A_2621 = vector.shape_cast %neg3A_2618 : vector<16xf32> to vector<16xf32>
    tpu.vector_store %arg10[%swap3A], %swap3A_2621 {strides = array<i32>} : memref<16xf32, #tpu.memory_space<vmem>>, vector<16xf32>,
    "tpu.region"() ({
      %run_scoped3A = tpu.sem_alloc : memref<!tpu.dma_semaphore, #tpu.memory_space<semaphore_mem>>
      %dma_start3A = arith.constant 0 : i32
      %dma_start3A_2622 = tpu.memref_slice %arg4[%add3A, %dma_start3A] : memref<32x16xf32, #tpu.memory_space<hbm>> -> memref<1x16xf32, #tpu.memory_space<hbm>>
      %dma_start3A_2623 = tpu.memref_squeeze %dma_start3A_2622 : memref<1x16xf32, #tpu.memory_space<hbm>> -> memref<16xf32, #tpu.memory_space<hbm>>
      %dma_start3A_2624 = arith.constant 0 : i32
      %dma_start3A_2625 = tpu.memref_slice %arg4[%add3A, %dma_start3A_2624] : memref<32x16xf32, #tpu.memory_space<hbm>> -> memref<1x16xf32, #tpu.memory_space<hbm>>
      %dma_start3A_2626 = tpu.memref_squeeze %dma_start3A_2625 : memref<1x16xf32, #tpu.memory_space<hbm>> -> memref<16xf32, #tpu.memory_space<hbm>>
      tpu.enqueue_dma source(%arg10 : memref<16xf32, #tpu.memory_space<vmem>>) target(%dma_start3A_2626 : memref<16xf32, #tpu.memory_space<hbm>>) target_semaphore(%run_scoped3A : memref<!tpu.dma_semaphore, #tpu.memory_space<semaphore_mem>>)
      %dma_wait3A = arith.constant 0 : i32
      %dma_wait3A_2627 = tpu.memref_slice %arg4[%add3A, %dma_wait3A] : memref<32x16xf32, #tpu.memory_space<hbm>> -> memref<1x16xf32, #tpu.memory_space<hbm>>
      %dma_wait3A_2628 = tpu.memref_squeeze %dma_wait3A_2627 : memref<1x16xf32, #tpu.memory_space<hbm>> -> memref<16xf32, #tpu.memory_space<hbm>>
      %dma_wait3A_2629 = arith.constant 0 : i32
      %dma_wait3A_2630 = tpu.memref_slice %arg4[%add3A, %dma_wait3A_2629] : memref<32x16xf32, #tpu.memory_space<hbm>> -> memref<1x16xf32, #tpu.memory_space<hbm>>
      %dma_wait3A_2631 = tpu.memref_squeeze %dma_wait3A_2630 : memref<1x16xf32, #tpu.memory_space<hbm>> -> memref<16xf32, #tpu.memory_space<hbm>>
      tpu.wait_dma2 semaphore(%run_scoped3A : memref<!tpu.dma_semaphore, #tpu.memory_space<semaphore_mem>>) src(%arg10 : memref<16xf32, #tpu.memory_space<vmem>>) dst(%dma_wait3A_2631 : memref<16xf32, #tpu.memory_space<hbm>>)
      tpu.yield
    }) : () -> ()
    return
  }
}

module attributes {stable_mosaic.version = 14 : i64} {
  func.func @_gmm_tc_body(%arg0: i32, %arg1: memref<1x5x64x64xf32, #tpu.memory_space<vmem>>, %arg2: memref<1x3x128xf32, #tpu.memory_space<vmem>>, %arg3: memref<1x1x128xf32, #tpu.memory_space<vmem>>) attributes {dimension_semantics = [#tpu.dimension_semantics<arbitrary>], iteration_bounds = array<i64: 22>, scalar_prefetch = 0 : i64, scratch_operands = 0 : i64, tpu.core_type = #tpu.core_type<tc>, window_params = [{transform_indices = @transform_0, window_bounds = array<i64: 1, 5, 64, 64>}, {transform_indices = @transform_1, window_bounds = array<i64: 1, 3, 128>}, {transform_indices = @transform_2, window_bounds = array<i64: 1, 1, 128>}]} {
    %get3A = arith.constant 0 : index
    %get3A_0 = arith.constant 0 : index
    %get3A_1 = arith.constant 0 : index
    %get3A_2 = arith.constant 0 : index
    %get3A_3 = vector.load %arg1[%get3A, %get3A_0, %get3A_1, %get3A_2] : memref<1x5x64x64xf32, #tpu.memory_space<vmem>>, vector<1x5x64x64xf32>
    %get3A_4 = vector.shape_cast %get3A_3 : vector<1x5x64x64xf32> to vector<5x64x64xf32>
    %get3A_5 = arith.constant 0 : index
    %get3A_6 = arith.constant 0 : index
    %get3A_7 = arith.constant 0 : index
    %get3A_8 = vector.load %arg2[%get3A_5, %get3A_6, %get3A_7] : memref<1x3x128xf32, #tpu.memory_space<vmem>>, vector<1x1x50xf32>
    %get3A_9 = vector.shape_cast %get3A_8 : vector<1x1x50xf32> to vector<50xf32>
    %get3A_10 = arith.constant 0 : index
    %get3A_11 = arith.constant 1 : index
    %get3A_12 = arith.constant 0 : index
    %get3A_13 = vector.load %arg2[%get3A_10, %get3A_11, %get3A_12] : memref<1x3x128xf32, #tpu.memory_space<vmem>>, vector<1x1x50xf32>
    %get3A_14 = vector.shape_cast %get3A_13 : vector<1x1x50xf32> to vector<50xf32>
    %get3A_15 = arith.constant 0 : index
    %get3A_16 = arith.constant 2 : index
    %get3A_17 = arith.constant 0 : index
    %get3A_18 = vector.load %arg2[%get3A_15, %get3A_16, %get3A_17] : memref<1x3x128xf32, #tpu.memory_space<vmem>>, vector<1x1x50xf32>
    %get3A_19 = vector.shape_cast %get3A_18 : vector<1x1x50xf32> to vector<50xf32>
    %slice3A = vector.extract_strided_slice %get3A_4 {offsets = [0, 0, 0], sizes = [1, 64, 64], strides = [1, 1, 1]} : vector<5x64x64xf32> to vector<1x64x64xf32>
    %squeeze3A = vector.shape_cast %slice3A : vector<1x64x64xf32> to vector<64x64xf32>
    %max3A = arith.constant 9.99999968E-21 : f32
    %max3A_20 = vector.broadcast %max3A : f32 to vector<64x64xf32>
    %max3A_21 = arith.maximumf %squeeze3A, %max3A_20 : vector<64x64xf32>
    %slice3A_22 = vector.extract_strided_slice %get3A_4 {offsets = [1, 0, 0], sizes = [1, 64, 64], strides = [1, 1, 1]} : vector<5x64x64xf32> to vector<1x64x64xf32>
    %squeeze3A_23 = vector.shape_cast %slice3A_22 : vector<1x64x64xf32> to vector<64x64xf32>
    %slice3A_24 = vector.extract_strided_slice %get3A_4 {offsets = [2, 0, 0], sizes = [1, 64, 64], strides = [1, 1, 1]} : vector<5x64x64xf32> to vector<1x64x64xf32>
    %squeeze3A_25 = vector.shape_cast %slice3A_24 : vector<1x64x64xf32> to vector<64x64xf32>
    %slice3A_26 = vector.extract_strided_slice %get3A_4 {offsets = [3, 0, 0], sizes = [1, 64, 64], strides = [1, 1, 1]} : vector<5x64x64xf32> to vector<1x64x64xf32>
    %squeeze3A_27 = vector.shape_cast %slice3A_26 : vector<1x64x64xf32> to vector<64x64xf32>
    %max3A_28 = arith.constant 1.000000e-10 : f32
    %max3A_29 = vector.broadcast %max3A_28 : f32 to vector<64x64xf32>
    %max3A_30 = arith.maximumf %squeeze3A_27, %max3A_29 : vector<64x64xf32>
    %slice3A_31 = vector.extract_strided_slice %get3A_4 {offsets = [4, 0, 0], sizes = [1, 64, 64], strides = [1, 1, 1]} : vector<5x64x64xf32> to vector<1x64x64xf32>
    %squeeze3A_32 = vector.shape_cast %slice3A_31 : vector<1x64x64xf32> to vector<64x64xf32>
    %max3A_33 = arith.constant 1.000000e-10 : f32
    %max3A_34 = vector.broadcast %max3A_33 : f32 to vector<64x64xf32>
    %max3A_35 = arith.maximumf %squeeze3A_32, %max3A_34 : vector<64x64xf32>
    %mul3A = arith.mulf %max3A_30, %max3A_30 : vector<64x64xf32>
    %div3A = arith.constant 0.72134751 : f32
    %div3A_36 = vector.broadcast %div3A : f32 to vector<64x64xf32>
    %div3A_37 = arith.divf %div3A_36, %mul3A : vector<64x64xf32>
    %mul3A_38 = arith.mulf %max3A_35, %max3A_35 : vector<64x64xf32>
    %div3A_39 = arith.constant 0.72134751 : f32
    %div3A_40 = vector.broadcast %div3A_39 : f32 to vector<64x64xf32>
    %div3A_41 = arith.divf %div3A_40, %mul3A_38 : vector<64x64xf32>
    %mul3A_42 = arith.mulf %max3A_30, %max3A_35 : vector<64x64xf32>
    %div3A_43 = arith.divf %max3A_21, %mul3A_42 : vector<64x64xf32>
    %log3A = math.log %div3A_43 : vector<64x64xf32>
    %log3A_44 = arith.constant 2.000000e+00 : f32
    %log3A_45 = math.log %log3A_44 : f32
    %div3A_46 = vector.broadcast %log3A_45 : f32 to vector<64x64xf32>
    %div3A_47 = arith.divf %log3A, %div3A_46 : vector<64x64xf32>
    %reduce_max3A = vector.shape_cast %div3A_47 : vector<64x64xf32> to vector<1x64x64xf32>
    %reduce_max3A_48 = arith.constant dense<0xFF800000> : vector<1xf32>
    %reduce_max3A_49 = vector.multi_reduction <maximumf>, %reduce_max3A, %reduce_max3A_48 [1, 2] : vector<1x64x64xf32> to vector<1xf32>
    %reduce_max3A_50 = vector.shape_cast %reduce_max3A_49 : vector<1xf32> to vector<1x1x1xf32>
    %reduce_max3A_51 = vector.extract %reduce_max3A_50[0, 0, 0] : f32 from vector<1x1x1xf32>
    %reduce_sum3A = vector.shape_cast %max3A_21 : vector<64x64xf32> to vector<1x64x64xf32>
    %reduce_sum3A_52 = arith.constant dense<0.000000e+00> : vector<1xf32>
    %reduce_sum3A_53 = vector.multi_reduction <add>, %reduce_sum3A, %reduce_sum3A_52 [1, 2] : vector<1x64x64xf32> to vector<1xf32>
    %reduce_sum3A_54 = vector.shape_cast %reduce_sum3A_53 : vector<1xf32> to vector<1x1x1xf32>
    %reduce_sum3A_55 = vector.extract %reduce_sum3A_54[0, 0, 0] : f32 from vector<1x1x1xf32>
    %log3A_56 = math.log %reduce_sum3A_55 : f32
    %log3A_57 = arith.constant 2.000000e+00 : f32
    %log3A_58 = math.log %log3A_57 : f32
    %div3A_59 = arith.divf %log3A_56, %log3A_58 : f32
    %sub3A = vector.broadcast %reduce_max3A_51 : f32 to vector<64x64xf32>
    %sub3A_60 = arith.subf %div3A_47, %sub3A : vector<64x64xf32>
    %broadcast_in_dim3A = vector.shape_cast %get3A_14 : vector<50xf32> to vector<50x1x1xf32>
    %broadcast_in_dim3A_61 = vector.shape_cast %squeeze3A_23 : vector<64x64xf32> to vector<1x64x64xf32>
    %sub3A_62 = vector.broadcast %broadcast_in_dim3A : vector<50x1x1xf32> to vector<50x64x64xf32>
    %sub3A_63 = vector.broadcast %broadcast_in_dim3A_61 : vector<1x64x64xf32> to vector<50x64x64xf32>
    %sub3A_64 = arith.subf %sub3A_62, %sub3A_63 : vector<50x64x64xf32>
    %broadcast_in_dim3A_65 = vector.shape_cast %get3A_19 : vector<50xf32> to vector<50x1x1xf32>
    %broadcast_in_dim3A_66 = vector.shape_cast %squeeze3A_25 : vector<64x64xf32> to vector<1x64x64xf32>
    %sub3A_67 = vector.broadcast %broadcast_in_dim3A_65 : vector<50x1x1xf32> to vector<50x64x64xf32>
    %sub3A_68 = vector.broadcast %broadcast_in_dim3A_66 : vector<1x64x64xf32> to vector<50x64x64xf32>
    %sub3A_69 = arith.subf %sub3A_67, %sub3A_68 : vector<50x64x64xf32>
    %broadcast_in_dim3A_70 = vector.shape_cast %sub3A_60 : vector<64x64xf32> to vector<1x64x64xf32>
    %broadcast_in_dim3A_71 = vector.shape_cast %div3A_37 : vector<64x64xf32> to vector<1x64x64xf32>
    %mul3A_72 = arith.mulf %sub3A_64, %sub3A_64 : vector<50x64x64xf32>
    %mul3A_73 = vector.broadcast %broadcast_in_dim3A_71 : vector<1x64x64xf32> to vector<50x64x64xf32>
    %mul3A_74 = arith.mulf %mul3A_73, %mul3A_72 : vector<50x64x64xf32>
    %sub3A_75 = vector.broadcast %broadcast_in_dim3A_70 : vector<1x64x64xf32> to vector<50x64x64xf32>
    %sub3A_76 = arith.subf %sub3A_75, %mul3A_74 : vector<50x64x64xf32>
    %broadcast_in_dim3A_77 = vector.shape_cast %div3A_41 : vector<64x64xf32> to vector<1x64x64xf32>
    %mul3A_78 = arith.mulf %sub3A_69, %sub3A_69 : vector<50x64x64xf32>
    %mul3A_79 = vector.broadcast %broadcast_in_dim3A_77 : vector<1x64x64xf32> to vector<50x64x64xf32>
    %mul3A_80 = arith.mulf %mul3A_79, %mul3A_78 : vector<50x64x64xf32>
    %sub3A_81 = arith.subf %sub3A_76, %mul3A_80 : vector<50x64x64xf32>
    %exp23A = math.exp2 %sub3A_81 : vector<50x64x64xf32>
    %reduce_sum3A_82 = arith.constant dense<0.000000e+00> : vector<50xf32>
    %reduce_sum3A_83 = vector.multi_reduction <add>, %exp23A, %reduce_sum3A_82 [1, 2] : vector<50x64x64xf32> to vector<50xf32>
    %max3A_84 = arith.constant 9.99999991E-38 : f32
    %max3A_85 = vector.broadcast %max3A_84 : f32 to vector<50xf32>
    %max3A_86 = arith.maximumf %reduce_sum3A_83, %max3A_85 : vector<50xf32>
    %log3A_87 = math.log %max3A_86 : vector<50xf32>
    %log3A_88 = arith.constant 2.000000e+00 : f32
    %log3A_89 = math.log %log3A_88 : f32
    %div3A_90 = vector.broadcast %log3A_89 : f32 to vector<50xf32>
    %div3A_91 = arith.divf %log3A_87, %div3A_90 : vector<50xf32>
    %add3A = vector.broadcast %reduce_max3A_51 : f32 to vector<50xf32>
    %add3A_92 = arith.addf %div3A_91, %add3A : vector<50xf32>
    %sub3A_93 = vector.broadcast %div3A_59 : f32 to vector<50xf32>
    %sub3A_94 = arith.subf %add3A_92, %sub3A_93 : vector<50xf32>
    %mul3A_95 = arith.mulf %get3A_9, %sub3A_94 : vector<50xf32>
    %reduce_sum3A_96 = vector.shape_cast %mul3A_95 : vector<50xf32> to vector<1x50xf32>
    %reduce_sum3A_97 = arith.constant dense<0.000000e+00> : vector<1xf32>
    %reduce_sum3A_98 = vector.multi_reduction <add>, %reduce_sum3A_96, %reduce_sum3A_97 [1] : vector<1x50xf32> to vector<1xf32>
    %reduce_sum3A_99 = vector.shape_cast %reduce_sum3A_98 : vector<1xf32> to vector<1x1xf32>
    %reduce_sum3A_100 = vector.extract %reduce_sum3A_99[0, 0] : f32 from vector<1x1xf32>
    %mul3A_101 = arith.constant -0.693147182 : f32
    %mul3A_102 = arith.mulf %mul3A_101, %reduce_sum3A_100 : f32
    %broadcast_in_dim3A_103 = vector.broadcast %mul3A_102 : f32 to vector<128xf32>
    %swap3A = arith.constant 0 : index
    %swap3A_104 = arith.constant 0 : index
    %swap3A_105 = arith.constant 0 : index
    %swap3A_106 = vector.load %arg3[%swap3A, %swap3A_104, %swap3A_105] : memref<1x1x128xf32, #tpu.memory_space<vmem>>, vector<1x1x128xf32>
    %swap3A_107 = vector.shape_cast %swap3A_106 : vector<1x1x128xf32> to vector<128xf32>
    %swap3A_108 = vector.shape_cast %broadcast_in_dim3A_103 : vector<128xf32> to vector<1x1x128xf32>
    tpu.vector_store %arg3[%swap3A, %swap3A_104, %swap3A_105], %swap3A_108 {strides = array<i32>} : memref<1x1x128xf32, #tpu.memory_space<vmem>>, vector<1x1x128xf32>,
    return
  }
  func.func @transform_0(%arg0: i32) -> (i32, i32, i32, i32) {
    %add3A = arith.constant 10 : i32
    %add3A_0 = arith.addi %arg0, %add3A : i32
    %c0_i32 = arith.constant 0 : i32
    %c0_i32_1 = arith.constant 0 : i32
    %c0_i32_2 = arith.constant 0 : i32
    %c0_i32_3 = arith.constant 0 : i32
    return %add3A_0, %c0_i32, %c0_i32_1, %c0_i32_2 : i32, i32, i32, i32
  }
  func.func @transform_1(%arg0: i32) -> (i32, i32, i32) {
    %add3A = arith.constant 10 : i32
    %add3A_0 = arith.addi %arg0, %add3A : i32
    %c0_i32 = arith.constant 0 : i32
    %c0_i32_1 = arith.constant 0 : i32
    %c0_i32_2 = arith.constant 0 : i32
    return %add3A_0, %c0_i32, %c0_i32_1 : i32, i32, i32
  }
  func.func @transform_2(%arg0: i32) -> (i32, i32, i32) {
    %c0_i32 = arith.constant 0 : i32
    %c0_i32_0 = arith.constant 0 : i32
    %c0_i32_1 = arith.constant 0 : i32
    return %arg0, %c0_i32, %c0_i32_0 : i32, i32, i32
  }
}

</mosaic_0001>

<sc_bundles>
// kernel: _gmm_call.4.cloned.1.call-start
scs
__scs_entry_jumppad:
0x0: {  	(pc) =	sbr.rel $0x88, $3  }
0x1: {  	(tag) =	ssettag $0x0;
	lr =	simm.s32 $0x1  }
0x2: {  	[smem:$0x3F9E] =	sst lr;
	_ =	strace $0xD0000000  }
0x3: {  	_ = 	snop  }
0x4: {  	_ = 	snop  }
0x5: {  	_ = 	snop  }
0x6: {  	_ = 	snop  }
0x7: {  	_ = 	snop  }
__scs_overlays_trampoline_lowered:
0x8: {  	[smem:$0x3FAD] =	sst s0  }
0x9: {  	[smem:$0x3FAE] =	sst s1  }
0xa: {  	[smem:$0x3FAF] =	sst s2  }
0xb: {  	[smem:$0x3FB0] =	sst s3  }
0xc: {  	[smem:$0x3FB1] =	sst s4  }
0xd: {  	[smem:$0x3FB2] =	sst s5  }
0xe: {  	[smem:$0x3FB3] =	sst s6  }
0xf: {  	[smem:$0x3FB4] =	sst s7  }
0x10: {  	[smem:$0x3FB5] =	sst s8  }
0x11: {  	[smem:$0x3FB6] =	sst s9;
	s0 =	simm.s32 @!p0 $0x0  }
0x12: {  	s1 =	sld [smem:$0x3F9C];
	s0 =	simm.s32 @p0 $0x1  }
0x13: {  	[smem:$0x3FB7] =	sst s0;
	s0 =	simm.s32 @!p1 $0x0  }
0x14: {  	s2 =	sld [smem:$0x3F9B];
	s0 =	simm.s32 @p1 $0x1  }
0x15: {  	[smem:$0x3FB8] =	sst s0;
	s0 =	simm.s32 @!p2 $0x0  }
0x16: {  	s3 =	sld [smem:$0x3FDB];
	s0 =	simm.s32 @p2 $0x1  }
0x17: {  	s4 =	simm.s32 $0x1BF5;
	[smem:$0x3FBA] =	sst s0  }
0x18: {  	s0 =	sld [smem:$0x3F9D];
	_ =	swait.ge [sflag:s4], $0x0  }
0x19: {  	s7 =	sld [smem:$0x3F9E]  }
0x1a: {  	s8 =	sadd.s32 $0xFFFFE003, lr  }
0x1b: {  	s9 =	sadd.s32 $0xFFFFFEF7, lr;
	s5 =	simm.s32 $0xFFFFFFFF;
	p2 =	slt.u32 s8, $0xFFFFF086  }
0x1c: {  	p1 =	slt.u32 s9, $0xF7A;
	s5 =	simm.s32 @!p2 $0x0  }
0x1d: {  	s5 =	simm.s32 @p1 $0x1;
	p0 =	seq.s32 s7, s2  }
0x1e: {  	s7 =	smul.u32 @!p0 $0xF7A, s2;
	p2 =	seq.s32 @!p0 s5, $0x0  }
0x1f: {  	s9 =	smul.u32 $0xF7A, s1;
	s8 =	simm.s32 @!p0 $0x1BF5;
	p2 =	por !p2, p0  }
0x20: {  	[sflag:s8] =	ssyncset.s32 @!p0 $0xFFFFF086;
	s6 =	sadd.s32 @!p0 s3, s7;
	s7 =	simm.s32 @!p0 $0x108  }
0x21: {  	s3 =	sadd.s32 s3, s9;
	s6 =	sadd.s32 @!p0 $0x88, s6;
	s7 =	simm.s32 @p2 $0x1082  }
0x22: {  	[simem:s7], [sflag:s8] =	dma.local @!p0 [hbm:s6], $0xF7A  }
0x23: {  	s9 =	sor.u32 $0xD0000000, s2;
	s6 =	simm.s32 $0x108;
	_ =	swait.ge @!p0 [sflag:s8], $0x0  }
0x24: {  	s3 =	sadd.s32 $0x88, s3;
	s6 =	simm.s32 @!p1 $0x1082;
	[sflag:s4] =	ssyncset.s32 $0xFFFFF086  }
0x25: {  	[simem:s6], [sflag:s4] =	dma.local [hbm:s3], $0xF7A  }
0x26: {  	[smem:$0x3F9E] =	sst s1;
	(tag) =	ssettag s2;
	_ =	strace s9  }
0x27: {  	s1 =	sld [smem:$0x3FAE]  }
0x28: {  	s2 =	sld [smem:$0x3FAF]  }
0x29: {  	s4 =	sld [smem:$0x3FB1]  }
0x2a: {  	p0 =	seq.s32 s5, $0x0;
	s5 =	sld [smem:$0x3FB2]  }
0x2b: {  	s6 =	sld [smem:$0x3FB3]  }
0x2c: {  	s7 =	sld [smem:$0x3FB4]  }
0x2d: {  	s3 =	simm.s32 $0x108;
	s8 =	sld [smem:$0x3FB5]  }
0x2e: {  	s3 =	simm.s32 @!p0 $0x1082;
	s9 =	sld [smem:$0x3FB6]  }
0x2f: {  	lr =	sadd.s32 s0, s3;
	s0 =	sld [smem:$0x3FAD]  }
0x30: {  	s3 =	sld [smem:$0x3FB0]  }
0x31: {  	[smem:$0x3FB9] =	sst s10  }
0x32: {  	s10 =	sld [smem:$0x3FB7];
	_ =	sdelay $0x3  }
0x33: {  	p0 =	seq.s32 s10, $0x1;
	s10 =	sld [smem:$0x3FB9];
	_ =	sdelay $0x3  }
0x34: {  	[smem:$0x3FB9] =	sst s10  }
0x35: {  	s10 =	sld [smem:$0x3FB8];
	_ =	sdelay $0x3  }
0x36: {  	p1 =	seq.s32 s10, $0x1;
	s10 =	sld [smem:$0x3FB9];
	_ =	sdelay $0x3  }
0x37: {  	[smem:$0x3FB9] =	sst s10  }
0x38: {  	s10 =	sld [smem:$0x3FBA]  }
0x39: {  	_ = 	snop;
	(pc) =	sbr.ind lr, $3  }
0x3a: {  	_ = 	snop  }
0x3b: {  	_ = 	snop  }
0x3c: {  	p2 =	seq.s32 s10, $0x1;
	s10 =	sld [smem:$0x3FB9]  }
0x3d: {  	_ =	shalt  }
0x3e: {  	_ =	shalt  }
0x3f: {  	_ =	shalt  }
0x40: {  	_ =	shalt  }
0x41: {  	_ =	shalt  }
0x42: {  	_ =	shalt  }
0x43: {  	_ =	shalt  }
0x44: {  	_ =	shalt  }
0x45: {  	_ =	shalt  }
0x46: {  	_ =	shalt  }
0x47: {  	_ =	shalt  }
0x48: {  	_ =	shalt  }
0x49: {  	_ =	shalt  }
0x4a: {  	_ =	shalt  }
0x4b: {  	_ =	shalt  }
0x4c: {  	_ =	shalt  }
0x4d: {  	_ =	shalt  }
0x4e: {  	_ =	shalt  }
0x4f: {  	_ =	shalt  }
0x50: {  	_ =	shalt  }
0x51: {  	_ =	shalt  }
0x52: {  	_ =	shalt  }
0x53: {  	_ =	shalt  }
0x54: {  	_ =	shalt  }
0x55: {  	_ =	shalt  }
0x56: {  	_ =	shalt  }
0x57: {  	_ =	shalt  }
0x58: {  	_ =	shalt  }
0x59: {  	_ =	shalt  }
0x5a: {  	_ =	shalt  }
0x5b: {  	_ =	shalt  }
0x5c: {  	_ =	shalt  }
0x5d: {  	_ =	shalt  }
0x5e: {  	_ =	shalt  }
0x5f: {  	_ =	shalt  }
0x60: {  	_ =	shalt  }
0x61: {  	_ =	shalt  }
0x62: {  	_ =	shalt  }
0x63: {  	_ =	shalt  }
0x64: {  	_ =	shalt  }
0x65: {  	_ =	shalt  }
0x66: {  	_ =	shalt  }
0x67: {  	_ =	shalt  }
0x68: {  	_ =	shalt  }
0x69: {  	_ =	shalt  }
0x6a: {  	_ =	shalt  }
0x6b: {  	_ =	shalt  }
0x6c: {  	_ =	shalt  }
0x6d: {  	_ =	shalt  }
0x6e: {  	_ =	shalt  }
0x6f: {  	_ =	shalt  }
0x70: {  	_ =	shalt  }
0x71: {  	_ =	shalt  }
0x72: {  	_ =	shalt  }
0x73: {  	_ =	shalt  }
0x74: {  	_ =	shalt  }
0x75: {  	_ =	shalt  }
0x76: {  	_ =	shalt  }
0x77: {  	_ =	shalt  }
0x78: {  	_ =	shalt  }
0x79: {  	_ =	shalt  }
0x7a: {  	_ =	shalt  }
0x7b: {  	_ =	shalt  }
0x7c: {  	_ =	shalt  }
0x7d: {  	_ =	shalt  }
0x7e: {  	_ =	shalt  }
0x7f: {  	_ =	shalt  }
0x80: {  	_ =	shalt  }
0x81: {  	_ =	shalt  }
0x82: {  	_ =	shalt  }
0x83: {  	_ =	shalt  }
0x84: {  	_ =	shalt  }
0x85: {  	_ =	shalt  }
0x86: {  	_ =	shalt  }
0x87: {  	_ =	shalt  }
.Lfunc_end0:
.L_simem_size_0:
called_computation_lowered:
.L_overlay_start_0:
0x88: {  	s2 =	sld [smem:$0x3FD9]  }
0x89: {  	s3 =	sld [smem:$0x3FFE];
	_ =	sdelay $0x1  }
0x8a: {  	s1 =	srdreg.scid  }
0x8b: {  	s0 =	sand.u32 $0x1, s1  }
0x8c: {  	s17 =	sshll.u32 s0, $0xA;
	s2 =	sadd.s32 s3, s2  }
0x8d: {  	s2 =	sadd.s32 s2, s17  }
0x8e: {  	[smem:$0x3FC5] =	sst s2  }
0x8f: {  	_ = 	snop  }
0x90: {  	s2 =	sld [smem:$0x3FC9];
	(tm) =	ssettm $0x1  }
0x91: {  	s18 =	sld [smem:$0x3FFB];
	_ =	sdelay $0x3  }
0x92: {  	_ =	strace s18  }
0x93: {  	s3 =	sld [smem:$0x3FFC];
	_ =	sdelay $0x3  }
0x94: {  	_ =	strace s3  }
0x95: {  	s3 =	sld [smem:$0x3FFD];
	_ =	sdelay $0x3  }
0x96: {  	_ =	strace s3  }
0x97: {  	_ =	strace $0x8FFFFFFF  }
0x98: {  	s19 =	sld [smem:$0x3FDB];
	_ =	sdelay $0x1  }
0x99: {  	s4 =	simm.s32 $_scs_section_size  }
0x9a: {  	s5 =	simm.s32 $_size__tile_overlayer_lowered;
	s6 =	simm.s32 $_tile_overlayer_lowered  }
0x9b: {  	s22 =	simm.s32 $0x1BFF;
	s21 =	sshll.u32 s6, $0x1;
	s3 =	sadd.s32 s4, s19  }
0x9c: {  	s7 =	simm.s32 $0x0;
	s20 =	sshll.u32 s5, $0x1;
	s5 =	sadd.s32 s21, s3  }
0x9d: {  	[timem:s7], [sflag:s22] =	dma.local [hbm:s5], s20  }
0x9e: {  	_ =	swait.ge [sflag:s22], s20  }
0x9f: {  	s4 =	ssub.s32 $0x0, s20;
	[sflag:s22] =	ssyncset.done $0x0  }
0xa0: {  	[sflag:s22] =	ssyncadd.s32 s4;
	_ =	sdelay $0x1  }
0xa1: {  	s23 =	simm.s32 $0x1B8B  }
0xa2: {  	_ =	swait.ge [sflag:s23], $0x1  }
0xa3: {  	[sflag:s23] =	ssyncset.done $0x0  }
0xa4: {  	s25 =	simm.s32 $0x1B8E;
	s24 =	sld [smem:$0x3FFE];
	[sflag:s23] =	ssyncadd.s32 $0xFFFFFFFF  }
0xa5: {  	s26 =	simm.s32 $execute0_lowered;
	[smem:$0x3FD2] =	sst s25  }
0xa6: {  	s5 =	sshll.u32 s26, $0x1;
	_ =	strace $0x80000046;
	[dreg:$0x1] =	wrdreg $0xFFFFFFFF  }
0xa7: {  	s28 =	simm.s32 $_size_execute0_lowered;
	s3 =	sadd.s32 s3, s5;
	[dreg:$0x0] =	wrdreg $0x0  }
0xa8: {  	s5 =	sshll.u32 s28, $0x1;
	[dreg:$0x2] =	wrdreg s3  }
0xa9: {  	[dreg:$0x3] =	wrdreg s5  }
0xaa: {  	[dreg:$0x4] =	wrdreg $0xC0  }
0xab: {  	_ =	task [dreg:s7], $0x5FFFF  }
0xac: {  	[dreg:$0x1] =	wrdreg $0xFFFFFFFF  }
0xad: {  	[dreg:$0x0] =	wrdreg $0x60  }
0xae: {  	[dreg:$0x2] =	wrdreg s2  }
0xaf: {  	[dreg:$0x3] =	wrdreg s24  }
0xb0: {  	[dreg:$0x4] =	wrdreg $0x9  }
0xb1: {  	_ =	task.clear_ibuf [dreg:s7], $0x5FFFF;
	_ =	strace $0x90000046  }
0xb2: {  	s29 =	simm.s32 $0x9;
	_ =	strace $0x80000048  }
0xb3: {  	_ =	swait.ge [sflag:s29], $0x1  }
0xb4: {  	[sflag:s29] =	ssyncadd.s32 $0xFFFFFFFF  }
0xb5: {  	_ =	strace $0x90000048  }
0xb6: {  	_ =	sfence  }
0xb7: {  	s30 =	sld [smem:$0x0];
	_ =	sdelay $0x2  }
0xb8: {  	s31 =	sshll.u32 s1, $0xD;
	s1 =	sshrl.u32 s1, $0x2  }
0xb9: {  	s3 =	sand.u32 $0x4000, s31;
	s1 =	sadd.s32 s1, s30  }
0xba: {  	s0 =	sor.u32 s3, s0;
	s1 =	sshll.u32 s1, $0x11  }
0xbb: {  	s0 =	sor.u32 s1, s0  }
0xbc: {  	s0 =	sadd.s32 $0x8F2B, s0  }
0xbd: {  	[sflag:s0] =	ssyncadd.remote.s32 $0x1  }
0xbe: {  	_ =	sfence.sel $0xFFFF  }
0xbf: {  	[dreg:$0x0] =	wrdreg $0xFFFFFFFF;
	(pc) =	sbr.abs _section_cstart, $3  }
0xc0: {  	[dreg:$0x1] =	wrdreg $0xFFFFFFFF  }
0xc1: {  	_ =	task.clear_ibuf [dreg:s7], $0x2FFFF;
	_ =	strace $0x9FFFFFFF  }
0xc2: {  	(tm) =	ssettm $0x7FFFFFFF  }
0xc3: {  	_ =	shalt  }
tec
execute0_lowered:
.L_overlay_start_1:
0x0: {  	(tag) =	ssettag $0x1  }
0x1: {  	s0 =	srdreg.scid;
	s9 =	stileid.u32  }
0x2: {  	s0 =	sand.u32 $0x1, s0;
	s1 =	sshll.u32 s9, $0x1  }
0x3: {  	s1 =	sor.u32 s0, s1  }
0x4: {  	s2 =	smul.u32 $0x56, s1  }
0x5: {  	s6 =	rddreg [dreg:$0x0];
	s7 =	simm.s32 $0x1;
	s18 =	simm.f32 $1.000000000e+00  }
0x6: {  	s23 =	simm.f32 $1.000000000e+00;
	s25 =	simm.f32 $1.000000000e+00;
	s3 =	sshrl.u32 s2, $0x8  }
0x7: {  	s20 =	ssub.s32 $0x2, s0;
	p0 =	slt.u32 s1, $0x3;
	s5 =	smin.u32 s3, $0x9  }
0x8: {  	s21 =	sshrl.u32 s20, $0x1;
	s3 =	smul.u32 $0xFFFFFFFD, s3;
	s4 =	sand.u32 $0x7, s5  }
0x9: {  	s2 =	rddreg [dreg:$0x1];
	p1 =	sne.s32 s4, $0x0;
	s4 =	simm.s32 $0x1  }
0xa: {  	s3 =	sadd.s32 s1, s3;
	s1 =	sshll.u32 s1, $0x4;
	p0 =	por !p0, !p1  }
0xb: {  	p1 =	sgt.u32 s9, $0xB;
	s16 =	smul.u32 $0x11, s3;
	p0 =	por !p0, !p0  }
0xc: {  	s0 =	sadd.s32 s1, s2;
	s4 =	simm.s32 @!p1 $0x0;
	s7 =	simm.s32 @!p0 $0x0  }
0xd: {  	p0 =	slt.s32 s16, $0x21;
	s8 =	smov.u32 s16;
	s10 =	sadd.s32 $0x4, s16  }
0xe: {  	s11 =	sadd.s32 $0x5, s16;
	s12 =	sadd.s32 $0x6, s16;
	s13 =	sadd.s32 $0x7, s16  }
0xf: {  	s14 =	sadd.s32 $0x8, s16;
	s15 =	sadd.s32 $0x9, s16;
	s17 =	sadd.s32 $0xB, s16  }
0x10: {  	s28 =	sand.u32 $0xF, s16;
	s4 =	ssub.s32 s4, s7;
	s8 =	simm.s32 @!p0 $0x21  }
0x11: {  	p0 =	seq.s32 s9, $0xF;
	s7 =	sadd.s32 $0x1, s16;
	s9 =	sadd.s32 $0x3, s16  }
0x12: {  	s19 =	sshll.u32 s4, $0x3;
	s4 =	smul.u32 $0x50000, s4;
	s29 =	sand.u32 $0xF, s7  }
0x13: {  	v37 =	vmov s28;
	s28 =	sand.u32 $0xF, s9;
	s3 =	ssub.s32 s5, s19;
	s19 =	sadd.s32 $0x11, s8  }
0x14: {  	s5 =	sshll.u32 s5, $0x6;
	v60 =	vmov s29;
	s29 =	sand.u32 $0xF, s10;
	v62 =	vmov s28;
	s28 =	sand.u32 $0xF, s12  }
0x15: {  	s8 =	sadd.s32 $0x2, s16;
	s3 =	smul.u32 $0xA000, s3;
	v63 =	vmov s29;
	s29 =	sand.u32 $0xF, s13;
	v28 =	vmov s28  }
0x16: {  	s19 =	simm.s32 @p0 $0x0;
	s30 =	sand.u32 $0xF, s8;
	s28 =	sand.u32 $0xF, s15;
	[tilespmem:$0x1FDD0] =	vst v28;
	v29 =	vmov s29  }
0x17: {  	s2 =	sadd.s32 s2, s5;
	p1 =	slt.s32 s8, s19;
	v61 =	vmov s30;
	s30 =	sand.u32 $0xF, s11;
	v31 =	vmov s28;
	[tilespmem:$0x1FDE0] =	vst v29  }
0x18: {  	s3 =	sadd.s32 s4, s3;
	s4 =	ssub.s32 s20, s21;
	v0 =	vmov s30;
	s30 =	sand.u32 $0xF, s14;
	[tilespmem:$0x1FE00] =	vst v31  }
0x19: {  	s18 =	simm.s32 @!p1 $0x0;
	p1 =	slt.s32 s10, s19;
	s21 =	simm.f32 $1.000000000e+00;
	[tilespmem:$0x1FDC0] =	vst v0;
	v30 =	vmov s30  }
0x1a: {  	p0 =	slt.s32 s16, s19;
	s21 =	simm.s32 @!p1 $0x0;
	p1 =	slt.s32 s12, s19;
	v34 =	vmov s18;
	[tilespmem:$0x1FDF0] =	vst v30  }
0x1b: {  	s22 =	sshrl.u32 s3, $0x3;
	s23 =	simm.s32 @!p1 $0x0;
	p1 =	slt.s32 s14, s19;
	[tilespmem:$0x1FE30] =	vst v34;
	v36 =	vmov s21  }
0x1c: {  	s3 =	sadd.s32 $0xA, s16;
	s1 =	sadd.s32 s6, s22;
	s25 =	simm.s32 @!p1 $0x0;
	[tilespmem:$0x1FE50] =	vst v36;
	v39 =	vmov s23  }
0x1d: {  	[dreg:$0x3] =	wrdreg s1;
	s1 =	simm.f32 $1.000000000e+00;
	s23 =	sand.u32 $0xF, s3;
	[tilespmem:$0x1FE70] =	vst v39;
	v41 =	vmov s25  }
0x1e: {  	[dreg:$0x4] =	wrdreg s2;
	s2 =	sadd.s32 $0xE, s16;
	s1 =	simm.s32 @!p0 $0x0;
	v43 =	vmov s23;
	[tilespmem:$0x1FE90] =	vst v41  }
0x1f: {  	s30 =	simm.f32 $1.000000000e+00;
	p1 =	slt.s32 s17, s19;
	s23 =	sand.u32 $0xF, s2;
	v32 =	vmov s1;
	[tilespmem:$0x1FEB0] =	vst v43  }
0x20: {  	s6 =	simm.f32 $1.000000000e+00;
	p0 =	slt.s32 s7, s19;
	s30 =	simm.s32 @!p1 $0x0;
	v47 =	vmov s23;
	[tilespmem:$0x1FE10] =	vst v32  }
0x21: {  	s20 =	simm.f32 $1.000000000e+00;
	s6 =	simm.s32 @!p0 $0x0;
	p0 =	slt.s32 s9, s19;
	v2 =	vmov s30;
	[tilespmem:$0x1FEF0] =	vst v47  }
0x22: {  	s31 =	simm.s32 $0x0;
	s18 =	sadd.s32 $0xC, s16;
	s20 =	simm.s32 @!p0 $0x0;
	v33 =	vmov s6;
	[tilespmem:$0x1FF20] =	vst v2  }
0x23: {  	s22 =	simm.f32 $1.000000000e+00;
	p0 =	slt.s32 s11, s19;
	s6 =	sand.u32 $0xF, s18;
	[tilespmem:$0x1FE20] =	vst v33;
	v35 =	vmov s20  }
0x24: {  	s24 =	simm.f32 $1.000000000e+00;
	s22 =	simm.s32 @!p0 $0x0;
	p0 =	slt.s32 s13, s19;
	v45 =	vmov s6;
	[tilespmem:$0x1FE40] =	vst v35  }
0x25: {  	s26 =	simm.f32 $1.000000000e+00;
	s20 =	sadd.s32 $0xD, s16;
	s24 =	simm.s32 @!p0 $0x0;
	v38 =	vmov s22;
	[tilespmem:$0x1FED0] =	vst v45  }
0x26: {  	[smem:$0x7FF] =	sst s31;
	p0 =	slt.s32 s15, s19;
	s22 =	sand.u32 $0xF, s20;
	[tilespmem:$0x1FE60] =	vst v38;
	v40 =	vmov s24  }
0x27: {  	v54 =	vimm.s32 $0xDCFE98BA;
	s5 =	simm.f32 $1.000000000e+00;
	s29 =	simm.f32 $1.000000000e+00;
	s26 =	simm.s32 @!p0 $0x0;
	v46 =	vmov s22;
	[tilespmem:$0x1FE80] =	vst v40  }
0x28: {  	v3 =	vimm.s32 $0x54761032;
	s21 =	sadd.s32 $0xF, s16;
	p1 =	slt.s32 s2, s19;
	s24 =	sand.u32 $0xF, s17;
	v42 =	vmov s26;
	[tilespmem:$0x1FEE0] =	vst v46  }
0x29: {  	v4 =	vimm.s32 $0xBA98FEDC;
	s25 =	sadd.s32 $0x10, s16;
	p0 =	slt.s32 s3, s19;
	v44 =	vmov s24;
	s24 =	sand.u32 $0xF, s21;
	[tilespmem:$0x1FEA0] =	vst v42  }
0x2a: {  	v5 =	vimm.s32 $0x32107654;
	s1 =	simm.f32 $1.000000000e+00;
	s29 =	simm.s32 @!p0 $0x0;
	p0 =	slt.s32 s18, s19;
	[tilespmem:$0x1FEC0] =	vst v44;
	v48 =	vmov s24  }
0x2b: {  	v3 =	vunpack.c.l.s4.s8 v3;
	s23 =	sand.u32 $0xFFFFFFF0, s16;
	v2 =	vunpack.c.l.s4.s8 v54;
	s5 =	simm.s32 @!p0 $0x0;
	p0 =	slt.s32 s20, s19;
	v1 =	vmov s29;
	[tilespmem:$0x1FF00] =	vst v48  }
0x2c: {  	v4 =	vunpack.c.l.s4.s8 v4;
	v5 =	vunpack.c.l.s4.s8 v5;
	s6 =	simm.f32 $1.000000000e+00;
	s16 =	sand.u32 $0xFFFFFFF0, s3;
	[tilespmem:$0x1FF10] =	vst v1;
	v51 =	vmov s5;
	s1 =	simm.s32 @!p0 $0x0  }
0x2d: {  	v3 =	vunpack.c.0.s8.s32 v3;
	s6 =	simm.s32 @!p1 $0x0;
	p1 =	slt.s32 s21, s19;
	v2 =	vunpack.c.0.s8.s32 v2;
	s3 =	simm.f32 $1.000000000e+00;
	[tilespmem:$0x1FF30] =	vst v51;
	v52 =	vmov s1  }
0x2e: {  	v4 =	vunpack.c.0.s8.s32 v4;
	v5 =	vunpack.c.0.s8.s32 v5;
	v53 =	vmov s6;
	s3 =	simm.s32 @!p1 $0x0;
	_ =	strace $0x80000047;
	[tilespmem:$0x1FF40] =	vst v52  }
0x2f: {  	v56 =	vcombine.low v3, v2;
	v8 =	vmov s3;
	[tilespmem:$0x1FF50] =	vst v53  }
0x30: {  	v57 =	vcombine.low v5, v4;
	[tilespmem:$0x1FF60] =	vst v8  }
0x31: {  	v49 =	vimm.s32 $0xEFCDAB89;
	s0 =	sadd.s32 $0x800, s0;
	s8 =	sand.u32 $0xFFFFFFF0, s8;
	[tilespmem:$0x1FF80] =	vst v56  }
0x32: {  	v50 =	vimm.s32 $0x67452301;
	s28 =	simm.s32 $0x0;
	s10 =	sand.u32 $0xFFFFFFF0, s10;
	s12 =	sand.u32 $0xFFFFFFF0, s12;
	[tilespmem:$0x1FF90] =	vst v57  }
0x33: {  	v6 =	vimm.s32 $0xFEDCBA98;
	v0 =	vunpack.c.l.s4.s8 v49;
	s14 =	sand.u32 $0xFFFFFFF0, s14;
	s7 =	sand.u32 $0xFFFFFFF0, s7;
	s9 =	sand.u32 $0xFFFFFFF0, s9;
	v1 =	vunpack.c.l.s4.s8 v50;
	[tilespmem:$0x1FFB0] =	vst v37  }
0x34: {  	v7 =	vimm.s32 $0x76543210;
	v6 =	vunpack.c.l.s4.s8 v6;
	s30 =	smax.u32 s4, $0x1;
	s11 =	sand.u32 $0xFFFFFFF0, s11;
	s13 =	sand.u32 $0xFFFFFFF0, s13;
	[tilespmem:$0x1FFC0] =	vst v60  }
0x35: {  	v7 =	vunpack.c.l.s4.s8 v7;
	v0 =	vunpack.c.0.s8.s32 v0;
	s15 =	sand.u32 $0xFFFFFFF0, s15;
	s6 =	simm.f32 $1.000000000e+00;
	p0 =	slt.s32 s25, s19;
	v1 =	vunpack.c.0.s8.s32 v1;
	[tilespmem:$0x1FFD0] =	vst v61  }
0x36: {  	v6 =	vunpack.c.0.s8.s32 v6;
	s17 =	sand.u32 $0xFFFFFFF0, s17;
	s6 =	simm.s32 @!p0 $0x0;
	[dreg:$0x7] =	wrdreg s0;
	[tilespmem:$0x1FFE0] =	vst v62  }
0x37: {  	v55 =	vunpack.c.0.s8.s32 v7;
	s22 =	sand.u32 $0xFFFFFFF0, s20;
	s26 =	sand.u32 $0xFFFFFFF0, s21;
	[dreg:$0x8] =	wrdreg s30;
	v59 =	vmov s6;
	[tilespmem:$0x1FFF0] =	vst v63;
	v0 =	vcombine.low v1, v0  }
0x38: {  	v58 =	vand.u32 $0xF, v6;
	s18 =	sand.u32 $0xFFFFFFF0, s18;
	s29 =	sand.u32 $0xFFFFFFF0, s25;
	[dreg:$0x5] =	wrdreg s26;
	[tilespmem:$0x1FFA0] =	vst v59  }
0x39: {  	v36 =	vcombine.low v58, v55;
	s24 =	simm.s32 $0x1;
	s20 =	sand.u32 $0xFFFFFFF0, s2;
	[dreg:$0x6] =	wrdreg s29;
	[tilespmem:$0x1FF70] =	vst v0  }
.LBB2_1:
0x3a: {  	s5 =	smov.u32 s20  }
0x3b: {  	s21 =	smov.u32 s18;
	s20 =	smov.u32 s17;
	s19 =	smov.u32 s16  }
0x3c: {  	s18 =	smov.u32 s15;
	s17 =	smov.u32 s14;
	s16 =	smov.u32 s13  }
0x3d: {  	s15 =	smov.u32 s12;
	s14 =	smov.u32 s11;
	s0 =	rddreg [dreg:$0x3]  }
0x3e: {  	[tilespmem:s31], [sflag:$0x1] =	stream.linear.gather [hbm4b:s0+s31], $0xA000, $0x38;
	[tilespmem:$0xD280] =	vst v63  }
0x3f: {  	s13 =	smov.u32 s10;
	s12 =	smov.u32 s9;
	_ =	swait.ge [sflag:s24], $0xA000  }
0x40: {  	s11 =	smov.u32 s8;
	s10 =	smov.u32 s7;
	[sflag:s24] =	ssyncset.done $0x0  }
0x41: {  	s1 =	simm.s32 $0xA000;
	s7 =	rddreg [dreg:$0x4];
	[sflag:s24] =	ssyncadd.s32 $0xFFFF6000  }
0x42: {  	[tilespmem:s1], [sflag:$0x1] =	stream.linear.gather [hbm4b:s7+s31], $0x180, $0x38;
	[tilespmem:$0xD280] =	vst v63  }
0x43: {  	s9 =	smov.u32 s23;
	s8 =	sand.u32 $0x1F80, s31;
	_ =	swait.ge [sflag:s24], $0x180  }
0x44: {  	s23 =	sand.u32 $0x20, s31;
	s2 =	sor.u32 $0x6000, s8;
	[sflag:s24] =	ssyncset.done $0x0  }
0x45: {  	s3 =	sor.u32 $0x8000, s8;
	s4 =	sor.u32 s23, s2;
	[sflag:s24] =	ssyncadd.s32 $0xFFFFFE80  }
0x46: {  	s24 =	sor.u32 s23, s3;
	v0 =	vld [tilespmem:s4+$0x0]  }
0x47: {  	v1 =	vld [tilespmem:s24+$0x0];
	_ =	sdelay $0x3  }
0x48: {  	v0 =	vmax.f32 v0, $1.000000010e-10  }
0x49: {  	v1 =	vmax.f32 v1, $1.000000010e-10;
	(erf) = vrcp.f32 v0  }
0x4a: {  	(erf) = vrcp.f32 v1;
	_ =	sdelay $0x3  }
0x4b: {  	s0 =	sor.u32 s23, s8  }
0x4c: {  	v0 =	vld [tilespmem:s0+$0x0];
	_ =	sdelay $0x2  }
0x4d: {  	v1 =	vpop (erf)  }
0x4e: {  	v2 =	vmul.f32 $5.000000000e-01, v1;
	v3 =	vpop (erf)  }
0x4f: {  	v0 =	vmax.f32 v0, $9.999999680e-21;
	v4 =	vmul.f32 $5.000000000e-01, v3  }
0x50: {  	v5 =	vmul.f32 v1, v0;
	v1 =	vmul.f32 v2, v1  }
0x51: {  	s0 =	simm.s32 $0xA210;
	v2 =	vmul.f32 v4, v3  }
0x52: {  	s6 =	simm.s32 $0xB210;
	s25 =	simm.s32 $0x10;
	v3 =	vmul.f32 v3, v5;
	[tilespmem:s0+$0xFFFFFFF0] =	vst v1  }
0x53: {  	s31 =	simm.s32 $0xC210;
	s4 =	sand.u32 $0x30, s25;
	[tilespmem:s6+$0xFFFFFFF0] =	vst v2  }
0x54: {  	s2 =	sor.u32 s4, s2;
	[tilespmem:s31+$0xFFFFFFF0] =	vst v3  }
0x55: {  	s26 =	sor.u32 s4, s3;
	v1 =	vld [tilespmem:s2+$0x0]  }
0x56: {  	v2 =	vld [tilespmem:s26+$0x0];
	_ =	sdelay $0x3  }
0x57: {  	v1 =	vmax.f32 v1, $1.000000010e-10  }
0x58: {  	v2 =	vmax.f32 v2, $1.000000010e-10;
	(erf) = vrcp.f32 v1  }
0x59: {  	(erf) = vrcp.f32 v2;
	_ =	sdelay $0x4  }
0x5a: {  	s1 =	sor.u32 s4, s8  }
0x5b: {  	v1 =	vld [tilespmem:s1+$0x0];
	_ =	sdelay $0x1  }
0x5c: {  	v2 =	vpop (erf)  }
0x5d: {  	v3 =	vmul.f32 $5.000000000e-01, v2;
	v58 =	vpop (erf)  }
0x5e: {  	v59 =	vmul.f32 $5.000000000e-01, v58  }
0x5f: {  	v6 =	vimm.f32 $0.0e+00;
	v1 =	vmax.f32 v1, $9.999999680e-21;
	v3 =	vmul.f32 v3, v2  }
0x60: {  	s30 =	simm.s32 $0x20;
	s29 =	simm.s32 $0xB230;
	v0 =	vadd.f32 v0, v6;
	s26 =	simm.s32 $0x40;
	v2 =	vmul.f32 v2, v1;
	v5 =	vmul.f32 v59, v58  }
0x61: {  	s4 =	simm.s32 $0xC230;
	s2 =	simm.s32 $0x40;
	s25 =	sand.u32 $0x1F80, s26;
	[tilespmem:s0+$0x0] =	vst v3  }
0x62: {  	s24 =	sor.u32 $0x6000, s25;
	s23 =	sor.u32 $0x8000, s25;
	s1 =	sand.u32 $0x20, s30;
	v1 =	vadd.f32 v1, v0;
	v0 =	vmul.f32 v58, v2;
	[tilespmem:s6+$0x0] =	vst v5  }
.LBB2_2:
0x63: {  	s7 =	sor.u32 s1, s24;
	s0 =	sadd.s32 $0x20, s0;
	s8 =	smov.u32 s2  }
0x64: {  	[tilespmem:s31+$0x0] =	vst v0;
	s6 =	sadd.s32 $0x20, s2;
	s3 =	smov.u32 s29;
	s31 =	smov.u32 s4  }
0x65: {  	p0 =	sne.s32 s2, $0xFE0;
	s2 =	sor.u32 s1, s23;
	v0 =	vld [tilespmem:s7+$0x0]  }
0x66: {  	v2 =	vld [tilespmem:s2+$0x0];
	_ =	sdelay $0x3  }
0x67: {  	v0 =	vmax.f32 v0, $1.000000010e-10  }
0x68: {  	v2 =	vmax.f32 v2, $1.000000010e-10;
	(erf) = vrcp.f32 v0  }
0x69: {  	(erf) = vrcp.f32 v2;
	_ =	sdelay $0x1  }
0x6a: {  	s1 =	sor.u32 s1, s25  }
0x6b: {  	v0 =	vld [tilespmem:s1+$0x0];
	_ =	sdelay $0x4  }
0x6c: {  	v0 =	vmax.f32 v0, $9.999999680e-21;
	v2 =	vpop (erf)  }
0x6d: {  	v3 =	vmul.f32 $5.000000000e-01, v2;
	v4 =	vmul.f32 v2, v0;
	v5 =	vpop (erf)  }
0x6e: {  	v6 =	vmul.f32 $5.000000000e-01, v5  }
0x6f: {  	v2 =	vmul.f32 v3, v2;
	v3 =	vmul.f32 v5, v4  }
0x70: {  	v4 =	vmul.f32 v6, v5  }
0x71: {  	s1 =	sadd.s32 $0x10, s30;
	s30 =	smov.u32 s8;
	[tilespmem:s0+$0xFFFFFFF0] =	vst v2  }
0x72: {  	s1 =	sand.u32 $0x30, s1;
	[tilespmem:s29+$0xFFFFFFF0] =	vst v4  }
0x73: {  	s2 =	sor.u32 s1, s24;
	[tilespmem:s4+$0xFFFFFFF0] =	vst v3  }
0x74: {  	v2 =	vld [tilespmem:s2+$0x0];
	s2 =	sor.u32 s1, s23  }
0x75: {  	v3 =	vld [tilespmem:s2+$0x0];
	_ =	sdelay $0x3  }
0x76: {  	v2 =	vmax.f32 v2, $1.000000010e-10  }
0x77: {  	v3 =	vmax.f32 v3, $1.000000010e-10;
	(erf) = vrcp.f32 v2  }
0x78: {  	(erf) = vrcp.f32 v3;
	_ =	sdelay $0x1  }
0x79: {  	s1 =	sor.u32 s1, s25  }
0x7a: {  	v2 =	vld [tilespmem:s1+$0x0];
	_ =	sdelay $0x3  }
0x7b: {  	v0 =	vadd.f32 v0, v1  }
0x7c: {  	v1 =	vmax.f32 v2, $9.999999680e-21;
	v2 =	vpop (erf)  }
0x7d: {  	v3 =	vmul.f32 $5.000000000e-01, v2;
	v4 =	vmul.f32 v2, v1;
	v1 =	vadd.f32 v1, v0;
	v5 =	vpop (erf)  }
.Ltmp0:
0x7e: {  	v6 =	vmul.f32 $5.000000000e-01, v5;
	(pc) =	sbr.rel @p0 .LBB2_2-.Ltmp0, $4  }
0x7f: {  	s26 =	sadd.s32 $0x40, s26;
	v2 =	vmul.f32 v3, v2;
	v0 =	vmul.f32 v5, v4  }
0x80: {  	s25 =	sand.u32 $0x1F80, s26;
	v3 =	vmul.f32 v6, v5  }
0x81: {  	s29 =	sadd.s32 $0x20, s29;
	s4 =	sadd.s32 $0x20, s4;
	s24 =	sor.u32 $0x6000, s25;
	[tilespmem:s0+$0x0] =	vst v2  }
0x82: {  	s23 =	sor.u32 $0x8000, s25;
	s2 =	smov.u32 s6;
	s1 =	sand.u32 $0x20, s30;
	[tilespmem:s3+$0x0] =	vst v3  }
0x83: {  	s2 =	sor.u32 s1, s24;
	[tilespmem:s31+$0x0] =	vst v0  }
0x84: {  	s6 =	sor.u32 s1, s23;
	v0 =	vld [tilespmem:s2+$0x0]  }
0x85: {  	v2 =	vld [tilespmem:s6+$0x0];
	_ =	sdelay $0x3  }
0x86: {  	v0 =	vmax.f32 v0, $1.000000010e-10  }
0x87: {  	v2 =	vmax.f32 v2, $1.000000010e-10;
	(erf) = vrcp.f32 v0  }
0x88: {  	(erf) = vrcp.f32 v2;
	_ =	sdelay $0x3  }
0x89: {  	s7 =	sor.u32 s1, s25  }
0x8a: {  	v0 =	vld [tilespmem:s7+$0x0];
	_ =	sdelay $0x2  }
0x8b: {  	v2 =	vpop (erf)  }
0x8c: {  	v3 =	vmul.f32 $5.000000000e-01, v2;
	v4 =	vpop (erf)  }
0x8d: {  	v0 =	vmax.f32 v0, $9.999999680e-21;
	v5 =	vmul.f32 $5.000000000e-01, v4  }
0x8e: {  	v6 =	vmul.f32 v2, v0;
	v2 =	vmul.f32 v3, v2  }
0x8f: {  	s0 =	sadd.s32 $0x20, s0;
	v3 =	vmul.f32 v5, v4  }
0x90: {  	s8 =	sadd.s32 $0x10, s30;
	v4 =	vmul.f32 v4, v6;
	[tilespmem:s0+$0xFFFFFFF0] =	vst v2  }
0x91: {  	s1 =	sand.u32 $0x30, s8;
	[tilespmem:s29+$0xFFFFFFF0] =	vst v3  }
0x92: {  	s26 =	sor.u32 s1, s24;
	[tilespmem:s4+$0xFFFFFFF0] =	vst v4  }
0x93: {  	s3 =	sor.u32 s1, s23;
	v2 =	vld [tilespmem:s26+$0x0]  }
0x94: {  	v3 =	vld [tilespmem:s3+$0x0];
	_ =	sdelay $0x3  }
0x95: {  	v2 =	vmax.f32 v2, $1.000000010e-10  }
0x96: {  	v3 =	vmax.f32 v3, $1.000000010e-10;
	(erf) = vrcp.f32 v2  }
0x97: {  	(erf) = vrcp.f32 v3;
	_ =	sdelay $0x3  }
0x98: {  	s1 =	sor.u32 s1, s25  }
0x99: {  	v2 =	vld [tilespmem:s1+$0x0];
	_ =	sdelay $0x2  }
0x9a: {  	v3 =	vpop (erf)  }
0x9b: {  	v4 =	vmul.f32 $5.000000000e-01, v3;
	v5 =	vpop (erf)  }
0x9c: {  	v2 =	vmax.f32 v2, $9.999999680e-21;
	v6 =	vmul.f32 $5.000000000e-01, v5  }
0x9d: {  	v8 =	vld [tilespmem:$0x1FF80];
	v7 =	vmul.f32 v3, v2;
	v3 =	vmul.f32 v4, v3  }
0x9e: {  	v10 =	vld [tilespmem:$0x1FF90];
	v4 =	vmul.f32 v6, v5  }
0x9f: {  	v24 =	vld [tilespmem:$0x1FDD0];
	v5 =	vmul.f32 v5, v7;
	[tilespmem:s0+$0x0] =	vst v3  }
0xa0: {  	v25 =	vld [tilespmem:$0x1FE00];
	[tilespmem:s29+$0x0] =	vst v4  }
0xa1: {  	v0 =	vadd.f32 v0, v1;
	v4 =	vld [tilespmem:$0x1FF70];
	[tilespmem:s4+$0x0] =	vst v5  }
0xa2: {  	v1 =	vld [tilespmem:s9+$0xA080]  }
0xa3: {  	v0 =	vadd.f32 v2, v0;
	v2 =	vld [tilespmem:s10+$0xA080]  }
0xa4: {  	v3 =	vld [tilespmem:s11+$0xA080]  }
0xa5: {  	v5 =	vld [tilespmem:s12+$0xA080]  }
0xa6: {  	v6 =	vld [tilespmem:s13+$0xA080]  }
0xa7: {  	v7 =	vld [tilespmem:s15+$0xA080]  }
0xa8: {  	s23 =	smov.u32 s9;
	v9 =	vld [tilespmem:s16+$0xA080]  }
0xa9: {  	s7 =	smov.u32 s10;
	v19 =	vld [tilespmem:s23+$0xA100]  }
0xaa: {  	s8 =	smov.u32 s11;
	v20 =	vld [tilespmem:s7+$0xA100]  }
0xab: {  	s10 =	smov.u32 s13;
	v21 =	vld [tilespmem:s8+$0xA100];
	v4 =	vperm.xlane v0, v4  }
0xac: {  	s11 =	smov.u32 s14;
	v22 =	vld [tilespmem:s10+$0xA100]  }
0xad: {  	v23 =	vld [tilespmem:s11+$0xA100];
	v0 =	vadd.f32 v4, v0  }
0xae: {  	v4 =	vld [tilespmem:s14+$0xA080]  }
0xaf: {  	v11 =	vperm.xlane v2, v60;
	v2 =	vld [tilespmem:s16+$0xA100];
	v8 =	vperm.xlane v0, v8  }
0xb0: {  	v14 =	vperm.xlane v6, v63;
	v6 =	vld [tilespmem:$0x1FDC0]  }
0xb1: {  	v16 =	vperm.xlane v7, v24;
	v7 =	vld [tilespmem:$0x1FDE0];
	v0 =	vadd.f32 v8, v0  }
0xb2: {  	s6 =	simm.s32 $0x0;
	v12 =	vperm.xlane v3, v61;
	v3 =	vld [tilespmem:s17+$0xA100]  }
0xb3: {  	s0 =	sand.u32 $0x1F80, s6;
	s13 =	smov.u32 s16;
	v13 =	vperm.xlane v5, v62;
	s16 =	sand.u32 $0x30, s6;
	v5 =	vld [tilespmem:s18+$0xA100];
	v10 =	vperm.xlane v0, v10  }
0xb4: {  	s0 =	sor.u32 s16, s0;
	v8 =	vld [tilespmem:s18+$0xA080]  }
0xb5: {  	v39 =	vperm.xlane v19, v37;
	v15 =	vperm.xlane v4, v6;
	v4 =	vld [tilespmem:s0+$0x2000];
	v10 =	vadd.f32 v10, v0  }
0xb6: {  	v43 =	vperm.xlane v20, v60;
	v17 =	vperm.xlane v9, v7;
	v9 =	vld [tilespmem:$0x1FDF0]  }
0xb7: {  	v18 =	vld [tilespmem:s17+$0xA080];
	v19 =	vperm.xlane v21, v61;
	[tilespmem:$0x1FDA0] =	vst v10;
	v10 =	vperm.xlane v10, v36  }
0xb8: {  	s9 =	smov.u32 s12;
	s12 =	smov.u32 s15;
	v45 =	vperm.xlane v22, v63;
	v27 =	vperm.xlane v23, v6  }
0xb9: {  	v46 =	vperm.xlane v2, v7;
	[tilespmem:$0x1FDB0] =	vst v10;
	v10 =	vperm.xlane v1, v37;
	v1 =	vld [tilespmem:s12+$0xA100]  }
0xba: {  	v30 =	vperm.xlane v5, v25;
	v38 =	vperm.xlane v8, v25  }
0xbb: {  	s24 =	simm.s32 $0xA200;
	v0 =	vld [tilespmem:s9+$0xA100];
	v29 =	vperm.xlane v3, v9;
	v2 =	vsub.f32 v11, v4;
	v3 =	vsub.f32 v12, v4  }
0xbc: {  	v5 =	vld [tilespmem:s24+$0x0];
	v18 =	vperm.xlane v18, v9;
	v6 =	vsub.f32 v13, v4;
	v7 =	vsub.f32 v14, v4  }
0xbd: {  	v8 =	vsub.f32 v15, v4;
	v2 =	vmul.f32 v2, v2;
	v3 =	vmul.f32 v3, v3  }
0xbe: {  	v9 =	vsub.f32 v38, v4;
	v6 =	vmul.f32 v6, v6;
	v28 =	vperm.xlane v1, v24;
	v1 =	vld [tilespmem:s0+$0x4000]  }
0xbf: {  	v7 =	vmul.f32 v7, v7;
	v8 =	vmul.f32 v8, v8  }
0xc0: {  	v40 =	vimm.f32 $0.0e+00;
	v44 =	vperm.xlane v0, v62;
	v9 =	vmul.f32 v9, v9  }
0xc1: {  	v34 =	vimm.f32 $0.0e+00;
	s25 =	simm.s32 $0xB200;
	v22 =	vmul.f32 v7, v5;
	v26 =	vmul.f32 v8, v5  }
0xc2: {  	v32 =	vld [tilespmem:s25+$0x0];
	v0 =	vsub.f32 v10, v4;
	v2 =	vmul.f32 v2, v5;
	v6 =	vmul.f32 v6, v5  }
0xc3: {  	v3 =	vmul.f32 v3, v5;
	v21 =	vsub.f32 v19, v1;
	v7 =	vsub.f32 v28, v1  }
0xc4: {  	v9 =	vmul.f32 v9, v5;
	v0 =	vmul.f32 v0, v0;
	v20 =	vsub.f32 v39, v1  }
0xc5: {  	v31 =	vsub.f32 v18, v4;
	v8 =	vmul.f32 v21, v21;
	v7 =	vmul.f32 v7, v7  }
0xc6: {  	v0 =	vmul.f32 v0, v5;
	v20 =	vmul.f32 v20, v20;
	v21 =	vsub.f32 v44, v1  }
0xc7: {  	v25 =	vsub.f32 v43, v1;
	v24 =	vmul.f32 v8, v32;
	v8 =	vmul.f32 v7, v32  }
0xc8: {  	v7 =	vmul.f32 v21, v21;
	v21 =	vsub.f32 v17, v4;
	v20 =	vmul.f32 v20, v32  }
0xc9: {  	v23 =	vsub.f32 v27, v1;
	v33 =	vsub.f32 v29, v1;
	v25 =	vmul.f32 v25, v25  }
0xca: {  	v7 =	vmul.f32 v7, v32;
	v21 =	vmul.f32 v21, v21;
	v0 =	vadd.f32 v20, v0  }
0xcb: {  	v33 =	vmul.f32 v33, v33;
	v4 =	vsub.f32 v16, v4;
	v20 =	vsub.f32 v45, v1  }
0xcc: {  	v6 =	vadd.f32 v7, v6;
	v7 =	vmul.f32 v21, v5;
	v0 =	vsub.f32 $0.0e+00, v0  }
0xcd: {  	v21 =	vmul.f32 v31, v31;
	v20 =	vmul.f32 v20, v20;
	v31 =	vsub.f32 v30, v1  }
0xce: {  	v4 =	vmul.f32 v4, v4;
	v6 =	vsub.f32 $0.0e+00, v6;
	v0 =	vmul.f32 $1.442695020e+00, v0  }
0xcf: {  	v3 =	vadd.f32 v24, v3;
	v20 =	vmul.f32 v20, v32;
	v31 =	vmul.f32 v31, v31  }
0xd0: {  	v1 =	vsub.f32 v46, v1;
	v6 =	vmul.f32 $1.442695020e+00, v6;
	(erf) = vpow2.f32 v0  }
0xd1: {  	v0 =	vmul.f32 v21, v5;
	v20 =	vadd.f32 v20, v22;
	v21 =	vmul.f32 v31, v32  }
0xd2: {  	v22 =	vsub.f32 $0.0e+00, v3;
	v3 =	vmul.f32 v25, v32;
	(erf) = vpow2.f32 v6  }
0xd3: {  	v6 =	vmul.f32 v23, v23;
	v20 =	vsub.f32 $0.0e+00, v20;
	v23 =	vmul.f32 v33, v32  }
0xd4: {  	v21 =	vadd.f32 v21, v9;
	v25 =	vadd.f32 v3, v2;
	v9 =	vmul.f32 v4, v5  }
0xd5: {  	v33 =	vimm.f32 $0.0e+00;
	v5 =	vimm.f32 $0.0e+00;
	v3 =	vimm.f32 $0.0e+00  }
0xd6: {  	s30 =	simm.s32 $0x20;
	s31 =	simm.s32 $0xB210;
	v4 =	vimm.f32 $0.0e+00;
	v2 =	vimm.f32 $0.0e+00;
	v6 =	vmul.f32 v6, v32  }
0xd7: {  	s26 =	simm.s32 $0xC200;
	s1 =	simm.s32 $0x10;
	s29 =	simm.s32 $0xC210;
	v24 =	vmul.f32 $1.442695020e+00, v20;
	v20 =	vmul.f32 v1, v1;
	v1 =	vimm.f32 $0.0e+00  }
0xd8: {  	s4 =	simm.s32 $0xA210;
	s15 =	smov.u32 s18;
	s14 =	smov.u32 s17;
	v31 =	vld [tilespmem:s26+$0x0];
	v35 =	vadd.f32 v6, v26;
	v6 =	vimm.f32 $0.0e+00;
	v26 =	vimm.f32 $0.0e+00  }
.LBB2_4:
0xd9: {  	s0 =	smov.u32 s1  }
0xda: {  	s2 =	sand.u32 $0x30, s1;
	s3 =	sand.u32 $0x1F80, s30;
	v22 =	vmul.f32 $1.442695020e+00, v22;
	v0 =	vadd.f32 v23, v0;
	s0 =	sadd.s32 $0x10, s1  }
0xdb: {  	p0 =	sne.s32 s1, $0xFF0;
	s2 =	sor.u32 s2, s3;
	v23 =	vsub.f32 $0.0e+00, v25;
	v25 =	vsub.f32 $0.0e+00, v35;
	(erf) = vpow2.f32 v24  }
0xdc: {  	v8 =	vadd.f32 v8, v9;
	v24 =	vld [tilespmem:s2+$0x2000];
	v9 =	vpop (erf)  }
0xdd: {  	v0 =	vsub.f32 $0.0e+00, v0;
	(erf) = vpow2.f32 v22;
	v9 =	vmul.f32 v9, v31  }
0xde: {  	v25 =	vmul.f32 $1.442695020e+00, v25;
	v23 =	vmul.f32 $1.442695020e+00, v23;
	v8 =	vsub.f32 $0.0e+00, v8;
	v22 =	vld [tilespmem:s2+$0x4000];
	v35 =	vpop (erf)  }
0xdf: {  	v0 =	vmul.f32 $1.442695020e+00, v0;
	v35 =	vmul.f32 v35, v31;
	v40 =	vadd.f32 v9, v40  }
0xe0: {  	(erf) = vpow2.f32 v25;
	v9 =	vmul.f32 v20, v32;
	v20 =	vsub.f32 $0.0e+00, v21  }
0xe1: {  	v6 =	vadd.f32 v35, v6;
	v21 =	vsub.f32 v10, v24  }
0xe2: {  	v25 =	vsub.f32 v38, v24;
	(erf) = vpow2.f32 v0;
	v0 =	vsub.f32 v11, v24  }
0xe3: {  	v8 =	vmul.f32 $1.442695020e+00, v8;
	v32 =	vsub.f32 v12, v24;
	v35 =	vsub.f32 v27, v22  }
0xe4: {  	v7 =	vadd.f32 v9, v7;
	v54 =	vmul.f32 $1.442695020e+00, v20;
	v21 =	vmul.f32 v21, v21  }
0xe5: {  	v41 =	vsub.f32 v13, v24;
	v0 =	vmul.f32 v0, v0;
	v9 =	vld [tilespmem:s4+$0x0];
	(erf) = vpow2.f32 v23;
	v23 =	vpop (erf)  }
0xe6: {  	v42 =	vmul.f32 v32, v32;
	v32 =	vsub.f32 v14, v24;
	v47 =	vpop (erf);
	(erf) = vpow2.f32 v8  }
0xe7: {  	v41 =	vmul.f32 v41, v41;
	v25 =	vmul.f32 v25, v25;
	v8 =	vsub.f32 v15, v24  }
0xe8: {  	v48 =	vsub.f32 v39, v22;
	v50 =	vsub.f32 v43, v22;
	v49 =	vmul.f32 v32, v32  }
0xe9: {  	v52 =	vsub.f32 v19, v22;
	v47 =	vmul.f32 v47, v31;
	v8 =	vmul.f32 v8, v8;
	v51 =	vpop (erf)  }
0xea: {  	v7 =	vsub.f32 $0.0e+00, v7;
	v32 =	vld [tilespmem:s31+$0x0];
	v49 =	vmul.f32 v49, v9;
	(erf) = vpow2.f32 v54  }
0xeb: {  	v33 =	vadd.f32 v47, v33;
	v53 =	vmul.f32 v8, v9;
	v8 =	vsub.f32 v28, v22;
	v20 =	vpop (erf)  }
0xec: {  	v47 =	vmul.f32 v48, v48;
	v48 =	vsub.f32 v16, v24;
	v25 =	vmul.f32 v25, v9  }
0xed: {  	v54 =	vmul.f32 v0, v9;
	v0 =	vmul.f32 v52, v52;
	v52 =	vsub.f32 v18, v24  }
0xee: {  	v7 =	vmul.f32 $1.442695020e+00, v7;
	v24 =	vsub.f32 v17, v24;
	v8 =	vmul.f32 v8, v8;
	v55 =	vpop (erf)  }
0xef: {  	v56 =	vsub.f32 v44, v22;
	v0 =	vmul.f32 v0, v32;
	v55 =	vmul.f32 v55, v31;
	v57 =	vpop (erf)  }
0xf0: {  	v58 =	vsub.f32 v29, v22;
	v8 =	vmul.f32 v8, v32  }
0xf1: {  	v56 =	vmul.f32 v56, v56;
	v42 =	vmul.f32 v42, v9;
	v34 =	vadd.f32 v55, v34  }
0xf2: {  	v23 =	vmul.f32 v23, v31;
	v41 =	vmul.f32 v41, v9;
	v55 =	vsub.f32 v46, v22  }
0xf3: {  	v59 =	vsub.f32 v30, v22;
	v56 =	vmul.f32 v56, v32;
	(erf) = vpow2.f32 v7;
	v7 =	vpop (erf)  }
0xf4: {  	v5 =	vadd.f32 v23, v5;
	v21 =	vmul.f32 v21, v9;
	v47 =	vmul.f32 v47, v32  }
0xf5: {  	v23 =	vmul.f32 v24, v24;
	v22 =	vsub.f32 v45, v22;
	v24 =	vmul.f32 v7, v31  }
0xf6: {  	v21 =	vadd.f32 v47, v21;
	v47 =	vmul.f32 v50, v50;
	v50 =	vmul.f32 v51, v31  }
0xf7: {  	v20 =	vmul.f32 v20, v31;
	v41 =	vadd.f32 v56, v41;
	v7 =	vmul.f32 v23, v9  }
0xf8: {  	v51 =	vmul.f32 v58, v58;
	v21 =	vsub.f32 $0.0e+00, v21;
	v23 =	vmul.f32 v52, v52  }
0xf9: {  	v41 =	vsub.f32 $0.0e+00, v41;
	v22 =	vmul.f32 v22, v22;
	v52 =	vmul.f32 v57, v31  }
0xfa: {  	v0 =	vadd.f32 v0, v42;
	v3 =	vadd.f32 v50, v3;
	v21 =	vmul.f32 $1.442695020e+00, v21  }
0xfb: {  	v50 =	vmul.f32 v59, v59;
	v42 =	vmul.f32 v22, v32;
	v4 =	vadd.f32 v52, v4  }
0xfc: {  	v22 =	vsub.f32 $0.0e+00, v0;
	v41 =	vmul.f32 $1.442695020e+00, v41;
	v0 =	vmul.f32 v23, v9;
	v23 =	vpop (erf)  }
0xfd: {  	v2 =	vadd.f32 v20, v2;
	v42 =	vadd.f32 v42, v49;
	(erf) = vpow2.f32 v21  }
0xfe: {  	v1 =	vadd.f32 v24, v1;
	v20 =	vmul.f32 v23, v31;
	(erf) = vpow2.f32 v41  }
.Ltmp1:
0xff: {  	v24 =	vmul.f32 v35, v35;
	v21 =	vsub.f32 $0.0e+00, v42;
	v41 =	vmul.f32 v48, v48;
	(pc) =	sbr.rel @p0 .LBB2_4-.Ltmp1, $4  }
0x100: {  	v35 =	vmul.f32 v50, v32;
	v23 =	vmul.f32 v51, v32;
	v26 =	vadd.f32 v20, v26  }
0x101: {  	v42 =	vmul.f32 v47, v32;
	v47 =	vmul.f32 v24, v32  }
0x102: {  	s30 =	sadd.s32 $0x20, s30;
	v24 =	vmul.f32 $1.442695020e+00, v21;
	v20 =	vmul.f32 v55, v55;
	v21 =	vadd.f32 v35, v25;
	v31 =	vld [tilespmem:s29+$0x0];
	s29 =	sadd.s32 $0x10, s29  }
0x103: {  	s1 =	smov.u32 s0;
	s4 =	sadd.s32 $0x10, s4;
	s31 =	sadd.s32 $0x10, s31;
	v25 =	vadd.f32 v42, v54;
	v35 =	vadd.f32 v47, v53;
	v9 =	vmul.f32 v41, v9  }
0x104: {  	v0 =	vadd.f32 v23, v0  }
0x105: {  	v10 =	vsub.f32 $0.0e+00, v35  }
0x106: {  	v11 =	vmul.f32 $1.442695020e+00, v22;
	v8 =	vadd.f32 v8, v9;
	v0 =	vsub.f32 $0.0e+00, v0  }
0x107: {  	(erf) = vpow2.f32 v24;
	v9 =	vmul.f32 $1.442695020e+00, v10  }
0x108: {  	(erf) = vpow2.f32 v11;
	v8 =	vsub.f32 $0.0e+00, v8;
	v0 =	vmul.f32 $1.442695020e+00, v0  }
0x109: {  	(erf) = vpow2.f32 v9;
	v9 =	vsub.f32 $0.0e+00, v21  }
0x10a: {  	(erf) = vpow2.f32 v0;
	v0 =	vmul.f32 $1.442695020e+00, v8  }
0x10b: {  	v8 =	vmul.f32 $1.442695020e+00, v9;
	v9 =	vmul.f32 v20, v32  }
0x10c: {  	v12 =	vsub.f32 $0.0e+00, v25  }
0x10d: {  	v7 =	vadd.f32 v9, v7  }
0x10e: {  	v10 =	vmul.f32 $1.442695020e+00, v12  }
0x10f: {  	v7 =	vsub.f32 $0.0e+00, v7  }
0x110: {  	(erf) = vpow2.f32 v10  }
0x111: {  	(erf) = vpow2.f32 v0;
	v7 =	vmul.f32 $1.442695020e+00, v7  }
0x112: {  	v0 =	vpop (erf);
	(erf) = vpow2.f32 v8  }
0x113: {  	v8 =	vpop (erf);
	(erf) = vpow2.f32 v7;
	v7 =	vld [tilespmem:$0x1FF70];
	_ =	sdelay $0x1  }
0x114: {  	v0 =	vmul.f32 v0, v31;
	_ =	sdelay $0x1  }
0x115: {  	v8 =	vmul.f32 v8, v31;
	v0 =	vadd.f32 v0, v40  }
0x116: {  	v9 =	vpop (erf);
	v39 =	vand.u32 $0xF, v7  }
0x117: {  	v10 =	vpop (erf);
	v6 =	vadd.f32 v8, v6;
	v8 =	vperm.xlane v0, v39  }
0x118: {  	v11 =	vpop (erf)  }
0x119: {  	v12 =	vpop (erf);
	v0 =	vadd.f32 v8, v0;
	v8 =	vmul.f32 v11, v31;
	v11 =	vld [tilespmem:$0x1FF80]  }
0x11a: {  	v13 =	vpop (erf)  }
0x11b: {  	v13 =	vmul.f32 v13, v31;
	_ =	sdelay $0x1  }
0x11c: {  	v9 =	vmul.f32 v9, v31;
	v13 =	vadd.f32 v13, v34  }
0x11d: {  	v40 =	vand.u32 $0xF, v11  }
0x11e: {  	v5 =	vadd.f32 v9, v5;
	v11 =	vperm.xlane v13, v39;
	v9 =	vperm.xlane v0, v40  }
0x11f: {  	v10 =	vmul.f32 v10, v31  }
0x120: {  	v7 =	vpop (erf);
	v0 =	vadd.f32 v9, v0;
	v9 =	vadd.f32 v11, v13;
	v11 =	vld [tilespmem:$0x1FF90]  }
0x121: {  	v10 =	vadd.f32 v10, v33;
	v7 =	vmul.f32 v7, v31;
	_ =	sdelay $0x1  }
0x122: {  	v4 =	vadd.f32 v7, v4;
	v7 =	vperm.xlane v10, v39  }
0x123: {  	v3 =	vadd.f32 v8, v3;
	v8 =	vmul.f32 v12, v31  }
0x124: {  	v7 =	vadd.f32 v7, v10;
	v10 =	vperm.xlane v6, v39;
	v38 =	vand.u32 $0xF, v11  }
0x125: {  	v14 =	vpop (erf);
	v2 =	vadd.f32 v8, v2;
	v8 =	vperm.xlane v0, v38  }
0x126: {  	v6 =	vadd.f32 v10, v6;
	v13 =	vperm.xlane v7, v40;
	v11 =	vpop (erf)  }
0x127: {  	v12 =	vperm.xlane v9, v40;
	v17 =	vmul.f32 v11, v31;
	v11 =	vld [tilespmem:s23+$0xA000];
	v15 =	vadd.f32 v8, v0  }
0x128: {  	v10 =	vperm.xlane v6, v40  }
0x129: {  	v7 =	vadd.f32 v13, v7;
	v0 =	vadd.f32 v12, v9;
	v13 =	vperm.xlane v15, v36  }
0x12a: {  	v9 =	vperm.xlane v5, v39  }
0x12b: {  	v14 =	vmul.f32 v14, v31;
	v6 =	vadd.f32 v10, v6;
	v8 =	vld [tilespmem:s7+$0xA000];
	[tilespmem:$0x1FC50] =	vst v13;
	v13 =	vperm.xlane v0, v38  }
0x12c: {  	v12 =	vld [tilespmem:s8+$0xA000];
	v5 =	vadd.f32 v9, v5;
	v9 =	vperm.xlane v7, v38;
	v10 =	vperm.xlane v11, v37  }
0x12d: {  	v1 =	vadd.f32 v14, v1;
	v13 =	vadd.f32 v13, v0  }
0x12e: {  	v14 =	vperm.xlane v3, v39;
	[tilespmem:$0x1FC60] =	vst v10;
	v10 =	vadd.f32 v9, v7;
	v7 =	vperm.xlane v6, v38  }
0x12f: {  	v0 =	vperm.xlane v5, v40;
	v11 =	vperm.xlane v13, v36  }
0x130: {  	v18 =	vld [tilespmem:s9+$0xA000];
	v3 =	vadd.f32 v14, v3;
	v8 =	vperm.xlane v8, v60  }
0x131: {  	v60 =	vadd.f32 v7, v6;
	v0 =	vadd.f32 v0, v5;
	[tilespmem:$0x1FC70] =	vst v11;
	v11 =	vperm.xlane v12, v61  }
0x132: {  	v6 =	vperm.xlane v3, v40  }
0x133: {  	v12 =	vperm.xlane v0, v38;
	[tilespmem:$0x1FCA0] =	vst v11;
	v11 =	vperm.xlane v60, v36  }
0x134: {  	v19 =	vld [tilespmem:s10+$0xA000]  }
0x135: {  	v3 =	vadd.f32 v6, v3;
	v59 =	vadd.f32 v12, v0;
	[tilespmem:$0x1FCB0] =	vst v11;
	v11 =	vperm.xlane v18, v62;
	_ =	sdelay $0x1  }
0x136: {  	v18 =	vperm.xlane v3, v38;
	[tilespmem:$0x1FCC0] =	vst v11;
	v11 =	vperm.xlane v59, v36;
	_ =	sdelay $0x1  }
0x137: {  	v57 =	vadd.f32 v18, v3;
	[tilespmem:$0x1FCD0] =	vst v11;
	v11 =	vperm.xlane v19, v63  }
0x138: {  	v22 =	vld [tilespmem:s21+$0xA080]  }
0x139: {  	v16 =	vld [tilespmem:$0x1FED0];
	[tilespmem:$0x1FCE0] =	vst v11;
	v11 =	vperm.xlane v57, v36  }
0x13a: {  	v20 =	vld [tilespmem:s11+$0xA000]  }
0x13b: {  	[tilespmem:$0x1FCF0] =	vst v11;
	v11 =	vld [tilespmem:$0x1FDC0];
	_ =	sdelay $0x1  }
0x13c: {  	v23 =	vld [tilespmem:s22+$0xA080]  }
0x13d: {  	v42 =	vld [tilespmem:$0x1FF00]  }
0x13e: {  	s18 =	smov.u32 s21;
	s21 =	rddreg [dreg:$0x6];
	v27 =	vperm.xlane v22, v16;
	v22 =	vld [tilespmem:$0x1FEE0]  }
0x13f: {  	v24 =	vld [tilespmem:s21+$0xA080];
	v11 =	vperm.xlane v20, v11  }
0x140: {  	v9 =	vld [tilespmem:s12+$0xA000]  }
0x141: {  	[tilespmem:$0x1FD00] =	vst v11;
	v11 =	vld [tilespmem:$0x1FDD0]  }
0x142: {  	v21 =	vld [tilespmem:s19+$0xA080]  }
0x143: {  	v28 =	vperm.xlane v23, v22;
	v23 =	vld [tilespmem:$0x1FEF0]  }
0x144: {  	v14 =	vld [tilespmem:$0x1FEC0];
	[tilespmem:$0x1FC80] =	vst v8;
	v8 =	vperm.xlane v10, v36  }
0x145: {  	v5 =	vld [tilespmem:s13+$0xA000];
	v6 =	vperm.xlane v4, v39  }
0x146: {  	[tilespmem:$0x1FC90] =	vst v8;
	v8 =	vadd.f32 v17, v26;
	v9 =	vperm.xlane v9, v11;
	v11 =	vld [tilespmem:$0x1FDE0]  }
0x147: {  	v7 =	vld [tilespmem:s14+$0xA000];
	v4 =	vadd.f32 v6, v4;
	v6 =	vperm.xlane v2, v39  }
0x148: {  	v0 =	vperm.xlane v8, v39;
	v12 =	vld [tilespmem:s20+$0xA080]  }
0x149: {  	s0 =	simm.s32 $0x0;
	v2 =	vadd.f32 v6, v2;
	v6 =	vld [tilespmem:s5+$0xA080]  }
0x14a: {  	s17 =	smov.u32 s20;
	s1 =	sand.u32 $0x30, s0;
	v17 =	vld [tilespmem:s15+$0xA000];
	v0 =	vadd.f32 v0, v8;
	v8 =	vperm.xlane v1, v39  }
0x14b: {  	s0 =	sand.u32 $0x1F80, s0;
	s20 =	smov.u32 s5;
	s5 =	rddreg [dreg:$0x5];
	v3 =	vperm.xlane v4, v40;
	v5 =	vperm.xlane v5, v11;
	v11 =	vld [tilespmem:$0x1FDF0]  }
0x14c: {  	s0 =	sor.u32 s1, s0;
	v1 =	vadd.f32 v8, v1;
	v8 =	vld [tilespmem:s5+$0xA080]  }
0x14d: {  	v26 =	vperm.xlane v12, v14;
	v12 =	vld [tilespmem:s0+$0x2000];
	v3 =	vadd.f32 v3, v4;
	v4 =	vperm.xlane v2, v40  }
0x14e: {  	v29 =	vperm.xlane v6, v23;
	v6 =	vld [tilespmem:s21+$0xA100]  }
0x14f: {  	v18 =	vperm.xlane v0, v40;
	v4 =	vadd.f32 v4, v2;
	v2 =	vld [tilespmem:s17+$0xA100]  }
0x150: {  	v7 =	vperm.xlane v7, v11;
	v11 =	vld [tilespmem:$0x1FE00]  }
0x151: {  	v0 =	vadd.f32 v18, v0;
	v18 =	vperm.xlane v1, v40;
	v30 =	vperm.xlane v8, v42;
	v8 =	vld [tilespmem:s0+$0x4000]  }
0x152: {  	v20 =	vld [tilespmem:s19+$0xA100]  }
0x153: {  	v25 =	vperm.xlane v3, v38;
	[tilespmem:$0x1FD20] =	vst v5;
	v5 =	vadd.f32 v18, v1;
	v1 =	vld [tilespmem:s18+$0xA100]  }
0x154: {  	[tilespmem:$0x1FD30] =	vst v7;
	v7 =	vld [tilespmem:s22+$0xA100]  }
0x155: {  	s16 =	smov.u32 s19;
	v56 =	vadd.f32 v25, v3;
	v3 =	vperm.xlane v6, v37;
	s19 =	simm.s32 $0xB200;
	v11 =	vperm.xlane v17, v11;
	v17 =	vld [tilespmem:s20+$0xA100]  }
0x156: {  	v58 =	vld [tilespmem:s19+$0x0]  }
0x157: {  	v25 =	vsub.f32 v3, v8;
	[tilespmem:$0x1FD10] =	vst v9;
	v9 =	vperm.xlane v0, v38  }
0x158: {  	v31 =	vperm.xlane v24, v37;
	v6 =	vsub.f32 v27, v12;
	v32 =	vperm.xlane v2, v14;
	[tilespmem:$0x1FD40] =	vst v11;
	v11 =	vld [tilespmem:$0x1FEB0]  }
0x159: {  	s6 =	simm.s32 $0xA200;
	v55 =	vadd.f32 v9, v0;
	v0 =	vmul.f32 v25, v25;
	v33 =	vperm.xlane v1, v16  }
0x15a: {  	v34 =	vperm.xlane v7, v22;
	v22 =	vsub.f32 v30, v12;
	v1 =	vperm.xlane v17, v23;
	v17 =	vld [tilespmem:s6+$0x0]  }
0x15b: {  	v6 =	vmul.f32 v6, v6;
	v43 =	vsub.f32 v32, v8;
	v0 =	vmul.f32 v0, v58  }
0x15c: {  	v18 =	vperm.xlane v4, v38;
	v22 =	vmul.f32 v22, v22;
	v23 =	vsub.f32 v28, v12  }
0x15d: {  	v19 =	vperm.xlane v21, v11;
	v35 =	vperm.xlane v20, v11;
	v20 =	vsub.f32 v26, v12  }
0x15e: {  	v41 =	vperm.xlane v5, v38;
	v24 =	vsub.f32 v34, v8;
	v21 =	vld [tilespmem:s5+$0xA100];
	v23 =	vmul.f32 v23, v23  }
0x15f: {  	v7 =	vsub.f32 v19, v12;
	v20 =	vmul.f32 v20, v20;
	v44 =	vmul.f32 v22, v17  }
0x160: {  	v53 =	vadd.f32 v18, v4;
	v22 =	vmul.f32 v24, v24;
	v4 =	vmul.f32 v23, v17  }
0x161: {  	v18 =	vsub.f32 v35, v8;
	v6 =	vmul.f32 v6, v17;
	v7 =	vmul.f32 v7, v7  }
0x162: {  	s24 =	simm.s32 $0x10;
	s25 =	simm.s32 $0x20;
	v24 =	vsub.f32 v1, v8;
	v9 =	vmul.f32 v20, v17;
	v20 =	vmul.f32 v43, v43  }
0x163: {  	s1 =	sand.u32 $0x1F80, s25;
	s0 =	sand.u32 $0x30, s24;
	v11 =	vadd.f32 v41, v5;
	v18 =	vmul.f32 v18, v18;
	v2 =	vperm.xlane v21, v42  }
0x164: {  	s0 =	sor.u32 s0, s1;
	v21 =	vsub.f32 v29, v12;
	v23 =	vmul.f32 v24, v24;
	v22 =	vmul.f32 v22, v58  }
0x165: {  	v61 =	vld [tilespmem:s0+$0x2000];
	v12 =	vsub.f32 v31, v12;
	v7 =	vmul.f32 v7, v17;
	v5 =	vmul.f32 v20, v58  }
0x166: {  	v24 =	vsub.f32 v33, v8;
	v18 =	vmul.f32 v18, v58;
	v21 =	vmul.f32 v21, v21  }
0x167: {  	v23 =	vmul.f32 v23, v58;
	v12 =	vmul.f32 v12, v12  }
0x168: {  	v20 =	vmul.f32 v24, v24;
	v8 =	vsub.f32 v2, v8;
	v4 =	vadd.f32 v22, v4  }
0x169: {  	v5 =	vadd.f32 v5, v9;
	v7 =	vadd.f32 v18, v7;
	v21 =	vmul.f32 v21, v17  }
0x16a: {  	v22 =	vld [tilespmem:s0+$0x4000];
	v12 =	vmul.f32 v12, v17;
	v9 =	vmul.f32 v20, v58;
	v20 =	vsub.f32 v26, v61  }
0x16b: {  	s30 =	simm.s32 $0xA210;
	v8 =	vmul.f32 v8, v8;
	v5 =	vsub.f32 $0.0e+00, v5;
	v7 =	vsub.f32 $0.0e+00, v7  }
0x16c: {  	v25 =	vld [tilespmem:s30+$0x0];
	v21 =	vadd.f32 v23, v21;
	v0 =	vadd.f32 v0, v12  }
0x16d: {  	v12 =	vsub.f32 $0.0e+00, v4;
	v4 =	vmul.f32 v8, v58;
	v6 =	vadd.f32 v9, v6  }
0x16e: {  	v9 =	vsub.f32 v27, v61;
	v20 =	vmul.f32 v20, v20;
	v23 =	vsub.f32 v28, v61  }
0x16f: {  	s31 =	simm.s32 $0xB210;
	v5 =	vmul.f32 $1.442695020e+00, v5;
	v62 =	vsub.f32 v34, v22;
	v63 =	vsub.f32 v32, v22  }
0x170: {  	v24 =	vld [tilespmem:s31+$0x0];
	v17 =	vsub.f32 $0.0e+00, v21;
	v21 =	vsub.f32 v30, v61;
	v9 =	vmul.f32 v9, v9  }
0x171: {  	v6 =	vsub.f32 $0.0e+00, v6;
	v46 =	vmul.f32 v23, v23;
	v45 =	vmul.f32 v20, v25  }
0x172: {  	v44 =	vadd.f32 v4, v44;
	v12 =	vmul.f32 $1.442695020e+00, v12;
	v54 =	vmul.f32 v63, v63  }
0x173: {  	v0 =	vsub.f32 $0.0e+00, v0;
	v8 =	vmul.f32 $1.442695020e+00, v17;
	v21 =	vmul.f32 v21, v21  }
0x174: {  	v17 =	vsub.f32 v19, v61;
	v46 =	vmul.f32 v46, v25;
	v50 =	vmul.f32 $1.442695020e+00, v6  }
0x175: {  	v20 =	vsub.f32 $0.0e+00, v44;
	v49 =	vmul.f32 $1.442695020e+00, v0;
	v41 =	vmul.f32 v54, v24  }
0x176: {  	v6 =	vsub.f32 v33, v22;
	v54 =	vmul.f32 $1.442695020e+00, v7;
	(erf) = vpow2.f32 v8  }
0x177: {  	v8 =	vsub.f32 v29, v61;
	v23 =	vmul.f32 v21, v25;
	v21 =	vmul.f32 v62, v62  }
0x178: {  	v17 =	vmul.f32 v17, v17;
	v44 =	vmul.f32 $1.442695020e+00, v20  }
0x179: {  	v52 =	vmul.f32 v6, v6;
	v8 =	vmul.f32 v8, v8  }
0x17a: {  	s26 =	simm.s32 $0xC200;
	v6 =	vperm.xlane v55, v36;
	(erf) = vpow2.f32 v5;
	v5 =	vsub.f32 v35, v22  }
0x17b: {  	v4 =	vld [tilespmem:s26+$0x0];
	v21 =	vmul.f32 v21, v24;
	v43 =	vmul.f32 v8, v25;
	v8 =	vsub.f32 v3, v22  }
0x17c: {  	v58 =	vsub.f32 v31, v61;
	v42 =	vmul.f32 v17, v25;
	[tilespmem:$0x1FD60] =	vst v6;
	v6 =	vperm.xlane v53, v36  }
0x17d: {  	v7 =	vimm.f32 $0.0e+00;
	v0 =	vmul.f32 v5, v5;
	v8 =	vmul.f32 v8, v8  }
0x17e: {  	v5 =	vperm.xlane v56, v36;
	v47 =	vadd.f32 v21, v46;
	v46 =	vmul.f32 v9, v25  }
0x17f: {  	[tilespmem:$0x1FD70] =	vst v6;
	v6 =	vperm.xlane v11, v36;
	v48 =	vmul.f32 v8, v24;
	v8 =	vsub.f32 v1, v22;
	v18 =	vpop (erf)  }
0x180: {  	[tilespmem:$0x1FD80] =	vst v11;
	v21 =	vimm.f32 $0.0e+00;
	v9 =	vimm.f32 $0.0e+00;
	v20 =	vmul.f32 v18, v4  }
0x181: {  	s29 =	simm.s32 $0xC210;
	[tilespmem:$0x1FD90] =	vst v6;
	v6 =	vimm.f32 $0.0e+00;
	(erf) = vpow2.f32 v12;
	v61 =	vmul.f32 v8, v8  }
0x182: {  	s24 =	simm.s32 $0x1;
	s1 =	simm.s32 $0x20;
	s0 =	simm.s32 $0x40;
	[tilespmem:$0x1FD50] =	vst v5;
	v8 =	vimm.f32 $0.0e+00;
	v5 =	vadd.f32 v20, v21;
	v20 =	vimm.f32 $0.0e+00  }
.LBB2_6:
0x183: {  	s4 =	smov.u32 s1  }
0x184: {  	s2 =	sand.u32 $0x30, s1;
	s3 =	sand.u32 $0x1F80, s0;
	v62 =	vsub.f32 v2, v22;
	v22 =	vmul.f32 v58, v58;
	(erf) = vpow2.f32 v50;
	s4 =	sadd.s32 $0x10, s1  }
0x185: {  	p0 =	sne.s32 s1, $0xFF0;
	s2 =	sor.u32 s2, s3;
	v50 =	vmul.f32 v61, v24;
	(erf) = vpow2.f32 v54;
	v54 =	vpop (erf)  }
0x186: {  	v25 =	vmul.f32 v22, v25;
	v58 =	vld [tilespmem:s2+$0x2000];
	v54 =	vmul.f32 v54, v4  }
0x187: {  	v52 =	vmul.f32 v52, v24;
	v43 =	vadd.f32 v50, v43;
	v22 =	vld [tilespmem:s2+$0x4000];
	(erf) = vpow2.f32 v49  }
0x188: {  	v41 =	vadd.f32 v41, v45;
	v45 =	vmul.f32 v62, v62;
	v21 =	vadd.f32 v54, v21  }
0x189: {  	v0 =	vmul.f32 v0, v24;
	v48 =	vadd.f32 v48, v25;
	v43 =	vsub.f32 $0.0e+00, v43  }
0x18a: {  	v11 =	vsub.f32 $0.0e+00, v41;
	v41 =	vsub.f32 $0.0e+00, v47;
	v45 =	vmul.f32 v45, v24  }
0x18b: {  	s31 =	sadd.s32 $0x10, s31;
	s30 =	sadd.s32 $0x10, s30;
	v43 =	vmul.f32 $1.442695020e+00, v43;
	v47 =	vsub.f32 v19, v58;
	(erf) = vpow2.f32 v44  }
0x18c: {  	v46 =	vadd.f32 v52, v46;
	v49 =	vmul.f32 $1.442695020e+00, v11;
	v44 =	vsub.f32 v26, v58;
	v24 =	vld [tilespmem:s31+$0x0];
	v25 =	vpop (erf)  }
0x18d: {  	v50 =	vsub.f32 v27, v58;
	(erf) = vpow2.f32 v43;
	v43 =	vmul.f32 v25, v4;
	v52 =	vpop (erf)  }
0x18e: {  	v46 =	vsub.f32 $0.0e+00, v46;
	v54 =	vsub.f32 v28, v58;
	v44 =	vmul.f32 v44, v44;
	v25 =	vld [tilespmem:s30+$0x0];
	v61 =	vpop (erf)  }
0x18f: {  	v62 =	vmul.f32 v50, v50;
	v50 =	vsub.f32 v29, v58;
	v52 =	vmul.f32 v52, v4  }
0x190: {  	v63 =	vsub.f32 v30, v58;
	v54 =	vmul.f32 v54, v54;
	v20 =	vadd.f32 v43, v20;
	v11 =	vpop (erf)  }
0x191: {  	v12 =	vsub.f32 v35, v22;
	v43 =	vmul.f32 v50, v50;
	v9 =	vadd.f32 v52, v9  }
0x192: {  	v45 =	vadd.f32 v45, v23;
	v50 =	vsub.f32 v32, v22;
	v52 =	vmul.f32 v63, v63  }
0x193: {  	v63 =	vsub.f32 v34, v22;
	v11 =	vmul.f32 v11, v4;
	v43 =	vmul.f32 v43, v25  }
0x194: {  	v18 =	vadd.f32 v0, v42;
	v23 =	vmul.f32 v52, v25;
	v52 =	vsub.f32 v3, v22;
	v42 =	vpop (erf)  }
0x195: {  	v16 =	vsub.f32 $0.0e+00, v45;
	v61 =	vmul.f32 v61, v4;
	v63 =	vmul.f32 v63, v63;
	v14 =	vld [tilespmem:s29+$0x0]  }
0x196: {  	v17 =	vsub.f32 $0.0e+00, v18;
	v52 =	vmul.f32 v52, v52;
	v4 =	vmul.f32 v42, v4;
	v0 =	vpop (erf)  }
0x197: {  	v37 =	vmul.f32 $1.442695020e+00, v41;
	v41 =	vsub.f32 $0.0e+00, v48;
	v45 =	vmul.f32 v44, v25  }
0x198: {  	v18 =	vmul.f32 v50, v50;
	v8 =	vadd.f32 v61, v8;
	v44 =	vmul.f32 $1.442695020e+00, v16  }
0x199: {  	v16 =	vmul.f32 v47, v47;
	v7 =	vadd.f32 v4, v7;
	(erf) = vpow2.f32 v49  }
0x19a: {  	v47 =	vmul.f32 v54, v25;
	v6 =	vadd.f32 v11, v6;
	v51 =	vmul.f32 v0, v14;
	v4 =	vmovc v14  }
0x19b: {  	v50 =	vmul.f32 $1.442695020e+00, v46;
	v42 =	vmul.f32 v16, v25  }
.Ltmp2:
0x19c: {  	v11 =	vsub.f32 v33, v22;
	v46 =	vmul.f32 v62, v25;
	v14 =	vmul.f32 v63, v24;
	(pc) =	sbr.rel @p0 .LBB2_6-.Ltmp2, $4  }
0x19d: {  	v16 =	vsub.f32 v1, v22;
	v48 =	vmul.f32 v52, v24;
	v49 =	vmul.f32 $1.442695020e+00, v41  }
0x19e: {  	v58 =	vsub.f32 v31, v58;
	v52 =	vmul.f32 v11, v11;
	v0 =	vmul.f32 v12, v12  }
0x19f: {  	v54 =	vmul.f32 $1.442695020e+00, v17;
	v41 =	vmul.f32 v18, v24;
	v47 =	vadd.f32 v14, v47  }
0x1a0: {  	s0 =	sadd.s32 $0x20, s0;
	s1 =	smov.u32 s4;
	s29 =	sadd.s32 $0x10, s29;
	v61 =	vmul.f32 v16, v16;
	v5 =	vadd.f32 v51, v5;
	(erf) = vpow2.f32 v37  }
0x1a1: {  	(erf) = vpow2.f32 v50  }
0x1a2: {  	v1 =	vsub.f32 v2, v22;
	v3 =	vmul.f32 v58, v58;
	v11 =	vmul.f32 v52, v24  }
0x1a3: {  	v12 =	vadd.f32 v41, v45;
	v0 =	vmul.f32 v0, v24;
	v14 =	vsub.f32 $0.0e+00, v47;
	v41 =	vld [tilespmem:$0x1FDA0]  }
0x1a4: {  	v16 =	vld [tilespmem:$0x1FDB0];
	v30 =	vimm.s32 $0xFFFFFF81;
	v34 =	vmul.f32 v61, v24;
	(erf) = vpow2.f32 v54  }
0x1a5: {  	v62 =	vld [tilespmem:$0x1FC70];
	v1 =	vmul.f32 v1, v1;
	v3 =	vmul.f32 v3, v25;
	v12 =	vsub.f32 $0.0e+00, v12  }
0x1a6: {  	v18 =	vpop (erf);
	(erf) = vpow2.f32 v49;
	v11 =	vadd.f32 v11, v46;
	v0 =	vadd.f32 v0, v42  }
0x1a7: {  	v42 =	vld [tilespmem:$0x1FC50];
	v18 =	vmul.f32 v18, v4;
	v2 =	vadd.f32 v34, v43;
	v3 =	vadd.f32 v48, v3  }
0x1a8: {  	v37 =	vmul.f32 $1.442695020e+00, v14;
	v35 =	vsub.f32 $0.0e+00, v11;
	v0 =	vsub.f32 $0.0e+00, v0  }
0x1a9: {  	v1 =	vmul.f32 v1, v24;
	v31 =	vadd.f32 v18, v21;
	v2 =	vsub.f32 $0.0e+00, v2  }
0x1aa: {  	(erf) = vpow2.f32 v44;
	v41 =	vadd.f32 v16, v41;
	v13 =	vadd.f32 v62, v13  }
0x1ab: {  	v12 =	vmul.f32 $1.442695020e+00, v12;
	v1 =	vadd.f32 v1, v23;
	v3 =	vsub.f32 $0.0e+00, v3  }
0x1ac: {  	v0 =	vmul.f32 $1.442695020e+00, v0;
	v2 =	vmul.f32 $1.442695020e+00, v2;
	v14 =	vadd.f32 v42, v15  }
0x1ad: {  	v43 =	vand.u32 $0x7FFFFF, v41;
	v27 =	vmax.f32 v13, $9.999999910e-38;
	v1 =	vsub.f32 $0.0e+00, v1  }
0x1ae: {  	v3 =	vmul.f32 $1.442695020e+00, v3;
	v19 =	vpop (erf);
	v13 =	vand.u32 $0x7FFFFF, v27;
	(erf) = vpow2.f32 v2  }
0x1af: {  	v2 =	vmul.f32 $1.442695020e+00, v35;
	v17 =	vmax.f32 v14, $9.999999910e-38;
	v32 =	vmul.f32 v19, v4  }
0x1b0: {  	v13 =	vor.u32 $0x3F800000, v13;
	v1 =	vmul.f32 $1.442695020e+00, v1;
	(erf) = vpow2.f32 v12  }
0x1b1: {  	v46 =	vpop (erf);
	v12 =	vor.u32 $0x3F800000, v43;
	v14 =	vand.u32 $0x7FFFFF, v17;
	v28 =	vmul.f32 $5.000000000e-01, v13  }
0x1b2: {  	v48 =	vpop (erf);
	vm3 =	vgt.f32 v13, $1.414213540e+00;
	(erf) = vpow2.f32 v37;
	v44 =	vmul.f32 $5.000000000e-01, v12  }
0x1b3: {  	v14 =	vor.u32 $0x3F800000, v14;
	vm0 =	vgt.f32 v12, $1.414213540e+00;
	v11 =	vmul.f32 v48, v4  }
0x1b4: {  	v35 =	vld [tilespmem:$0x1FC90];
	v18 =	vadd.f32 v32, v20;
	(erf) = vpow2.f32 v2;
	v45 =	vmul.f32 $5.000000000e-01, v14  }
0x1b5: {  	vm1 =	vgt.f32 v14, $1.414213540e+00;
	(erf) = vpow2.f32 v0;
	v15 =	vsel vm0, v44, v12  }
0x1b6: {  	(erf) = vpow2.f32 v3;
	v47 =	vadd.f32 $1.000000000e+00, v15;
	v2 =	vsel vm1, v45, v14  }
0x1b7: {  	v13 =	vsel vm3, v28, v13;
	(erf) = vpow2.f32 v1;
	v49 =	vadd.f32 $1.000000000e+00, v2  }
0x1b8: {  	v19 =	vld [tilespmem:s29+$0x0];
	v50 =	vpop (erf);
	v0 =	vmul.f32 v46, v4;
	v34 =	vadd.f32 $1.000000000e+00, v13;
	(erf) = vrcp.f32 v47  }
0x1b9: {  	v51 =	vpop (erf);
	v12 =	vmul.f32 v50, v4;
	v10 =	vadd.f32 v35, v10;
	(erf) = vrcp.f32 v49  }
0x1ba: {  	v8 =	vadd.f32 v11, v8;
	v3 =	vmul.f32 v51, v4;
	v51 =	vadd.f32 $-1.000000000e+00, v13;
	v52 =	vpop (erf)  }
0x1bb: {  	v15 =	vadd.f32 $-1.000000000e+00, v15;
	v2 =	vadd.f32 $-1.000000000e+00, v2;
	v20 =	vmax.f32 v10, $9.999999910e-38;
	v54 =	vpop (erf)  }
0x1bc: {  	v0 =	vadd.f32 v0, v9;
	v11 =	vadd.f32 v12, v6;
	v44 =	vand.u32 $0x7FFFFF, v20;
	v58 =	vpop (erf)  }
0x1bd: {  	v9 =	vor.u32 $0x3F800000, v44;
	v45 =	vmul.f32 v52, v19;
	v48 =	vmul.f32 v54, v19;
	v54 =	vld [tilespmem:$0x1FCB0];
	v61 =	vpop (erf)  }
0x1be: {  	v1 =	vadd.f32 v3, v7;
	v20 =	vshra.s32 v20, $0x17;
	v47 =	vmul.f32 $5.000000000e-01, v9;
	v63 =	vpop (erf)  }
0x1bf: {  	vm4 =	vgt.f32 v9, $1.414213540e+00;
	v10 =	vadd.f32 v45, v5;
	(erf) = vrcp.f32 v34;
	v16 =	vpop (erf)  }
0x1c0: {  	v4 =	vsel vm4, v47, v9;
	v49 =	vmul.f32 v58, v19;
	v50 =	vmul.f32 v61, v19;
	v42 =	vpop (erf)  }
0x1c1: {  	v9 =	vadd.f32 $1.000000000e+00, v4;
	v61 =	vsel vm1, $0xFFFFFF82, v30;
	v4 =	vadd.f32 $-1.000000000e+00, v4;
	v14 =	vpop (erf)  }
0x1c2: {  	v13 =	vadd.f32 v49, v18;
	v58 =	vmul.f32 v63, v19;
	v49 =	vld [tilespmem:$0x1FE10];
	v5 =	vadd.f32 v54, v60;
	v26 =	vpop (erf)  }
0x1c3: {  	v60 =	vshra.s32 v17, $0x17;
	v54 =	vld [tilespmem:$0x1FCF0];
	v29 =	vmul.f32 v26, v2;
	v2 =	vadd.f32 v48, v31  }
0x1c4: {  	v26 =	vadd.f32 v50, v0;
	v5 =	vmax.f32 v5, $9.999999910e-38;
	v31 =	vadd.s32 v60, v61;
	v50 =	vld [tilespmem:$0x1FC60]  }
0x1c5: {  	(erf) = vrcp.f32 v9;
	v32 =	vand.u32 $0x7FFFFF, v5;
	v6 =	vcvt.s32.f32 v31  }
0x1c6: {  	v5 =	vshra.s32 v5, $0x17;
	v33 =	vmul.f32 v29, v29;
	v7 =	vor.u32 $0x3F800000, v32  }
0x1c7: {  	v35 =	vmul.f32 $5.000000000e-01, v7;
	vm2 =	vgt.f32 v7, $1.414213540e+00;
	v6 =	vmul.f32 $6.931471820e-01, v6  }
0x1c8: {  	v24 =	vadd.f32 v54, v57;
	v57 =	vshra.s32 v27, $0x17;
	v37 =	vmul.f32 $2.222222240e-01, v33;
	v52 =	vpop (erf)  }
0x1c9: {  	v0 =	vmul.f32 v52, v51;
	v7 =	vsel vm2, v35, v7;
	v22 =	vmul.f32 v50, v49  }
0x1ca: {  	v23 =	vmax.f32 v24, $9.999999910e-38;
	v43 =	vadd.f32 $2.857142980e-01, v37;
	v37 =	vld [tilespmem:$0x1FCD0];
	v44 =	vadd.f32 $1.000000000e+00, v7  }
0x1cb: {  	v60 =	vand.u32 $0x7FFFFF, v23;
	v7 =	vadd.f32 $-1.000000000e+00, v7;
	v23 =	vshra.s32 v23, $0x17  }
0x1cc: {  	v63 =	vmul.f32 v0, v0;
	v17 =	vor.u32 $0x3F800000, v60;
	v60 =	vsel vm2, $0xFFFFFF82, v30  }
0x1cd: {  	v46 =	vmul.f32 v43, v33;
	v61 =	vmul.f32 $5.000000000e-01, v17;
	v5 =	vadd.s32 v5, v60  }
0x1ce: {  	vm15 =	vgt.f32 v17, $1.414213540e+00;
	v34 =	vmul.f32 $2.222222240e-01, v63;
	v5 =	vcvt.s32.f32 v5  }
0x1cf: {  	v3 =	vadd.f32 $4.000000060e-01, v46;
	v43 =	vpop (erf);
	(erf) = vrcp.f32 v44;
	v18 =	vadd.f32 v37, v59  }
0x1d0: {  	v9 =	vadd.f32 $2.857142980e-01, v34;
	v4 =	vmul.f32 v43, v4;
	v43 =	vsel vm4, $0xFFFFFF82, v30  }
0x1d1: {  	v5 =	vmul.f32 $6.931471820e-01, v5;
	v3 =	vmul.f32 v3, v33;
	v20 =	vadd.s32 v20, v43  }
0x1d2: {  	v12 =	vmax.f32 v18, $9.999999910e-38;
	v9 =	vmul.f32 v9, v63;
	v48 =	vmul.f32 v4, v4  }
0x1d3: {  	v20 =	vcvt.s32.f32 v20;
	v3 =	vadd.f32 $6.666666860e-01, v3;
	v45 =	vand.u32 $0x7FFFFF, v12  }
0x1d4: {  	v46 =	vor.u32 $0x3F800000, v45;
	v9 =	vadd.f32 $4.000000060e-01, v9;
	v51 =	vmul.f32 $2.222222240e-01, v48  }
0x1d5: {  	v20 =	vmul.f32 $6.931471820e-01, v20;
	v62 =	vmul.f32 v3, v33;
	v3 =	vadd.f32 v58, v8  }
0x1d6: {  	v47 =	vmul.f32 $5.000000000e-01, v46;
	vm14 =	vgt.f32 v46, $1.414213540e+00;
	v58 =	vsel vm3, $0xFFFFFF82, v30  }
0x1d7: {  	v9 =	vmul.f32 v9, v63;
	v21 =	vadd.f32 $2.857142980e-01, v51;
	v59 =	vadd.s32 v57, v58  }
0x1d8: {  	v33 =	vadd.f32 $2.000000000e+00, v62;
	v18 =	vsel vm14, v47, v46;
	v24 =	vcvt.s32.f32 v59  }
0x1d9: {  	v52 =	vadd.f32 $1.000000000e+00, v18;
	v9 =	vadd.f32 $6.666666860e-01, v9;
	v21 =	vmul.f32 v21, v48  }
0x1da: {  	v35 =	vld [tilespmem:$0x1FC80];
	v43 =	vsel vm14, $0xFFFFFF82, v30;
	v8 =	vmul.f32 v33, v29;
	v24 =	vmul.f32 $6.931471820e-01, v24  }
0x1db: {  	v51 =	vld [tilespmem:$0x1FD50];
	v62 =	vpop (erf);
	(erf) = vrcp.f32 v52;
	v9 =	vmul.f32 v9, v63;
	v21 =	vadd.f32 $4.000000060e-01, v21  }
0x1dc: {  	v34 =	vld [tilespmem:$0x1FE20];
	v7 =	vmul.f32 v62, v7;
	v63 =	vsel vm15, v61, v17;
	v6 =	vadd.f32 v8, v6  }
0x1dd: {  	v33 =	vadd.f32 $1.000000000e+00, v63;
	v9 =	vadd.f32 $2.000000000e+00, v9;
	v32 =	vmul.f32 v21, v48  }
0x1de: {  	v47 =	vadd.f32 $0.0e+00, v22;
	v37 =	vmul.f32 v7, v7;
	v6 =	vmul.f32 v6, v22  }
0x1df: {  	v18 =	vadd.f32 $-1.000000000e+00, v18;
	(erf) = vrcp.f32 v33;
	v0 =	vmul.f32 v9, v0  }
0x1e0: {  	v22 =	vadd.f32 v51, v56;
	v17 =	vadd.f32 $6.666666860e-01, v32;
	v44 =	vmul.f32 $2.222222240e-01, v37  }
0x1e1: {  	v9 =	vadd.f32 $-1.000000000e+00, v63;
	v0 =	vadd.f32 v0, v24;
	v24 =	vmul.f32 v35, v34  }
0x1e2: {  	v54 =	vld [tilespmem:$0x1FCA0];
	v6 =	vadd.f32 $0.0e+00, v6;
	v22 =	vmax.f32 v22, $9.999999910e-38;
	v8 =	vmul.f32 v17, v48  }
0x1e3: {  	v52 =	vld [tilespmem:$0x1FE30];
	v46 =	vadd.f32 $2.857142980e-01, v44;
	v57 =	vand.u32 $0x7FFFFF, v22;
	v0 =	vmul.f32 v0, v24  }
0x1e4: {  	v8 =	vadd.f32 $2.000000000e+00, v8;
	v21 =	vadd.f32 v24, v47;
	v24 =	vor.u32 $0x3F800000, v57  }
0x1e5: {  	v48 =	vmul.f32 v46, v37;
	v45 =	vpop (erf);
	v59 =	vmul.f32 $5.000000000e-01, v24;
	vm6 =	vgt.f32 v24, $1.414213540e+00  }
0x1e6: {  	v17 =	vmul.f32 v45, v18;
	v0 =	vadd.f32 v0, v6;
	v4 =	vmul.f32 v8, v4  }
0x1e7: {  	v33 =	vld [tilespmem:$0x1FD60];
	v6 =	vadd.f32 $4.000000060e-01, v48;
	v24 =	vsel vm6, v59, v24;
	v59 =	vperm.xlane v3, v39  }
0x1e8: {  	v49 =	vmul.f32 v17, v17;
	v4 =	vadd.f32 v4, v20;
	v20 =	vmul.f32 v54, v52  }
0x1e9: {  	v44 =	vld [tilespmem:$0x1FE40];
	v6 =	vmul.f32 v6, v37;
	v56 =	vpop (erf);
	v62 =	vadd.f32 $1.000000000e+00, v24;
	v47 =	vadd.f32 $-1.000000000e+00, v24  }
0x1ea: {  	v45 =	vld [tilespmem:$0x1FCC0];
	v9 =	vmul.f32 v56, v9;
	v3 =	vadd.f32 v59, v3;
	v50 =	vmul.f32 $2.222222240e-01, v49  }
0x1eb: {  	v4 =	vmul.f32 v4, v20;
	v6 =	vadd.f32 $6.666666860e-01, v6;
	(erf) = vrcp.f32 v62  }
0x1ec: {  	v32 =	vadd.f32 v20, v21;
	v20 =	vadd.f32 v33, v55;
	v33 =	vshra.s32 v22, $0x17  }
0x1ed: {  	v58 =	vmul.f32 v9, v9;
	v8 =	vadd.f32 $2.857142980e-01, v50;
	v6 =	vmul.f32 v6, v37  }
0x1ee: {  	v0 =	vadd.f32 v4, v0;
	v37 =	vshra.s32 v12, $0x17;
	v18 =	vmax.f32 v20, $9.999999910e-38  }
0x1ef: {  	v12 =	vmul.f32 v45, v44;
	v61 =	vmul.f32 $2.222222240e-01, v58;
	v20 =	vand.u32 $0x7FFFFF, v18  }
0x1f0: {  	v8 =	vmul.f32 v8, v49;
	v6 =	vadd.f32 $2.000000000e+00, v6;
	v20 =	vor.u32 $0x3F800000, v20  }
0x1f1: {  	v18 =	vshra.s32 v18, $0x17;
	v28 =	vadd.f32 $2.857142980e-01, v61;
	v46 =	vmul.f32 $5.000000000e-01, v20  }
0x1f2: {  	v8 =	vadd.f32 $4.000000060e-01, v8;
	v63 =	vmul.f32 v6, v7;
	v7 =	vadd.s32 v37, v43  }
0x1f3: {  	vm7 =	vgt.f32 v20, $1.414213540e+00;
	v31 =	vmul.f32 v28, v58;
	v7 =	vcvt.s32.f32 v7  }
0x1f4: {  	v37 =	vsel vm6, $0xFFFFFF82, v30;
	v28 =	vperm.xlane v3, v40;
	v8 =	vmul.f32 v8, v49  }
0x1f5: {  	v4 =	vadd.f32 v63, v5;
	v35 =	vadd.f32 $4.000000060e-01, v31;
	v48 =	vpop (erf);
	v7 =	vmul.f32 $6.931471820e-01, v7  }
0x1f6: {  	v3 =	vadd.f32 v28, v3;
	v29 =	vadd.f32 $6.666666860e-01, v8;
	v21 =	vmul.f32 v48, v47  }
0x1f7: {  	v4 =	vmul.f32 v4, v12;
	v8 =	vadd.f32 v12, v32;
	v6 =	vmul.f32 v35, v58  }
0x1f8: {  	v60 =	vld [tilespmem:$0x1FE60];
	v48 =	vsel vm7, $0xFFFFFF82, v30;
	v35 =	vperm.xlane v3, v38;
	v34 =	vmul.f32 v29, v49  }
0x1f9: {  	v52 =	vld [tilespmem:$0x1FE50];
	v18 =	vadd.s32 v18, v48;
	v51 =	vmul.f32 v21, v21;
	v6 =	vadd.f32 $6.666666860e-01, v6  }
0x1fa: {  	v54 =	vld [tilespmem:$0x1FCE0];
	v49 =	vsel vm15, $0xFFFFFF82, v30;
	v3 =	vadd.f32 v35, v3;
	v5 =	vadd.f32 $2.000000000e+00, v34  }
0x1fb: {  	v61 =	vld [tilespmem:$0x1FD00];
	v0 =	vadd.f32 v4, v0;
	v56 =	vmul.f32 $2.222222240e-01, v51;
	v6 =	vmul.f32 v6, v58  }
0x1fc: {  	v58 =	vld [tilespmem:$0x1FD70];
	v22 =	vperm.xlane v3, v36;
	v5 =	vmul.f32 v5, v17;
	v17 =	vsel vm7, v46, v20  }
0x1fd: {  	v20 =	vadd.s32 v23, v49;
	v46 =	vadd.s32 v33, v37;
	v50 =	vadd.f32 $1.000000000e+00, v17  }
0x1fe: {  	v6 =	vadd.f32 $2.000000000e+00, v6;
	v20 =	vcvt.s32.f32 v20;
	v25 =	vadd.f32 $-1.000000000e+00, v17  }
0x1ff: {  	v5 =	vadd.f32 v5, v7;
	v7 =	vmul.f32 v54, v52;
	(erf) = vrcp.f32 v50  }
0x200: {  	v55 =	vmul.f32 v6, v9;
	v57 =	vmul.f32 $6.931471820e-01, v20;
	v6 =	vadd.f32 $2.857142980e-01, v56  }
0x201: {  	v9 =	vmul.f32 v61, v60;
	v5 =	vmul.f32 v5, v7;
	v12 =	vadd.f32 v58, v53  }
0x202: {  	v61 =	vcvt.s32.f32 v18;
	v7 =	vadd.f32 v7, v8;
	v6 =	vmul.f32 v6, v51  }
0x203: {  	v4 =	vadd.f32 v55, v57;
	v0 =	vadd.f32 v5, v0;
	v12 =	vmax.f32 v12, $9.999999910e-38  }
0x204: {  	v44 =	vld [tilespmem:$0x1FD80];
	v7 =	vadd.f32 v9, v7;
	v62 =	vand.u32 $0x7FFFFF, v12;
	v63 =	vadd.f32 $4.000000060e-01, v6  }
0x205: {  	v45 =	vld [tilespmem:$0x1FD90];
	v4 =	vmul.f32 v4, v9;
	v9 =	vcvt.s32.f32 v46;
	v24 =	vor.u32 $0x3F800000, v62  }
0x206: {  	v3 =	vadd.f32 v22, v3;
	v27 =	vmul.f32 $5.000000000e-01, v24;
	v29 =	vmul.f32 v63, v51  }
0x207: {  	v58 =	vld [tilespmem:$0x1FD10];
	v33 =	vshra.s32 v12, $0x17;
	v0 =	vadd.f32 v4, v0;
	vm8 =	vgt.f32 v24, $1.414213540e+00  }
0x208: {  	v57 =	vld [tilespmem:$0x1FE70];
	v9 =	vmul.f32 $6.931471820e-01, v9;
	v6 =	vsel vm8, v27, v24;
	v4 =	vadd.f32 $6.666666860e-01, v29  }
0x209: {  	v63 =	vmul.f32 v42, v19;
	v27 =	vperm.xlane v2, v39;
	v31 =	vpop (erf);
	v32 =	vadd.f32 $1.000000000e+00, v6  }
0x20a: {  	v24 =	vadd.f32 v45, v44;
	v5 =	vmul.f32 v31, v25;
	v4 =	vmul.f32 v4, v51  }
0x20b: {  	v45 =	vperm.xlane v26, v39;
	v50 =	vadd.f32 $-1.000000000e+00, v6;
	(erf) = vrcp.f32 v32  }
0x20c: {  	v17 =	vmax.f32 v24, $9.999999910e-38;
	v34 =	vmul.f32 v5, v5;
	v4 =	vadd.f32 $2.000000000e+00, v4  }
0x20d: {  	v24 =	vmax.f32 v3, $9.999999910e-38;
	v25 =	vmul.f32 v58, v57;
	v47 =	vand.u32 $0x7FFFFF, v17  }
0x20e: {  	v43 =	vmul.f32 $2.222222240e-01, v34;
	v4 =	vmul.f32 v4, v21;
	v21 =	vor.u32 $0x3F800000, v47  }
0x20f: {  	v3 =	vadd.f32 v63, v1;
	v2 =	vadd.f32 v27, v2;
	v49 =	vmul.f32 $5.000000000e-01, v21  }
0x210: {  	v52 =	vand.u32 $0x7FFFFF, v24;
	vm9 =	vgt.f32 v21, $1.414213540e+00;
	v8 =	vadd.f32 $2.857142980e-01, v43  }
0x211: {  	v17 =	vshra.s32 v17, $0x17;
	v37 =	vperm.xlane v2, v40;
	v51 =	vsel vm9, v49, v21  }
0x212: {  	v21 =	vor.u32 $0x3F800000, v52;
	v8 =	vmul.f32 v8, v34;
	v54 =	vadd.f32 $1.000000000e+00, v51  }
0x213: {  	v28 =	vadd.f32 v25, v7;
	v2 =	vadd.f32 v37, v2;
	v56 =	vmul.f32 $5.000000000e-01, v21  }
0x214: {  	vm10 =	vgt.f32 v21, $1.414213540e+00;
	v8 =	vadd.f32 $4.000000060e-01, v8;
	v53 =	vpop (erf);
	(erf) = vrcp.f32 v54  }
0x215: {  	v4 =	vadd.f32 v4, v9;
	v21 =	vsel vm10, v56, v21;
	v55 =	vmul.f32 v53, v50  }
0x216: {  	v9 =	vmul.f32 $6.931471820e-01, v61;
	v60 =	vadd.f32 $1.000000000e+00, v21;
	v8 =	vmul.f32 v8, v34  }
0x217: {  	v49 =	vadd.f32 v45, v26;
	v26 =	vsel vm9, $0xFFFFFF82, v30;
	v23 =	vmul.f32 v55, v55  }
0x218: {  	v4 =	vmul.f32 v4, v25;
	(erf) = vrcp.f32 v60;
	v8 =	vadd.f32 $6.666666860e-01, v8  }
0x219: {  	v31 =	vld [tilespmem:$0x1FE80];
	v6 =	vadd.f32 $-1.000000000e+00, v51;
	v12 =	vadd.s32 v17, v26;
	v62 =	vmul.f32 $2.222222240e-01, v23  }
0x21a: {  	v32 =	vld [tilespmem:$0x1FD20];
	v12 =	vcvt.s32.f32 v12;
	v0 =	vadd.f32 v4, v0;
	v59 =	vmul.f32 v8, v34  }
0x21b: {  	v52 =	vperm.xlane v49, v40;
	v43 =	vadd.f32 $-1.000000000e+00, v21;
	v18 =	vadd.f32 $2.857142980e-01, v62  }
0x21c: {  	v12 =	vmul.f32 $6.931471820e-01, v12;
	v8 =	vmul.f32 v16, v19;
	v20 =	vadd.f32 $2.000000000e+00, v59  }
0x21d: {  	v60 =	vld [tilespmem:$0x1FD30];
	v16 =	vadd.f32 v52, v49;
	v29 =	vmul.f32 v18, v23;
	v35 =	vpop (erf);
	v18 =	vperm.xlane v2, v38  }
0x21e: {  	v34 =	vsel vm8, $0xFFFFFF82, v30;
	v59 =	vld [tilespmem:$0x1FE90];
	v20 =	vmul.f32 v20, v5;
	v6 =	vmul.f32 v35, v6  }
0x21f: {  	v58 =	vperm.xlane v16, v38;
	v5 =	vmul.f32 v32, v31;
	v7 =	vadd.f32 $4.000000060e-01, v29  }
0x220: {  	v2 =	vadd.f32 v18, v2;
	v1 =	vadd.f32 v20, v9;
	v42 =	vmul.f32 v6, v6  }
0x221: {  	v9 =	vadd.s32 v33, v34;
	v44 =	vpop (erf);
	v33 =	vperm.xlane v13, v39;
	v7 =	vmul.f32 v7, v23  }
0x222: {  	v8 =	vadd.f32 v8, v11;
	v9 =	vcvt.s32.f32 v9;
	v47 =	vmul.f32 v44, v43  }
0x223: {  	v35 =	vld [tilespmem:$0x1FD40];
	v29 =	vsel vm10, $0xFFFFFF82, v30;
	v51 =	vperm.xlane v2, v36;
	v19 =	vmul.f32 v60, v59  }
0x224: {  	v34 =	vld [tilespmem:$0x1FEA0];
	v1 =	vmul.f32 v1, v5;
	v5 =	vadd.f32 v5, v28;
	v48 =	vmul.f32 $2.222222240e-01, v42  }
0x225: {  	v28 =	vshra.s32 v24, $0x17;
	v13 =	vadd.f32 v33, v13;
	v7 =	vadd.f32 $6.666666860e-01, v7  }
0x226: {  	v9 =	vmul.f32 $6.931471820e-01, v9;
	v50 =	vmul.f32 v47, v47;
	v2 =	vadd.f32 v51, v2  }
0x227: {  	v0 =	vadd.f32 v1, v0;
	v1 =	vadd.f32 $2.857142980e-01, v48;
	v44 =	vperm.xlane v13, v40  }
0x228: {  	v46 =	vmul.f32 v7, v23;
	v53 =	vmul.f32 $2.222222240e-01, v50;
	v57 =	vmax.f32 v2, $9.999999910e-38  }
0x229: {  	v2 =	vadd.f32 v58, v16;
	v18 =	vmul.f32 v35, v34;
	v58 =	vperm.xlane v3, v39  }
0x22a: {  	v5 =	vadd.f32 v19, v5;
	v54 =	vmul.f32 v1, v42;
	v1 =	vmul.f32 v14, v15  }
0x22b: {  	v61 =	vand.u32 $0x7FFFFF, v57;
	v13 =	vadd.f32 v44, v13;
	v4 =	vadd.f32 $2.000000000e+00, v46  }
0x22c: {  	v20 =	vor.u32 $0x3F800000, v61;
	v63 =	vperm.xlane v2, v36;
	v5 =	vadd.f32 v18, v5  }
0x22d: {  	v3 =	vadd.f32 v58, v3;
	v56 =	vadd.f32 $4.000000060e-01, v54;
	v62 =	vmul.f32 $5.000000000e-01, v20  }
0x22e: {  	vm11 =	vgt.f32 v20, $1.414213540e+00;
	v54 =	vperm.xlane v10, v39;
	v4 =	vmul.f32 v4, v55  }
0x22f: {  	v55 =	vadd.f32 $2.857142980e-01, v53;
	v25 =	vadd.f32 v63, v2;
	v2 =	vmul.f32 v1, v1  }
0x230: {  	v59 =	vsel vm11, $0xFFFFFF82, v30;
	v14 =	vmul.f32 v56, v42;
	v16 =	vsel vm11, v62, v20  }
0x231: {  	v10 =	vadd.f32 v54, v10;
	v4 =	vadd.f32 v4, v9;
	v9 =	vmul.f32 v55, v50  }
0x232: {  	v24 =	vperm.xlane v3, v40;
	v23 =	vadd.f32 $1.000000000e+00, v16;
	v14 =	vadd.f32 $6.666666860e-01, v14  }
0x233: {  	v62 =	vperm.xlane v8, v39;
	v16 =	vadd.f32 $-1.000000000e+00, v16;
	v9 =	vadd.f32 $4.000000060e-01, v9  }
0x234: {  	v31 =	vld [tilespmem:s16+$0xA000];
	v46 =	vmul.f32 $2.222222240e-01, v2;
	v55 =	vshra.s32 v57, $0x17;
	v22 =	vmul.f32 v14, v42  }
0x235: {  	v3 =	vadd.f32 v24, v3;
	v4 =	vmul.f32 v4, v19;
	v42 =	vld [tilespmem:$0x1FEB0];
	v20 =	vmul.f32 v9, v50  }
0x236: {  	v60 =	vperm.xlane v10, v40;
	v8 =	vadd.f32 v62, v8;
	v9 =	vadd.f32 $2.000000000e+00, v22  }
0x237: {  	(erf) = vrcp.f32 v23;
	v0 =	vadd.f32 v4, v0;
	v4 =	vadd.f32 $6.666666860e-01, v20  }
0x238: {  	v6 =	vmul.f32 v9, v6;
	v9 =	vadd.s32 v28, v29;
	v28 =	vperm.xlane v8, v40  }
0x239: {  	v10 =	vadd.f32 v60, v10;
	v27 =	vmul.f32 v4, v50;
	v9 =	vcvt.s32.f32 v9  }
0x23a: {  	v4 =	vmax.f32 v25, $9.999999910e-38;
	v20 =	vperm.xlane v31, v42;
	v50 =	vperm.xlane v13, v38  }
0x23b: {  	v31 =	vperm.xlane v3, v38;
	v14 =	vand.u32 $0x7FFFFF, v4;
	v6 =	vadd.f32 v6, v12  }
0x23c: {  	v12 =	vadd.f32 $2.857142980e-01, v46;
	v8 =	vadd.f32 v28, v8;
	v4 =	vshra.s32 v4, $0x17  }
0x23d: {  	v17 =	vadd.f32 $2.000000000e+00, v27;
	v14 =	vor.u32 $0x3F800000, v14;
	v9 =	vmul.f32 $6.931471820e-01, v9  }
0x23e: {  	v52 =	vadd.f32 v50, v13;
	v27 =	vperm.xlane v10, v38;
	v32 =	vmul.f32 $5.000000000e-01, v14  }
0x23f: {  	v13 =	vadd.s32 v55, v59;
	v6 =	vmul.f32 v6, v18;
	v12 =	vmul.f32 v12, v2  }
0x240: {  	v3 =	vadd.f32 v31, v3;
	v43 =	vpop (erf);
	v33 =	vperm.xlane v8, v38;
	v13 =	vcvt.s32.f32 v13  }
0x241: {  	vm12 =	vgt.f32 v14, $1.414213540e+00;
	v7 =	vmul.f32 v17, v47;
	v45 =	vmul.f32 v43, v16  }
0x242: {  	v56 =	vperm.xlane v52, v36;
	v10 =	vadd.f32 v27, v10;
	v35 =	vperm.xlane v3, v36  }
0x243: {  	v14 =	vsel vm12, v32, v14;
	v0 =	vadd.f32 v6, v0;
	v8 =	vadd.f32 v33, v8  }
0x244: {  	v12 =	vadd.f32 $4.000000060e-01, v12;
	v13 =	vmul.f32 $6.931471820e-01, v13;
	v37 =	vadd.f32 $1.000000000e+00, v14  }
0x245: {  	v47 =	vld [tilespmem:$0x1FF10];
	v7 =	vadd.f32 v7, v9;
	v48 =	vmul.f32 v45, v45;
	v14 =	vadd.f32 $-1.000000000e+00, v14  }
0x246: {  	v6 =	vadd.f32 v56, v52;
	v32 =	vperm.xlane v10, v36;
	v3 =	vadd.f32 v35, v3  }
0x247: {  	v56 =	vsel vm12, $0xFFFFFF82, v30;
	v39 =	vperm.xlane v8, v36;
	v12 =	vmul.f32 v12, v2  }
0x248: {  	v4 =	vadd.s32 v4, v56;
	(erf) = vrcp.f32 v37;
	v51 =	vmul.f32 $2.222222240e-01, v48  }
0x249: {  	v6 =	vmax.f32 v6, $9.999999910e-38;
	v10 =	vadd.f32 v32, v10;
	v3 =	vmax.f32 v3, $9.999999910e-38  }
0x24a: {  	v4 =	vcvt.s32.f32 v4;
	v16 =	vmul.f32 v20, v47;
	v63 =	vand.u32 $0x7FFFFF, v6  }
0x24b: {  	v8 =	vadd.f32 v39, v8;
	v43 =	vand.u32 $0x7FFFFF, v3;
	v19 =	vor.u32 $0x3F800000, v63  }
0x24c: {  	v6 =	vshra.s32 v6, $0x17;
	v53 =	vadd.f32 $2.857142980e-01, v51;
	v26 =	vmul.f32 $5.000000000e-01, v19  }
0x24d: {  	v12 =	vadd.f32 $6.666666860e-01, v12;
	v49 =	vmul.f32 v7, v16;
	vm5 =	vgt.f32 v19, $1.414213540e+00  }
0x24e: {  	v5 =	vadd.f32 v16, v5;
	v7 =	vmul.f32 v53, v48;
	v16 =	vsel vm5, v26, v19  }
0x24f: {  	v3 =	vshra.s32 v3, $0x17;
	v10 =	vmax.f32 v10, $9.999999910e-38;
	v29 =	vadd.f32 $1.000000000e+00, v16  }
0x250: {  	v44 =	vor.u32 $0x3F800000, v43;
	v4 =	vmul.f32 $6.931471820e-01, v4;
	v7 =	vadd.f32 $4.000000060e-01, v7  }
0x251: {  	v38 =	vand.u32 $0x7FFFFF, v10;
	v8 =	vmax.f32 v8, $9.999999910e-38;
	(erf) = vrcp.f32 v29  }
0x252: {  	v47 =	vmul.f32 $5.000000000e-01, v44;
	vm14 =	vgt.f32 v44, $1.414213540e+00;
	v7 =	vmul.f32 v7, v48;
	v57 =	vpop (erf)  }
0x253: {  	v2 =	vmul.f32 v12, v2;
	v10 =	vshra.s32 v10, $0x17;
	v14 =	vmul.f32 v57, v14  }
0x254: {  	v42 =	vor.u32 $0x3F800000, v38;
	v62 =	vsel vm5, $0xFFFFFF82, v30;
	v7 =	vadd.f32 $6.666666860e-01, v7  }
0x255: {  	v0 =	vadd.f32 v49, v0;
	v17 =	vmul.f32 $5.000000000e-01, v42;
	v61 =	vmul.f32 v14, v14  }
0x256: {  	vm13 =	vgt.f32 v42, $1.414213540e+00;
	v6 =	vadd.s32 v6, v62;
	v7 =	vmul.f32 v7, v48  }
0x257: {  	v2 =	vadd.f32 $2.000000000e+00, v2;
	v16 =	vadd.f32 $-1.000000000e+00, v16;
	v25 =	vmul.f32 $2.222222240e-01, v61  }
0x258: {  	v6 =	vcvt.s32.f32 v6;
	v48 =	vand.u32 $0x7FFFFF, v8;
	v7 =	vadd.f32 $2.000000000e+00, v7  }
0x259: {  	v15 =	vsel vm13, v17, v42;
	v49 =	vor.u32 $0x3F800000, v48;
	v20 =	vadd.f32 $2.857142980e-01, v25  }
0x25a: {  	v46 =	vadd.f32 $1.000000000e+00, v15;
	v50 =	vmul.f32 $5.000000000e-01, v49;
	v7 =	vmul.f32 v7, v45;
	v45 =	vpop (erf)  }
0x25b: {  	v17 =	vsel vm14, v47, v44;
	v20 =	vmul.f32 v20, v61;
	v16 =	vmul.f32 v45, v16  }
0x25c: {  	v53 =	vadd.f32 $1.000000000e+00, v17;
	(erf) = vrcp.f32 v46;
	vm15 =	vgt.f32 v49, $1.414213540e+00  }
0x25d: {  	v58 =	vld [tilespmem:$0x1FEC0];
	v54 =	vsel vm15, v50, v49;
	v34 =	vadd.f32 $4.000000060e-01, v20;
	v52 =	vmul.f32 v16, v16  }
0x25e: {  	v51 =	vld [tilespmem:s17+$0xA000];
	(erf) = vrcp.f32 v53;
	v48 =	vsel vm13, $0xFFFFFF82, v30;
	v19 =	vadd.f32 $1.000000000e+00, v54  }
0x25f: {  	v63 =	vld [tilespmem:$0x1FED0];
	v10 =	vadd.s32 v10, v48;
	v37 =	vmul.f32 v34, v61;
	v55 =	vmul.f32 $2.222222240e-01, v52  }
0x260: {  	v15 =	vadd.f32 $-1.000000000e+00, v15;
	v57 =	vld [tilespmem:s18+$0xA000];
	v10 =	vcvt.s32.f32 v10;
	(erf) = vrcp.f32 v19  }
0x261: {  	v59 =	vld [tilespmem:$0x1FF20];
	v1 =	vmul.f32 v2, v1;
	v40 =	vadd.f32 $6.666666860e-01, v37;
	v18 =	vadd.f32 $2.857142980e-01, v55  }
0x262: {  	v6 =	vmul.f32 $6.931471820e-01, v6;
	v49 =	vsel vm14, $0xFFFFFF82, v30;
	v10 =	vmul.f32 $6.931471820e-01, v10  }
0x263: {  	v3 =	vadd.s32 v3, v49;
	v9 =	vmul.f32 v40, v61;
	v18 =	vmul.f32 v18, v52  }
0x264: {  	v17 =	vadd.f32 $-1.000000000e+00, v17;
	v3 =	vcvt.s32.f32 v3;
	v20 =	vperm.xlane v51, v58  }
0x265: {  	v19 =	vperm.xlane v57, v63;
	v61 =	vpop (erf);
	v9 =	vadd.f32 $2.000000000e+00, v9;
	v60 =	vadd.f32 $4.000000060e-01, v18  }
0x266: {  	v7 =	vadd.f32 v7, v13;
	v13 =	vmul.f32 v20, v59;
	v15 =	vmul.f32 v61, v15  }
0x267: {  	v25 =	vld [tilespmem:$0x1FF30];
	v27 =	vpop (erf);
	v9 =	vmul.f32 v9, v14;
	v24 =	vmul.f32 v60, v52  }
0x268: {  	v11 =	vadd.f32 $-1.000000000e+00, v54;
	v7 =	vmul.f32 v7, v13;
	v29 =	vmul.f32 v27, v17  }
0x269: {  	v31 =	vpop (erf);
	v18 =	vmul.f32 v15, v15;
	v4 =	vadd.f32 v9, v4;
	v9 =	vadd.f32 $6.666666860e-01, v24  }
0x26a: {  	v8 =	vshra.s32 v8, $0x17;
	v11 =	vmul.f32 v31, v11;
	v20 =	vmul.f32 v29, v29  }
0x26b: {  	v55 =	vsel vm15, $0xFFFFFF82, v30;
	v26 =	vmul.f32 $2.222222240e-01, v18;
	v28 =	vmul.f32 v9, v52  }
0x26c: {  	v32 =	vld [tilespmem:s22+$0xA000];
	v0 =	vadd.f32 v7, v0;
	v14 =	vmul.f32 v19, v25;
	v34 =	vmul.f32 v11, v11  }
0x26d: {  	v40 =	vld [tilespmem:$0x1FEE0];
	v35 =	vmul.f32 $2.222222240e-01, v20;
	v19 =	vadd.f32 $2.857142980e-01, v26;
	v7 =	vadd.f32 $2.000000000e+00, v28  }
0x26e: {  	v5 =	vadd.f32 v13, v5;
	v8 =	vadd.s32 v8, v55;
	v38 =	vmul.f32 $2.222222240e-01, v34  }
0x26f: {  	v44 =	vld [tilespmem:$0x1FF40];
	v39 =	vadd.f32 $2.857142980e-01, v35;
	v33 =	vmul.f32 v19, v18;
	v7 =	vmul.f32 v7, v16  }
0x270: {  	v8 =	vcvt.s32.f32 v8;
	v4 =	vmul.f32 v4, v14;
	v13 =	vadd.f32 $2.857142980e-01, v38  }
0x271: {  	v37 =	vadd.f32 $4.000000060e-01, v33;
	v6 =	vadd.f32 v7, v6;
	v7 =	vmul.f32 v39, v20  }
0x272: {  	v43 =	vshra.s32 v41, $0x17;
	v46 =	vld [tilespmem:s20+$0xA000];
	v12 =	vperm.xlane v32, v40;
	v13 =	vmul.f32 v13, v34  }
0x273: {  	v50 =	vld [tilespmem:$0x1FEF0];
	v0 =	vadd.f32 v4, v0;
	v4 =	vmul.f32 v37, v18;
	v7 =	vadd.f32 $4.000000060e-01, v7  }
0x274: {  	v3 =	vmul.f32 $6.931471820e-01, v3;
	v12 =	vmul.f32 v12, v44;
	v13 =	vadd.f32 $4.000000060e-01, v13  }
0x275: {  	v56 =	vld [tilespmem:$0x1FF00];
	v59 =	vmul.f32 $6.931471820e-01, v8;
	v4 =	vadd.f32 $6.666666860e-01, v4;
	v7 =	vmul.f32 v7, v20  }
0x276: {  	v42 =	vsel vm0, $0xFFFFFF82, v30;
	v53 =	vld [tilespmem:$0x1FF50];
	v47 =	vmul.f32 v13, v34;
	v6 =	vmul.f32 v6, v12  }
0x277: {  	v54 =	vld [tilespmem:s21+$0xA000];
	v45 =	vadd.f32 v14, v5;
	v4 =	vmul.f32 v4, v18;
	v7 =	vadd.f32 $6.666666860e-01, v7  }
0x278: {  	v51 =	vld [tilespmem:s5+$0xA000];
	v5 =	vperm.xlane v46, v50;
	v0 =	vadd.f32 v6, v0;
	v6 =	vadd.f32 $6.666666860e-01, v47  }
0x279: {  	v16 =	vadd.s32 v43, v42;
	v37 =	vld [tilespmem:$0x1FFB0];
	v4 =	vadd.f32 $2.000000000e+00, v4;
	v7 =	vmul.f32 v7, v20  }
0x27a: {  	v58 =	vld [tilespmem:$0x1FF60];
	v52 =	vcvt.s32.f32 v16;
	v6 =	vmul.f32 v6, v34  }
0x27b: {  	v62 =	vld [tilespmem:$0x1FFA0];
	v5 =	vmul.f32 v5, v53;
	v4 =	vmul.f32 v4, v15;
	v7 =	vadd.f32 $2.000000000e+00, v7  }
0x27c: {  	v2 =	vadd.f32 v12, v45;
	v57 =	vmul.f32 $6.931471820e-01, v52;
	v6 =	vadd.f32 $2.000000000e+00, v6  }
0x27d: {  	v4 =	vadd.f32 v4, v10;
	v10 =	vperm.xlane v51, v56;
	v7 =	vmul.f32 v7, v29  }
0x27e: {  	v2 =	vadd.f32 v5, v2;
	v60 =	vperm.xlane v54, v37;
	v6 =	vmul.f32 v6, v11  }
0x27f: {  	v4 =	vmul.f32 v4, v5;
	v3 =	vadd.f32 v7, v3;
	v7 =	vmul.f32 v10, v58  }
0x280: {  	v1 =	vadd.f32 v1, v57;
	v5 =	vmul.f32 v60, v62;
	v61 =	vadd.f32 v6, v59  }
0x281: {  	v0 =	vadd.f32 v4, v0;
	v3 =	vmul.f32 v3, v7;
	v2 =	vadd.f32 v7, v2  }
0x282: {  	v1 =	vsub.f32 $0.0e+00, v1  }
0x283: {  	v63 =	vmul.f32 v61, v5;
	v0 =	vadd.f32 v3, v0;
	v2 =	vadd.f32 v5, v2;
	_ =	sdelay $0x1  }
0x284: {  	v0 =	vadd.f32 v63, v0;
	v1 =	vmul.f32 v2, v1;
	_ =	sdelay $0x1  }
0x285: {  	v0 =	vadd.f32 v0, v1;
	_ =	sdelay $0x1  }
0x286: {  	v0 =	vsub.f32 $0.0e+00, v0;
	_ =	sdelay $0x1  }
0x287: {  	s31 =	simm.s32 $0x0;
	s0 =	rddreg [dreg:$0x7];
	s1 =	simm.s32 $0xD200;
	[tilespmem:$0xD200] =	vst v0  }
0x288: {  	[hbm4b:s0+s31] =	stream.linear.scatter [tilespmem:s1], [sflag:$0x1], $0x80, $0x38;
	[tilespmem:$0xD280] =	vst v63  }
0x289: {  	_ =	swait.ge [sflag:s24], $0x80  }
0x28a: {  	s28 =	sadd.s32 $0x1, s28;
	s30 =	rddreg [dreg:$0x8]  }
0x28b: {  	p0 =	sne.s32 s28, s30  }
.Ltmp3:
0x28c: {  	_ = 	snop;
	(pc) =	sbr.rel @p0 .LBB2_1-.Ltmp3, $4  }
0x28d: {  	v60 =	vld [tilespmem:$0x1FFC0]  }
0x28e: {  	v61 =	vld [tilespmem:$0x1FFD0]  }
0x28f: {  	[sflag:s24] =	ssyncset.done $0x0;
	v62 =	vld [tilespmem:$0x1FFE0]  }
0x290: {  	v63 =	vld [tilespmem:$0x1FFF0];
	[sflag:s24] =	ssyncadd.s32 $0xFFFFFF80  }
0x291: {  	_ =	sfence.sel $0x180000  }
0x292: {  	[bflag:$0x0] =	sbarrier.arrive $0xFFFF  }
0x293: {  	_ =	strace $0x90000047  }
0x294: {  	s0 =	stileid.u32;
	[bflag:$0x2] =	sbarrier.arrive $0xFFFF  }
0x295: {  	p0 =	sne.s32 s0, $0x0;
	s0 =	rddreg [dreg:$0x2]  }
0x296: {  	s0 =	sadd.s32 @!p0 $0x100000, s0  }
0x297: {  	[sflag:s0] =	ssyncadd.tile.s32 @!p0 $0x1;
	_ =	shalt  }
.Lfunc_end2:
_tile_overlayer_lowered:
.L_overlay_start_2:
0x298: {  	(tag) =	ssettag $0x2  }
0x299: {  	s0 =	rddreg [dreg:$0x0];
	s2 =	stileid.u32  }
0x29a: {  	s1 =	rddreg [dreg:$0x1];
	p0 =	sne.s32 s2, $0x0  }
0x29b: {  	s3 =	rddreg [dreg:$0x2];
	[bflag:$0x3] =	sbarrier.arrive $0xFFFF;
	s2 =	simm.s32 @!p0 $0x1C01  }
0x29c: {  	[timem:s3], [sflag:s2] =	dma.local @!p0 [hbm:s0], s1  }
0x29d: {  	s0 =	simm.s32 @!p0 $0x1  }
0x29e: {  	_ =	swait.ge @!p0 [sflag:s0], s1  }
0x29f: {  	s1 =	ssub.s32 @!p0 $0x0, s1;
	[sflag:s0] =	ssyncset.done @!p0 $0x0  }
0x2a0: {  	[sflag:s0] =	ssyncadd.s32 @!p0 s1  }
0x2a1: {  	[bflag:$0x3] =	sbarrier.arrive $0xFFFF  }
0x2a2: {  	_ =	shalt  }

</sc_bundles>
